<compile_context>
chip_gen: v7x
topology: tpu7x:2x2x1
jax: 0.10.2.dev20260603
libtpu: 0.0.44.dev20260713+nightly
codegen_flags: <defaults>
</compile_context>

<pallas_src>
import functools

import jax
import jax.numpy as jnp
from jax import lax
from jax.experimental import pallas as pl
from jax.experimental.pallas import tpu as pltpu
from jax.experimental.pallas import tpu_sc as plsc

NW = 32
DIM = 16
NN = 16
NR = 32


_SC_PARAMS = pltpu.CompilerParams(
    needs_layout_passes=False, use_tc_tiling_on_sc=False)


def _sc_relayout(usr_t, ent_t, adje_t, adjr_t):
    n = usr_t.shape[1]
    ch = 400
    nch = n // ch
    kmax = (nch + NW - 1) // NW
    mesh = plsc.VectorSubcoreMesh(core_axis_name="c", subcore_axis_name="s")

    @functools.partial(
        pl.kernel,
        out_type=[
            jax.ShapeDtypeStruct((n, DIM), jnp.float32),
            jax.ShapeDtypeStruct((n, DIM), jnp.float32),
            jax.ShapeDtypeStruct((n, DIM), jnp.int32),
            jax.ShapeDtypeStruct((n, DIM), jnp.int32),
        ],
        mesh=mesh,
        compiler_params=_SC_PARAMS,
        scratch_types=[
            pltpu.VMEM((2, DIM, ch), jnp.float32),
            pltpu.VMEM((2, DIM, ch), jnp.int32),
            pltpu.VMEM((3, ch, DIM), jnp.float32),
            pltpu.VMEM((3, ch, DIM), jnp.int32),
            pltpu.SemaphoreType.DMA,
            pltpu.SemaphoreType.DMA,
        ],
    )
    def body(usr_hbm, ent_hbm, adje_hbm, adjr_hbm,
             usr_o, ent_o, adje_o, adjr_o,
             binf, bini, boutf, bouti, semI, semO):
        wid = lax.axis_index("s") * 2 + lax.axis_index("c")
        dim_iota = lax.iota(jnp.int32, DIM)

        zero16 = jnp.zeros((DIM,), jnp.int32)

        def one_table(src, dst, bin_, bout):
            @pl.when(wid < nch)
            def _():
                pltpu.async_copy(
                    src.at[:, pl.ds(wid * ch, ch)], bin_.at[0], semI)

            def chunk_body(k, carry):
                c = k * NW + wid
                km = k % 2

                @pl.when(c < nch)
                def _():
                    pltpu.make_async_copy(
                        src.at[:, pl.ds(c * ch, ch)], bin_.at[km],
                        semI).wait()

                    @pl.when(c + NW < nch)
                    def _():
                        pltpu.async_copy(
                            src.at[:, pl.ds((c + NW) * ch, ch)],
                            bin_.at[(k + 1) % 2], semI)

                    kms = jnp.full((DIM,), km, jnp.int32)

                    @plsc.parallel_loop(0, ch, unroll=4)
                    def t_body(i):
                        bout[0, i] = plsc.load_gather(
                            bin_,
                            [kms, dim_iota,
                             jnp.full((DIM,), i, jnp.int32)])
                    pltpu.sync_copy(bout.at[0], dst.at[pl.ds(c * ch, ch)])
                return carry
            lax.fori_loop(0, kmax, chunk_body, 0)

        one_table(usr_hbm, usr_o, binf, boutf)
        one_table(ent_hbm, ent_o, binf, boutf)
        one_table(adje_hbm, adje_o, bini, bouti)
        one_table(adjr_hbm, adjr_o, bini, bouti)

    return body(usr_t, ent_t, adje_t, adjr_t)


def _sc_phase(u, v, usr_table, ent_table, rel_table, adj_ent, adj_rel):
    B = u.shape[0]
    nb = B // NW
    nc1 = nb * NN // 128
    ipc = 128 // NN
    mesh = plsc.VectorSubcoreMesh(core_axis_name="c", subcore_axis_name="s")

    @functools.partial(
        pl.kernel,
        out_type=[
            jax.ShapeDtypeStruct((NW, nb, DIM), jnp.float32),
            jax.ShapeDtypeStruct((NW, nb, NN), jnp.float32),
            jax.ShapeDtypeStruct((NW, nb, DIM), jnp.float32),
            jax.ShapeDtypeStruct((NW, nb, NN * DIM), jnp.float32),
        ],
        mesh=mesh,
        compiler_params=pltpu.CompilerParams(
            needs_layout_passes=False, use_tc_tiling_on_sc=False),
        scratch_types=[
            pltpu.VMEM((nb,), jnp.int32),
            pltpu.VMEM((nb,), jnp.int32),
            pltpu.VMEM((NR, DIM), jnp.float32),
            pltpu.VMEM((DIM, NR), jnp.float32),
            pltpu.VMEM((nb, NR), jnp.float32),
            pltpu.VMEM((nb, DIM), jnp.float32),
            pltpu.VMEM((nb, DIM), jnp.float32),
            pltpu.VMEM((nb, NN), jnp.int32),
            pltpu.VMEM((nb, NN), jnp.int32),
            pltpu.VMEM((nc1, 128), jnp.int32),
            pltpu.VMEM((nb, NN), jnp.float32),
            pltpu.VMEM((nb, DIM), jnp.float32),
            pltpu.VMEM((2, 128, DIM), jnp.float32),
            pltpu.VMEM((2, 128, NN), jnp.int32),
            pltpu.VMEM((2, 128, NN), jnp.int32),
            pltpu.VMEM((NN, 128), jnp.int32),
            pltpu.VMEM((ipc, NN * DIM), jnp.float32),
            pltpu.VMEM((NN, 128, DIM), jnp.float32),
            pltpu.SemaphoreType.DMA,
            pltpu.SemaphoreType.DMA,
        ],
    )
    def body(u_hbm, v_hbm, usr_hbm, ent_hbm, rel_hbm, adj_ent_hbm, adj_rel_hbm,
             ue_out, s0_out, sa0_out, sa1_out,
             u_v, v_v, rel_v, relT_v, srow_v, ue_v, ev0_v, r0_v, e1_v, e1f_v,
             s0_v, sa0_v, ev1c_v, r1c_v, e2c_v, e2f_c, sac_v, stage_v, sem,
             sem2):
        wid = lax.axis_index("s") * 2 + lax.axis_index("c")
        base = wid * nb

        pltpu.sync_copy(u_hbm.at[pl.ds(base, nb)], u_v)
        pltpu.sync_copy(v_hbm.at[pl.ds(base, nb)], v_v)
        pltpu.sync_copy(rel_hbm, rel_v)

        d2 = pltpu.async_copy(usr_hbm.at[u_v], ue_v, sem)
        d3 = pltpu.async_copy(ent_hbm.at[v_v], ev0_v, sem)
        d4 = pltpu.async_copy(adj_rel_hbm.at[v_v], r0_v, sem)
        d5 = pltpu.async_copy(adj_ent_hbm.at[v_v], e1_v, sem)

        dim_iota = lax.iota(jnp.int32, DIM)
        for r in range(NR):
            plsc.store_scatter(
                relT_v, [dim_iota, jnp.full((DIM,), r, dtype=jnp.int32)],
                rel_v[r])

        d2.wait(); d3.wait(); d4.wait(); d5.wait()
        pltpu.sync_copy(ue_v, ue_out.at[wid])

        def _tree_dot(uev, half):
            parts = []
            for q in range(4):
                t = uev[4 * q] * relT_v[4 * q, pl.ds(half * NN, NN)]
                for dd in range(4 * q + 1, 4 * q + 4):
                    t = t + uev[dd] * relT_v[dd, pl.ds(half * NN, NN)]
                parts.append(t)
            return (parts[0] + parts[1]) + (parts[2] + parts[3])

        @plsc.parallel_loop(0, nb, unroll=4)
        def srow_body(i):
            uev = ue_v[i]
            srow_v[i, pl.ds(0, NN)] = _tree_dot(uev, 0)
            srow_v[i, pl.ds(NN, NN)] = _tree_dot(uev, 1)

        @plsc.parallel_loop(0, nb, unroll=4)
        def s0_body(i):
            isplat = jnp.full((NN,), i, dtype=jnp.int32)
            s0_v[i] = plsc.load_gather(srow_v, [isplat, r0_v[i]])
        pltpu.sync_copy(s0_v, s0_out.at[wid])

        def e1f_body(j, _):
            for k in range(128 // NN):
                e1f_v[j, pl.ds(k * NN, NN)] = e1_v[j * (128 // NN) + k]
            return _
        lax.fori_loop(0, nc1, e1f_body, 0)

        def expz(svec):
            e = jnp.exp(svec - jnp.max(svec))
            return e, jnp.sum(e)

        def wsum(wv, rows):
            parts = []
            for q in range(4):
                t = wv[4 * q] * rows[4 * q]
                for n in range(4 * q + 1, 4 * q + 4):
                    t = t + wv[n] * rows[n]
                parts.append(t)
            return (parts[0] + parts[1]) + (parts[2] + parts[3])

        pltpu.async_copy(ent_hbm.at[e1f_v.at[0]], ev1c_v.at[0], sem)
        pltpu.async_copy(adj_rel_hbm.at[e1f_v.at[0]], r1c_v.at[0], sem)
        pltpu.async_copy(adj_ent_hbm.at[e1f_v.at[0]], e2c_v.at[0], sem)

        def lvl1_body(c, _):
            cm = c % 2
            idx = e1f_v.at[c]
            pltpu.make_async_copy(ent_hbm.at[idx], ev1c_v.at[cm], sem).wait()
            pltpu.make_async_copy(
                adj_rel_hbm.at[idx], r1c_v.at[cm], sem).wait()
            pltpu.make_async_copy(
                adj_ent_hbm.at[idx], e2c_v.at[cm], sem).wait()

            @pl.when(c < nc1 - 1)
            def _fire_next():
                cn = (c + 1) % 2
                nidx = e1f_v.at[c + 1]
                pltpu.async_copy(ent_hbm.at[nidx], ev1c_v.at[cn], sem)
                pltpu.async_copy(adj_rel_hbm.at[nidx], r1c_v.at[cn], sem)
                pltpu.async_copy(adj_ent_hbm.at[nidx], e2c_v.at[cn], sem)

            @plsc.parallel_loop(0, ipc, unroll=ipc)
            def agg0_body(k):
                i = c * ipc + k
                ev, z = expz(s0_v[i])
                rows = [ev1c_v[cm, k * NN + n] for n in range(NN)]
                sa0_v[i] = ev0_v[i] + wsum(ev, rows) / z

            @plsc.parallel_loop(0, NN, unroll=4)
            def e2f_body(jj):
                for k in range(128 // NN):
                    e2f_c[jj, pl.ds(k * NN, NN)] = (
                        e2c_v[cm, jj * (128 // NN) + k])

            for jf in range(NN):
                pltpu.async_copy(
                    ent_hbm.at[e2f_c.at[jf]], stage_v.at[jf], sem2)

            def lvl2_body(j, _2):
                pltpu.make_async_copy(
                    ent_hbm.at[e2f_c.at[j]], stage_v.at[j], sem2).wait()

                @plsc.parallel_loop(0, ipc, unroll=ipc)
                def grp_body(k2):
                    gg = j * ipc + k2
                    isplat = jnp.full(
                        (NN,), c * ipc + gg // NN, dtype=jnp.int32)
                    svec = plsc.load_gather(
                        srow_v, [isplat, r1c_v[cm, gg]])
                    ev, z = expz(svec)
                    rows = [stage_v[j, k2 * NN + n] for n in range(NN)]
                    acc = ev1c_v[cm, gg] + wsum(ev, rows) / z
                    sac_v[gg // NN, pl.ds((gg % NN) * DIM, DIM)] = acc
                return _2
            lax.fori_loop(0, NN, lvl2_body, 0)
            pltpu.sync_copy(sac_v, sa1_out.at[wid, pl.ds(c * ipc, ipc)])
            return _
        lax.fori_loop(0, nc1, lvl1_body, 0)
        pltpu.sync_copy(sa0_v, sa0_out.at[wid])

    return body(u, v, usr_table, ent_table, rel_table, adj_ent, adj_rel)


def _head_body(ue_ref, s0_ref, sa0_ref, sa1_ref, w_ref, b_ref, out_ref):
    W = w_ref[...]
    bvec = b_ref[...]
    f32 = jnp.float32
    E = (lax.broadcasted_iota(jnp.int32, (NN, NN * DIM), 1) // DIM ==
         lax.broadcasted_iota(jnp.int32, (NN, NN * DIM), 0)).astype(f32)
    S = (lax.broadcasted_iota(jnp.int32, (NN * DIM, DIM), 0) % DIM ==
         lax.broadcasted_iota(jnp.int32, (NN * DIM, DIM), 1)).astype(f32)
    P = (lax.broadcasted_iota(jnp.int32, (DIM, NN * DIM), 1) % DIM ==
         lax.broadcasted_iota(jnp.int32, (DIM, NN * DIM), 0)).astype(f32)
    blockmask = (
        lax.broadcasted_iota(jnp.int32, (NN * DIM, NN * DIM), 0) // DIM ==
        lax.broadcasted_iota(jnp.int32, (NN * DIM, NN * DIM), 1) // DIM
    ).astype(f32)
    BD = jnp.dot(S, jnp.dot(W, P, preferred_element_type=f32),
                 preferred_element_type=f32) * blockmask
    btile = jnp.dot(bvec, P, preferred_element_type=f32)

    sa1 = sa1_ref[...]
    h1v = jnp.maximum(
        jnp.dot(sa1, BD, preferred_element_type=f32) + btile, 0.0)
    h0 = jnp.maximum(
        jnp.dot(sa0_ref[...], W, preferred_element_type=f32) + bvec, 0.0)

    s0 = s0_ref[...]
    m = jnp.max(s0, axis=-1, keepdims=True)
    e = jnp.exp(s0 - m)
    w0 = e / jnp.sum(e, axis=-1, keepdims=True)
    t2 = jnp.dot(w0, E, preferred_element_type=f32) * h1v
    agg = jnp.dot(t2, S, preferred_element_type=f32)
    item = jnp.tanh(jnp.dot(h0 + agg, W, preferred_element_type=f32) + bvec)
    logit = jnp.sum(ue_ref[...] * item, axis=-1, keepdims=True)
    out_ref[...] = jax.nn.sigmoid(logit)


def _head(ue, s0, sa0, sa1v, W, bb):
    B = s0.shape[0]
    nt = 4
    tb = B // nt
    return pl.pallas_call(
        _head_body,
        grid=(nt,),
        in_specs=[
            pl.BlockSpec((tb, DIM), lambda i: (i, 0)),
            pl.BlockSpec((tb, NN), lambda i: (i, 0)),
            pl.BlockSpec((tb, DIM), lambda i: (i, 0)),
            pl.BlockSpec((tb, NN * DIM), lambda i: (i, 0)),
            pl.BlockSpec((DIM, DIM), lambda i: (0, 0)),
            pl.BlockSpec((1, DIM), lambda i: (0, 0)),
        ],
        out_specs=pl.BlockSpec((tb, 1), lambda i: (i, 0)),
        out_shape=jax.ShapeDtypeStruct((B, 1), jnp.float32),
    )(ue, s0, sa0, sa1v, W, bb)


def kernel(u, v, usr_table, ent_table, rel_table, adj_ent, adj_rel, W, b):
    B = u.shape[0]
    usr_rm, ent_rm, adje_rm, adjr_rm = _sc_relayout(
        jnp.swapaxes(usr_table, 0, 1), jnp.swapaxes(ent_table, 0, 1),
        jnp.swapaxes(adj_ent, 0, 1), jnp.swapaxes(adj_rel, 0, 1))
    ue, s0, sa0, sa1 = _sc_phase(
        u, v, usr_rm, ent_rm, rel_table, adje_rm, adjr_rm)
    ue = ue.reshape(B, DIM)
    s0 = s0.reshape(B, NN)
    sa0 = sa0.reshape(B, DIM)
    sa1v = sa1.reshape(B, NN * DIM)
    bb = b.reshape(1, DIM)
    out = _head(ue, s0, sa0, sa1v, W, bb)
    return out.reshape(B)

# --- scband reference (transcript-rebuilt; emitter-appended) ---
"""Pipeline reference for scband-kgcn-901943132645 (READ-ONLY COPY).

The authoritative reference and input builder live on the scoring server;
editing this copy changes nothing except your own understanding.
"""

import jax, jax.numpy as jnp
import numpy as np

NUM_USER = 100000
NUM_ENT = 100000
NUM_REL = 32
DIM = 16
N_NEIGHBOR = 16
N_ITER = 2
BATCH = 4096


def setup_inputs(seed: int = 0) -> dict:
    key = jax.random.key(seed)
    ks = jax.random.split(key, 9)
    u = jax.random.randint(ks[0], (BATCH,), 0, NUM_USER)
    v = jax.random.randint(ks[1], (BATCH,), 0, NUM_ENT)
    usr_table = jax.random.normal(ks[2], (NUM_USER, DIM), dtype=jnp.float32) * 0.1
    ent_table = jax.random.normal(ks[3], (NUM_ENT, DIM), dtype=jnp.float32) * 0.1
    rel_table = jax.random.normal(ks[4], (NUM_REL, DIM), dtype=jnp.float32) * 0.1
    adj_ent = jax.random.randint(ks[5], (NUM_ENT, N_NEIGHBOR), 0, NUM_ENT)
    adj_rel = jax.random.randint(ks[6], (NUM_ENT, N_NEIGHBOR), 0, NUM_REL)
    W = jax.random.normal(ks[7], (DIM, DIM), dtype=jnp.float32) * (1.0 / np.sqrt(DIM))
    b = jnp.zeros((DIM,), dtype=jnp.float32)
    return {"u": u, "v": v, "usr_table": usr_table, "ent_table": ent_table,
            "rel_table": rel_table, "adj_ent": adj_ent, "adj_rel": adj_rel,
            "W": W, "b": b}


def _kgcn_forward(u, v, usr_table, ent_table, rel_table, adj_ent, adj_rel, W, b):
    B = u.shape[0]
    # user embedding lookup: usr(u).squeeze(1)
    user_emb = usr_table[u]  # [B, DIM]
    # _get_neighbors: multi-hop neighbor expansion via adjacency gathers
    entities = [v.reshape(B, 1)]
    relations = []
    for h in range(N_ITER):
        entities.append(adj_ent[entities[h]].reshape(B, -1))
        relations.append(adj_rel[entities[h]].reshape(B, -1))
    # embedding gathers for every hop
    entity_vectors = [ent_table[e] for e in entities]      # [B, n_hop, DIM]
    relation_vectors = [rel_table[r] for r in relations]   # [B, n_hop, DIM]
    # _aggregate: KGCN sum-aggregator with user-relation attention
    for i in range(N_ITER):
        act = jnp.tanh if i == N_ITER - 1 else jax.nn.relu
        nxt = []
        for hop in range(N_ITER - i):
            self_vectors = entity_vectors[hop]                                   # [B, n, DIM]
            neighbor_vectors = entity_vectors[hop + 1].reshape(B, -1, N_NEIGHBOR, DIM)
            neighbor_relations = relation_vectors[hop].reshape(B, -1, N_NEIGHBOR, DIM)
            ue = user_emb.reshape(B, 1, 1, DIM)
            user_rel_scores = (ue * neighbor_relations).sum(axis=-1)             # [B, n, nn]
            user_rel_scores = jax.nn.softmax(user_rel_scores, axis=-1)[..., None]
            neighbors_agg = (user_rel_scores * neighbor_vectors).sum(axis=2)     # [B, n, DIM]
            out = (self_vectors + neighbors_agg).reshape(-1, DIM) @ W + b        # sum aggregator + linear
            nxt.append(act(out.reshape(B, -1, DIM)))
        entity_vectors = nxt
    item_emb = entity_vectors[0].reshape(B, DIM)
    scores = (user_emb * item_emb).sum(axis=1)
    return jax.nn.sigmoid(scores)


def reference(u, v, usr_table, ent_table, rel_table, adj_ent, adj_rel, W, b):
    return _kgcn_forward(u, v, usr_table, ent_table, rel_table, adj_ent, adj_rel, W, b)

if __name__ == "__main__":
    import jax
    _d = setup_inputs()
    print(jax.jit(kernel)(*tuple(_d.values())))

</pallas_src>

<mosaic_0001>
#map = affine_map<(d0, d1) -> (0, 0)>
module attributes {stable_mosaic.version = 14 : i64} {
  func.func @body(%arg0: i32, %arg1: i32, %arg2: memref<16x100000xf32, #tpu.memory_space<hbm>>, %arg3: memref<16x100000xf32, #tpu.memory_space<hbm>>, %arg4: memref<16x100000xi32, #tpu.memory_space<hbm>>, %arg5: memref<16x100000xi32, #tpu.memory_space<hbm>>, %arg6: memref<100000x16xf32, #tpu.memory_space<hbm>>, %arg7: memref<100000x16xf32, #tpu.memory_space<hbm>>, %arg8: memref<100000x16xi32, #tpu.memory_space<hbm>>, %arg9: memref<100000x16xi32, #tpu.memory_space<hbm>>, %arg10: memref<2x16x400xf32, #tpu.memory_space<vmem>>, %arg11: memref<2x16x400xi32, #tpu.memory_space<vmem>>, %arg12: memref<3x400x16xf32, #tpu.memory_space<vmem>>, %arg13: memref<3x400x16xi32, #tpu.memory_space<vmem>>, %arg14: memref<!tpu.dma_semaphore, #tpu.memory_space<semaphore_mem>>, %arg15: memref<!tpu.dma_semaphore, #tpu.memory_space<semaphore_mem>>) attributes {dimension_semantics = [#tpu.dimension_semantics<core_parallel>, #tpu.dimension_semantics<subcore_parallel>], iteration_bounds = array<i64: 2, 16>, scalar_prefetch = 0 : i64, scratch_operands = 6 : i64, tpu.core_type = #tpu.core_type<sc_vector_subcore>, window_params = [{transform_indices = #map}, {transform_indices = #map}, {transform_indices = #map}, {transform_indices = #map}, {transform_indices = #map}, {transform_indices = #map}, {transform_indices = #map}, {transform_indices = #map}]} {
    %mul3A = arith.constant 2 : i32
    %mul3A_0 = arith.muli %arg1, %mul3A : i32
    %add3A = arith.addi %mul3A_0, %arg0 : i32
    %iota3A = tpu.iota {dimensions = array<i32: 0>} : vector<16xi32>
    %broadcast_in_dim3A = arith.constant 0 : i32
    %broadcast_in_dim3A_1 = vector.broadcast %broadcast_in_dim3A : i32 to vector<16xi32>
    %lt3A = arith.constant 250 : i32
    %lt3A_2 = arith.cmpi slt, %add3A, %lt3A : i32
    %convert_element_type3A = arith.extui %lt3A_2 : i1 to i32
    %cond3A = arith.constant 0 : i32
    %cond3A_3 = arith.cmpi ne, %convert_element_type3A, %cond3A : i32
    scf.if %cond3A_3 {
      %mul3A_42 = arith.constant 400 : i32
      %mul3A_43 = arith.muli %add3A, %mul3A_42 : i32
      %dma_start3A = arith.constant 0 : i32
      %dma_start3A_44 = arith.constant 0 : i32
      %dma_start3A_45 = arith.constant 0 : i32
      %dma_start3A_46 = tpu.memref_slice %arg10[%dma_start3A, %dma_start3A_44, %dma_start3A_45] : memref<2x16x400xf32, #tpu.memory_space<vmem>> -> memref<1x16x400xf32, #tpu.memory_space<vmem>>
      %dma_start3A_47 = tpu.memref_squeeze %dma_start3A_46 : memref<1x16x400xf32, #tpu.memory_space<vmem>> -> memref<16x400xf32, #tpu.memory_space<vmem>>
      %dma_start3A_48 = arith.constant 0 : i32
      %dma_start3A_49 = tpu.memref_slice %arg2[%dma_start3A_48, %mul3A_43] : memref<16x100000xf32, #tpu.memory_space<hbm>> -> memref<16x400xf32, #tpu.memory_space<hbm>>
      %dma_start3A_50 = arith.constant 0 : i32
      %dma_start3A_51 = arith.constant 0 : i32
      %dma_start3A_52 = tpu.memref_slice %arg10[%dma_start3A, %dma_start3A_50, %dma_start3A_51] : memref<2x16x400xf32, #tpu.memory_space<vmem>> -> memref<1x16x400xf32, #tpu.memory_space<vmem>>
      %dma_start3A_53 = tpu.memref_squeeze %dma_start3A_52 : memref<1x16x400xf32, #tpu.memory_space<vmem>> -> memref<16x400xf32, #tpu.memory_space<vmem>>
      %dma_start3A_54 = arith.constant 0 : i32
      %dma_start3A_55 = tpu.memref_slice %arg2[%dma_start3A_54, %mul3A_43] : memref<16x100000xf32, #tpu.memory_space<hbm>> -> memref<16x400xf32, #tpu.memory_space<hbm>>
      tpu.enqueue_dma source(%dma_start3A_55 : memref<16x400xf32, #tpu.memory_space<hbm>>) target(%dma_start3A_53 : memref<16x400xf32, #tpu.memory_space<vmem>>) target_semaphore(%arg14 : memref<!tpu.dma_semaphore, #tpu.memory_space<semaphore_mem>>)
    } else {
    }
    %scan3A = arith.constant 0 : i32
    %scan3A_4 = arith.constant 0 : i32
    %scan3A_5 = arith.constant 8 : i32
    %scan3A_6 = arith.addi %scan3A_4, %scan3A_5 : i32
    %scan3A_7 = arith.constant 1 : i32
    scf.for %scan3A_42 = %scan3A_4 to %scan3A_6 step %scan3A_7  : i32 {
      %mul3A_43 = arith.constant 32 : i32
      %mul3A_44 = arith.muli %scan3A_42, %mul3A_43 : i32
      %add3A_45 = arith.addi %mul3A_44, %add3A : i32
      %jit3A = arith.constant 2 : i32
      %eq3A = arith.constant 0 : i32
      %eq3A_46 = arith.cmpi eq, %jit3A, %eq3A : i32
      %jit3A_47 = arith.constant 1 : i32
      %select_n3A = arith.select %eq3A_46, %jit3A_47, %jit3A : i32
      %rem3A = arith.remsi %scan3A_42, %select_n3A : i32
      %ne3A = arith.constant 0 : i32
      %ne3A_48 = arith.cmpi ne, %rem3A, %ne3A : i32
      %lt3A_49 = arith.constant 0 : i32
      %lt3A_50 = arith.cmpi slt, %rem3A, %lt3A_49 : i32
      %lt3A_51 = arith.constant 0 : i32
      %lt3A_52 = arith.cmpi slt, %select_n3A, %lt3A_51 : i32
      %ne3A_53 = arith.xori %lt3A_50, %lt3A_52 : i1
      %and3A = arith.andi %ne3A_53, %ne3A_48 : i1
      %add3A_54 = arith.addi %rem3A, %select_n3A : i32
      %select_n3A_55 = arith.select %and3A, %add3A_54, %rem3A : i32
      %lt3A_56 = arith.constant 250 : i32
      %lt3A_57 = arith.cmpi slt, %add3A_45, %lt3A_56 : i32
      %convert_element_type3A_58 = arith.extui %lt3A_57 : i1 to i32
      %cond3A_59 = arith.constant 0 : i32
      %cond3A_60 = arith.cmpi ne, %convert_element_type3A_58, %cond3A_59 : i32
      scf.if %cond3A_60 {
        %mul3A_61 = arith.constant 400 : i32
        %mul3A_62 = arith.muli %add3A_45, %mul3A_61 : i32
        %dma_wait3A = arith.constant 0 : i32
        %dma_wait3A_63 = arith.constant 0 : i32
        %dma_wait3A_64 = tpu.memref_slice %arg10[%select_n3A_55, %dma_wait3A, %dma_wait3A_63] : memref<2x16x400xf32, #tpu.memory_space<vmem>> -> memref<1x16x400xf32, #tpu.memory_space<vmem>>
        %dma_wait3A_65 = tpu.memref_squeeze %dma_wait3A_64 : memref<1x16x400xf32, #tpu.memory_space<vmem>> -> memref<16x400xf32, #tpu.memory_space<vmem>>
        %dma_wait3A_66 = arith.constant 0 : i32
        %dma_wait3A_67 = tpu.memref_slice %arg2[%dma_wait3A_66, %mul3A_62] : memref<16x100000xf32, #tpu.memory_space<hbm>> -> memref<16x400xf32, #tpu.memory_space<hbm>>
        %dma_wait3A_68 = arith.constant 0 : i32
        %dma_wait3A_69 = arith.constant 0 : i32
        %dma_wait3A_70 = tpu.memref_slice %arg10[%select_n3A_55, %dma_wait3A_68, %dma_wait3A_69] : memref<2x16x400xf32, #tpu.memory_space<vmem>> -> memref<1x16x400xf32, #tpu.memory_space<vmem>>
        %dma_wait3A_71 = tpu.memref_squeeze %dma_wait3A_70 : memref<1x16x400xf32, #tpu.memory_space<vmem>> -> memref<16x400xf32, #tpu.memory_space<vmem>>
        %dma_wait3A_72 = arith.constant 0 : i32
        %dma_wait3A_73 = tpu.memref_slice %arg2[%dma_wait3A_72, %mul3A_62] : memref<16x100000xf32, #tpu.memory_space<hbm>> -> memref<16x400xf32, #tpu.memory_space<hbm>>
        tpu.wait_dma2 semaphore(%arg14 : memref<!tpu.dma_semaphore, #tpu.memory_space<semaphore_mem>>) src(%dma_wait3A_73 : memref<16x400xf32, #tpu.memory_space<hbm>>) dst(%dma_wait3A_71 : memref<16x400xf32, #tpu.memory_space<vmem>>)
        %add3A_74 = arith.constant 32 : i32
        %add3A_75 = arith.addi %add3A_45, %add3A_74 : i32
        %lt3A_76 = arith.constant 250 : i32
        %lt3A_77 = arith.cmpi slt, %add3A_75, %lt3A_76 : i32
        %convert_element_type3A_78 = arith.extui %lt3A_77 : i1 to i32
        %cond3A_79 = arith.constant 0 : i32
        %cond3A_80 = arith.cmpi ne, %convert_element_type3A_78, %cond3A_79 : i32
        scf.if %cond3A_80 {
          %add3A_86 = arith.constant 32 : i32
          %add3A_87 = arith.addi %add3A_45, %add3A_86 : i32
          %mul3A_88 = arith.constant 400 : i32
          %mul3A_89 = arith.muli %add3A_87, %mul3A_88 : i32
          %add3A_90 = arith.constant 1 : i32
          %add3A_91 = arith.addi %scan3A_42, %add3A_90 : i32
          %jit3A_92 = arith.constant 2 : i32
          %eq3A_93 = arith.constant 0 : i32
          %eq3A_94 = arith.cmpi eq, %jit3A_92, %eq3A_93 : i32
          %jit3A_95 = arith.constant 1 : i32
          %select_n3A_96 = arith.select %eq3A_94, %jit3A_95, %jit3A_92 : i32
          %rem3A_97 = arith.remsi %add3A_91, %select_n3A_96 : i32
          %ne3A_98 = arith.constant 0 : i32
          %ne3A_99 = arith.cmpi ne, %rem3A_97, %ne3A_98 : i32
          %lt3A_100 = arith.constant 0 : i32
          %lt3A_101 = arith.cmpi slt, %rem3A_97, %lt3A_100 : i32
          %lt3A_102 = arith.constant 0 : i32
          %lt3A_103 = arith.cmpi slt, %select_n3A_96, %lt3A_102 : i32
          %ne3A_104 = arith.xori %lt3A_101, %lt3A_103 : i1
          %and3A_105 = arith.andi %ne3A_104, %ne3A_99 : i1
          %add3A_106 = arith.addi %rem3A_97, %select_n3A_96 : i32
          %select_n3A_107 = arith.select %and3A_105, %add3A_106, %rem3A_97 : i32
          %dma_start3A = arith.constant 0 : i32
          %dma_start3A_108 = arith.constant 0 : i32
          %dma_start3A_109 = tpu.memref_slice %arg10[%select_n3A_107, %dma_start3A, %dma_start3A_108] : memref<2x16x400xf32, #tpu.memory_space<vmem>> -> memref<1x16x400xf32, #tpu.memory_space<vmem>>
          %dma_start3A_110 = tpu.memref_squeeze %dma_start3A_109 : memref<1x16x400xf32, #tpu.memory_space<vmem>> -> memref<16x400xf32, #tpu.memory_space<vmem>>
          %dma_start3A_111 = arith.constant 0 : i32
          %dma_start3A_112 = tpu.memref_slice %arg2[%dma_start3A_111, %mul3A_89] : memref<16x100000xf32, #tpu.memory_space<hbm>> -> memref<16x400xf32, #tpu.memory_space<hbm>>
          %dma_start3A_113 = arith.constant 0 : i32
          %dma_start3A_114 = arith.constant 0 : i32
          %dma_start3A_115 = tpu.memref_slice %arg10[%select_n3A_107, %dma_start3A_113, %dma_start3A_114] : memref<2x16x400xf32, #tpu.memory_space<vmem>> -> memref<1x16x400xf32, #tpu.memory_space<vmem>>
          %dma_start3A_116 = tpu.memref_squeeze %dma_start3A_115 : memref<1x16x400xf32, #tpu.memory_space<vmem>> -> memref<16x400xf32, #tpu.memory_space<vmem>>
          %dma_start3A_117 = arith.constant 0 : i32
          %dma_start3A_118 = tpu.memref_slice %arg2[%dma_start3A_117, %mul3A_89] : memref<16x100000xf32, #tpu.memory_space<hbm>> -> memref<16x400xf32, #tpu.memory_space<hbm>>
          tpu.enqueue_dma source(%dma_start3A_118 : memref<16x400xf32, #tpu.memory_space<hbm>>) target(%dma_start3A_116 : memref<16x400xf32, #tpu.memory_space<vmem>>) target_semaphore(%arg14 : memref<!tpu.dma_semaphore, #tpu.memory_space<semaphore_mem>>)
        } else {
        }
        %broadcast_in_dim3A_81 = vector.broadcast %select_n3A_55 : i32 to vector<16xi32>
        %parallel_loop3A = arith.constant 0 : i32
        %parallel_loop3A_82 = arith.constant 400 : i32
        %parallel_loop3A_83 = arith.constant 1 : i32
        scf.for %parallel_loop3A_86 = %parallel_loop3A to %parallel_loop3A_82 step %parallel_loop3A_83  : i32 {
          %parallel_loop3A_87 = vector.broadcast %parallel_loop3A_86 : i32 to vector<16xi32>
          %parallel_loop3A_88 = tpu.vector_load_idx %arg10[%broadcast_in_dim3A_81, %iota3A, %parallel_loop3A_87] : memref<2x16x400xf32, #tpu.memory_space<vmem>>[vector<16xi32>, vector<16xi32>, vector<16xi32>], vector<16xf32>,
          %parallel_loop3A_89 = arith.constant 0 : i32
          %parallel_loop3A_90 = arith.index_cast %parallel_loop3A_89 : i32 to index
          %parallel_loop3A_91 = arith.index_cast %parallel_loop3A_86 : i32 to index
          %parallel_loop3A_92 = arith.constant 0 : index
          %parallel_loop3A_93 = tpu.vector_load %arg12[%parallel_loop3A_90, %parallel_loop3A_91, %parallel_loop3A_92] {strides = array<i32>} : memref<3x400x16xf32, #tpu.memory_space<vmem>>, vector<16xf32>,
          tpu.vector_store %arg12[%parallel_loop3A_90, %parallel_loop3A_91, %parallel_loop3A_92], %parallel_loop3A_88 {strides = array<i32>} : memref<3x400x16xf32, #tpu.memory_space<vmem>>, vector<16xf32>,
        } {sc.loop_unroll_factor = 4 : i64, sc.parallel_access}
        %mul3A_84 = arith.constant 400 : i32
        %mul3A_85 = arith.muli %add3A_45, %mul3A_84 : i32
        %run_scoped3A = arith.constant 0 : i32
        "tpu.region"() ({
          %run_scoped3A_86 = tpu.sem_alloc : memref<!tpu.dma_semaphore, #tpu.memory_space<semaphore_mem>>
          %dma_start3A = arith.constant 0 : i32
          %dma_start3A_87 = arith.constant 0 : i32
          %dma_start3A_88 = tpu.memref_slice %arg12[%run_scoped3A, %dma_start3A, %dma_start3A_87] : memref<3x400x16xf32, #tpu.memory_space<vmem>> -> memref<1x400x16xf32, #tpu.memory_space<vmem>>
          %dma_start3A_89 = tpu.memref_squeeze %dma_start3A_88 : memref<1x400x16xf32, #tpu.memory_space<vmem>> -> memref<400x16xf32, #tpu.memory_space<vmem>>
          %dma_start3A_90 = arith.constant 0 : i32
          %dma_start3A_91 = tpu.memref_slice %arg6[%mul3A_85, %dma_start3A_90] : memref<100000x16xf32, #tpu.memory_space<hbm>> -> memref<400x16xf32, #tpu.memory_space<hbm>>
          %dma_start3A_92 = arith.constant 0 : i32
          %dma_start3A_93 = tpu.memref_slice %arg6[%mul3A_85, %dma_start3A_92] : memref<100000x16xf32, #tpu.memory_space<hbm>> -> memref<400x16xf32, #tpu.memory_space<hbm>>
          %dma_start3A_94 = arith.constant 0 : i32
          %dma_start3A_95 = arith.constant 0 : i32
          %dma_start3A_96 = tpu.memref_slice %arg12[%run_scoped3A, %dma_start3A_94, %dma_start3A_95] : memref<3x400x16xf32, #tpu.memory_space<vmem>> -> memref<1x400x16xf32, #tpu.memory_space<vmem>>
          %dma_start3A_97 = tpu.memref_squeeze %dma_start3A_96 : memref<1x400x16xf32, #tpu.memory_space<vmem>> -> memref<400x16xf32, #tpu.memory_space<vmem>>
          tpu.enqueue_dma source(%dma_start3A_97 : memref<400x16xf32, #tpu.memory_space<vmem>>) target(%dma_start3A_93 : memref<400x16xf32, #tpu.memory_space<hbm>>) target_semaphore(%run_scoped3A_86 : memref<!tpu.dma_semaphore, #tpu.memory_space<semaphore_mem>>)
          %dma_wait3A_98 = arith.constant 0 : i32
          %dma_wait3A_99 = arith.constant 0 : i32
          %dma_wait3A_100 = tpu.memref_slice %arg12[%run_scoped3A, %dma_wait3A_98, %dma_wait3A_99] : memref<3x400x16xf32, #tpu.memory_space<vmem>> -> memref<1x400x16xf32, #tpu.memory_space<vmem>>
          %dma_wait3A_101 = tpu.memref_squeeze %dma_wait3A_100 : memref<1x400x16xf32, #tpu.memory_space<vmem>> -> memref<400x16xf32, #tpu.memory_space<vmem>>
          %dma_wait3A_102 = arith.constant 0 : i32
          %dma_wait3A_103 = tpu.memref_slice %arg6[%mul3A_85, %dma_wait3A_102] : memref<100000x16xf32, #tpu.memory_space<hbm>> -> memref<400x16xf32, #tpu.memory_space<hbm>>
          %dma_wait3A_104 = arith.constant 0 : i32
          %dma_wait3A_105 = tpu.memref_slice %arg6[%mul3A_85, %dma_wait3A_104] : memref<100000x16xf32, #tpu.memory_space<hbm>> -> memref<400x16xf32, #tpu.memory_space<hbm>>
          %dma_wait3A_106 = arith.constant 0 : i32
          %dma_wait3A_107 = arith.constant 0 : i32
          %dma_wait3A_108 = tpu.memref_slice %arg12[%run_scoped3A, %dma_wait3A_106, %dma_wait3A_107] : memref<3x400x16xf32, #tpu.memory_space<vmem>> -> memref<1x400x16xf32, #tpu.memory_space<vmem>>
          %dma_wait3A_109 = tpu.memref_squeeze %dma_wait3A_108 : memref<1x400x16xf32, #tpu.memory_space<vmem>> -> memref<400x16xf32, #tpu.memory_space<vmem>>
          tpu.wait_dma2 semaphore(%run_scoped3A_86 : memref<!tpu.dma_semaphore, #tpu.memory_space<semaphore_mem>>) src(%dma_wait3A_109 : memref<400x16xf32, #tpu.memory_space<vmem>>) dst(%dma_wait3A_105 : memref<400x16xf32, #tpu.memory_space<hbm>>)
          tpu.yield
        }) : () -> ()
      } else {
      }
    }
    %scan3A_8 = arith.constant 8 : i32
    %lt3A_9 = arith.constant 250 : i32
    %lt3A_10 = arith.cmpi slt, %add3A, %lt3A_9 : i32
    %convert_element_type3A_11 = arith.extui %lt3A_10 : i1 to i32
    %cond3A_12 = arith.constant 0 : i32
    %cond3A_13 = arith.cmpi ne, %convert_element_type3A_11, %cond3A_12 : i32
    scf.if %cond3A_13 {
      %mul3A_42 = arith.constant 400 : i32
      %mul3A_43 = arith.muli %add3A, %mul3A_42 : i32
      %dma_start3A = arith.constant 0 : i32
      %dma_start3A_44 = arith.constant 0 : i32
      %dma_start3A_45 = arith.constant 0 : i32
      %dma_start3A_46 = tpu.memref_slice %arg10[%dma_start3A, %dma_start3A_44, %dma_start3A_45] : memref<2x16x400xf32, #tpu.memory_space<vmem>> -> memref<1x16x400xf32, #tpu.memory_space<vmem>>
      %dma_start3A_47 = tpu.memref_squeeze %dma_start3A_46 : memref<1x16x400xf32, #tpu.memory_space<vmem>> -> memref<16x400xf32, #tpu.memory_space<vmem>>
      %dma_start3A_48 = arith.constant 0 : i32
      %dma_start3A_49 = tpu.memref_slice %arg3[%dma_start3A_48, %mul3A_43] : memref<16x100000xf32, #tpu.memory_space<hbm>> -> memref<16x400xf32, #tpu.memory_space<hbm>>
      %dma_start3A_50 = arith.constant 0 : i32
      %dma_start3A_51 = arith.constant 0 : i32
      %dma_start3A_52 = tpu.memref_slice %arg10[%dma_start3A, %dma_start3A_50, %dma_start3A_51] : memref<2x16x400xf32, #tpu.memory_space<vmem>> -> memref<1x16x400xf32, #tpu.memory_space<vmem>>
      %dma_start3A_53 = tpu.memref_squeeze %dma_start3A_52 : memref<1x16x400xf32, #tpu.memory_space<vmem>> -> memref<16x400xf32, #tpu.memory_space<vmem>>
      %dma_start3A_54 = arith.constant 0 : i32
      %dma_start3A_55 = tpu.memref_slice %arg3[%dma_start3A_54, %mul3A_43] : memref<16x100000xf32, #tpu.memory_space<hbm>> -> memref<16x400xf32, #tpu.memory_space<hbm>>
      tpu.enqueue_dma source(%dma_start3A_55 : memref<16x400xf32, #tpu.memory_space<hbm>>) target(%dma_start3A_53 : memref<16x400xf32, #tpu.memory_space<vmem>>) target_semaphore(%arg14 : memref<!tpu.dma_semaphore, #tpu.memory_space<semaphore_mem>>)
    } else {
    }
    %scan3A_14 = arith.constant 0 : i32
    %scan3A_15 = arith.constant 0 : i32
    %scan3A_16 = arith.constant 8 : i32
    %scan3A_17 = arith.addi %scan3A_15, %scan3A_16 : i32
    %scan3A_18 = arith.constant 1 : i32
    scf.for %scan3A_42 = %scan3A_15 to %scan3A_17 step %scan3A_18  : i32 {
      %mul3A_43 = arith.constant 32 : i32
      %mul3A_44 = arith.muli %scan3A_42, %mul3A_43 : i32
      %add3A_45 = arith.addi %mul3A_44, %add3A : i32
      %jit3A = arith.constant 2 : i32
      %eq3A = arith.constant 0 : i32
      %eq3A_46 = arith.cmpi eq, %jit3A, %eq3A : i32
      %jit3A_47 = arith.constant 1 : i32
      %select_n3A = arith.select %eq3A_46, %jit3A_47, %jit3A : i32
      %rem3A = arith.remsi %scan3A_42, %select_n3A : i32
      %ne3A = arith.constant 0 : i32
      %ne3A_48 = arith.cmpi ne, %rem3A, %ne3A : i32
      %lt3A_49 = arith.constant 0 : i32
      %lt3A_50 = arith.cmpi slt, %rem3A, %lt3A_49 : i32
      %lt3A_51 = arith.constant 0 : i32
      %lt3A_52 = arith.cmpi slt, %select_n3A, %lt3A_51 : i32
      %ne3A_53 = arith.xori %lt3A_50, %lt3A_52 : i1
      %and3A = arith.andi %ne3A_53, %ne3A_48 : i1
      %add3A_54 = arith.addi %rem3A, %select_n3A : i32
      %select_n3A_55 = arith.select %and3A, %add3A_54, %rem3A : i32
      %lt3A_56 = arith.constant 250 : i32
      %lt3A_57 = arith.cmpi slt, %add3A_45, %lt3A_56 : i32
      %convert_element_type3A_58 = arith.extui %lt3A_57 : i1 to i32
      %cond3A_59 = arith.constant 0 : i32
      %cond3A_60 = arith.cmpi ne, %convert_element_type3A_58, %cond3A_59 : i32
      scf.if %cond3A_60 {
        %mul3A_61 = arith.constant 400 : i32
        %mul3A_62 = arith.muli %add3A_45, %mul3A_61 : i32
        %dma_wait3A = arith.constant 0 : i32
        %dma_wait3A_63 = arith.constant 0 : i32
        %dma_wait3A_64 = tpu.memref_slice %arg10[%select_n3A_55, %dma_wait3A, %dma_wait3A_63] : memref<2x16x400xf32, #tpu.memory_space<vmem>> -> memref<1x16x400xf32, #tpu.memory_space<vmem>>
        %dma_wait3A_65 = tpu.memref_squeeze %dma_wait3A_64 : memref<1x16x400xf32, #tpu.memory_space<vmem>> -> memref<16x400xf32, #tpu.memory_space<vmem>>
        %dma_wait3A_66 = arith.constant 0 : i32
        %dma_wait3A_67 = tpu.memref_slice %arg3[%dma_wait3A_66, %mul3A_62] : memref<16x100000xf32, #tpu.memory_space<hbm>> -> memref<16x400xf32, #tpu.memory_space<hbm>>
        %dma_wait3A_68 = arith.constant 0 : i32
        %dma_wait3A_69 = arith.constant 0 : i32
        %dma_wait3A_70 = tpu.memref_slice %arg10[%select_n3A_55, %dma_wait3A_68, %dma_wait3A_69] : memref<2x16x400xf32, #tpu.memory_space<vmem>> -> memref<1x16x400xf32, #tpu.memory_space<vmem>>
        %dma_wait3A_71 = tpu.memref_squeeze %dma_wait3A_70 : memref<1x16x400xf32, #tpu.memory_space<vmem>> -> memref<16x400xf32, #tpu.memory_space<vmem>>
        %dma_wait3A_72 = arith.constant 0 : i32
        %dma_wait3A_73 = tpu.memref_slice %arg3[%dma_wait3A_72, %mul3A_62] : memref<16x100000xf32, #tpu.memory_space<hbm>> -> memref<16x400xf32, #tpu.memory_space<hbm>>
        tpu.wait_dma2 semaphore(%arg14 : memref<!tpu.dma_semaphore, #tpu.memory_space<semaphore_mem>>) src(%dma_wait3A_73 : memref<16x400xf32, #tpu.memory_space<hbm>>) dst(%dma_wait3A_71 : memref<16x400xf32, #tpu.memory_space<vmem>>)
        %add3A_74 = arith.constant 32 : i32
        %add3A_75 = arith.addi %add3A_45, %add3A_74 : i32
        %lt3A_76 = arith.constant 250 : i32
        %lt3A_77 = arith.cmpi slt, %add3A_75, %lt3A_76 : i32
        %convert_element_type3A_78 = arith.extui %lt3A_77 : i1 to i32
        %cond3A_79 = arith.constant 0 : i32
        %cond3A_80 = arith.cmpi ne, %convert_element_type3A_78, %cond3A_79 : i32
        scf.if %cond3A_80 {
          %add3A_86 = arith.constant 32 : i32
          %add3A_87 = arith.addi %add3A_45, %add3A_86 : i32
          %mul3A_88 = arith.constant 400 : i32
          %mul3A_89 = arith.muli %add3A_87, %mul3A_88 : i32
          %add3A_90 = arith.constant 1 : i32
          %add3A_91 = arith.addi %scan3A_42, %add3A_90 : i32
          %jit3A_92 = arith.constant 2 : i32
          %eq3A_93 = arith.constant 0 : i32
          %eq3A_94 = arith.cmpi eq, %jit3A_92, %eq3A_93 : i32
          %jit3A_95 = arith.constant 1 : i32
          %select_n3A_96 = arith.select %eq3A_94, %jit3A_95, %jit3A_92 : i32
          %rem3A_97 = arith.remsi %add3A_91, %select_n3A_96 : i32
          %ne3A_98 = arith.constant 0 : i32
          %ne3A_99 = arith.cmpi ne, %rem3A_97, %ne3A_98 : i32
          %lt3A_100 = arith.constant 0 : i32
          %lt3A_101 = arith.cmpi slt, %rem3A_97, %lt3A_100 : i32
          %lt3A_102 = arith.constant 0 : i32
          %lt3A_103 = arith.cmpi slt, %select_n3A_96, %lt3A_102 : i32
          %ne3A_104 = arith.xori %lt3A_101, %lt3A_103 : i1
          %and3A_105 = arith.andi %ne3A_104, %ne3A_99 : i1
          %add3A_106 = arith.addi %rem3A_97, %select_n3A_96 : i32
          %select_n3A_107 = arith.select %and3A_105, %add3A_106, %rem3A_97 : i32
          %dma_start3A = arith.constant 0 : i32
          %dma_start3A_108 = arith.constant 0 : i32
          %dma_start3A_109 = tpu.memref_slice %arg10[%select_n3A_107, %dma_start3A, %dma_start3A_108] : memref<2x16x400xf32, #tpu.memory_space<vmem>> -> memref<1x16x400xf32, #tpu.memory_space<vmem>>
          %dma_start3A_110 = tpu.memref_squeeze %dma_start3A_109 : memref<1x16x400xf32, #tpu.memory_space<vmem>> -> memref<16x400xf32, #tpu.memory_space<vmem>>
          %dma_start3A_111 = arith.constant 0 : i32
          %dma_start3A_112 = tpu.memref_slice %arg3[%dma_start3A_111, %mul3A_89] : memref<16x100000xf32, #tpu.memory_space<hbm>> -> memref<16x400xf32, #tpu.memory_space<hbm>>
          %dma_start3A_113 = arith.constant 0 : i32
          %dma_start3A_114 = arith.constant 0 : i32
          %dma_start3A_115 = tpu.memref_slice %arg10[%select_n3A_107, %dma_start3A_113, %dma_start3A_114] : memref<2x16x400xf32, #tpu.memory_space<vmem>> -> memref<1x16x400xf32, #tpu.memory_space<vmem>>
          %dma_start3A_116 = tpu.memref_squeeze %dma_start3A_115 : memref<1x16x400xf32, #tpu.memory_space<vmem>> -> memref<16x400xf32, #tpu.memory_space<vmem>>
          %dma_start3A_117 = arith.constant 0 : i32
          %dma_start3A_118 = tpu.memref_slice %arg3[%dma_start3A_117, %mul3A_89] : memref<16x100000xf32, #tpu.memory_space<hbm>> -> memref<16x400xf32, #tpu.memory_space<hbm>>
          tpu.enqueue_dma source(%dma_start3A_118 : memref<16x400xf32, #tpu.memory_space<hbm>>) target(%dma_start3A_116 : memref<16x400xf32, #tpu.memory_space<vmem>>) target_semaphore(%arg14 : memref<!tpu.dma_semaphore, #tpu.memory_space<semaphore_mem>>)
        } else {
        }
        %broadcast_in_dim3A_81 = vector.broadcast %select_n3A_55 : i32 to vector<16xi32>
        %parallel_loop3A = arith.constant 0 : i32
        %parallel_loop3A_82 = arith.constant 400 : i32
        %parallel_loop3A_83 = arith.constant 1 : i32
        scf.for %parallel_loop3A_86 = %parallel_loop3A to %parallel_loop3A_82 step %parallel_loop3A_83  : i32 {
          %parallel_loop3A_87 = vector.broadcast %parallel_loop3A_86 : i32 to vector<16xi32>
          %parallel_loop3A_88 = tpu.vector_load_idx %arg10[%broadcast_in_dim3A_81, %iota3A, %parallel_loop3A_87] : memref<2x16x400xf32, #tpu.memory_space<vmem>>[vector<16xi32>, vector<16xi32>, vector<16xi32>], vector<16xf32>,
          %parallel_loop3A_89 = arith.constant 0 : i32
          %parallel_loop3A_90 = arith.index_cast %parallel_loop3A_89 : i32 to index
          %parallel_loop3A_91 = arith.index_cast %parallel_loop3A_86 : i32 to index
          %parallel_loop3A_92 = arith.constant 0 : index
          %parallel_loop3A_93 = tpu.vector_load %arg12[%parallel_loop3A_90, %parallel_loop3A_91, %parallel_loop3A_92] {strides = array<i32>} : memref<3x400x16xf32, #tpu.memory_space<vmem>>, vector<16xf32>,
          tpu.vector_store %arg12[%parallel_loop3A_90, %parallel_loop3A_91, %parallel_loop3A_92], %parallel_loop3A_88 {strides = array<i32>} : memref<3x400x16xf32, #tpu.memory_space<vmem>>, vector<16xf32>,
        } {sc.loop_unroll_factor = 4 : i64, sc.parallel_access}
        %mul3A_84 = arith.constant 400 : i32
        %mul3A_85 = arith.muli %add3A_45, %mul3A_84 : i32
        %run_scoped3A = arith.constant 0 : i32
        "tpu.region"() ({
          %run_scoped3A_86 = tpu.sem_alloc : memref<!tpu.dma_semaphore, #tpu.memory_space<semaphore_mem>>
          %dma_start3A = arith.constant 0 : i32
          %dma_start3A_87 = arith.constant 0 : i32
          %dma_start3A_88 = tpu.memref_slice %arg12[%run_scoped3A, %dma_start3A, %dma_start3A_87] : memref<3x400x16xf32, #tpu.memory_space<vmem>> -> memref<1x400x16xf32, #tpu.memory_space<vmem>>
          %dma_start3A_89 = tpu.memref_squeeze %dma_start3A_88 : memref<1x400x16xf32, #tpu.memory_space<vmem>> -> memref<400x16xf32, #tpu.memory_space<vmem>>
          %dma_start3A_90 = arith.constant 0 : i32
          %dma_start3A_91 = tpu.memref_slice %arg7[%mul3A_85, %dma_start3A_90] : memref<100000x16xf32, #tpu.memory_space<hbm>> -> memref<400x16xf32, #tpu.memory_space<hbm>>
          %dma_start3A_92 = arith.constant 0 : i32
          %dma_start3A_93 = tpu.memref_slice %arg7[%mul3A_85, %dma_start3A_92] : memref<100000x16xf32, #tpu.memory_space<hbm>> -> memref<400x16xf32, #tpu.memory_space<hbm>>
          %dma_start3A_94 = arith.constant 0 : i32
          %dma_start3A_95 = arith.constant 0 : i32
          %dma_start3A_96 = tpu.memref_slice %arg12[%run_scoped3A, %dma_start3A_94, %dma_start3A_95] : memref<3x400x16xf32, #tpu.memory_space<vmem>> -> memref<1x400x16xf32, #tpu.memory_space<vmem>>
          %dma_start3A_97 = tpu.memref_squeeze %dma_start3A_96 : memref<1x400x16xf32, #tpu.memory_space<vmem>> -> memref<400x16xf32, #tpu.memory_space<vmem>>
          tpu.enqueue_dma source(%dma_start3A_97 : memref<400x16xf32, #tpu.memory_space<vmem>>) target(%dma_start3A_93 : memref<400x16xf32, #tpu.memory_space<hbm>>) target_semaphore(%run_scoped3A_86 : memref<!tpu.dma_semaphore, #tpu.memory_space<semaphore_mem>>)
          %dma_wait3A_98 = arith.constant 0 : i32
          %dma_wait3A_99 = arith.constant 0 : i32
          %dma_wait3A_100 = tpu.memref_slice %arg12[%run_scoped3A, %dma_wait3A_98, %dma_wait3A_99] : memref<3x400x16xf32, #tpu.memory_space<vmem>> -> memref<1x400x16xf32, #tpu.memory_space<vmem>>
          %dma_wait3A_101 = tpu.memref_squeeze %dma_wait3A_100 : memref<1x400x16xf32, #tpu.memory_space<vmem>> -> memref<400x16xf32, #tpu.memory_space<vmem>>
          %dma_wait3A_102 = arith.constant 0 : i32
          %dma_wait3A_103 = tpu.memref_slice %arg7[%mul3A_85, %dma_wait3A_102] : memref<100000x16xf32, #tpu.memory_space<hbm>> -> memref<400x16xf32, #tpu.memory_space<hbm>>
          %dma_wait3A_104 = arith.constant 0 : i32
          %dma_wait3A_105 = tpu.memref_slice %arg7[%mul3A_85, %dma_wait3A_104] : memref<100000x16xf32, #tpu.memory_space<hbm>> -> memref<400x16xf32, #tpu.memory_space<hbm>>
          %dma_wait3A_106 = arith.constant 0 : i32
          %dma_wait3A_107 = arith.constant 0 : i32
          %dma_wait3A_108 = tpu.memref_slice %arg12[%run_scoped3A, %dma_wait3A_106, %dma_wait3A_107] : memref<3x400x16xf32, #tpu.memory_space<vmem>> -> memref<1x400x16xf32, #tpu.memory_space<vmem>>
          %dma_wait3A_109 = tpu.memref_squeeze %dma_wait3A_108 : memref<1x400x16xf32, #tpu.memory_space<vmem>> -> memref<400x16xf32, #tpu.memory_space<vmem>>
          tpu.wait_dma2 semaphore(%run_scoped3A_86 : memref<!tpu.dma_semaphore, #tpu.memory_space<semaphore_mem>>) src(%dma_wait3A_109 : memref<400x16xf32, #tpu.memory_space<vmem>>) dst(%dma_wait3A_105 : memref<400x16xf32, #tpu.memory_space<hbm>>)
          tpu.yield
        }) : () -> ()
      } else {
      }
    }
    %scan3A_19 = arith.constant 8 : i32
    %lt3A_20 = arith.constant 250 : i32
    %lt3A_21 = arith.cmpi slt, %add3A, %lt3A_20 : i32
    %convert_element_type3A_22 = arith.extui %lt3A_21 : i1 to i32
    %cond3A_23 = arith.constant 0 : i32
    %cond3A_24 = arith.cmpi ne, %convert_element_type3A_22, %cond3A_23 : i32
    scf.if %cond3A_24 {
      %mul3A_42 = arith.constant 400 : i32
      %mul3A_43 = arith.muli %add3A, %mul3A_42 : i32
      %dma_start3A = arith.constant 0 : i32
      %dma_start3A_44 = arith.constant 0 : i32
      %dma_start3A_45 = arith.constant 0 : i32
      %dma_start3A_46 = tpu.memref_slice %arg11[%dma_start3A, %dma_start3A_44, %dma_start3A_45] : memref<2x16x400xi32, #tpu.memory_space<vmem>> -> memref<1x16x400xi32, #tpu.memory_space<vmem>>
      %dma_start3A_47 = tpu.memref_squeeze %dma_start3A_46 : memref<1x16x400xi32, #tpu.memory_space<vmem>> -> memref<16x400xi32, #tpu.memory_space<vmem>>
      %dma_start3A_48 = arith.constant 0 : i32
      %dma_start3A_49 = tpu.memref_slice %arg4[%dma_start3A_48, %mul3A_43] : memref<16x100000xi32, #tpu.memory_space<hbm>> -> memref<16x400xi32, #tpu.memory_space<hbm>>
      %dma_start3A_50 = arith.constant 0 : i32
      %dma_start3A_51 = arith.constant 0 : i32
      %dma_start3A_52 = tpu.memref_slice %arg11[%dma_start3A, %dma_start3A_50, %dma_start3A_51] : memref<2x16x400xi32, #tpu.memory_space<vmem>> -> memref<1x16x400xi32, #tpu.memory_space<vmem>>
      %dma_start3A_53 = tpu.memref_squeeze %dma_start3A_52 : memref<1x16x400xi32, #tpu.memory_space<vmem>> -> memref<16x400xi32, #tpu.memory_space<vmem>>
      %dma_start3A_54 = arith.constant 0 : i32
      %dma_start3A_55 = tpu.memref_slice %arg4[%dma_start3A_54, %mul3A_43] : memref<16x100000xi32, #tpu.memory_space<hbm>> -> memref<16x400xi32, #tpu.memory_space<hbm>>
      tpu.enqueue_dma source(%dma_start3A_55 : memref<16x400xi32, #tpu.memory_space<hbm>>) target(%dma_start3A_53 : memref<16x400xi32, #tpu.memory_space<vmem>>) target_semaphore(%arg14 : memref<!tpu.dma_semaphore, #tpu.memory_space<semaphore_mem>>)
    } else {
    }
    %scan3A_25 = arith.constant 0 : i32
    %scan3A_26 = arith.constant 0 : i32
    %scan3A_27 = arith.constant 8 : i32
    %scan3A_28 = arith.addi %scan3A_26, %scan3A_27 : i32
    %scan3A_29 = arith.constant 1 : i32
    scf.for %scan3A_42 = %scan3A_26 to %scan3A_28 step %scan3A_29  : i32 {
      %mul3A_43 = arith.constant 32 : i32
      %mul3A_44 = arith.muli %scan3A_42, %mul3A_43 : i32
      %add3A_45 = arith.addi %mul3A_44, %add3A : i32
      %jit3A = arith.constant 2 : i32
      %eq3A = arith.constant 0 : i32
      %eq3A_46 = arith.cmpi eq, %jit3A, %eq3A : i32
      %jit3A_47 = arith.constant 1 : i32
      %select_n3A = arith.select %eq3A_46, %jit3A_47, %jit3A : i32
      %rem3A = arith.remsi %scan3A_42, %select_n3A : i32
      %ne3A = arith.constant 0 : i32
      %ne3A_48 = arith.cmpi ne, %rem3A, %ne3A : i32
      %lt3A_49 = arith.constant 0 : i32
      %lt3A_50 = arith.cmpi slt, %rem3A, %lt3A_49 : i32
      %lt3A_51 = arith.constant 0 : i32
      %lt3A_52 = arith.cmpi slt, %select_n3A, %lt3A_51 : i32
      %ne3A_53 = arith.xori %lt3A_50, %lt3A_52 : i1
      %and3A = arith.andi %ne3A_53, %ne3A_48 : i1
      %add3A_54 = arith.addi %rem3A, %select_n3A : i32
      %select_n3A_55 = arith.select %and3A, %add3A_54, %rem3A : i32
      %lt3A_56 = arith.constant 250 : i32
      %lt3A_57 = arith.cmpi slt, %add3A_45, %lt3A_56 : i32
      %convert_element_type3A_58 = arith.extui %lt3A_57 : i1 to i32
      %cond3A_59 = arith.constant 0 : i32
      %cond3A_60 = arith.cmpi ne, %convert_element_type3A_58, %cond3A_59 : i32
      scf.if %cond3A_60 {
        %mul3A_61 = arith.constant 400 : i32
        %mul3A_62 = arith.muli %add3A_45, %mul3A_61 : i32
        %dma_wait3A = arith.constant 0 : i32
        %dma_wait3A_63 = arith.constant 0 : i32
        %dma_wait3A_64 = tpu.memref_slice %arg11[%select_n3A_55, %dma_wait3A, %dma_wait3A_63] : memref<2x16x400xi32, #tpu.memory_space<vmem>> -> memref<1x16x400xi32, #tpu.memory_space<vmem>>
        %dma_wait3A_65 = tpu.memref_squeeze %dma_wait3A_64 : memref<1x16x400xi32, #tpu.memory_space<vmem>> -> memref<16x400xi32, #tpu.memory_space<vmem>>
        %dma_wait3A_66 = arith.constant 0 : i32
        %dma_wait3A_67 = tpu.memref_slice %arg4[%dma_wait3A_66, %mul3A_62] : memref<16x100000xi32, #tpu.memory_space<hbm>> -> memref<16x400xi32, #tpu.memory_space<hbm>>
        %dma_wait3A_68 = arith.constant 0 : i32
        %dma_wait3A_69 = arith.constant 0 : i32
        %dma_wait3A_70 = tpu.memref_slice %arg11[%select_n3A_55, %dma_wait3A_68, %dma_wait3A_69] : memref<2x16x400xi32, #tpu.memory_space<vmem>> -> memref<1x16x400xi32, #tpu.memory_space<vmem>>
        %dma_wait3A_71 = tpu.memref_squeeze %dma_wait3A_70 : memref<1x16x400xi32, #tpu.memory_space<vmem>> -> memref<16x400xi32, #tpu.memory_space<vmem>>
        %dma_wait3A_72 = arith.constant 0 : i32
        %dma_wait3A_73 = tpu.memref_slice %arg4[%dma_wait3A_72, %mul3A_62] : memref<16x100000xi32, #tpu.memory_space<hbm>> -> memref<16x400xi32, #tpu.memory_space<hbm>>
        tpu.wait_dma2 semaphore(%arg14 : memref<!tpu.dma_semaphore, #tpu.memory_space<semaphore_mem>>) src(%dma_wait3A_73 : memref<16x400xi32, #tpu.memory_space<hbm>>) dst(%dma_wait3A_71 : memref<16x400xi32, #tpu.memory_space<vmem>>)
        %add3A_74 = arith.constant 32 : i32
        %add3A_75 = arith.addi %add3A_45, %add3A_74 : i32
        %lt3A_76 = arith.constant 250 : i32
        %lt3A_77 = arith.cmpi slt, %add3A_75, %lt3A_76 : i32
        %convert_element_type3A_78 = arith.extui %lt3A_77 : i1 to i32
        %cond3A_79 = arith.constant 0 : i32
        %cond3A_80 = arith.cmpi ne, %convert_element_type3A_78, %cond3A_79 : i32
        scf.if %cond3A_80 {
          %add3A_86 = arith.constant 32 : i32
          %add3A_87 = arith.addi %add3A_45, %add3A_86 : i32
          %mul3A_88 = arith.constant 400 : i32
          %mul3A_89 = arith.muli %add3A_87, %mul3A_88 : i32
          %add3A_90 = arith.constant 1 : i32
          %add3A_91 = arith.addi %scan3A_42, %add3A_90 : i32
          %jit3A_92 = arith.constant 2 : i32
          %eq3A_93 = arith.constant 0 : i32
          %eq3A_94 = arith.cmpi eq, %jit3A_92, %eq3A_93 : i32
          %jit3A_95 = arith.constant 1 : i32
          %select_n3A_96 = arith.select %eq3A_94, %jit3A_95, %jit3A_92 : i32
          %rem3A_97 = arith.remsi %add3A_91, %select_n3A_96 : i32
          %ne3A_98 = arith.constant 0 : i32
          %ne3A_99 = arith.cmpi ne, %rem3A_97, %ne3A_98 : i32
          %lt3A_100 = arith.constant 0 : i32
          %lt3A_101 = arith.cmpi slt, %rem3A_97, %lt3A_100 : i32
          %lt3A_102 = arith.constant 0 : i32
          %lt3A_103 = arith.cmpi slt, %select_n3A_96, %lt3A_102 : i32
          %ne3A_104 = arith.xori %lt3A_101, %lt3A_103 : i1
          %and3A_105 = arith.andi %ne3A_104, %ne3A_99 : i1
          %add3A_106 = arith.addi %rem3A_97, %select_n3A_96 : i32
          %select_n3A_107 = arith.select %and3A_105, %add3A_106, %rem3A_97 : i32
          %dma_start3A = arith.constant 0 : i32
          %dma_start3A_108 = arith.constant 0 : i32
          %dma_start3A_109 = tpu.memref_slice %arg11[%select_n3A_107, %dma_start3A, %dma_start3A_108] : memref<2x16x400xi32, #tpu.memory_space<vmem>> -> memref<1x16x400xi32, #tpu.memory_space<vmem>>
          %dma_start3A_110 = tpu.memref_squeeze %dma_start3A_109 : memref<1x16x400xi32, #tpu.memory_space<vmem>> -> memref<16x400xi32, #tpu.memory_space<vmem>>
          %dma_start3A_111 = arith.constant 0 : i32
          %dma_start3A_112 = tpu.memref_slice %arg4[%dma_start3A_111, %mul3A_89] : memref<16x100000xi32, #tpu.memory_space<hbm>> -> memref<16x400xi32, #tpu.memory_space<hbm>>
          %dma_start3A_113 = arith.constant 0 : i32
          %dma_start3A_114 = arith.constant 0 : i32
          %dma_start3A_115 = tpu.memref_slice %arg11[%select_n3A_107, %dma_start3A_113, %dma_start3A_114] : memref<2x16x400xi32, #tpu.memory_space<vmem>> -> memref<1x16x400xi32, #tpu.memory_space<vmem>>
          %dma_start3A_116 = tpu.memref_squeeze %dma_start3A_115 : memref<1x16x400xi32, #tpu.memory_space<vmem>> -> memref<16x400xi32, #tpu.memory_space<vmem>>
          %dma_start3A_117 = arith.constant 0 : i32
          %dma_start3A_118 = tpu.memref_slice %arg4[%dma_start3A_117, %mul3A_89] : memref<16x100000xi32, #tpu.memory_space<hbm>> -> memref<16x400xi32, #tpu.memory_space<hbm>>
          tpu.enqueue_dma source(%dma_start3A_118 : memref<16x400xi32, #tpu.memory_space<hbm>>) target(%dma_start3A_116 : memref<16x400xi32, #tpu.memory_space<vmem>>) target_semaphore(%arg14 : memref<!tpu.dma_semaphore, #tpu.memory_space<semaphore_mem>>)
        } else {
        }
        %broadcast_in_dim3A_81 = vector.broadcast %select_n3A_55 : i32 to vector<16xi32>
        %parallel_loop3A = arith.constant 0 : i32
        %parallel_loop3A_82 = arith.constant 400 : i32
        %parallel_loop3A_83 = arith.constant 1 : i32
        scf.for %parallel_loop3A_86 = %parallel_loop3A to %parallel_loop3A_82 step %parallel_loop3A_83  : i32 {
          %parallel_loop3A_87 = vector.broadcast %parallel_loop3A_86 : i32 to vector<16xi32>
          %parallel_loop3A_88 = tpu.vector_load_idx %arg11[%broadcast_in_dim3A_81, %iota3A, %parallel_loop3A_87] : memref<2x16x400xi32, #tpu.memory_space<vmem>>[vector<16xi32>, vector<16xi32>, vector<16xi32>], vector<16xi32>,
          %parallel_loop3A_89 = arith.constant 0 : i32
          %parallel_loop3A_90 = arith.index_cast %parallel_loop3A_89 : i32 to index
          %parallel_loop3A_91 = arith.index_cast %parallel_loop3A_86 : i32 to index
          %parallel_loop3A_92 = arith.constant 0 : index
          %parallel_loop3A_93 = tpu.vector_load %arg13[%parallel_loop3A_90, %parallel_loop3A_91, %parallel_loop3A_92] {strides = array<i32>} : memref<3x400x16xi32, #tpu.memory_space<vmem>>, vector<16xi32>,
          tpu.vector_store %arg13[%parallel_loop3A_90, %parallel_loop3A_91, %parallel_loop3A_92], %parallel_loop3A_88 {strides = array<i32>} : memref<3x400x16xi32, #tpu.memory_space<vmem>>, vector<16xi32>,
        } {sc.loop_unroll_factor = 4 : i64, sc.parallel_access}
        %mul3A_84 = arith.constant 400 : i32
        %mul3A_85 = arith.muli %add3A_45, %mul3A_84 : i32
        %run_scoped3A = arith.constant 0 : i32
        "tpu.region"() ({
          %run_scoped3A_86 = tpu.sem_alloc : memref<!tpu.dma_semaphore, #tpu.memory_space<semaphore_mem>>
          %dma_start3A = arith.constant 0 : i32
          %dma_start3A_87 = arith.constant 0 : i32
          %dma_start3A_88 = tpu.memref_slice %arg13[%run_scoped3A, %dma_start3A, %dma_start3A_87] : memref<3x400x16xi32, #tpu.memory_space<vmem>> -> memref<1x400x16xi32, #tpu.memory_space<vmem>>
          %dma_start3A_89 = tpu.memref_squeeze %dma_start3A_88 : memref<1x400x16xi32, #tpu.memory_space<vmem>> -> memref<400x16xi32, #tpu.memory_space<vmem>>
          %dma_start3A_90 = arith.constant 0 : i32
          %dma_start3A_91 = tpu.memref_slice %arg8[%mul3A_85, %dma_start3A_90] : memref<100000x16xi32, #tpu.memory_space<hbm>> -> memref<400x16xi32, #tpu.memory_space<hbm>>
          %dma_start3A_92 = arith.constant 0 : i32
          %dma_start3A_93 = tpu.memref_slice %arg8[%mul3A_85, %dma_start3A_92] : memref<100000x16xi32, #tpu.memory_space<hbm>> -> memref<400x16xi32, #tpu.memory_space<hbm>>
          %dma_start3A_94 = arith.constant 0 : i32
          %dma_start3A_95 = arith.constant 0 : i32
          %dma_start3A_96 = tpu.memref_slice %arg13[%run_scoped3A, %dma_start3A_94, %dma_start3A_95] : memref<3x400x16xi32, #tpu.memory_space<vmem>> -> memref<1x400x16xi32, #tpu.memory_space<vmem>>
          %dma_start3A_97 = tpu.memref_squeeze %dma_start3A_96 : memref<1x400x16xi32, #tpu.memory_space<vmem>> -> memref<400x16xi32, #tpu.memory_space<vmem>>
          tpu.enqueue_dma source(%dma_start3A_97 : memref<400x16xi32, #tpu.memory_space<vmem>>) target(%dma_start3A_93 : memref<400x16xi32, #tpu.memory_space<hbm>>) target_semaphore(%run_scoped3A_86 : memref<!tpu.dma_semaphore, #tpu.memory_space<semaphore_mem>>)
          %dma_wait3A_98 = arith.constant 0 : i32
          %dma_wait3A_99 = arith.constant 0 : i32
          %dma_wait3A_100 = tpu.memref_slice %arg13[%run_scoped3A, %dma_wait3A_98, %dma_wait3A_99] : memref<3x400x16xi32, #tpu.memory_space<vmem>> -> memref<1x400x16xi32, #tpu.memory_space<vmem>>
          %dma_wait3A_101 = tpu.memref_squeeze %dma_wait3A_100 : memref<1x400x16xi32, #tpu.memory_space<vmem>> -> memref<400x16xi32, #tpu.memory_space<vmem>>
          %dma_wait3A_102 = arith.constant 0 : i32
          %dma_wait3A_103 = tpu.memref_slice %arg8[%mul3A_85, %dma_wait3A_102] : memref<100000x16xi32, #tpu.memory_space<hbm>> -> memref<400x16xi32, #tpu.memory_space<hbm>>
          %dma_wait3A_104 = arith.constant 0 : i32
          %dma_wait3A_105 = tpu.memref_slice %arg8[%mul3A_85, %dma_wait3A_104] : memref<100000x16xi32, #tpu.memory_space<hbm>> -> memref<400x16xi32, #tpu.memory_space<hbm>>
          %dma_wait3A_106 = arith.constant 0 : i32
          %dma_wait3A_107 = arith.constant 0 : i32
          %dma_wait3A_108 = tpu.memref_slice %arg13[%run_scoped3A, %dma_wait3A_106, %dma_wait3A_107] : memref<3x400x16xi32, #tpu.memory_space<vmem>> -> memref<1x400x16xi32, #tpu.memory_space<vmem>>
          %dma_wait3A_109 = tpu.memref_squeeze %dma_wait3A_108 : memref<1x400x16xi32, #tpu.memory_space<vmem>> -> memref<400x16xi32, #tpu.memory_space<vmem>>
          tpu.wait_dma2 semaphore(%run_scoped3A_86 : memref<!tpu.dma_semaphore, #tpu.memory_space<semaphore_mem>>) src(%dma_wait3A_109 : memref<400x16xi32, #tpu.memory_space<vmem>>) dst(%dma_wait3A_105 : memref<400x16xi32, #tpu.memory_space<hbm>>)
          tpu.yield
        }) : () -> ()
      } else {
      }
    }
    %scan3A_30 = arith.constant 8 : i32
    %lt3A_31 = arith.constant 250 : i32
    %lt3A_32 = arith.cmpi slt, %add3A, %lt3A_31 : i32
    %convert_element_type3A_33 = arith.extui %lt3A_32 : i1 to i32
    %cond3A_34 = arith.constant 0 : i32
    %cond3A_35 = arith.cmpi ne, %convert_element_type3A_33, %cond3A_34 : i32
    scf.if %cond3A_35 {
      %mul3A_42 = arith.constant 400 : i32
      %mul3A_43 = arith.muli %add3A, %mul3A_42 : i32
      %dma_start3A = arith.constant 0 : i32
      %dma_start3A_44 = arith.constant 0 : i32
      %dma_start3A_45 = arith.constant 0 : i32
      %dma_start3A_46 = tpu.memref_slice %arg11[%dma_start3A, %dma_start3A_44, %dma_start3A_45] : memref<2x16x400xi32, #tpu.memory_space<vmem>> -> memref<1x16x400xi32, #tpu.memory_space<vmem>>
      %dma_start3A_47 = tpu.memref_squeeze %dma_start3A_46 : memref<1x16x400xi32, #tpu.memory_space<vmem>> -> memref<16x400xi32, #tpu.memory_space<vmem>>
      %dma_start3A_48 = arith.constant 0 : i32
      %dma_start3A_49 = tpu.memref_slice %arg5[%dma_start3A_48, %mul3A_43] : memref<16x100000xi32, #tpu.memory_space<hbm>> -> memref<16x400xi32, #tpu.memory_space<hbm>>
      %dma_start3A_50 = arith.constant 0 : i32
      %dma_start3A_51 = arith.constant 0 : i32
      %dma_start3A_52 = tpu.memref_slice %arg11[%dma_start3A, %dma_start3A_50, %dma_start3A_51] : memref<2x16x400xi32, #tpu.memory_space<vmem>> -> memref<1x16x400xi32, #tpu.memory_space<vmem>>
      %dma_start3A_53 = tpu.memref_squeeze %dma_start3A_52 : memref<1x16x400xi32, #tpu.memory_space<vmem>> -> memref<16x400xi32, #tpu.memory_space<vmem>>
      %dma_start3A_54 = arith.constant 0 : i32
      %dma_start3A_55 = tpu.memref_slice %arg5[%dma_start3A_54, %mul3A_43] : memref<16x100000xi32, #tpu.memory_space<hbm>> -> memref<16x400xi32, #tpu.memory_space<hbm>>
      tpu.enqueue_dma source(%dma_start3A_55 : memref<16x400xi32, #tpu.memory_space<hbm>>) target(%dma_start3A_53 : memref<16x400xi32, #tpu.memory_space<vmem>>) target_semaphore(%arg14 : memref<!tpu.dma_semaphore, #tpu.memory_space<semaphore_mem>>)
    } else {
    }
    %scan3A_36 = arith.constant 0 : i32
    %scan3A_37 = arith.constant 0 : i32
    %scan3A_38 = arith.constant 8 : i32
    %scan3A_39 = arith.addi %scan3A_37, %scan3A_38 : i32
    %scan3A_40 = arith.constant 1 : i32
    scf.for %scan3A_42 = %scan3A_37 to %scan3A_39 step %scan3A_40  : i32 {
      %mul3A_43 = arith.constant 32 : i32
      %mul3A_44 = arith.muli %scan3A_42, %mul3A_43 : i32
      %add3A_45 = arith.addi %mul3A_44, %add3A : i32
      %jit3A = arith.constant 2 : i32
      %eq3A = arith.constant 0 : i32
      %eq3A_46 = arith.cmpi eq, %jit3A, %eq3A : i32
      %jit3A_47 = arith.constant 1 : i32
      %select_n3A = arith.select %eq3A_46, %jit3A_47, %jit3A : i32
      %rem3A = arith.remsi %scan3A_42, %select_n3A : i32
      %ne3A = arith.constant 0 : i32
      %ne3A_48 = arith.cmpi ne, %rem3A, %ne3A : i32
      %lt3A_49 = arith.constant 0 : i32
      %lt3A_50 = arith.cmpi slt, %rem3A, %lt3A_49 : i32
      %lt3A_51 = arith.constant 0 : i32
      %lt3A_52 = arith.cmpi slt, %select_n3A, %lt3A_51 : i32
      %ne3A_53 = arith.xori %lt3A_50, %lt3A_52 : i1
      %and3A = arith.andi %ne3A_53, %ne3A_48 : i1
      %add3A_54 = arith.addi %rem3A, %select_n3A : i32
      %select_n3A_55 = arith.select %and3A, %add3A_54, %rem3A : i32
      %lt3A_56 = arith.constant 250 : i32
      %lt3A_57 = arith.cmpi slt, %add3A_45, %lt3A_56 : i32
      %convert_element_type3A_58 = arith.extui %lt3A_57 : i1 to i32
      %cond3A_59 = arith.constant 0 : i32
      %cond3A_60 = arith.cmpi ne, %convert_element_type3A_58, %cond3A_59 : i32
      scf.if %cond3A_60 {
        %mul3A_61 = arith.constant 400 : i32
        %mul3A_62 = arith.muli %add3A_45, %mul3A_61 : i32
        %dma_wait3A = arith.constant 0 : i32
        %dma_wait3A_63 = arith.constant 0 : i32
        %dma_wait3A_64 = tpu.memref_slice %arg11[%select_n3A_55, %dma_wait3A, %dma_wait3A_63] : memref<2x16x400xi32, #tpu.memory_space<vmem>> -> memref<1x16x400xi32, #tpu.memory_space<vmem>>
        %dma_wait3A_65 = tpu.memref_squeeze %dma_wait3A_64 : memref<1x16x400xi32, #tpu.memory_space<vmem>> -> memref<16x400xi32, #tpu.memory_space<vmem>>
        %dma_wait3A_66 = arith.constant 0 : i32
        %dma_wait3A_67 = tpu.memref_slice %arg5[%dma_wait3A_66, %mul3A_62] : memref<16x100000xi32, #tpu.memory_space<hbm>> -> memref<16x400xi32, #tpu.memory_space<hbm>>
        %dma_wait3A_68 = arith.constant 0 : i32
        %dma_wait3A_69 = arith.constant 0 : i32
        %dma_wait3A_70 = tpu.memref_slice %arg11[%select_n3A_55, %dma_wait3A_68, %dma_wait3A_69] : memref<2x16x400xi32, #tpu.memory_space<vmem>> -> memref<1x16x400xi32, #tpu.memory_space<vmem>>
        %dma_wait3A_71 = tpu.memref_squeeze %dma_wait3A_70 : memref<1x16x400xi32, #tpu.memory_space<vmem>> -> memref<16x400xi32, #tpu.memory_space<vmem>>
        %dma_wait3A_72 = arith.constant 0 : i32
        %dma_wait3A_73 = tpu.memref_slice %arg5[%dma_wait3A_72, %mul3A_62] : memref<16x100000xi32, #tpu.memory_space<hbm>> -> memref<16x400xi32, #tpu.memory_space<hbm>>
        tpu.wait_dma2 semaphore(%arg14 : memref<!tpu.dma_semaphore, #tpu.memory_space<semaphore_mem>>) src(%dma_wait3A_73 : memref<16x400xi32, #tpu.memory_space<hbm>>) dst(%dma_wait3A_71 : memref<16x400xi32, #tpu.memory_space<vmem>>)
        %add3A_74 = arith.constant 32 : i32
        %add3A_75 = arith.addi %add3A_45, %add3A_74 : i32
        %lt3A_76 = arith.constant 250 : i32
        %lt3A_77 = arith.cmpi slt, %add3A_75, %lt3A_76 : i32
        %convert_element_type3A_78 = arith.extui %lt3A_77 : i1 to i32
        %cond3A_79 = arith.constant 0 : i32
        %cond3A_80 = arith.cmpi ne, %convert_element_type3A_78, %cond3A_79 : i32
        scf.if %cond3A_80 {
          %add3A_86 = arith.constant 32 : i32
          %add3A_87 = arith.addi %add3A_45, %add3A_86 : i32
          %mul3A_88 = arith.constant 400 : i32
          %mul3A_89 = arith.muli %add3A_87, %mul3A_88 : i32
          %add3A_90 = arith.constant 1 : i32
          %add3A_91 = arith.addi %scan3A_42, %add3A_90 : i32
          %jit3A_92 = arith.constant 2 : i32
          %eq3A_93 = arith.constant 0 : i32
          %eq3A_94 = arith.cmpi eq, %jit3A_92, %eq3A_93 : i32
          %jit3A_95 = arith.constant 1 : i32
          %select_n3A_96 = arith.select %eq3A_94, %jit3A_95, %jit3A_92 : i32
          %rem3A_97 = arith.remsi %add3A_91, %select_n3A_96 : i32
          %ne3A_98 = arith.constant 0 : i32
          %ne3A_99 = arith.cmpi ne, %rem3A_97, %ne3A_98 : i32
          %lt3A_100 = arith.constant 0 : i32
          %lt3A_101 = arith.cmpi slt, %rem3A_97, %lt3A_100 : i32
          %lt3A_102 = arith.constant 0 : i32
          %lt3A_103 = arith.cmpi slt, %select_n3A_96, %lt3A_102 : i32
          %ne3A_104 = arith.xori %lt3A_101, %lt3A_103 : i1
          %and3A_105 = arith.andi %ne3A_104, %ne3A_99 : i1
          %add3A_106 = arith.addi %rem3A_97, %select_n3A_96 : i32
          %select_n3A_107 = arith.select %and3A_105, %add3A_106, %rem3A_97 : i32
          %dma_start3A = arith.constant 0 : i32
          %dma_start3A_108 = arith.constant 0 : i32
          %dma_start3A_109 = tpu.memref_slice %arg11[%select_n3A_107, %dma_start3A, %dma_start3A_108] : memref<2x16x400xi32, #tpu.memory_space<vmem>> -> memref<1x16x400xi32, #tpu.memory_space<vmem>>
          %dma_start3A_110 = tpu.memref_squeeze %dma_start3A_109 : memref<1x16x400xi32, #tpu.memory_space<vmem>> -> memref<16x400xi32, #tpu.memory_space<vmem>>
          %dma_start3A_111 = arith.constant 0 : i32
          %dma_start3A_112 = tpu.memref_slice %arg5[%dma_start3A_111, %mul3A_89] : memref<16x100000xi32, #tpu.memory_space<hbm>> -> memref<16x400xi32, #tpu.memory_space<hbm>>
          %dma_start3A_113 = arith.constant 0 : i32
          %dma_start3A_114 = arith.constant 0 : i32
          %dma_start3A_115 = tpu.memref_slice %arg11[%select_n3A_107, %dma_start3A_113, %dma_start3A_114] : memref<2x16x400xi32, #tpu.memory_space<vmem>> -> memref<1x16x400xi32, #tpu.memory_space<vmem>>
          %dma_start3A_116 = tpu.memref_squeeze %dma_start3A_115 : memref<1x16x400xi32, #tpu.memory_space<vmem>> -> memref<16x400xi32, #tpu.memory_space<vmem>>
          %dma_start3A_117 = arith.constant 0 : i32
          %dma_start3A_118 = tpu.memref_slice %arg5[%dma_start3A_117, %mul3A_89] : memref<16x100000xi32, #tpu.memory_space<hbm>> -> memref<16x400xi32, #tpu.memory_space<hbm>>
          tpu.enqueue_dma source(%dma_start3A_118 : memref<16x400xi32, #tpu.memory_space<hbm>>) target(%dma_start3A_116 : memref<16x400xi32, #tpu.memory_space<vmem>>) target_semaphore(%arg14 : memref<!tpu.dma_semaphore, #tpu.memory_space<semaphore_mem>>)
        } else {
        }
        %broadcast_in_dim3A_81 = vector.broadcast %select_n3A_55 : i32 to vector<16xi32>
        %parallel_loop3A = arith.constant 0 : i32
        %parallel_loop3A_82 = arith.constant 400 : i32
        %parallel_loop3A_83 = arith.constant 1 : i32
        scf.for %parallel_loop3A_86 = %parallel_loop3A to %parallel_loop3A_82 step %parallel_loop3A_83  : i32 {
          %parallel_loop3A_87 = vector.broadcast %parallel_loop3A_86 : i32 to vector<16xi32>
          %parallel_loop3A_88 = tpu.vector_load_idx %arg11[%broadcast_in_dim3A_81, %iota3A, %parallel_loop3A_87] : memref<2x16x400xi32, #tpu.memory_space<vmem>>[vector<16xi32>, vector<16xi32>, vector<16xi32>], vector<16xi32>,
          %parallel_loop3A_89 = arith.constant 0 : i32
          %parallel_loop3A_90 = arith.index_cast %parallel_loop3A_89 : i32 to index
          %parallel_loop3A_91 = arith.index_cast %parallel_loop3A_86 : i32 to index
          %parallel_loop3A_92 = arith.constant 0 : index
          %parallel_loop3A_93 = tpu.vector_load %arg13[%parallel_loop3A_90, %parallel_loop3A_91, %parallel_loop3A_92] {strides = array<i32>} : memref<3x400x16xi32, #tpu.memory_space<vmem>>, vector<16xi32>,
          tpu.vector_store %arg13[%parallel_loop3A_90, %parallel_loop3A_91, %parallel_loop3A_92], %parallel_loop3A_88 {strides = array<i32>} : memref<3x400x16xi32, #tpu.memory_space<vmem>>, vector<16xi32>,
        } {sc.loop_unroll_factor = 4 : i64, sc.parallel_access}
        %mul3A_84 = arith.constant 400 : i32
        %mul3A_85 = arith.muli %add3A_45, %mul3A_84 : i32
        %run_scoped3A = arith.constant 0 : i32
        "tpu.region"() ({
          %run_scoped3A_86 = tpu.sem_alloc : memref<!tpu.dma_semaphore, #tpu.memory_space<semaphore_mem>>
          %dma_start3A = arith.constant 0 : i32
          %dma_start3A_87 = arith.constant 0 : i32
          %dma_start3A_88 = tpu.memref_slice %arg13[%run_scoped3A, %dma_start3A, %dma_start3A_87] : memref<3x400x16xi32, #tpu.memory_space<vmem>> -> memref<1x400x16xi32, #tpu.memory_space<vmem>>
          %dma_start3A_89 = tpu.memref_squeeze %dma_start3A_88 : memref<1x400x16xi32, #tpu.memory_space<vmem>> -> memref<400x16xi32, #tpu.memory_space<vmem>>
          %dma_start3A_90 = arith.constant 0 : i32
          %dma_start3A_91 = tpu.memref_slice %arg9[%mul3A_85, %dma_start3A_90] : memref<100000x16xi32, #tpu.memory_space<hbm>> -> memref<400x16xi32, #tpu.memory_space<hbm>>
          %dma_start3A_92 = arith.constant 0 : i32
          %dma_start3A_93 = tpu.memref_slice %arg9[%mul3A_85, %dma_start3A_92] : memref<100000x16xi32, #tpu.memory_space<hbm>> -> memref<400x16xi32, #tpu.memory_space<hbm>>
          %dma_start3A_94 = arith.constant 0 : i32
          %dma_start3A_95 = arith.constant 0 : i32
          %dma_start3A_96 = tpu.memref_slice %arg13[%run_scoped3A, %dma_start3A_94, %dma_start3A_95] : memref<3x400x16xi32, #tpu.memory_space<vmem>> -> memref<1x400x16xi32, #tpu.memory_space<vmem>>
          %dma_start3A_97 = tpu.memref_squeeze %dma_start3A_96 : memref<1x400x16xi32, #tpu.memory_space<vmem>> -> memref<400x16xi32, #tpu.memory_space<vmem>>
          tpu.enqueue_dma source(%dma_start3A_97 : memref<400x16xi32, #tpu.memory_space<vmem>>) target(%dma_start3A_93 : memref<400x16xi32, #tpu.memory_space<hbm>>) target_semaphore(%run_scoped3A_86 : memref<!tpu.dma_semaphore, #tpu.memory_space<semaphore_mem>>)
          %dma_wait3A_98 = arith.constant 0 : i32
          %dma_wait3A_99 = arith.constant 0 : i32
          %dma_wait3A_100 = tpu.memref_slice %arg13[%run_scoped3A, %dma_wait3A_98, %dma_wait3A_99] : memref<3x400x16xi32, #tpu.memory_space<vmem>> -> memref<1x400x16xi32, #tpu.memory_space<vmem>>
          %dma_wait3A_101 = tpu.memref_squeeze %dma_wait3A_100 : memref<1x400x16xi32, #tpu.memory_space<vmem>> -> memref<400x16xi32, #tpu.memory_space<vmem>>
          %dma_wait3A_102 = arith.constant 0 : i32
          %dma_wait3A_103 = tpu.memref_slice %arg9[%mul3A_85, %dma_wait3A_102] : memref<100000x16xi32, #tpu.memory_space<hbm>> -> memref<400x16xi32, #tpu.memory_space<hbm>>
          %dma_wait3A_104 = arith.constant 0 : i32
          %dma_wait3A_105 = tpu.memref_slice %arg9[%mul3A_85, %dma_wait3A_104] : memref<100000x16xi32, #tpu.memory_space<hbm>> -> memref<400x16xi32, #tpu.memory_space<hbm>>
          %dma_wait3A_106 = arith.constant 0 : i32
          %dma_wait3A_107 = arith.constant 0 : i32
          %dma_wait3A_108 = tpu.memref_slice %arg13[%run_scoped3A, %dma_wait3A_106, %dma_wait3A_107] : memref<3x400x16xi32, #tpu.memory_space<vmem>> -> memref<1x400x16xi32, #tpu.memory_space<vmem>>
          %dma_wait3A_109 = tpu.memref_squeeze %dma_wait3A_108 : memref<1x400x16xi32, #tpu.memory_space<vmem>> -> memref<400x16xi32, #tpu.memory_space<vmem>>
          tpu.wait_dma2 semaphore(%run_scoped3A_86 : memref<!tpu.dma_semaphore, #tpu.memory_space<semaphore_mem>>) src(%dma_wait3A_109 : memref<400x16xi32, #tpu.memory_space<vmem>>) dst(%dma_wait3A_105 : memref<400x16xi32, #tpu.memory_space<hbm>>)
          tpu.yield
        }) : () -> ()
      } else {
      }
    }
    %scan3A_41 = arith.constant 8 : i32
    return
  }
}

#map = affine_map<(d0, d1) -> (0)>
#map1 = affine_map<(d0, d1) -> (0, 0)>
#map2 = affine_map<(d0, d1) -> (0, 0, 0)>
module attributes {stable_mosaic.version = 14 : i64} {
  func.func @body(%arg0: i32, %arg1: i32, %arg2: memref<4096xi32, #tpu.memory_space<hbm>>, %arg3: memref<4096xi32, #tpu.memory_space<hbm>>, %arg4: memref<100000x16xf32, #tpu.memory_space<hbm>>, %arg5: memref<100000x16xf32, #tpu.memory_space<hbm>>, %arg6: memref<32x16xf32, #tpu.memory_space<hbm>>, %arg7: memref<100000x16xi32, #tpu.memory_space<hbm>>, %arg8: memref<100000x16xi32, #tpu.memory_space<hbm>>, %arg9: memref<32x128x16xf32, #tpu.memory_space<hbm>>, %arg10: memref<32x128x16xf32, #tpu.memory_space<hbm>>, %arg11: memref<32x128x16xf32, #tpu.memory_space<hbm>>, %arg12: memref<32x128x256xf32, #tpu.memory_space<hbm>>, %arg13: memref<128xi32, #tpu.memory_space<vmem>>, %arg14: memref<128xi32, #tpu.memory_space<vmem>>, %arg15: memref<32x16xf32, #tpu.memory_space<vmem>>, %arg16: memref<16x32xf32, #tpu.memory_space<vmem>>, %arg17: memref<128x32xf32, #tpu.memory_space<vmem>>, %arg18: memref<128x16xf32, #tpu.memory_space<vmem>>, %arg19: memref<128x16xf32, #tpu.memory_space<vmem>>, %arg20: memref<128x16xi32, #tpu.memory_space<vmem>>, %arg21: memref<128x16xi32, #tpu.memory_space<vmem>>, %arg22: memref<16x128xi32, #tpu.memory_space<vmem>>, %arg23: memref<128x16xf32, #tpu.memory_space<vmem>>, %arg24: memref<128x16xf32, #tpu.memory_space<vmem>>, %arg25: memref<2x128x16xf32, #tpu.memory_space<vmem>>, %arg26: memref<2x128x16xi32, #tpu.memory_space<vmem>>, %arg27: memref<2x128x16xi32, #tpu.memory_space<vmem>>, %arg28: memref<16x128xi32, #tpu.memory_space<vmem>>, %arg29: memref<8x256xf32, #tpu.memory_space<vmem>>, %arg30: memref<16x128x16xf32, #tpu.memory_space<vmem>>, %arg31: memref<!tpu.dma_semaphore, #tpu.memory_space<semaphore_mem>>, %arg32: memref<!tpu.dma_semaphore, #tpu.memory_space<semaphore_mem>>) attributes {dimension_semantics = [#tpu.dimension_semantics<core_parallel>, #tpu.dimension_semantics<subcore_parallel>], iteration_bounds = array<i64: 2, 16>, scalar_prefetch = 0 : i64, scratch_operands = 20 : i64, tpu.core_type = #tpu.core_type<sc_vector_subcore>, window_params = [{transform_indices = #map}, {transform_indices = #map}, {transform_indices = #map1}, {transform_indices = #map1}, {transform_indices = #map1}, {transform_indices = #map1}, {transform_indices = #map1}, {transform_indices = #map2}, {transform_indices = #map2}, {transform_indices = #map2}, {transform_indices = #map2}]} {
    %mul3A = arith.constant 2 : i32
    %mul3A_0 = arith.muli %arg1, %mul3A : i32
    %add3A = arith.addi %mul3A_0, %arg0 : i32
    %mul3A_1 = arith.constant 128 : i32
    %mul3A_2 = arith.muli %add3A, %mul3A_1 : i32
    "tpu.region"() ({
      %run_scoped3A = tpu.sem_alloc : memref<!tpu.dma_semaphore, #tpu.memory_space<semaphore_mem>>
      %dma_start3A_267 = tpu.memref_slice %arg2[%mul3A_2] : memref<4096xi32, #tpu.memory_space<hbm>> -> memref<128xi32, #tpu.memory_space<hbm>>
      %dma_start3A_268 = tpu.memref_slice %arg2[%mul3A_2] : memref<4096xi32, #tpu.memory_space<hbm>> -> memref<128xi32, #tpu.memory_space<hbm>>
      tpu.enqueue_dma source(%dma_start3A_268 : memref<128xi32, #tpu.memory_space<hbm>>) target(%arg13 : memref<128xi32, #tpu.memory_space<vmem>>) target_semaphore(%run_scoped3A : memref<!tpu.dma_semaphore, #tpu.memory_space<semaphore_mem>>)
      %dma_wait3A_269 = tpu.memref_slice %arg2[%mul3A_2] : memref<4096xi32, #tpu.memory_space<hbm>> -> memref<128xi32, #tpu.memory_space<hbm>>
      %dma_wait3A_270 = tpu.memref_slice %arg2[%mul3A_2] : memref<4096xi32, #tpu.memory_space<hbm>> -> memref<128xi32, #tpu.memory_space<hbm>>
      tpu.wait_dma2 semaphore(%run_scoped3A : memref<!tpu.dma_semaphore, #tpu.memory_space<semaphore_mem>>) src(%dma_wait3A_270 : memref<128xi32, #tpu.memory_space<hbm>>) dst(%arg13 : memref<128xi32, #tpu.memory_space<vmem>>)
      tpu.yield
    }) : () -> ()
    "tpu.region"() ({
      %run_scoped3A = tpu.sem_alloc : memref<!tpu.dma_semaphore, #tpu.memory_space<semaphore_mem>>
      %dma_start3A_267 = tpu.memref_slice %arg3[%mul3A_2] : memref<4096xi32, #tpu.memory_space<hbm>> -> memref<128xi32, #tpu.memory_space<hbm>>
      %dma_start3A_268 = tpu.memref_slice %arg3[%mul3A_2] : memref<4096xi32, #tpu.memory_space<hbm>> -> memref<128xi32, #tpu.memory_space<hbm>>
      tpu.enqueue_dma source(%dma_start3A_268 : memref<128xi32, #tpu.memory_space<hbm>>) target(%arg14 : memref<128xi32, #tpu.memory_space<vmem>>) target_semaphore(%run_scoped3A : memref<!tpu.dma_semaphore, #tpu.memory_space<semaphore_mem>>)
      %dma_wait3A_269 = tpu.memref_slice %arg3[%mul3A_2] : memref<4096xi32, #tpu.memory_space<hbm>> -> memref<128xi32, #tpu.memory_space<hbm>>
      %dma_wait3A_270 = tpu.memref_slice %arg3[%mul3A_2] : memref<4096xi32, #tpu.memory_space<hbm>> -> memref<128xi32, #tpu.memory_space<hbm>>
      tpu.wait_dma2 semaphore(%run_scoped3A : memref<!tpu.dma_semaphore, #tpu.memory_space<semaphore_mem>>) src(%dma_wait3A_270 : memref<128xi32, #tpu.memory_space<hbm>>) dst(%arg14 : memref<128xi32, #tpu.memory_space<vmem>>)
      tpu.yield
    }) : () -> ()
    "tpu.region"() ({
      %run_scoped3A = tpu.sem_alloc : memref<!tpu.dma_semaphore, #tpu.memory_space<semaphore_mem>>
      tpu.enqueue_dma source(%arg6 : memref<32x16xf32, #tpu.memory_space<hbm>>) target(%arg15 : memref<32x16xf32, #tpu.memory_space<vmem>>) target_semaphore(%run_scoped3A : memref<!tpu.dma_semaphore, #tpu.memory_space<semaphore_mem>>)
      tpu.wait_dma2 semaphore(%run_scoped3A : memref<!tpu.dma_semaphore, #tpu.memory_space<semaphore_mem>>) src(%arg6 : memref<32x16xf32, #tpu.memory_space<hbm>>) dst(%arg15 : memref<32x16xf32, #tpu.memory_space<vmem>>)
      tpu.yield
    }) : () -> ()
    %dma_start3A = arith.constant 0 : i32
    %dma_start3A_3 = arith.constant 0 : i32
    %dma_start3A_4 = tpu.memref_slice %arg4[%dma_start3A, %dma_start3A_3] : memref<100000x16xf32, #tpu.memory_space<hbm>> -> memref<100000x16xf32, #tpu.memory_space<hbm>>
    tpu.enqueue_indirect_dma source(%dma_start3A_4 : memref<100000x16xf32, #tpu.memory_space<hbm>>) target(%arg18 : memref<128x16xf32, #tpu.memory_space<vmem>>) offsets(%arg13 : memref<128xi32, #tpu.memory_space<vmem>>) semaphore(%arg31 : memref<!tpu.dma_semaphore, #tpu.memory_space<semaphore_mem>>)
    %dma_start3A_5 = arith.constant 0 : i32
    %dma_start3A_6 = arith.constant 0 : i32
    %dma_start3A_7 = tpu.memref_slice %arg5[%dma_start3A_5, %dma_start3A_6] : memref<100000x16xf32, #tpu.memory_space<hbm>> -> memref<100000x16xf32, #tpu.memory_space<hbm>>
    tpu.enqueue_indirect_dma source(%dma_start3A_7 : memref<100000x16xf32, #tpu.memory_space<hbm>>) target(%arg19 : memref<128x16xf32, #tpu.memory_space<vmem>>) offsets(%arg14 : memref<128xi32, #tpu.memory_space<vmem>>) semaphore(%arg31 : memref<!tpu.dma_semaphore, #tpu.memory_space<semaphore_mem>>)
    %dma_start3A_8 = arith.constant 0 : i32
    %dma_start3A_9 = arith.constant 0 : i32
    %dma_start3A_10 = tpu.memref_slice %arg8[%dma_start3A_8, %dma_start3A_9] : memref<100000x16xi32, #tpu.memory_space<hbm>> -> memref<100000x16xi32, #tpu.memory_space<hbm>>
    tpu.enqueue_indirect_dma source(%dma_start3A_10 : memref<100000x16xi32, #tpu.memory_space<hbm>>) target(%arg20 : memref<128x16xi32, #tpu.memory_space<vmem>>) offsets(%arg14 : memref<128xi32, #tpu.memory_space<vmem>>) semaphore(%arg31 : memref<!tpu.dma_semaphore, #tpu.memory_space<semaphore_mem>>)
    %dma_start3A_11 = arith.constant 0 : i32
    %dma_start3A_12 = arith.constant 0 : i32
    %dma_start3A_13 = tpu.memref_slice %arg7[%dma_start3A_11, %dma_start3A_12] : memref<100000x16xi32, #tpu.memory_space<hbm>> -> memref<100000x16xi32, #tpu.memory_space<hbm>>
    tpu.enqueue_indirect_dma source(%dma_start3A_13 : memref<100000x16xi32, #tpu.memory_space<hbm>>) target(%arg21 : memref<128x16xi32, #tpu.memory_space<vmem>>) offsets(%arg14 : memref<128xi32, #tpu.memory_space<vmem>>) semaphore(%arg31 : memref<!tpu.dma_semaphore, #tpu.memory_space<semaphore_mem>>)
    %iota3A = tpu.iota {dimensions = array<i32: 0>} : vector<16xi32>
    %broadcast_in_dim3A = arith.constant 0 : i32
    %broadcast_in_dim3A_14 = vector.broadcast %broadcast_in_dim3A : i32 to vector<16xi32>
    %get3A = arith.constant 0 : i32
    %get3A_15 = arith.index_cast %get3A : i32 to index
    %get3A_16 = arith.constant 0 : index
    %get3A_17 = tpu.vector_load %arg15[%get3A_15, %get3A_16] {strides = array<i32>} : memref<32x16xf32, #tpu.memory_space<vmem>>, vector<16xf32>,
    tpu.vector_store_idx %arg16[%iota3A, %broadcast_in_dim3A_14], %get3A_17 : memref<16x32xf32, #tpu.memory_space<vmem>>[vector<16xi32>, vector<16xi32>], vector<16xf32>,
    %broadcast_in_dim3A_18 = arith.constant 1 : i32
    %broadcast_in_dim3A_19 = vector.broadcast %broadcast_in_dim3A_18 : i32 to vector<16xi32>
    %get3A_20 = arith.constant 1 : i32
    %get3A_21 = arith.index_cast %get3A_20 : i32 to index
    %get3A_22 = arith.constant 0 : index
    %get3A_23 = tpu.vector_load %arg15[%get3A_21, %get3A_22] {strides = array<i32>} : memref<32x16xf32, #tpu.memory_space<vmem>>, vector<16xf32>,
    tpu.vector_store_idx %arg16[%iota3A, %broadcast_in_dim3A_19], %get3A_23 : memref<16x32xf32, #tpu.memory_space<vmem>>[vector<16xi32>, vector<16xi32>], vector<16xf32>,
    %broadcast_in_dim3A_24 = arith.constant 2 : i32
    %broadcast_in_dim3A_25 = vector.broadcast %broadcast_in_dim3A_24 : i32 to vector<16xi32>
    %get3A_26 = arith.constant 2 : i32
    %get3A_27 = arith.index_cast %get3A_26 : i32 to index
    %get3A_28 = arith.constant 0 : index
    %get3A_29 = tpu.vector_load %arg15[%get3A_27, %get3A_28] {strides = array<i32>} : memref<32x16xf32, #tpu.memory_space<vmem>>, vector<16xf32>,
    tpu.vector_store_idx %arg16[%iota3A, %broadcast_in_dim3A_25], %get3A_29 : memref<16x32xf32, #tpu.memory_space<vmem>>[vector<16xi32>, vector<16xi32>], vector<16xf32>,
    %broadcast_in_dim3A_30 = arith.constant 3 : i32
    %broadcast_in_dim3A_31 = vector.broadcast %broadcast_in_dim3A_30 : i32 to vector<16xi32>
    %get3A_32 = arith.constant 3 : i32
    %get3A_33 = arith.index_cast %get3A_32 : i32 to index
    %get3A_34 = arith.constant 0 : index
    %get3A_35 = tpu.vector_load %arg15[%get3A_33, %get3A_34] {strides = array<i32>} : memref<32x16xf32, #tpu.memory_space<vmem>>, vector<16xf32>,
    tpu.vector_store_idx %arg16[%iota3A, %broadcast_in_dim3A_31], %get3A_35 : memref<16x32xf32, #tpu.memory_space<vmem>>[vector<16xi32>, vector<16xi32>], vector<16xf32>,
    %broadcast_in_dim3A_36 = arith.constant 4 : i32
    %broadcast_in_dim3A_37 = vector.broadcast %broadcast_in_dim3A_36 : i32 to vector<16xi32>
    %get3A_38 = arith.constant 4 : i32
    %get3A_39 = arith.index_cast %get3A_38 : i32 to index
    %get3A_40 = arith.constant 0 : index
    %get3A_41 = tpu.vector_load %arg15[%get3A_39, %get3A_40] {strides = array<i32>} : memref<32x16xf32, #tpu.memory_space<vmem>>, vector<16xf32>,
    tpu.vector_store_idx %arg16[%iota3A, %broadcast_in_dim3A_37], %get3A_41 : memref<16x32xf32, #tpu.memory_space<vmem>>[vector<16xi32>, vector<16xi32>], vector<16xf32>,
    %broadcast_in_dim3A_42 = arith.constant 5 : i32
    %broadcast_in_dim3A_43 = vector.broadcast %broadcast_in_dim3A_42 : i32 to vector<16xi32>
    %get3A_44 = arith.constant 5 : i32
    %get3A_45 = arith.index_cast %get3A_44 : i32 to index
    %get3A_46 = arith.constant 0 : index
    %get3A_47 = tpu.vector_load %arg15[%get3A_45, %get3A_46] {strides = array<i32>} : memref<32x16xf32, #tpu.memory_space<vmem>>, vector<16xf32>,
    tpu.vector_store_idx %arg16[%iota3A, %broadcast_in_dim3A_43], %get3A_47 : memref<16x32xf32, #tpu.memory_space<vmem>>[vector<16xi32>, vector<16xi32>], vector<16xf32>,
    %broadcast_in_dim3A_48 = arith.constant 6 : i32
    %broadcast_in_dim3A_49 = vector.broadcast %broadcast_in_dim3A_48 : i32 to vector<16xi32>
    %get3A_50 = arith.constant 6 : i32
    %get3A_51 = arith.index_cast %get3A_50 : i32 to index
    %get3A_52 = arith.constant 0 : index
    %get3A_53 = tpu.vector_load %arg15[%get3A_51, %get3A_52] {strides = array<i32>} : memref<32x16xf32, #tpu.memory_space<vmem>>, vector<16xf32>,
    tpu.vector_store_idx %arg16[%iota3A, %broadcast_in_dim3A_49], %get3A_53 : memref<16x32xf32, #tpu.memory_space<vmem>>[vector<16xi32>, vector<16xi32>], vector<16xf32>,
    %broadcast_in_dim3A_54 = arith.constant 7 : i32
    %broadcast_in_dim3A_55 = vector.broadcast %broadcast_in_dim3A_54 : i32 to vector<16xi32>
    %get3A_56 = arith.constant 7 : i32
    %get3A_57 = arith.index_cast %get3A_56 : i32 to index
    %get3A_58 = arith.constant 0 : index
    %get3A_59 = tpu.vector_load %arg15[%get3A_57, %get3A_58] {strides = array<i32>} : memref<32x16xf32, #tpu.memory_space<vmem>>, vector<16xf32>,
    tpu.vector_store_idx %arg16[%iota3A, %broadcast_in_dim3A_55], %get3A_59 : memref<16x32xf32, #tpu.memory_space<vmem>>[vector<16xi32>, vector<16xi32>], vector<16xf32>,
    %broadcast_in_dim3A_60 = arith.constant 8 : i32
    %broadcast_in_dim3A_61 = vector.broadcast %broadcast_in_dim3A_60 : i32 to vector<16xi32>
    %get3A_62 = arith.constant 8 : i32
    %get3A_63 = arith.index_cast %get3A_62 : i32 to index
    %get3A_64 = arith.constant 0 : index
    %get3A_65 = tpu.vector_load %arg15[%get3A_63, %get3A_64] {strides = array<i32>} : memref<32x16xf32, #tpu.memory_space<vmem>>, vector<16xf32>,
    tpu.vector_store_idx %arg16[%iota3A, %broadcast_in_dim3A_61], %get3A_65 : memref<16x32xf32, #tpu.memory_space<vmem>>[vector<16xi32>, vector<16xi32>], vector<16xf32>,
    %broadcast_in_dim3A_66 = arith.constant 9 : i32
    %broadcast_in_dim3A_67 = vector.broadcast %broadcast_in_dim3A_66 : i32 to vector<16xi32>
    %get3A_68 = arith.constant 9 : i32
    %get3A_69 = arith.index_cast %get3A_68 : i32 to index
    %get3A_70 = arith.constant 0 : index
    %get3A_71 = tpu.vector_load %arg15[%get3A_69, %get3A_70] {strides = array<i32>} : memref<32x16xf32, #tpu.memory_space<vmem>>, vector<16xf32>,
    tpu.vector_store_idx %arg16[%iota3A, %broadcast_in_dim3A_67], %get3A_71 : memref<16x32xf32, #tpu.memory_space<vmem>>[vector<16xi32>, vector<16xi32>], vector<16xf32>,
    %broadcast_in_dim3A_72 = arith.constant 10 : i32
    %broadcast_in_dim3A_73 = vector.broadcast %broadcast_in_dim3A_72 : i32 to vector<16xi32>
    %get3A_74 = arith.constant 10 : i32
    %get3A_75 = arith.index_cast %get3A_74 : i32 to index
    %get3A_76 = arith.constant 0 : index
    %get3A_77 = tpu.vector_load %arg15[%get3A_75, %get3A_76] {strides = array<i32>} : memref<32x16xf32, #tpu.memory_space<vmem>>, vector<16xf32>,
    tpu.vector_store_idx %arg16[%iota3A, %broadcast_in_dim3A_73], %get3A_77 : memref<16x32xf32, #tpu.memory_space<vmem>>[vector<16xi32>, vector<16xi32>], vector<16xf32>,
    %broadcast_in_dim3A_78 = arith.constant 11 : i32
    %broadcast_in_dim3A_79 = vector.broadcast %broadcast_in_dim3A_78 : i32 to vector<16xi32>
    %get3A_80 = arith.constant 11 : i32
    %get3A_81 = arith.index_cast %get3A_80 : i32 to index
    %get3A_82 = arith.constant 0 : index
    %get3A_83 = tpu.vector_load %arg15[%get3A_81, %get3A_82] {strides = array<i32>} : memref<32x16xf32, #tpu.memory_space<vmem>>, vector<16xf32>,
    tpu.vector_store_idx %arg16[%iota3A, %broadcast_in_dim3A_79], %get3A_83 : memref<16x32xf32, #tpu.memory_space<vmem>>[vector<16xi32>, vector<16xi32>], vector<16xf32>,
    %broadcast_in_dim3A_84 = arith.constant 12 : i32
    %broadcast_in_dim3A_85 = vector.broadcast %broadcast_in_dim3A_84 : i32 to vector<16xi32>
    %get3A_86 = arith.constant 12 : i32
    %get3A_87 = arith.index_cast %get3A_86 : i32 to index
    %get3A_88 = arith.constant 0 : index
    %get3A_89 = tpu.vector_load %arg15[%get3A_87, %get3A_88] {strides = array<i32>} : memref<32x16xf32, #tpu.memory_space<vmem>>, vector<16xf32>,
    tpu.vector_store_idx %arg16[%iota3A, %broadcast_in_dim3A_85], %get3A_89 : memref<16x32xf32, #tpu.memory_space<vmem>>[vector<16xi32>, vector<16xi32>], vector<16xf32>,
    %broadcast_in_dim3A_90 = arith.constant 13 : i32
    %broadcast_in_dim3A_91 = vector.broadcast %broadcast_in_dim3A_90 : i32 to vector<16xi32>
    %get3A_92 = arith.constant 13 : i32
    %get3A_93 = arith.index_cast %get3A_92 : i32 to index
    %get3A_94 = arith.constant 0 : index
    %get3A_95 = tpu.vector_load %arg15[%get3A_93, %get3A_94] {strides = array<i32>} : memref<32x16xf32, #tpu.memory_space<vmem>>, vector<16xf32>,
    tpu.vector_store_idx %arg16[%iota3A, %broadcast_in_dim3A_91], %get3A_95 : memref<16x32xf32, #tpu.memory_space<vmem>>[vector<16xi32>, vector<16xi32>], vector<16xf32>,
    %broadcast_in_dim3A_96 = arith.constant 14 : i32
    %broadcast_in_dim3A_97 = vector.broadcast %broadcast_in_dim3A_96 : i32 to vector<16xi32>
    %get3A_98 = arith.constant 14 : i32
    %get3A_99 = arith.index_cast %get3A_98 : i32 to index
    %get3A_100 = arith.constant 0 : index
    %get3A_101 = tpu.vector_load %arg15[%get3A_99, %get3A_100] {strides = array<i32>} : memref<32x16xf32, #tpu.memory_space<vmem>>, vector<16xf32>,
    tpu.vector_store_idx %arg16[%iota3A, %broadcast_in_dim3A_97], %get3A_101 : memref<16x32xf32, #tpu.memory_space<vmem>>[vector<16xi32>, vector<16xi32>], vector<16xf32>,
    %broadcast_in_dim3A_102 = arith.constant 15 : i32
    %broadcast_in_dim3A_103 = vector.broadcast %broadcast_in_dim3A_102 : i32 to vector<16xi32>
    %get3A_104 = arith.constant 15 : i32
    %get3A_105 = arith.index_cast %get3A_104 : i32 to index
    %get3A_106 = arith.constant 0 : index
    %get3A_107 = tpu.vector_load %arg15[%get3A_105, %get3A_106] {strides = array<i32>} : memref<32x16xf32, #tpu.memory_space<vmem>>, vector<16xf32>,
    tpu.vector_store_idx %arg16[%iota3A, %broadcast_in_dim3A_103], %get3A_107 : memref<16x32xf32, #tpu.memory_space<vmem>>[vector<16xi32>, vector<16xi32>], vector<16xf32>,
    %broadcast_in_dim3A_108 = arith.constant 16 : i32
    %broadcast_in_dim3A_109 = vector.broadcast %broadcast_in_dim3A_108 : i32 to vector<16xi32>
    %get3A_110 = arith.constant 16 : i32
    %get3A_111 = arith.index_cast %get3A_110 : i32 to index
    %get3A_112 = arith.constant 0 : index
    %get3A_113 = tpu.vector_load %arg15[%get3A_111, %get3A_112] {strides = array<i32>} : memref<32x16xf32, #tpu.memory_space<vmem>>, vector<16xf32>,
    tpu.vector_store_idx %arg16[%iota3A, %broadcast_in_dim3A_109], %get3A_113 : memref<16x32xf32, #tpu.memory_space<vmem>>[vector<16xi32>, vector<16xi32>], vector<16xf32>,
    %broadcast_in_dim3A_114 = arith.constant 17 : i32
    %broadcast_in_dim3A_115 = vector.broadcast %broadcast_in_dim3A_114 : i32 to vector<16xi32>
    %get3A_116 = arith.constant 17 : i32
    %get3A_117 = arith.index_cast %get3A_116 : i32 to index
    %get3A_118 = arith.constant 0 : index
    %get3A_119 = tpu.vector_load %arg15[%get3A_117, %get3A_118] {strides = array<i32>} : memref<32x16xf32, #tpu.memory_space<vmem>>, vector<16xf32>,
    tpu.vector_store_idx %arg16[%iota3A, %broadcast_in_dim3A_115], %get3A_119 : memref<16x32xf32, #tpu.memory_space<vmem>>[vector<16xi32>, vector<16xi32>], vector<16xf32>,
    %broadcast_in_dim3A_120 = arith.constant 18 : i32
    %broadcast_in_dim3A_121 = vector.broadcast %broadcast_in_dim3A_120 : i32 to vector<16xi32>
    %get3A_122 = arith.constant 18 : i32
    %get3A_123 = arith.index_cast %get3A_122 : i32 to index
    %get3A_124 = arith.constant 0 : index
    %get3A_125 = tpu.vector_load %arg15[%get3A_123, %get3A_124] {strides = array<i32>} : memref<32x16xf32, #tpu.memory_space<vmem>>, vector<16xf32>,
    tpu.vector_store_idx %arg16[%iota3A, %broadcast_in_dim3A_121], %get3A_125 : memref<16x32xf32, #tpu.memory_space<vmem>>[vector<16xi32>, vector<16xi32>], vector<16xf32>,
    %broadcast_in_dim3A_126 = arith.constant 19 : i32
    %broadcast_in_dim3A_127 = vector.broadcast %broadcast_in_dim3A_126 : i32 to vector<16xi32>
    %get3A_128 = arith.constant 19 : i32
    %get3A_129 = arith.index_cast %get3A_128 : i32 to index
    %get3A_130 = arith.constant 0 : index
    %get3A_131 = tpu.vector_load %arg15[%get3A_129, %get3A_130] {strides = array<i32>} : memref<32x16xf32, #tpu.memory_space<vmem>>, vector<16xf32>,
    tpu.vector_store_idx %arg16[%iota3A, %broadcast_in_dim3A_127], %get3A_131 : memref<16x32xf32, #tpu.memory_space<vmem>>[vector<16xi32>, vector<16xi32>], vector<16xf32>,
    %broadcast_in_dim3A_132 = arith.constant 20 : i32
    %broadcast_in_dim3A_133 = vector.broadcast %broadcast_in_dim3A_132 : i32 to vector<16xi32>
    %get3A_134 = arith.constant 20 : i32
    %get3A_135 = arith.index_cast %get3A_134 : i32 to index
    %get3A_136 = arith.constant 0 : index
    %get3A_137 = tpu.vector_load %arg15[%get3A_135, %get3A_136] {strides = array<i32>} : memref<32x16xf32, #tpu.memory_space<vmem>>, vector<16xf32>,
    tpu.vector_store_idx %arg16[%iota3A, %broadcast_in_dim3A_133], %get3A_137 : memref<16x32xf32, #tpu.memory_space<vmem>>[vector<16xi32>, vector<16xi32>], vector<16xf32>,
    %broadcast_in_dim3A_138 = arith.constant 21 : i32
    %broadcast_in_dim3A_139 = vector.broadcast %broadcast_in_dim3A_138 : i32 to vector<16xi32>
    %get3A_140 = arith.constant 21 : i32
    %get3A_141 = arith.index_cast %get3A_140 : i32 to index
    %get3A_142 = arith.constant 0 : index
    %get3A_143 = tpu.vector_load %arg15[%get3A_141, %get3A_142] {strides = array<i32>} : memref<32x16xf32, #tpu.memory_space<vmem>>, vector<16xf32>,
    tpu.vector_store_idx %arg16[%iota3A, %broadcast_in_dim3A_139], %get3A_143 : memref<16x32xf32, #tpu.memory_space<vmem>>[vector<16xi32>, vector<16xi32>], vector<16xf32>,
    %broadcast_in_dim3A_144 = arith.constant 22 : i32
    %broadcast_in_dim3A_145 = vector.broadcast %broadcast_in_dim3A_144 : i32 to vector<16xi32>
    %get3A_146 = arith.constant 22 : i32
    %get3A_147 = arith.index_cast %get3A_146 : i32 to index
    %get3A_148 = arith.constant 0 : index
    %get3A_149 = tpu.vector_load %arg15[%get3A_147, %get3A_148] {strides = array<i32>} : memref<32x16xf32, #tpu.memory_space<vmem>>, vector<16xf32>,
    tpu.vector_store_idx %arg16[%iota3A, %broadcast_in_dim3A_145], %get3A_149 : memref<16x32xf32, #tpu.memory_space<vmem>>[vector<16xi32>, vector<16xi32>], vector<16xf32>,
    %broadcast_in_dim3A_150 = arith.constant 23 : i32
    %broadcast_in_dim3A_151 = vector.broadcast %broadcast_in_dim3A_150 : i32 to vector<16xi32>
    %get3A_152 = arith.constant 23 : i32
    %get3A_153 = arith.index_cast %get3A_152 : i32 to index
    %get3A_154 = arith.constant 0 : index
    %get3A_155 = tpu.vector_load %arg15[%get3A_153, %get3A_154] {strides = array<i32>} : memref<32x16xf32, #tpu.memory_space<vmem>>, vector<16xf32>,
    tpu.vector_store_idx %arg16[%iota3A, %broadcast_in_dim3A_151], %get3A_155 : memref<16x32xf32, #tpu.memory_space<vmem>>[vector<16xi32>, vector<16xi32>], vector<16xf32>,
    %broadcast_in_dim3A_156 = arith.constant 24 : i32
    %broadcast_in_dim3A_157 = vector.broadcast %broadcast_in_dim3A_156 : i32 to vector<16xi32>
    %get3A_158 = arith.constant 24 : i32
    %get3A_159 = arith.index_cast %get3A_158 : i32 to index
    %get3A_160 = arith.constant 0 : index
    %get3A_161 = tpu.vector_load %arg15[%get3A_159, %get3A_160] {strides = array<i32>} : memref<32x16xf32, #tpu.memory_space<vmem>>, vector<16xf32>,
    tpu.vector_store_idx %arg16[%iota3A, %broadcast_in_dim3A_157], %get3A_161 : memref<16x32xf32, #tpu.memory_space<vmem>>[vector<16xi32>, vector<16xi32>], vector<16xf32>,
    %broadcast_in_dim3A_162 = arith.constant 25 : i32
    %broadcast_in_dim3A_163 = vector.broadcast %broadcast_in_dim3A_162 : i32 to vector<16xi32>
    %get3A_164 = arith.constant 25 : i32
    %get3A_165 = arith.index_cast %get3A_164 : i32 to index
    %get3A_166 = arith.constant 0 : index
    %get3A_167 = tpu.vector_load %arg15[%get3A_165, %get3A_166] {strides = array<i32>} : memref<32x16xf32, #tpu.memory_space<vmem>>, vector<16xf32>,
    tpu.vector_store_idx %arg16[%iota3A, %broadcast_in_dim3A_163], %get3A_167 : memref<16x32xf32, #tpu.memory_space<vmem>>[vector<16xi32>, vector<16xi32>], vector<16xf32>,
    %broadcast_in_dim3A_168 = arith.constant 26 : i32
    %broadcast_in_dim3A_169 = vector.broadcast %broadcast_in_dim3A_168 : i32 to vector<16xi32>
    %get3A_170 = arith.constant 26 : i32
    %get3A_171 = arith.index_cast %get3A_170 : i32 to index
    %get3A_172 = arith.constant 0 : index
    %get3A_173 = tpu.vector_load %arg15[%get3A_171, %get3A_172] {strides = array<i32>} : memref<32x16xf32, #tpu.memory_space<vmem>>, vector<16xf32>,
    tpu.vector_store_idx %arg16[%iota3A, %broadcast_in_dim3A_169], %get3A_173 : memref<16x32xf32, #tpu.memory_space<vmem>>[vector<16xi32>, vector<16xi32>], vector<16xf32>,
    %broadcast_in_dim3A_174 = arith.constant 27 : i32
    %broadcast_in_dim3A_175 = vector.broadcast %broadcast_in_dim3A_174 : i32 to vector<16xi32>
    %get3A_176 = arith.constant 27 : i32
    %get3A_177 = arith.index_cast %get3A_176 : i32 to index
    %get3A_178 = arith.constant 0 : index
    %get3A_179 = tpu.vector_load %arg15[%get3A_177, %get3A_178] {strides = array<i32>} : memref<32x16xf32, #tpu.memory_space<vmem>>, vector<16xf32>,
    tpu.vector_store_idx %arg16[%iota3A, %broadcast_in_dim3A_175], %get3A_179 : memref<16x32xf32, #tpu.memory_space<vmem>>[vector<16xi32>, vector<16xi32>], vector<16xf32>,
    %broadcast_in_dim3A_180 = arith.constant 28 : i32
    %broadcast_in_dim3A_181 = vector.broadcast %broadcast_in_dim3A_180 : i32 to vector<16xi32>
    %get3A_182 = arith.constant 28 : i32
    %get3A_183 = arith.index_cast %get3A_182 : i32 to index
    %get3A_184 = arith.constant 0 : index
    %get3A_185 = tpu.vector_load %arg15[%get3A_183, %get3A_184] {strides = array<i32>} : memref<32x16xf32, #tpu.memory_space<vmem>>, vector<16xf32>,
    tpu.vector_store_idx %arg16[%iota3A, %broadcast_in_dim3A_181], %get3A_185 : memref<16x32xf32, #tpu.memory_space<vmem>>[vector<16xi32>, vector<16xi32>], vector<16xf32>,
    %broadcast_in_dim3A_186 = arith.constant 29 : i32
    %broadcast_in_dim3A_187 = vector.broadcast %broadcast_in_dim3A_186 : i32 to vector<16xi32>
    %get3A_188 = arith.constant 29 : i32
    %get3A_189 = arith.index_cast %get3A_188 : i32 to index
    %get3A_190 = arith.constant 0 : index
    %get3A_191 = tpu.vector_load %arg15[%get3A_189, %get3A_190] {strides = array<i32>} : memref<32x16xf32, #tpu.memory_space<vmem>>, vector<16xf32>,
    tpu.vector_store_idx %arg16[%iota3A, %broadcast_in_dim3A_187], %get3A_191 : memref<16x32xf32, #tpu.memory_space<vmem>>[vector<16xi32>, vector<16xi32>], vector<16xf32>,
    %broadcast_in_dim3A_192 = arith.constant 30 : i32
    %broadcast_in_dim3A_193 = vector.broadcast %broadcast_in_dim3A_192 : i32 to vector<16xi32>
    %get3A_194 = arith.constant 30 : i32
    %get3A_195 = arith.index_cast %get3A_194 : i32 to index
    %get3A_196 = arith.constant 0 : index
    %get3A_197 = tpu.vector_load %arg15[%get3A_195, %get3A_196] {strides = array<i32>} : memref<32x16xf32, #tpu.memory_space<vmem>>, vector<16xf32>,
    tpu.vector_store_idx %arg16[%iota3A, %broadcast_in_dim3A_193], %get3A_197 : memref<16x32xf32, #tpu.memory_space<vmem>>[vector<16xi32>, vector<16xi32>], vector<16xf32>,
    %broadcast_in_dim3A_198 = arith.constant 31 : i32
    %broadcast_in_dim3A_199 = vector.broadcast %broadcast_in_dim3A_198 : i32 to vector<16xi32>
    %get3A_200 = arith.constant 31 : i32
    %get3A_201 = arith.index_cast %get3A_200 : i32 to index
    %get3A_202 = arith.constant 0 : index
    %get3A_203 = tpu.vector_load %arg15[%get3A_201, %get3A_202] {strides = array<i32>} : memref<32x16xf32, #tpu.memory_space<vmem>>, vector<16xf32>,
    tpu.vector_store_idx %arg16[%iota3A, %broadcast_in_dim3A_199], %get3A_203 : memref<16x32xf32, #tpu.memory_space<vmem>>[vector<16xi32>, vector<16xi32>], vector<16xf32>,
    %dma_wait3A = arith.constant 0 : i32
    %dma_wait3A_204 = arith.constant 0 : i32
    %dma_wait3A_205 = tpu.memref_slice %arg4[%dma_wait3A, %dma_wait3A_204] : memref<100000x16xf32, #tpu.memory_space<hbm>> -> memref<100000x16xf32, #tpu.memory_space<hbm>>
    tpu.wait_indirect_dma semaphore(%arg31 : memref<!tpu.dma_semaphore, #tpu.memory_space<semaphore_mem>>) src(%dma_wait3A_205 : memref<100000x16xf32, #tpu.memory_space<hbm>>) dst(%arg18 : memref<128x16xf32, #tpu.memory_space<vmem>>)
    %dma_wait3A_206 = arith.constant 0 : i32
    %dma_wait3A_207 = arith.constant 0 : i32
    %dma_wait3A_208 = tpu.memref_slice %arg5[%dma_wait3A_206, %dma_wait3A_207] : memref<100000x16xf32, #tpu.memory_space<hbm>> -> memref<100000x16xf32, #tpu.memory_space<hbm>>
    tpu.wait_indirect_dma semaphore(%arg31 : memref<!tpu.dma_semaphore, #tpu.memory_space<semaphore_mem>>) src(%dma_wait3A_208 : memref<100000x16xf32, #tpu.memory_space<hbm>>) dst(%arg19 : memref<128x16xf32, #tpu.memory_space<vmem>>)
    %dma_wait3A_209 = arith.constant 0 : i32
    %dma_wait3A_210 = arith.constant 0 : i32
    %dma_wait3A_211 = tpu.memref_slice %arg8[%dma_wait3A_209, %dma_wait3A_210] : memref<100000x16xi32, #tpu.memory_space<hbm>> -> memref<100000x16xi32, #tpu.memory_space<hbm>>
    tpu.wait_indirect_dma semaphore(%arg31 : memref<!tpu.dma_semaphore, #tpu.memory_space<semaphore_mem>>) src(%dma_wait3A_211 : memref<100000x16xi32, #tpu.memory_space<hbm>>) dst(%arg20 : memref<128x16xi32, #tpu.memory_space<vmem>>)
    %dma_wait3A_212 = arith.constant 0 : i32
    %dma_wait3A_213 = arith.constant 0 : i32
    %dma_wait3A_214 = tpu.memref_slice %arg7[%dma_wait3A_212, %dma_wait3A_213] : memref<100000x16xi32, #tpu.memory_space<hbm>> -> memref<100000x16xi32, #tpu.memory_space<hbm>>
    tpu.wait_indirect_dma semaphore(%arg31 : memref<!tpu.dma_semaphore, #tpu.memory_space<semaphore_mem>>) src(%dma_wait3A_214 : memref<100000x16xi32, #tpu.memory_space<hbm>>) dst(%arg21 : memref<128x16xi32, #tpu.memory_space<vmem>>)
    "tpu.region"() ({
      %run_scoped3A = tpu.sem_alloc : memref<!tpu.dma_semaphore, #tpu.memory_space<semaphore_mem>>
      %dma_start3A_267 = arith.constant 0 : i32
      %dma_start3A_268 = arith.constant 0 : i32
      %dma_start3A_269 = tpu.memref_slice %arg9[%add3A, %dma_start3A_267, %dma_start3A_268] : memref<32x128x16xf32, #tpu.memory_space<hbm>> -> memref<1x128x16xf32, #tpu.memory_space<hbm>>
      %dma_start3A_270 = tpu.memref_squeeze %dma_start3A_269 : memref<1x128x16xf32, #tpu.memory_space<hbm>> -> memref<128x16xf32, #tpu.memory_space<hbm>>
      %dma_start3A_271 = arith.constant 0 : i32
      %dma_start3A_272 = arith.constant 0 : i32
      %dma_start3A_273 = tpu.memref_slice %arg9[%add3A, %dma_start3A_271, %dma_start3A_272] : memref<32x128x16xf32, #tpu.memory_space<hbm>> -> memref<1x128x16xf32, #tpu.memory_space<hbm>>
      %dma_start3A_274 = tpu.memref_squeeze %dma_start3A_273 : memref<1x128x16xf32, #tpu.memory_space<hbm>> -> memref<128x16xf32, #tpu.memory_space<hbm>>
      tpu.enqueue_dma source(%arg18 : memref<128x16xf32, #tpu.memory_space<vmem>>) target(%dma_start3A_274 : memref<128x16xf32, #tpu.memory_space<hbm>>) target_semaphore(%run_scoped3A : memref<!tpu.dma_semaphore, #tpu.memory_space<semaphore_mem>>)
      %dma_wait3A_275 = arith.constant 0 : i32
      %dma_wait3A_276 = arith.constant 0 : i32
      %dma_wait3A_277 = tpu.memref_slice %arg9[%add3A, %dma_wait3A_275, %dma_wait3A_276] : memref<32x128x16xf32, #tpu.memory_space<hbm>> -> memref<1x128x16xf32, #tpu.memory_space<hbm>>
      %dma_wait3A_278 = tpu.memref_squeeze %dma_wait3A_277 : memref<1x128x16xf32, #tpu.memory_space<hbm>> -> memref<128x16xf32, #tpu.memory_space<hbm>>
      %dma_wait3A_279 = arith.constant 0 : i32
      %dma_wait3A_280 = arith.constant 0 : i32
      %dma_wait3A_281 = tpu.memref_slice %arg9[%add3A, %dma_wait3A_279, %dma_wait3A_280] : memref<32x128x16xf32, #tpu.memory_space<hbm>> -> memref<1x128x16xf32, #tpu.memory_space<hbm>>
      %dma_wait3A_282 = tpu.memref_squeeze %dma_wait3A_281 : memref<1x128x16xf32, #tpu.memory_space<hbm>> -> memref<128x16xf32, #tpu.memory_space<hbm>>
      tpu.wait_dma2 semaphore(%run_scoped3A : memref<!tpu.dma_semaphore, #tpu.memory_space<semaphore_mem>>) src(%arg18 : memref<128x16xf32, #tpu.memory_space<vmem>>) dst(%dma_wait3A_282 : memref<128x16xf32, #tpu.memory_space<hbm>>)
      tpu.yield
    }) : () -> ()
    %parallel_loop3A = arith.constant 0 : i32
    %parallel_loop3A_215 = arith.constant 128 : i32
    %parallel_loop3A_216 = arith.constant 1 : i32
    scf.for %parallel_loop3A_267 = %parallel_loop3A to %parallel_loop3A_215 step %parallel_loop3A_216  : i32 {
      %parallel_loop3A_268 = arith.index_cast %parallel_loop3A_267 : i32 to index
      %parallel_loop3A_269 = arith.constant 0 : index
      %parallel_loop3A_270 = tpu.vector_load %arg18[%parallel_loop3A_268, %parallel_loop3A_269] {strides = array<i32>} : memref<128x16xf32, #tpu.memory_space<vmem>>, vector<16xf32>,
      %parallel_loop3A_271 = vector.extract_strided_slice %parallel_loop3A_270 {offsets = [0], sizes = [1], strides = [1]} : vector<16xf32> to vector<1xf32>
      %parallel_loop3A_272 = vector.extract %parallel_loop3A_271[0] : f32 from vector<1xf32>
      %parallel_loop3A_273 = arith.constant 0 : i32
      %parallel_loop3A_274 = arith.index_cast %parallel_loop3A_273 : i32 to index
      %parallel_loop3A_275 = arith.constant 0 : index
      %parallel_loop3A_276 = tpu.vector_load %arg16[%parallel_loop3A_274, %parallel_loop3A_275] {strides = array<i32>} : memref<16x32xf32, #tpu.memory_space<vmem>>, vector<16xf32>,
      %parallel_loop3A_277 = vector.broadcast %parallel_loop3A_272 : f32 to vector<16xf32>
      %parallel_loop3A_278 = arith.mulf %parallel_loop3A_277, %parallel_loop3A_276 : vector<16xf32>
      %parallel_loop3A_279 = vector.extract_strided_slice %parallel_loop3A_270 {offsets = [1], sizes = [1], strides = [1]} : vector<16xf32> to vector<1xf32>
      %parallel_loop3A_280 = vector.extract %parallel_loop3A_279[0] : f32 from vector<1xf32>
      %parallel_loop3A_281 = arith.constant 1 : i32
      %parallel_loop3A_282 = arith.index_cast %parallel_loop3A_281 : i32 to index
      %parallel_loop3A_283 = arith.constant 0 : index
      %parallel_loop3A_284 = tpu.vector_load %arg16[%parallel_loop3A_282, %parallel_loop3A_283] {strides = array<i32>} : memref<16x32xf32, #tpu.memory_space<vmem>>, vector<16xf32>,
      %parallel_loop3A_285 = vector.broadcast %parallel_loop3A_280 : f32 to vector<16xf32>
      %parallel_loop3A_286 = arith.mulf %parallel_loop3A_285, %parallel_loop3A_284 : vector<16xf32>
      %parallel_loop3A_287 = arith.addf %parallel_loop3A_278, %parallel_loop3A_286 : vector<16xf32>
      %parallel_loop3A_288 = vector.extract_strided_slice %parallel_loop3A_270 {offsets = [2], sizes = [1], strides = [1]} : vector<16xf32> to vector<1xf32>
      %parallel_loop3A_289 = vector.extract %parallel_loop3A_288[0] : f32 from vector<1xf32>
      %parallel_loop3A_290 = arith.constant 2 : i32
      %parallel_loop3A_291 = arith.index_cast %parallel_loop3A_290 : i32 to index
      %parallel_loop3A_292 = arith.constant 0 : index
      %parallel_loop3A_293 = tpu.vector_load %arg16[%parallel_loop3A_291, %parallel_loop3A_292] {strides = array<i32>} : memref<16x32xf32, #tpu.memory_space<vmem>>, vector<16xf32>,
      %parallel_loop3A_294 = vector.broadcast %parallel_loop3A_289 : f32 to vector<16xf32>
      %parallel_loop3A_295 = arith.mulf %parallel_loop3A_294, %parallel_loop3A_293 : vector<16xf32>
      %parallel_loop3A_296 = arith.addf %parallel_loop3A_287, %parallel_loop3A_295 : vector<16xf32>
      %parallel_loop3A_297 = vector.extract_strided_slice %parallel_loop3A_270 {offsets = [3], sizes = [1], strides = [1]} : vector<16xf32> to vector<1xf32>
      %parallel_loop3A_298 = vector.extract %parallel_loop3A_297[0] : f32 from vector<1xf32>
      %parallel_loop3A_299 = arith.constant 3 : i32
      %parallel_loop3A_300 = arith.index_cast %parallel_loop3A_299 : i32 to index
      %parallel_loop3A_301 = arith.constant 0 : index
      %parallel_loop3A_302 = tpu.vector_load %arg16[%parallel_loop3A_300, %parallel_loop3A_301] {strides = array<i32>} : memref<16x32xf32, #tpu.memory_space<vmem>>, vector<16xf32>,
      %parallel_loop3A_303 = vector.broadcast %parallel_loop3A_298 : f32 to vector<16xf32>
      %parallel_loop3A_304 = arith.mulf %parallel_loop3A_303, %parallel_loop3A_302 : vector<16xf32>
      %parallel_loop3A_305 = arith.addf %parallel_loop3A_296, %parallel_loop3A_304 : vector<16xf32>
      %parallel_loop3A_306 = vector.extract_strided_slice %parallel_loop3A_270 {offsets = [4], sizes = [1], strides = [1]} : vector<16xf32> to vector<1xf32>
      %parallel_loop3A_307 = vector.extract %parallel_loop3A_306[0] : f32 from vector<1xf32>
      %parallel_loop3A_308 = arith.constant 4 : i32
      %parallel_loop3A_309 = arith.index_cast %parallel_loop3A_308 : i32 to index
      %parallel_loop3A_310 = arith.constant 0 : index
      %parallel_loop3A_311 = tpu.vector_load %arg16[%parallel_loop3A_309, %parallel_loop3A_310] {strides = array<i32>} : memref<16x32xf32, #tpu.memory_space<vmem>>, vector<16xf32>,
      %parallel_loop3A_312 = vector.broadcast %parallel_loop3A_307 : f32 to vector<16xf32>
      %parallel_loop3A_313 = arith.mulf %parallel_loop3A_312, %parallel_loop3A_311 : vector<16xf32>
      %parallel_loop3A_314 = vector.extract_strided_slice %parallel_loop3A_270 {offsets = [5], sizes = [1], strides = [1]} : vector<16xf32> to vector<1xf32>
      %parallel_loop3A_315 = vector.extract %parallel_loop3A_314[0] : f32 from vector<1xf32>
      %parallel_loop3A_316 = arith.constant 5 : i32
      %parallel_loop3A_317 = arith.index_cast %parallel_loop3A_316 : i32 to index
      %parallel_loop3A_318 = arith.constant 0 : index
      %parallel_loop3A_319 = tpu.vector_load %arg16[%parallel_loop3A_317, %parallel_loop3A_318] {strides = array<i32>} : memref<16x32xf32, #tpu.memory_space<vmem>>, vector<16xf32>,
      %parallel_loop3A_320 = vector.broadcast %parallel_loop3A_315 : f32 to vector<16xf32>
      %parallel_loop3A_321 = arith.mulf %parallel_loop3A_320, %parallel_loop3A_319 : vector<16xf32>
      %parallel_loop3A_322 = arith.addf %parallel_loop3A_313, %parallel_loop3A_321 : vector<16xf32>
      %parallel_loop3A_323 = vector.extract_strided_slice %parallel_loop3A_270 {offsets = [6], sizes = [1], strides = [1]} : vector<16xf32> to vector<1xf32>
      %parallel_loop3A_324 = vector.extract %parallel_loop3A_323[0] : f32 from vector<1xf32>
      %parallel_loop3A_325 = arith.constant 6 : i32
      %parallel_loop3A_326 = arith.index_cast %parallel_loop3A_325 : i32 to index
      %parallel_loop3A_327 = arith.constant 0 : index
      %parallel_loop3A_328 = tpu.vector_load %arg16[%parallel_loop3A_326, %parallel_loop3A_327] {strides = array<i32>} : memref<16x32xf32, #tpu.memory_space<vmem>>, vector<16xf32>,
      %parallel_loop3A_329 = vector.broadcast %parallel_loop3A_324 : f32 to vector<16xf32>
      %parallel_loop3A_330 = arith.mulf %parallel_loop3A_329, %parallel_loop3A_328 : vector<16xf32>
      %parallel_loop3A_331 = arith.addf %parallel_loop3A_322, %parallel_loop3A_330 : vector<16xf32>
      %parallel_loop3A_332 = vector.extract_strided_slice %parallel_loop3A_270 {offsets = [7], sizes = [1], strides = [1]} : vector<16xf32> to vector<1xf32>
      %parallel_loop3A_333 = vector.extract %parallel_loop3A_332[0] : f32 from vector<1xf32>
      %parallel_loop3A_334 = arith.constant 7 : i32
      %parallel_loop3A_335 = arith.index_cast %parallel_loop3A_334 : i32 to index
      %parallel_loop3A_336 = arith.constant 0 : index
      %parallel_loop3A_337 = tpu.vector_load %arg16[%parallel_loop3A_335, %parallel_loop3A_336] {strides = array<i32>} : memref<16x32xf32, #tpu.memory_space<vmem>>, vector<16xf32>,
      %parallel_loop3A_338 = vector.broadcast %parallel_loop3A_333 : f32 to vector<16xf32>
      %parallel_loop3A_339 = arith.mulf %parallel_loop3A_338, %parallel_loop3A_337 : vector<16xf32>
      %parallel_loop3A_340 = arith.addf %parallel_loop3A_331, %parallel_loop3A_339 : vector<16xf32>
      %parallel_loop3A_341 = vector.extract_strided_slice %parallel_loop3A_270 {offsets = [8], sizes = [1], strides = [1]} : vector<16xf32> to vector<1xf32>
      %parallel_loop3A_342 = vector.extract %parallel_loop3A_341[0] : f32 from vector<1xf32>
      %parallel_loop3A_343 = arith.constant 8 : i32
      %parallel_loop3A_344 = arith.index_cast %parallel_loop3A_343 : i32 to index
      %parallel_loop3A_345 = arith.constant 0 : index
      %parallel_loop3A_346 = tpu.vector_load %arg16[%parallel_loop3A_344, %parallel_loop3A_345] {strides = array<i32>} : memref<16x32xf32, #tpu.memory_space<vmem>>, vector<16xf32>,
      %parallel_loop3A_347 = vector.broadcast %parallel_loop3A_342 : f32 to vector<16xf32>
      %parallel_loop3A_348 = arith.mulf %parallel_loop3A_347, %parallel_loop3A_346 : vector<16xf32>
      %parallel_loop3A_349 = vector.extract_strided_slice %parallel_loop3A_270 {offsets = [9], sizes = [1], strides = [1]} : vector<16xf32> to vector<1xf32>
      %parallel_loop3A_350 = vector.extract %parallel_loop3A_349[0] : f32 from vector<1xf32>
      %parallel_loop3A_351 = arith.constant 9 : i32
      %parallel_loop3A_352 = arith.index_cast %parallel_loop3A_351 : i32 to index
      %parallel_loop3A_353 = arith.constant 0 : index
      %parallel_loop3A_354 = tpu.vector_load %arg16[%parallel_loop3A_352, %parallel_loop3A_353] {strides = array<i32>} : memref<16x32xf32, #tpu.memory_space<vmem>>, vector<16xf32>,
      %parallel_loop3A_355 = vector.broadcast %parallel_loop3A_350 : f32 to vector<16xf32>
      %parallel_loop3A_356 = arith.mulf %parallel_loop3A_355, %parallel_loop3A_354 : vector<16xf32>
      %parallel_loop3A_357 = arith.addf %parallel_loop3A_348, %parallel_loop3A_356 : vector<16xf32>
      %parallel_loop3A_358 = vector.extract_strided_slice %parallel_loop3A_270 {offsets = [10], sizes = [1], strides = [1]} : vector<16xf32> to vector<1xf32>
      %parallel_loop3A_359 = vector.extract %parallel_loop3A_358[0] : f32 from vector<1xf32>
      %parallel_loop3A_360 = arith.constant 10 : i32
      %parallel_loop3A_361 = arith.index_cast %parallel_loop3A_360 : i32 to index
      %parallel_loop3A_362 = arith.constant 0 : index
      %parallel_loop3A_363 = tpu.vector_load %arg16[%parallel_loop3A_361, %parallel_loop3A_362] {strides = array<i32>} : memref<16x32xf32, #tpu.memory_space<vmem>>, vector<16xf32>,
      %parallel_loop3A_364 = vector.broadcast %parallel_loop3A_359 : f32 to vector<16xf32>
      %parallel_loop3A_365 = arith.mulf %parallel_loop3A_364, %parallel_loop3A_363 : vector<16xf32>
      %parallel_loop3A_366 = arith.addf %parallel_loop3A_357, %parallel_loop3A_365 : vector<16xf32>
      %parallel_loop3A_367 = vector.extract_strided_slice %parallel_loop3A_270 {offsets = [11], sizes = [1], strides = [1]} : vector<16xf32> to vector<1xf32>
      %parallel_loop3A_368 = vector.extract %parallel_loop3A_367[0] : f32 from vector<1xf32>
      %parallel_loop3A_369 = arith.constant 11 : i32
      %parallel_loop3A_370 = arith.index_cast %parallel_loop3A_369 : i32 to index
      %parallel_loop3A_371 = arith.constant 0 : index
      %parallel_loop3A_372 = tpu.vector_load %arg16[%parallel_loop3A_370, %parallel_loop3A_371] {strides = array<i32>} : memref<16x32xf32, #tpu.memory_space<vmem>>, vector<16xf32>,
      %parallel_loop3A_373 = vector.broadcast %parallel_loop3A_368 : f32 to vector<16xf32>
      %parallel_loop3A_374 = arith.mulf %parallel_loop3A_373, %parallel_loop3A_372 : vector<16xf32>
      %parallel_loop3A_375 = arith.addf %parallel_loop3A_366, %parallel_loop3A_374 : vector<16xf32>
      %parallel_loop3A_376 = vector.extract_strided_slice %parallel_loop3A_270 {offsets = [12], sizes = [1], strides = [1]} : vector<16xf32> to vector<1xf32>
      %parallel_loop3A_377 = vector.extract %parallel_loop3A_376[0] : f32 from vector<1xf32>
      %parallel_loop3A_378 = arith.constant 12 : i32
      %parallel_loop3A_379 = arith.index_cast %parallel_loop3A_378 : i32 to index
      %parallel_loop3A_380 = arith.constant 0 : index
      %parallel_loop3A_381 = tpu.vector_load %arg16[%parallel_loop3A_379, %parallel_loop3A_380] {strides = array<i32>} : memref<16x32xf32, #tpu.memory_space<vmem>>, vector<16xf32>,
      %parallel_loop3A_382 = vector.broadcast %parallel_loop3A_377 : f32 to vector<16xf32>
      %parallel_loop3A_383 = arith.mulf %parallel_loop3A_382, %parallel_loop3A_381 : vector<16xf32>
      %parallel_loop3A_384 = vector.extract_strided_slice %parallel_loop3A_270 {offsets = [13], sizes = [1], strides = [1]} : vector<16xf32> to vector<1xf32>
      %parallel_loop3A_385 = vector.extract %parallel_loop3A_384[0] : f32 from vector<1xf32>
      %parallel_loop3A_386 = arith.constant 13 : i32
      %parallel_loop3A_387 = arith.index_cast %parallel_loop3A_386 : i32 to index
      %parallel_loop3A_388 = arith.constant 0 : index
      %parallel_loop3A_389 = tpu.vector_load %arg16[%parallel_loop3A_387, %parallel_loop3A_388] {strides = array<i32>} : memref<16x32xf32, #tpu.memory_space<vmem>>, vector<16xf32>,
      %parallel_loop3A_390 = vector.broadcast %parallel_loop3A_385 : f32 to vector<16xf32>
      %parallel_loop3A_391 = arith.mulf %parallel_loop3A_390, %parallel_loop3A_389 : vector<16xf32>
      %parallel_loop3A_392 = arith.addf %parallel_loop3A_383, %parallel_loop3A_391 : vector<16xf32>
      %parallel_loop3A_393 = vector.extract_strided_slice %parallel_loop3A_270 {offsets = [14], sizes = [1], strides = [1]} : vector<16xf32> to vector<1xf32>
      %parallel_loop3A_394 = vector.extract %parallel_loop3A_393[0] : f32 from vector<1xf32>
      %parallel_loop3A_395 = arith.constant 14 : i32
      %parallel_loop3A_396 = arith.index_cast %parallel_loop3A_395 : i32 to index
      %parallel_loop3A_397 = arith.constant 0 : index
      %parallel_loop3A_398 = tpu.vector_load %arg16[%parallel_loop3A_396, %parallel_loop3A_397] {strides = array<i32>} : memref<16x32xf32, #tpu.memory_space<vmem>>, vector<16xf32>,
      %parallel_loop3A_399 = vector.broadcast %parallel_loop3A_394 : f32 to vector<16xf32>
      %parallel_loop3A_400 = arith.mulf %parallel_loop3A_399, %parallel_loop3A_398 : vector<16xf32>
      %parallel_loop3A_401 = arith.addf %parallel_loop3A_392, %parallel_loop3A_400 : vector<16xf32>
      %parallel_loop3A_402 = vector.extract_strided_slice %parallel_loop3A_270 {offsets = [15], sizes = [1], strides = [1]} : vector<16xf32> to vector<1xf32>
      %parallel_loop3A_403 = vector.extract %parallel_loop3A_402[0] : f32 from vector<1xf32>
      %parallel_loop3A_404 = arith.constant 15 : i32
      %parallel_loop3A_405 = arith.index_cast %parallel_loop3A_404 : i32 to index
      %parallel_loop3A_406 = arith.constant 0 : index
      %parallel_loop3A_407 = tpu.vector_load %arg16[%parallel_loop3A_405, %parallel_loop3A_406] {strides = array<i32>} : memref<16x32xf32, #tpu.memory_space<vmem>>, vector<16xf32>,
      %parallel_loop3A_408 = vector.broadcast %parallel_loop3A_403 : f32 to vector<16xf32>
      %parallel_loop3A_409 = arith.mulf %parallel_loop3A_408, %parallel_loop3A_407 : vector<16xf32>
      %parallel_loop3A_410 = arith.addf %parallel_loop3A_401, %parallel_loop3A_409 : vector<16xf32>
      %parallel_loop3A_411 = arith.addf %parallel_loop3A_305, %parallel_loop3A_340 : vector<16xf32>
      %parallel_loop3A_412 = arith.addf %parallel_loop3A_375, %parallel_loop3A_410 : vector<16xf32>
      %parallel_loop3A_413 = arith.addf %parallel_loop3A_411, %parallel_loop3A_412 : vector<16xf32>
      %parallel_loop3A_414 = arith.index_cast %parallel_loop3A_267 : i32 to index
      %parallel_loop3A_415 = arith.constant 0 : index
      %parallel_loop3A_416 = tpu.vector_load %arg17[%parallel_loop3A_414, %parallel_loop3A_415] {strides = array<i32>} : memref<128x32xf32, #tpu.memory_space<vmem>>, vector<16xf32>,
      tpu.vector_store %arg17[%parallel_loop3A_414, %parallel_loop3A_415], %parallel_loop3A_413 {strides = array<i32>} : memref<128x32xf32, #tpu.memory_space<vmem>>, vector<16xf32>,
      %parallel_loop3A_417 = vector.extract_strided_slice %parallel_loop3A_270 {offsets = [0], sizes = [1], strides = [1]} : vector<16xf32> to vector<1xf32>
      %parallel_loop3A_418 = vector.extract %parallel_loop3A_417[0] : f32 from vector<1xf32>
      %parallel_loop3A_419 = arith.constant 0 : i32
      %parallel_loop3A_420 = arith.index_cast %parallel_loop3A_419 : i32 to index
      %parallel_loop3A_421 = arith.constant 16 : index
      %parallel_loop3A_422 = tpu.vector_load %arg16[%parallel_loop3A_420, %parallel_loop3A_421] {strides = array<i32>} : memref<16x32xf32, #tpu.memory_space<vmem>>, vector<16xf32>,
      %parallel_loop3A_423 = vector.broadcast %parallel_loop3A_418 : f32 to vector<16xf32>
      %parallel_loop3A_424 = arith.mulf %parallel_loop3A_423, %parallel_loop3A_422 : vector<16xf32>
      %parallel_loop3A_425 = vector.extract_strided_slice %parallel_loop3A_270 {offsets = [1], sizes = [1], strides = [1]} : vector<16xf32> to vector<1xf32>
      %parallel_loop3A_426 = vector.extract %parallel_loop3A_425[0] : f32 from vector<1xf32>
      %parallel_loop3A_427 = arith.constant 1 : i32
      %parallel_loop3A_428 = arith.index_cast %parallel_loop3A_427 : i32 to index
      %parallel_loop3A_429 = arith.constant 16 : index
      %parallel_loop3A_430 = tpu.vector_load %arg16[%parallel_loop3A_428, %parallel_loop3A_429] {strides = array<i32>} : memref<16x32xf32, #tpu.memory_space<vmem>>, vector<16xf32>,
      %parallel_loop3A_431 = vector.broadcast %parallel_loop3A_426 : f32 to vector<16xf32>
      %parallel_loop3A_432 = arith.mulf %parallel_loop3A_431, %parallel_loop3A_430 : vector<16xf32>
      %parallel_loop3A_433 = arith.addf %parallel_loop3A_424, %parallel_loop3A_432 : vector<16xf32>
      %parallel_loop3A_434 = vector.extract_strided_slice %parallel_loop3A_270 {offsets = [2], sizes = [1], strides = [1]} : vector<16xf32> to vector<1xf32>
      %parallel_loop3A_435 = vector.extract %parallel_loop3A_434[0] : f32 from vector<1xf32>
      %parallel_loop3A_436 = arith.constant 2 : i32
      %parallel_loop3A_437 = arith.index_cast %parallel_loop3A_436 : i32 to index
      %parallel_loop3A_438 = arith.constant 16 : index
      %parallel_loop3A_439 = tpu.vector_load %arg16[%parallel_loop3A_437, %parallel_loop3A_438] {strides = array<i32>} : memref<16x32xf32, #tpu.memory_space<vmem>>, vector<16xf32>,
      %parallel_loop3A_440 = vector.broadcast %parallel_loop3A_435 : f32 to vector<16xf32>
      %parallel_loop3A_441 = arith.mulf %parallel_loop3A_440, %parallel_loop3A_439 : vector<16xf32>
      %parallel_loop3A_442 = arith.addf %parallel_loop3A_433, %parallel_loop3A_441 : vector<16xf32>
      %parallel_loop3A_443 = vector.extract_strided_slice %parallel_loop3A_270 {offsets = [3], sizes = [1], strides = [1]} : vector<16xf32> to vector<1xf32>
      %parallel_loop3A_444 = vector.extract %parallel_loop3A_443[0] : f32 from vector<1xf32>
      %parallel_loop3A_445 = arith.constant 3 : i32
      %parallel_loop3A_446 = arith.index_cast %parallel_loop3A_445 : i32 to index
      %parallel_loop3A_447 = arith.constant 16 : index
      %parallel_loop3A_448 = tpu.vector_load %arg16[%parallel_loop3A_446, %parallel_loop3A_447] {strides = array<i32>} : memref<16x32xf32, #tpu.memory_space<vmem>>, vector<16xf32>,
      %parallel_loop3A_449 = vector.broadcast %parallel_loop3A_444 : f32 to vector<16xf32>
      %parallel_loop3A_450 = arith.mulf %parallel_loop3A_449, %parallel_loop3A_448 : vector<16xf32>
      %parallel_loop3A_451 = arith.addf %parallel_loop3A_442, %parallel_loop3A_450 : vector<16xf32>
      %parallel_loop3A_452 = vector.extract_strided_slice %parallel_loop3A_270 {offsets = [4], sizes = [1], strides = [1]} : vector<16xf32> to vector<1xf32>
      %parallel_loop3A_453 = vector.extract %parallel_loop3A_452[0] : f32 from vector<1xf32>
      %parallel_loop3A_454 = arith.constant 4 : i32
      %parallel_loop3A_455 = arith.index_cast %parallel_loop3A_454 : i32 to index
      %parallel_loop3A_456 = arith.constant 16 : index
      %parallel_loop3A_457 = tpu.vector_load %arg16[%parallel_loop3A_455, %parallel_loop3A_456] {strides = array<i32>} : memref<16x32xf32, #tpu.memory_space<vmem>>, vector<16xf32>,
      %parallel_loop3A_458 = vector.broadcast %parallel_loop3A_453 : f32 to vector<16xf32>
      %parallel_loop3A_459 = arith.mulf %parallel_loop3A_458, %parallel_loop3A_457 : vector<16xf32>
      %parallel_loop3A_460 = vector.extract_strided_slice %parallel_loop3A_270 {offsets = [5], sizes = [1], strides = [1]} : vector<16xf32> to vector<1xf32>
      %parallel_loop3A_461 = vector.extract %parallel_loop3A_460[0] : f32 from vector<1xf32>
      %parallel_loop3A_462 = arith.constant 5 : i32
      %parallel_loop3A_463 = arith.index_cast %parallel_loop3A_462 : i32 to index
      %parallel_loop3A_464 = arith.constant 16 : index
      %parallel_loop3A_465 = tpu.vector_load %arg16[%parallel_loop3A_463, %parallel_loop3A_464] {strides = array<i32>} : memref<16x32xf32, #tpu.memory_space<vmem>>, vector<16xf32>,
      %parallel_loop3A_466 = vector.broadcast %parallel_loop3A_461 : f32 to vector<16xf32>
      %parallel_loop3A_467 = arith.mulf %parallel_loop3A_466, %parallel_loop3A_465 : vector<16xf32>
      %parallel_loop3A_468 = arith.addf %parallel_loop3A_459, %parallel_loop3A_467 : vector<16xf32>
      %parallel_loop3A_469 = vector.extract_strided_slice %parallel_loop3A_270 {offsets = [6], sizes = [1], strides = [1]} : vector<16xf32> to vector<1xf32>
      %parallel_loop3A_470 = vector.extract %parallel_loop3A_469[0] : f32 from vector<1xf32>
      %parallel_loop3A_471 = arith.constant 6 : i32
      %parallel_loop3A_472 = arith.index_cast %parallel_loop3A_471 : i32 to index
      %parallel_loop3A_473 = arith.constant 16 : index
      %parallel_loop3A_474 = tpu.vector_load %arg16[%parallel_loop3A_472, %parallel_loop3A_473] {strides = array<i32>} : memref<16x32xf32, #tpu.memory_space<vmem>>, vector<16xf32>,
      %parallel_loop3A_475 = vector.broadcast %parallel_loop3A_470 : f32 to vector<16xf32>
      %parallel_loop3A_476 = arith.mulf %parallel_loop3A_475, %parallel_loop3A_474 : vector<16xf32>
      %parallel_loop3A_477 = arith.addf %parallel_loop3A_468, %parallel_loop3A_476 : vector<16xf32>
      %parallel_loop3A_478 = vector.extract_strided_slice %parallel_loop3A_270 {offsets = [7], sizes = [1], strides = [1]} : vector<16xf32> to vector<1xf32>
      %parallel_loop3A_479 = vector.extract %parallel_loop3A_478[0] : f32 from vector<1xf32>
      %parallel_loop3A_480 = arith.constant 7 : i32
      %parallel_loop3A_481 = arith.index_cast %parallel_loop3A_480 : i32 to index
      %parallel_loop3A_482 = arith.constant 16 : index
      %parallel_loop3A_483 = tpu.vector_load %arg16[%parallel_loop3A_481, %parallel_loop3A_482] {strides = array<i32>} : memref<16x32xf32, #tpu.memory_space<vmem>>, vector<16xf32>,
      %parallel_loop3A_484 = vector.broadcast %parallel_loop3A_479 : f32 to vector<16xf32>
      %parallel_loop3A_485 = arith.mulf %parallel_loop3A_484, %parallel_loop3A_483 : vector<16xf32>
      %parallel_loop3A_486 = arith.addf %parallel_loop3A_477, %parallel_loop3A_485 : vector<16xf32>
      %parallel_loop3A_487 = vector.extract_strided_slice %parallel_loop3A_270 {offsets = [8], sizes = [1], strides = [1]} : vector<16xf32> to vector<1xf32>
      %parallel_loop3A_488 = vector.extract %parallel_loop3A_487[0] : f32 from vector<1xf32>
      %parallel_loop3A_489 = arith.constant 8 : i32
      %parallel_loop3A_490 = arith.index_cast %parallel_loop3A_489 : i32 to index
      %parallel_loop3A_491 = arith.constant 16 : index
      %parallel_loop3A_492 = tpu.vector_load %arg16[%parallel_loop3A_490, %parallel_loop3A_491] {strides = array<i32>} : memref<16x32xf32, #tpu.memory_space<vmem>>, vector<16xf32>,
      %parallel_loop3A_493 = vector.broadcast %parallel_loop3A_488 : f32 to vector<16xf32>
      %parallel_loop3A_494 = arith.mulf %parallel_loop3A_493, %parallel_loop3A_492 : vector<16xf32>
      %parallel_loop3A_495 = vector.extract_strided_slice %parallel_loop3A_270 {offsets = [9], sizes = [1], strides = [1]} : vector<16xf32> to vector<1xf32>
      %parallel_loop3A_496 = vector.extract %parallel_loop3A_495[0] : f32 from vector<1xf32>
      %parallel_loop3A_497 = arith.constant 9 : i32
      %parallel_loop3A_498 = arith.index_cast %parallel_loop3A_497 : i32 to index
      %parallel_loop3A_499 = arith.constant 16 : index
      %parallel_loop3A_500 = tpu.vector_load %arg16[%parallel_loop3A_498, %parallel_loop3A_499] {strides = array<i32>} : memref<16x32xf32, #tpu.memory_space<vmem>>, vector<16xf32>,
      %parallel_loop3A_501 = vector.broadcast %parallel_loop3A_496 : f32 to vector<16xf32>
      %parallel_loop3A_502 = arith.mulf %parallel_loop3A_501, %parallel_loop3A_500 : vector<16xf32>
      %parallel_loop3A_503 = arith.addf %parallel_loop3A_494, %parallel_loop3A_502 : vector<16xf32>
      %parallel_loop3A_504 = vector.extract_strided_slice %parallel_loop3A_270 {offsets = [10], sizes = [1], strides = [1]} : vector<16xf32> to vector<1xf32>
      %parallel_loop3A_505 = vector.extract %parallel_loop3A_504[0] : f32 from vector<1xf32>
      %parallel_loop3A_506 = arith.constant 10 : i32
      %parallel_loop3A_507 = arith.index_cast %parallel_loop3A_506 : i32 to index
      %parallel_loop3A_508 = arith.constant 16 : index
      %parallel_loop3A_509 = tpu.vector_load %arg16[%parallel_loop3A_507, %parallel_loop3A_508] {strides = array<i32>} : memref<16x32xf32, #tpu.memory_space<vmem>>, vector<16xf32>,
      %parallel_loop3A_510 = vector.broadcast %parallel_loop3A_505 : f32 to vector<16xf32>
      %parallel_loop3A_511 = arith.mulf %parallel_loop3A_510, %parallel_loop3A_509 : vector<16xf32>
      %parallel_loop3A_512 = arith.addf %parallel_loop3A_503, %parallel_loop3A_511 : vector<16xf32>
      %parallel_loop3A_513 = vector.extract_strided_slice %parallel_loop3A_270 {offsets = [11], sizes = [1], strides = [1]} : vector<16xf32> to vector<1xf32>
      %parallel_loop3A_514 = vector.extract %parallel_loop3A_513[0] : f32 from vector<1xf32>
      %parallel_loop3A_515 = arith.constant 11 : i32
      %parallel_loop3A_516 = arith.index_cast %parallel_loop3A_515 : i32 to index
      %parallel_loop3A_517 = arith.constant 16 : index
      %parallel_loop3A_518 = tpu.vector_load %arg16[%parallel_loop3A_516, %parallel_loop3A_517] {strides = array<i32>} : memref<16x32xf32, #tpu.memory_space<vmem>>, vector<16xf32>,
      %parallel_loop3A_519 = vector.broadcast %parallel_loop3A_514 : f32 to vector<16xf32>
      %parallel_loop3A_520 = arith.mulf %parallel_loop3A_519, %parallel_loop3A_518 : vector<16xf32>
      %parallel_loop3A_521 = arith.addf %parallel_loop3A_512, %parallel_loop3A_520 : vector<16xf32>
      %parallel_loop3A_522 = vector.extract_strided_slice %parallel_loop3A_270 {offsets = [12], sizes = [1], strides = [1]} : vector<16xf32> to vector<1xf32>
      %parallel_loop3A_523 = vector.extract %parallel_loop3A_522[0] : f32 from vector<1xf32>
      %parallel_loop3A_524 = arith.constant 12 : i32
      %parallel_loop3A_525 = arith.index_cast %parallel_loop3A_524 : i32 to index
      %parallel_loop3A_526 = arith.constant 16 : index
      %parallel_loop3A_527 = tpu.vector_load %arg16[%parallel_loop3A_525, %parallel_loop3A_526] {strides = array<i32>} : memref<16x32xf32, #tpu.memory_space<vmem>>, vector<16xf32>,
      %parallel_loop3A_528 = vector.broadcast %parallel_loop3A_523 : f32 to vector<16xf32>
      %parallel_loop3A_529 = arith.mulf %parallel_loop3A_528, %parallel_loop3A_527 : vector<16xf32>
      %parallel_loop3A_530 = vector.extract_strided_slice %parallel_loop3A_270 {offsets = [13], sizes = [1], strides = [1]} : vector<16xf32> to vector<1xf32>
      %parallel_loop3A_531 = vector.extract %parallel_loop3A_530[0] : f32 from vector<1xf32>
      %parallel_loop3A_532 = arith.constant 13 : i32
      %parallel_loop3A_533 = arith.index_cast %parallel_loop3A_532 : i32 to index
      %parallel_loop3A_534 = arith.constant 16 : index
      %parallel_loop3A_535 = tpu.vector_load %arg16[%parallel_loop3A_533, %parallel_loop3A_534] {strides = array<i32>} : memref<16x32xf32, #tpu.memory_space<vmem>>, vector<16xf32>,
      %parallel_loop3A_536 = vector.broadcast %parallel_loop3A_531 : f32 to vector<16xf32>
      %parallel_loop3A_537 = arith.mulf %parallel_loop3A_536, %parallel_loop3A_535 : vector<16xf32>
      %parallel_loop3A_538 = arith.addf %parallel_loop3A_529, %parallel_loop3A_537 : vector<16xf32>
      %parallel_loop3A_539 = vector.extract_strided_slice %parallel_loop3A_270 {offsets = [14], sizes = [1], strides = [1]} : vector<16xf32> to vector<1xf32>
      %parallel_loop3A_540 = vector.extract %parallel_loop3A_539[0] : f32 from vector<1xf32>
      %parallel_loop3A_541 = arith.constant 14 : i32
      %parallel_loop3A_542 = arith.index_cast %parallel_loop3A_541 : i32 to index
      %parallel_loop3A_543 = arith.constant 16 : index
      %parallel_loop3A_544 = tpu.vector_load %arg16[%parallel_loop3A_542, %parallel_loop3A_543] {strides = array<i32>} : memref<16x32xf32, #tpu.memory_space<vmem>>, vector<16xf32>,
      %parallel_loop3A_545 = vector.broadcast %parallel_loop3A_540 : f32 to vector<16xf32>
      %parallel_loop3A_546 = arith.mulf %parallel_loop3A_545, %parallel_loop3A_544 : vector<16xf32>
      %parallel_loop3A_547 = arith.addf %parallel_loop3A_538, %parallel_loop3A_546 : vector<16xf32>
      %parallel_loop3A_548 = vector.extract_strided_slice %parallel_loop3A_270 {offsets = [15], sizes = [1], strides = [1]} : vector<16xf32> to vector<1xf32>
      %parallel_loop3A_549 = vector.extract %parallel_loop3A_548[0] : f32 from vector<1xf32>
      %parallel_loop3A_550 = arith.constant 15 : i32
      %parallel_loop3A_551 = arith.index_cast %parallel_loop3A_550 : i32 to index
      %parallel_loop3A_552 = arith.constant 16 : index
      %parallel_loop3A_553 = tpu.vector_load %arg16[%parallel_loop3A_551, %parallel_loop3A_552] {strides = array<i32>} : memref<16x32xf32, #tpu.memory_space<vmem>>, vector<16xf32>,
      %parallel_loop3A_554 = vector.broadcast %parallel_loop3A_549 : f32 to vector<16xf32>
      %parallel_loop3A_555 = arith.mulf %parallel_loop3A_554, %parallel_loop3A_553 : vector<16xf32>
      %parallel_loop3A_556 = arith.addf %parallel_loop3A_547, %parallel_loop3A_555 : vector<16xf32>
      %parallel_loop3A_557 = arith.addf %parallel_loop3A_451, %parallel_loop3A_486 : vector<16xf32>
      %parallel_loop3A_558 = arith.addf %parallel_loop3A_521, %parallel_loop3A_556 : vector<16xf32>
      %parallel_loop3A_559 = arith.addf %parallel_loop3A_557, %parallel_loop3A_558 : vector<16xf32>
      %parallel_loop3A_560 = arith.index_cast %parallel_loop3A_267 : i32 to index
      %parallel_loop3A_561 = arith.constant 16 : index
      %parallel_loop3A_562 = tpu.vector_load %arg17[%parallel_loop3A_560, %parallel_loop3A_561] {strides = array<i32>} : memref<128x32xf32, #tpu.memory_space<vmem>>, vector<16xf32>,
      tpu.vector_store %arg17[%parallel_loop3A_560, %parallel_loop3A_561], %parallel_loop3A_559 {strides = array<i32>} : memref<128x32xf32, #tpu.memory_space<vmem>>, vector<16xf32>,
    } {sc.loop_unroll_factor = 4 : i64, sc.parallel_access}
    %parallel_loop3A_217 = arith.constant 0 : i32
    %parallel_loop3A_218 = arith.constant 128 : i32
    %parallel_loop3A_219 = arith.constant 1 : i32
    scf.for %parallel_loop3A_267 = %parallel_loop3A_217 to %parallel_loop3A_218 step %parallel_loop3A_219  : i32 {
      %parallel_loop3A_268 = vector.broadcast %parallel_loop3A_267 : i32 to vector<16xi32>
      %parallel_loop3A_269 = arith.index_cast %parallel_loop3A_267 : i32 to index
      %parallel_loop3A_270 = arith.constant 0 : index
      %parallel_loop3A_271 = tpu.vector_load %arg20[%parallel_loop3A_269, %parallel_loop3A_270] {strides = array<i32>} : memref<128x16xi32, #tpu.memory_space<vmem>>, vector<16xi32>,
      %parallel_loop3A_272 = tpu.vector_load_idx %arg17[%parallel_loop3A_268, %parallel_loop3A_271] : memref<128x32xf32, #tpu.memory_space<vmem>>[vector<16xi32>, vector<16xi32>], vector<16xf32>,
      %parallel_loop3A_273 = arith.index_cast %parallel_loop3A_267 : i32 to index
      %parallel_loop3A_274 = arith.constant 0 : index
      %parallel_loop3A_275 = tpu.vector_load %arg23[%parallel_loop3A_273, %parallel_loop3A_274] {strides = array<i32>} : memref<128x16xf32, #tpu.memory_space<vmem>>, vector<16xf32>,
      tpu.vector_store %arg23[%parallel_loop3A_273, %parallel_loop3A_274], %parallel_loop3A_272 {strides = array<i32>} : memref<128x16xf32, #tpu.memory_space<vmem>>, vector<16xf32>,
    } {sc.loop_unroll_factor = 4 : i64, sc.parallel_access}
    "tpu.region"() ({
      %run_scoped3A = tpu.sem_alloc : memref<!tpu.dma_semaphore, #tpu.memory_space<semaphore_mem>>
      %dma_start3A_267 = arith.constant 0 : i32
      %dma_start3A_268 = arith.constant 0 : i32
      %dma_start3A_269 = tpu.memref_slice %arg10[%add3A, %dma_start3A_267, %dma_start3A_268] : memref<32x128x16xf32, #tpu.memory_space<hbm>> -> memref<1x128x16xf32, #tpu.memory_space<hbm>>
      %dma_start3A_270 = tpu.memref_squeeze %dma_start3A_269 : memref<1x128x16xf32, #tpu.memory_space<hbm>> -> memref<128x16xf32, #tpu.memory_space<hbm>>
      %dma_start3A_271 = arith.constant 0 : i32
      %dma_start3A_272 = arith.constant 0 : i32
      %dma_start3A_273 = tpu.memref_slice %arg10[%add3A, %dma_start3A_271, %dma_start3A_272] : memref<32x128x16xf32, #tpu.memory_space<hbm>> -> memref<1x128x16xf32, #tpu.memory_space<hbm>>
      %dma_start3A_274 = tpu.memref_squeeze %dma_start3A_273 : memref<1x128x16xf32, #tpu.memory_space<hbm>> -> memref<128x16xf32, #tpu.memory_space<hbm>>
      tpu.enqueue_dma source(%arg23 : memref<128x16xf32, #tpu.memory_space<vmem>>) target(%dma_start3A_274 : memref<128x16xf32, #tpu.memory_space<hbm>>) target_semaphore(%run_scoped3A : memref<!tpu.dma_semaphore, #tpu.memory_space<semaphore_mem>>)
      %dma_wait3A_275 = arith.constant 0 : i32
      %dma_wait3A_276 = arith.constant 0 : i32
      %dma_wait3A_277 = tpu.memref_slice %arg10[%add3A, %dma_wait3A_275, %dma_wait3A_276] : memref<32x128x16xf32, #tpu.memory_space<hbm>> -> memref<1x128x16xf32, #tpu.memory_space<hbm>>
      %dma_wait3A_278 = tpu.memref_squeeze %dma_wait3A_277 : memref<1x128x16xf32, #tpu.memory_space<hbm>> -> memref<128x16xf32, #tpu.memory_space<hbm>>
      %dma_wait3A_279 = arith.constant 0 : i32
      %dma_wait3A_280 = arith.constant 0 : i32
      %dma_wait3A_281 = tpu.memref_slice %arg10[%add3A, %dma_wait3A_279, %dma_wait3A_280] : memref<32x128x16xf32, #tpu.memory_space<hbm>> -> memref<1x128x16xf32, #tpu.memory_space<hbm>>
      %dma_wait3A_282 = tpu.memref_squeeze %dma_wait3A_281 : memref<1x128x16xf32, #tpu.memory_space<hbm>> -> memref<128x16xf32, #tpu.memory_space<hbm>>
      tpu.wait_dma2 semaphore(%run_scoped3A : memref<!tpu.dma_semaphore, #tpu.memory_space<semaphore_mem>>) src(%arg23 : memref<128x16xf32, #tpu.memory_space<vmem>>) dst(%dma_wait3A_282 : memref<128x16xf32, #tpu.memory_space<hbm>>)
      tpu.yield
    }) : () -> ()
    %scan3A = arith.constant 0 : i32
    %scan3A_220 = arith.constant 0 : i32
    %scan3A_221 = arith.constant 16 : i32
    %scan3A_222 = arith.addi %scan3A_220, %scan3A_221 : i32
    %scan3A_223 = arith.constant 1 : i32
    scf.for %scan3A_267 = %scan3A_220 to %scan3A_222 step %scan3A_223  : i32 {
      %mul3A_268 = arith.constant 8 : i32
      %mul3A_269 = arith.muli %scan3A_267, %mul3A_268 : i32
      %add3A_270 = arith.constant 0 : i32
      %add3A_271 = arith.addi %mul3A_269, %add3A_270 : i32
      %get3A_272 = arith.index_cast %add3A_271 : i32 to index
      %get3A_273 = arith.constant 0 : index
      %get3A_274 = tpu.vector_load %arg21[%get3A_272, %get3A_273] {strides = array<i32>} : memref<128x16xi32, #tpu.memory_space<vmem>>, vector<16xi32>,
      %swap3A = arith.index_cast %scan3A_267 : i32 to index
      %swap3A_275 = arith.constant 0 : index
      %swap3A_276 = tpu.vector_load %arg22[%swap3A, %swap3A_275] {strides = array<i32>} : memref<16x128xi32, #tpu.memory_space<vmem>>, vector<16xi32>,
      tpu.vector_store %arg22[%swap3A, %swap3A_275], %get3A_274 {strides = array<i32>} : memref<16x128xi32, #tpu.memory_space<vmem>>, vector<16xi32>,
      %mul3A_277 = arith.constant 8 : i32
      %mul3A_278 = arith.muli %scan3A_267, %mul3A_277 : i32
      %add3A_279 = arith.constant 1 : i32
      %add3A_280 = arith.addi %mul3A_278, %add3A_279 : i32
      %get3A_281 = arith.index_cast %add3A_280 : i32 to index
      %get3A_282 = arith.constant 0 : index
      %get3A_283 = tpu.vector_load %arg21[%get3A_281, %get3A_282] {strides = array<i32>} : memref<128x16xi32, #tpu.memory_space<vmem>>, vector<16xi32>,
      %swap3A_284 = arith.index_cast %scan3A_267 : i32 to index
      %swap3A_285 = arith.constant 16 : index
      %swap3A_286 = tpu.vector_load %arg22[%swap3A_284, %swap3A_285] {strides = array<i32>} : memref<16x128xi32, #tpu.memory_space<vmem>>, vector<16xi32>,
      tpu.vector_store %arg22[%swap3A_284, %swap3A_285], %get3A_283 {strides = array<i32>} : memref<16x128xi32, #tpu.memory_space<vmem>>, vector<16xi32>,
      %mul3A_287 = arith.constant 8 : i32
      %mul3A_288 = arith.muli %scan3A_267, %mul3A_287 : i32
      %add3A_289 = arith.constant 2 : i32
      %add3A_290 = arith.addi %mul3A_288, %add3A_289 : i32
      %get3A_291 = arith.index_cast %add3A_290 : i32 to index
      %get3A_292 = arith.constant 0 : index
      %get3A_293 = tpu.vector_load %arg21[%get3A_291, %get3A_292] {strides = array<i32>} : memref<128x16xi32, #tpu.memory_space<vmem>>, vector<16xi32>,
      %swap3A_294 = arith.index_cast %scan3A_267 : i32 to index
      %swap3A_295 = arith.constant 32 : index
      %swap3A_296 = tpu.vector_load %arg22[%swap3A_294, %swap3A_295] {strides = array<i32>} : memref<16x128xi32, #tpu.memory_space<vmem>>, vector<16xi32>,
      tpu.vector_store %arg22[%swap3A_294, %swap3A_295], %get3A_293 {strides = array<i32>} : memref<16x128xi32, #tpu.memory_space<vmem>>, vector<16xi32>,
      %mul3A_297 = arith.constant 8 : i32
      %mul3A_298 = arith.muli %scan3A_267, %mul3A_297 : i32
      %add3A_299 = arith.constant 3 : i32
      %add3A_300 = arith.addi %mul3A_298, %add3A_299 : i32
      %get3A_301 = arith.index_cast %add3A_300 : i32 to index
      %get3A_302 = arith.constant 0 : index
      %get3A_303 = tpu.vector_load %arg21[%get3A_301, %get3A_302] {strides = array<i32>} : memref<128x16xi32, #tpu.memory_space<vmem>>, vector<16xi32>,
      %swap3A_304 = arith.index_cast %scan3A_267 : i32 to index
      %swap3A_305 = arith.constant 48 : index
      %swap3A_306 = tpu.vector_load %arg22[%swap3A_304, %swap3A_305] {strides = array<i32>} : memref<16x128xi32, #tpu.memory_space<vmem>>, vector<16xi32>,
      tpu.vector_store %arg22[%swap3A_304, %swap3A_305], %get3A_303 {strides = array<i32>} : memref<16x128xi32, #tpu.memory_space<vmem>>, vector<16xi32>,
      %mul3A_307 = arith.constant 8 : i32
      %mul3A_308 = arith.muli %scan3A_267, %mul3A_307 : i32
      %add3A_309 = arith.constant 4 : i32
      %add3A_310 = arith.addi %mul3A_308, %add3A_309 : i32
      %get3A_311 = arith.index_cast %add3A_310 : i32 to index
      %get3A_312 = arith.constant 0 : index
      %get3A_313 = tpu.vector_load %arg21[%get3A_311, %get3A_312] {strides = array<i32>} : memref<128x16xi32, #tpu.memory_space<vmem>>, vector<16xi32>,
      %swap3A_314 = arith.index_cast %scan3A_267 : i32 to index
      %swap3A_315 = arith.constant 64 : index
      %swap3A_316 = tpu.vector_load %arg22[%swap3A_314, %swap3A_315] {strides = array<i32>} : memref<16x128xi32, #tpu.memory_space<vmem>>, vector<16xi32>,
      tpu.vector_store %arg22[%swap3A_314, %swap3A_315], %get3A_313 {strides = array<i32>} : memref<16x128xi32, #tpu.memory_space<vmem>>, vector<16xi32>,
      %mul3A_317 = arith.constant 8 : i32
      %mul3A_318 = arith.muli %scan3A_267, %mul3A_317 : i32
      %add3A_319 = arith.constant 5 : i32
      %add3A_320 = arith.addi %mul3A_318, %add3A_319 : i32
      %get3A_321 = arith.index_cast %add3A_320 : i32 to index
      %get3A_322 = arith.constant 0 : index
      %get3A_323 = tpu.vector_load %arg21[%get3A_321, %get3A_322] {strides = array<i32>} : memref<128x16xi32, #tpu.memory_space<vmem>>, vector<16xi32>,
      %swap3A_324 = arith.index_cast %scan3A_267 : i32 to index
      %swap3A_325 = arith.constant 80 : index
      %swap3A_326 = tpu.vector_load %arg22[%swap3A_324, %swap3A_325] {strides = array<i32>} : memref<16x128xi32, #tpu.memory_space<vmem>>, vector<16xi32>,
      tpu.vector_store %arg22[%swap3A_324, %swap3A_325], %get3A_323 {strides = array<i32>} : memref<16x128xi32, #tpu.memory_space<vmem>>, vector<16xi32>,
      %mul3A_327 = arith.constant 8 : i32
      %mul3A_328 = arith.muli %scan3A_267, %mul3A_327 : i32
      %add3A_329 = arith.constant 6 : i32
      %add3A_330 = arith.addi %mul3A_328, %add3A_329 : i32
      %get3A_331 = arith.index_cast %add3A_330 : i32 to index
      %get3A_332 = arith.constant 0 : index
      %get3A_333 = tpu.vector_load %arg21[%get3A_331, %get3A_332] {strides = array<i32>} : memref<128x16xi32, #tpu.memory_space<vmem>>, vector<16xi32>,
      %swap3A_334 = arith.index_cast %scan3A_267 : i32 to index
      %swap3A_335 = arith.constant 96 : index
      %swap3A_336 = tpu.vector_load %arg22[%swap3A_334, %swap3A_335] {strides = array<i32>} : memref<16x128xi32, #tpu.memory_space<vmem>>, vector<16xi32>,
      tpu.vector_store %arg22[%swap3A_334, %swap3A_335], %get3A_333 {strides = array<i32>} : memref<16x128xi32, #tpu.memory_space<vmem>>, vector<16xi32>,
      %mul3A_337 = arith.constant 8 : i32
      %mul3A_338 = arith.muli %scan3A_267, %mul3A_337 : i32
      %add3A_339 = arith.constant 7 : i32
      %add3A_340 = arith.addi %mul3A_338, %add3A_339 : i32
      %get3A_341 = arith.index_cast %add3A_340 : i32 to index
      %get3A_342 = arith.constant 0 : index
      %get3A_343 = tpu.vector_load %arg21[%get3A_341, %get3A_342] {strides = array<i32>} : memref<128x16xi32, #tpu.memory_space<vmem>>, vector<16xi32>,
      %swap3A_344 = arith.index_cast %scan3A_267 : i32 to index
      %swap3A_345 = arith.constant 112 : index
      %swap3A_346 = tpu.vector_load %arg22[%swap3A_344, %swap3A_345] {strides = array<i32>} : memref<16x128xi32, #tpu.memory_space<vmem>>, vector<16xi32>,
      tpu.vector_store %arg22[%swap3A_344, %swap3A_345], %get3A_343 {strides = array<i32>} : memref<16x128xi32, #tpu.memory_space<vmem>>, vector<16xi32>,
    }
    %scan3A_224 = arith.constant 16 : i32
    %dma_start3A_225 = arith.constant 0 : i32
    %dma_start3A_226 = arith.constant 0 : i32
    %dma_start3A_227 = arith.constant 0 : i32
    %dma_start3A_228 = arith.constant 0 : i32
    %dma_start3A_229 = tpu.memref_slice %arg25[%dma_start3A_226, %dma_start3A_227, %dma_start3A_228] : memref<2x128x16xf32, #tpu.memory_space<vmem>> -> memref<1x128x16xf32, #tpu.memory_space<vmem>>
    %dma_start3A_230 = tpu.memref_squeeze %dma_start3A_229 : memref<1x128x16xf32, #tpu.memory_space<vmem>> -> memref<128x16xf32, #tpu.memory_space<vmem>>
    %dma_start3A_231 = arith.constant 0 : i32
    %dma_start3A_232 = tpu.memref_slice %arg22[%dma_start3A_225, %dma_start3A_231] : memref<16x128xi32, #tpu.memory_space<vmem>> -> memref<1x128xi32, #tpu.memory_space<vmem>>
    %dma_start3A_233 = tpu.memref_squeeze %dma_start3A_232 : memref<1x128xi32, #tpu.memory_space<vmem>> -> memref<128xi32, #tpu.memory_space<vmem>>
    %dma_start3A_234 = arith.constant 0 : i32
    %dma_start3A_235 = arith.constant 0 : i32
    %dma_start3A_236 = tpu.memref_slice %arg5[%dma_start3A_234, %dma_start3A_235] : memref<100000x16xf32, #tpu.memory_space<hbm>> -> memref<100000x16xf32, #tpu.memory_space<hbm>>
    tpu.enqueue_indirect_dma source(%dma_start3A_236 : memref<100000x16xf32, #tpu.memory_space<hbm>>) target(%dma_start3A_230 : memref<128x16xf32, #tpu.memory_space<vmem>>) offsets(%dma_start3A_233 : memref<128xi32, #tpu.memory_space<vmem>>) semaphore(%arg31 : memref<!tpu.dma_semaphore, #tpu.memory_space<semaphore_mem>>)
    %dma_start3A_237 = arith.constant 0 : i32
    %dma_start3A_238 = arith.constant 0 : i32
    %dma_start3A_239 = arith.constant 0 : i32
    %dma_start3A_240 = arith.constant 0 : i32
    %dma_start3A_241 = tpu.memref_slice %arg26[%dma_start3A_238, %dma_start3A_239, %dma_start3A_240] : memref<2x128x16xi32, #tpu.memory_space<vmem>> -> memref<1x128x16xi32, #tpu.memory_space<vmem>>
    %dma_start3A_242 = tpu.memref_squeeze %dma_start3A_241 : memref<1x128x16xi32, #tpu.memory_space<vmem>> -> memref<128x16xi32, #tpu.memory_space<vmem>>
    %dma_start3A_243 = arith.constant 0 : i32
    %dma_start3A_244 = tpu.memref_slice %arg22[%dma_start3A_237, %dma_start3A_243] : memref<16x128xi32, #tpu.memory_space<vmem>> -> memref<1x128xi32, #tpu.memory_space<vmem>>
    %dma_start3A_245 = tpu.memref_squeeze %dma_start3A_244 : memref<1x128xi32, #tpu.memory_space<vmem>> -> memref<128xi32, #tpu.memory_space<vmem>>
    %dma_start3A_246 = arith.constant 0 : i32
    %dma_start3A_247 = arith.constant 0 : i32
    %dma_start3A_248 = tpu.memref_slice %arg8[%dma_start3A_246, %dma_start3A_247] : memref<100000x16xi32, #tpu.memory_space<hbm>> -> memref<100000x16xi32, #tpu.memory_space<hbm>>
    tpu.enqueue_indirect_dma source(%dma_start3A_248 : memref<100000x16xi32, #tpu.memory_space<hbm>>) target(%dma_start3A_242 : memref<128x16xi32, #tpu.memory_space<vmem>>) offsets(%dma_start3A_245 : memref<128xi32, #tpu.memory_space<vmem>>) semaphore(%arg31 : memref<!tpu.dma_semaphore, #tpu.memory_space<semaphore_mem>>)
    %dma_start3A_249 = arith.constant 0 : i32
    %dma_start3A_250 = arith.constant 0 : i32
    %dma_start3A_251 = arith.constant 0 : i32
    %dma_start3A_252 = arith.constant 0 : i32
    %dma_start3A_253 = tpu.memref_slice %arg27[%dma_start3A_250, %dma_start3A_251, %dma_start3A_252] : memref<2x128x16xi32, #tpu.memory_space<vmem>> -> memref<1x128x16xi32, #tpu.memory_space<vmem>>
    %dma_start3A_254 = tpu.memref_squeeze %dma_start3A_253 : memref<1x128x16xi32, #tpu.memory_space<vmem>> -> memref<128x16xi32, #tpu.memory_space<vmem>>
    %dma_start3A_255 = arith.constant 0 : i32
    %dma_start3A_256 = tpu.memref_slice %arg22[%dma_start3A_249, %dma_start3A_255] : memref<16x128xi32, #tpu.memory_space<vmem>> -> memref<1x128xi32, #tpu.memory_space<vmem>>
    %dma_start3A_257 = tpu.memref_squeeze %dma_start3A_256 : memref<1x128xi32, #tpu.memory_space<vmem>> -> memref<128xi32, #tpu.memory_space<vmem>>
    %dma_start3A_258 = arith.constant 0 : i32
    %dma_start3A_259 = arith.constant 0 : i32
    %dma_start3A_260 = tpu.memref_slice %arg7[%dma_start3A_258, %dma_start3A_259] : memref<100000x16xi32, #tpu.memory_space<hbm>> -> memref<100000x16xi32, #tpu.memory_space<hbm>>
    tpu.enqueue_indirect_dma source(%dma_start3A_260 : memref<100000x16xi32, #tpu.memory_space<hbm>>) target(%dma_start3A_254 : memref<128x16xi32, #tpu.memory_space<vmem>>) offsets(%dma_start3A_257 : memref<128xi32, #tpu.memory_space<vmem>>) semaphore(%arg31 : memref<!tpu.dma_semaphore, #tpu.memory_space<semaphore_mem>>)
    %scan3A_261 = arith.constant 0 : i32
    %scan3A_262 = arith.constant 0 : i32
    %scan3A_263 = arith.constant 16 : i32
    %scan3A_264 = arith.addi %scan3A_262, %scan3A_263 : i32
    %scan3A_265 = arith.constant 1 : i32
    scf.for %scan3A_267 = %scan3A_262 to %scan3A_264 step %scan3A_265  : i32 {
      %jit3A = arith.constant 2 : i32
      %eq3A = arith.constant 0 : i32
      %eq3A_268 = arith.cmpi eq, %jit3A, %eq3A : i32
      %jit3A_269 = arith.constant 1 : i32
      %select_n3A = arith.select %eq3A_268, %jit3A_269, %jit3A : i32
      %rem3A = arith.remsi %scan3A_267, %select_n3A : i32
      %ne3A = arith.constant 0 : i32
      %ne3A_270 = arith.cmpi ne, %rem3A, %ne3A : i32
      %lt3A = arith.constant 0 : i32
      %lt3A_271 = arith.cmpi slt, %rem3A, %lt3A : i32
      %lt3A_272 = arith.constant 0 : i32
      %lt3A_273 = arith.cmpi slt, %select_n3A, %lt3A_272 : i32
      %ne3A_274 = arith.xori %lt3A_271, %lt3A_273 : i1
      %and3A = arith.andi %ne3A_274, %ne3A_270 : i1
      %add3A_275 = arith.addi %rem3A, %select_n3A : i32
      %select_n3A_276 = arith.select %and3A, %add3A_275, %rem3A : i32
      %dma_wait3A_277 = arith.constant 0 : i32
      %dma_wait3A_278 = arith.constant 0 : i32
      %dma_wait3A_279 = tpu.memref_slice %arg25[%select_n3A_276, %dma_wait3A_277, %dma_wait3A_278] : memref<2x128x16xf32, #tpu.memory_space<vmem>> -> memref<1x128x16xf32, #tpu.memory_space<vmem>>
      %dma_wait3A_280 = tpu.memref_squeeze %dma_wait3A_279 : memref<1x128x16xf32, #tpu.memory_space<vmem>> -> memref<128x16xf32, #tpu.memory_space<vmem>>
      %dma_wait3A_281 = arith.constant 0 : i32
      %dma_wait3A_282 = tpu.memref_slice %arg22[%scan3A_267, %dma_wait3A_281] : memref<16x128xi32, #tpu.memory_space<vmem>> -> memref<1x128xi32, #tpu.memory_space<vmem>>
      %dma_wait3A_283 = tpu.memref_squeeze %dma_wait3A_282 : memref<1x128xi32, #tpu.memory_space<vmem>> -> memref<128xi32, #tpu.memory_space<vmem>>
      %dma_wait3A_284 = arith.constant 0 : i32
      %dma_wait3A_285 = arith.constant 0 : i32
      %dma_wait3A_286 = tpu.memref_slice %arg5[%dma_wait3A_284, %dma_wait3A_285] : memref<100000x16xf32, #tpu.memory_space<hbm>> -> memref<100000x16xf32, #tpu.memory_space<hbm>>
      tpu.wait_indirect_dma semaphore(%arg31 : memref<!tpu.dma_semaphore, #tpu.memory_space<semaphore_mem>>) src(%dma_wait3A_286 : memref<100000x16xf32, #tpu.memory_space<hbm>>) dst(%dma_wait3A_280 : memref<128x16xf32, #tpu.memory_space<vmem>>)
      %dma_wait3A_287 = arith.constant 0 : i32
      %dma_wait3A_288 = arith.constant 0 : i32
      %dma_wait3A_289 = tpu.memref_slice %arg26[%select_n3A_276, %dma_wait3A_287, %dma_wait3A_288] : memref<2x128x16xi32, #tpu.memory_space<vmem>> -> memref<1x128x16xi32, #tpu.memory_space<vmem>>
      %dma_wait3A_290 = tpu.memref_squeeze %dma_wait3A_289 : memref<1x128x16xi32, #tpu.memory_space<vmem>> -> memref<128x16xi32, #tpu.memory_space<vmem>>
      %dma_wait3A_291 = arith.constant 0 : i32
      %dma_wait3A_292 = tpu.memref_slice %arg22[%scan3A_267, %dma_wait3A_291] : memref<16x128xi32, #tpu.memory_space<vmem>> -> memref<1x128xi32, #tpu.memory_space<vmem>>
      %dma_wait3A_293 = tpu.memref_squeeze %dma_wait3A_292 : memref<1x128xi32, #tpu.memory_space<vmem>> -> memref<128xi32, #tpu.memory_space<vmem>>
      %dma_wait3A_294 = arith.constant 0 : i32
      %dma_wait3A_295 = arith.constant 0 : i32
      %dma_wait3A_296 = tpu.memref_slice %arg8[%dma_wait3A_294, %dma_wait3A_295] : memref<100000x16xi32, #tpu.memory_space<hbm>> -> memref<100000x16xi32, #tpu.memory_space<hbm>>
      tpu.wait_indirect_dma semaphore(%arg31 : memref<!tpu.dma_semaphore, #tpu.memory_space<semaphore_mem>>) src(%dma_wait3A_296 : memref<100000x16xi32, #tpu.memory_space<hbm>>) dst(%dma_wait3A_290 : memref<128x16xi32, #tpu.memory_space<vmem>>)
      %dma_wait3A_297 = arith.constant 0 : i32
      %dma_wait3A_298 = arith.constant 0 : i32
      %dma_wait3A_299 = tpu.memref_slice %arg27[%select_n3A_276, %dma_wait3A_297, %dma_wait3A_298] : memref<2x128x16xi32, #tpu.memory_space<vmem>> -> memref<1x128x16xi32, #tpu.memory_space<vmem>>
      %dma_wait3A_300 = tpu.memref_squeeze %dma_wait3A_299 : memref<1x128x16xi32, #tpu.memory_space<vmem>> -> memref<128x16xi32, #tpu.memory_space<vmem>>
      %dma_wait3A_301 = arith.constant 0 : i32
      %dma_wait3A_302 = tpu.memref_slice %arg22[%scan3A_267, %dma_wait3A_301] : memref<16x128xi32, #tpu.memory_space<vmem>> -> memref<1x128xi32, #tpu.memory_space<vmem>>
      %dma_wait3A_303 = tpu.memref_squeeze %dma_wait3A_302 : memref<1x128xi32, #tpu.memory_space<vmem>> -> memref<128xi32, #tpu.memory_space<vmem>>
      %dma_wait3A_304 = arith.constant 0 : i32
      %dma_wait3A_305 = arith.constant 0 : i32
      %dma_wait3A_306 = tpu.memref_slice %arg7[%dma_wait3A_304, %dma_wait3A_305] : memref<100000x16xi32, #tpu.memory_space<hbm>> -> memref<100000x16xi32, #tpu.memory_space<hbm>>
      tpu.wait_indirect_dma semaphore(%arg31 : memref<!tpu.dma_semaphore, #tpu.memory_space<semaphore_mem>>) src(%dma_wait3A_306 : memref<100000x16xi32, #tpu.memory_space<hbm>>) dst(%dma_wait3A_300 : memref<128x16xi32, #tpu.memory_space<vmem>>)
      %lt3A_307 = arith.constant 15 : i32
      %lt3A_308 = arith.cmpi slt, %scan3A_267, %lt3A_307 : i32
      %convert_element_type3A = arith.extui %lt3A_308 : i1 to i32
      %cond3A = arith.constant 0 : i32
      %cond3A_309 = arith.cmpi ne, %convert_element_type3A, %cond3A : i32
      scf.if %cond3A_309 {
        %add3A_516 = arith.constant 1 : i32
        %add3A_517 = arith.addi %scan3A_267, %add3A_516 : i32
        %jit3A_518 = arith.constant 2 : i32
        %eq3A_519 = arith.constant 0 : i32
        %eq3A_520 = arith.cmpi eq, %jit3A_518, %eq3A_519 : i32
        %jit3A_521 = arith.constant 1 : i32
        %select_n3A_522 = arith.select %eq3A_520, %jit3A_521, %jit3A_518 : i32
        %rem3A_523 = arith.remsi %add3A_517, %select_n3A_522 : i32
        %ne3A_524 = arith.constant 0 : i32
        %ne3A_525 = arith.cmpi ne, %rem3A_523, %ne3A_524 : i32
        %lt3A_526 = arith.constant 0 : i32
        %lt3A_527 = arith.cmpi slt, %rem3A_523, %lt3A_526 : i32
        %lt3A_528 = arith.constant 0 : i32
        %lt3A_529 = arith.cmpi slt, %select_n3A_522, %lt3A_528 : i32
        %ne3A_530 = arith.xori %lt3A_527, %lt3A_529 : i1
        %and3A_531 = arith.andi %ne3A_530, %ne3A_525 : i1
        %add3A_532 = arith.addi %rem3A_523, %select_n3A_522 : i32
        %select_n3A_533 = arith.select %and3A_531, %add3A_532, %rem3A_523 : i32
        %add3A_534 = arith.constant 1 : i32
        %add3A_535 = arith.addi %scan3A_267, %add3A_534 : i32
        %dma_start3A_536 = arith.constant 0 : i32
        %dma_start3A_537 = arith.constant 0 : i32
        %dma_start3A_538 = tpu.memref_slice %arg25[%select_n3A_533, %dma_start3A_536, %dma_start3A_537] : memref<2x128x16xf32, #tpu.memory_space<vmem>> -> memref<1x128x16xf32, #tpu.memory_space<vmem>>
        %dma_start3A_539 = tpu.memref_squeeze %dma_start3A_538 : memref<1x128x16xf32, #tpu.memory_space<vmem>> -> memref<128x16xf32, #tpu.memory_space<vmem>>
        %dma_start3A_540 = arith.constant 0 : i32
        %dma_start3A_541 = tpu.memref_slice %arg22[%add3A_535, %dma_start3A_540] : memref<16x128xi32, #tpu.memory_space<vmem>> -> memref<1x128xi32, #tpu.memory_space<vmem>>
        %dma_start3A_542 = tpu.memref_squeeze %dma_start3A_541 : memref<1x128xi32, #tpu.memory_space<vmem>> -> memref<128xi32, #tpu.memory_space<vmem>>
        %dma_start3A_543 = arith.constant 0 : i32
        %dma_start3A_544 = arith.constant 0 : i32
        %dma_start3A_545 = tpu.memref_slice %arg5[%dma_start3A_543, %dma_start3A_544] : memref<100000x16xf32, #tpu.memory_space<hbm>> -> memref<100000x16xf32, #tpu.memory_space<hbm>>
        tpu.enqueue_indirect_dma source(%dma_start3A_545 : memref<100000x16xf32, #tpu.memory_space<hbm>>) target(%dma_start3A_539 : memref<128x16xf32, #tpu.memory_space<vmem>>) offsets(%dma_start3A_542 : memref<128xi32, #tpu.memory_space<vmem>>) semaphore(%arg31 : memref<!tpu.dma_semaphore, #tpu.memory_space<semaphore_mem>>)
        %dma_start3A_546 = arith.constant 0 : i32
        %dma_start3A_547 = arith.constant 0 : i32
        %dma_start3A_548 = tpu.memref_slice %arg26[%select_n3A_533, %dma_start3A_546, %dma_start3A_547] : memref<2x128x16xi32, #tpu.memory_space<vmem>> -> memref<1x128x16xi32, #tpu.memory_space<vmem>>
        %dma_start3A_549 = tpu.memref_squeeze %dma_start3A_548 : memref<1x128x16xi32, #tpu.memory_space<vmem>> -> memref<128x16xi32, #tpu.memory_space<vmem>>
        %dma_start3A_550 = arith.constant 0 : i32
        %dma_start3A_551 = tpu.memref_slice %arg22[%add3A_535, %dma_start3A_550] : memref<16x128xi32, #tpu.memory_space<vmem>> -> memref<1x128xi32, #tpu.memory_space<vmem>>
        %dma_start3A_552 = tpu.memref_squeeze %dma_start3A_551 : memref<1x128xi32, #tpu.memory_space<vmem>> -> memref<128xi32, #tpu.memory_space<vmem>>
        %dma_start3A_553 = arith.constant 0 : i32
        %dma_start3A_554 = arith.constant 0 : i32
        %dma_start3A_555 = tpu.memref_slice %arg8[%dma_start3A_553, %dma_start3A_554] : memref<100000x16xi32, #tpu.memory_space<hbm>> -> memref<100000x16xi32, #tpu.memory_space<hbm>>
        tpu.enqueue_indirect_dma source(%dma_start3A_555 : memref<100000x16xi32, #tpu.memory_space<hbm>>) target(%dma_start3A_549 : memref<128x16xi32, #tpu.memory_space<vmem>>) offsets(%dma_start3A_552 : memref<128xi32, #tpu.memory_space<vmem>>) semaphore(%arg31 : memref<!tpu.dma_semaphore, #tpu.memory_space<semaphore_mem>>)
        %dma_start3A_556 = arith.constant 0 : i32
        %dma_start3A_557 = arith.constant 0 : i32
        %dma_start3A_558 = tpu.memref_slice %arg27[%select_n3A_533, %dma_start3A_556, %dma_start3A_557] : memref<2x128x16xi32, #tpu.memory_space<vmem>> -> memref<1x128x16xi32, #tpu.memory_space<vmem>>
        %dma_start3A_559 = tpu.memref_squeeze %dma_start3A_558 : memref<1x128x16xi32, #tpu.memory_space<vmem>> -> memref<128x16xi32, #tpu.memory_space<vmem>>
        %dma_start3A_560 = arith.constant 0 : i32
        %dma_start3A_561 = tpu.memref_slice %arg22[%add3A_535, %dma_start3A_560] : memref<16x128xi32, #tpu.memory_space<vmem>> -> memref<1x128xi32, #tpu.memory_space<vmem>>
        %dma_start3A_562 = tpu.memref_squeeze %dma_start3A_561 : memref<1x128xi32, #tpu.memory_space<vmem>> -> memref<128xi32, #tpu.memory_space<vmem>>
        %dma_start3A_563 = arith.constant 0 : i32
        %dma_start3A_564 = arith.constant 0 : i32
        %dma_start3A_565 = tpu.memref_slice %arg7[%dma_start3A_563, %dma_start3A_564] : memref<100000x16xi32, #tpu.memory_space<hbm>> -> memref<100000x16xi32, #tpu.memory_space<hbm>>
        tpu.enqueue_indirect_dma source(%dma_start3A_565 : memref<100000x16xi32, #tpu.memory_space<hbm>>) target(%dma_start3A_559 : memref<128x16xi32, #tpu.memory_space<vmem>>) offsets(%dma_start3A_562 : memref<128xi32, #tpu.memory_space<vmem>>) semaphore(%arg31 : memref<!tpu.dma_semaphore, #tpu.memory_space<semaphore_mem>>)
      } else {
      }
      %parallel_loop3A_310 = arith.constant 0 : i32
      %parallel_loop3A_311 = arith.constant 8 : i32
      %parallel_loop3A_312 = arith.constant 1 : i32
      scf.for %parallel_loop3A_516 = %parallel_loop3A_310 to %parallel_loop3A_311 step %parallel_loop3A_312  : i32 {
        %parallel_loop3A_517 = arith.constant 8 : i32
        %parallel_loop3A_518 = arith.muli %scan3A_267, %parallel_loop3A_517 : i32
        %parallel_loop3A_519 = arith.addi %parallel_loop3A_518, %parallel_loop3A_516 : i32
        %parallel_loop3A_520 = arith.index_cast %parallel_loop3A_519 : i32 to index
        %parallel_loop3A_521 = arith.constant 0 : index
        %parallel_loop3A_522 = tpu.vector_load %arg23[%parallel_loop3A_520, %parallel_loop3A_521] {strides = array<i32>} : memref<128x16xf32, #tpu.memory_space<vmem>>, vector<16xf32>,
        %parallel_loop3A_523 = arith.constant true
        %parallel_loop3A_524 = vector.broadcast %parallel_loop3A_523 : i1 to vector<16xi1>
        %parallel_loop3A_525 = tpu.scan <max>, %parallel_loop3A_522 masked %parallel_loop3A_524 : vector<16xf32>, vector<16xi1> -> vector<16xf32>
        %parallel_loop3A_526 = vector.extract %parallel_loop3A_525[15] : f32 from vector<16xf32>
        %parallel_loop3A_527 = vector.broadcast %parallel_loop3A_526 : f32 to vector<16xf32>
        %parallel_loop3A_528 = arith.subf %parallel_loop3A_522, %parallel_loop3A_527 : vector<16xf32>
        %parallel_loop3A_529 = math.exp %parallel_loop3A_528 : vector<16xf32>
        %parallel_loop3A_530 = arith.constant true
        %parallel_loop3A_531 = vector.broadcast %parallel_loop3A_530 : i1 to vector<16xi1>
        %parallel_loop3A_532 = tpu.scan <sum>, %parallel_loop3A_529 masked %parallel_loop3A_531 : vector<16xf32>, vector<16xi1> -> vector<16xf32>
        %parallel_loop3A_533 = vector.extract %parallel_loop3A_532[15] : f32 from vector<16xf32>
        %parallel_loop3A_534 = arith.constant 16 : i32
        %parallel_loop3A_535 = arith.muli %parallel_loop3A_516, %parallel_loop3A_534 : i32
        %parallel_loop3A_536 = arith.constant 0 : i32
        %parallel_loop3A_537 = arith.addi %parallel_loop3A_535, %parallel_loop3A_536 : i32
        %parallel_loop3A_538 = arith.index_cast %select_n3A_276 : i32 to index
        %parallel_loop3A_539 = arith.index_cast %parallel_loop3A_537 : i32 to index
        %parallel_loop3A_540 = arith.constant 0 : index
        %parallel_loop3A_541 = tpu.vector_load %arg25[%parallel_loop3A_538, %parallel_loop3A_539, %parallel_loop3A_540] {strides = array<i32>} : memref<2x128x16xf32, #tpu.memory_space<vmem>>, vector<16xf32>,
        %parallel_loop3A_542 = arith.constant 16 : i32
        %parallel_loop3A_543 = arith.muli %parallel_loop3A_516, %parallel_loop3A_542 : i32
        %parallel_loop3A_544 = arith.constant 1 : i32
        %parallel_loop3A_545 = arith.addi %parallel_loop3A_543, %parallel_loop3A_544 : i32
        %parallel_loop3A_546 = arith.index_cast %select_n3A_276 : i32 to index
        %parallel_loop3A_547 = arith.index_cast %parallel_loop3A_545 : i32 to index
        %parallel_loop3A_548 = arith.constant 0 : index
        %parallel_loop3A_549 = tpu.vector_load %arg25[%parallel_loop3A_546, %parallel_loop3A_547, %parallel_loop3A_548] {strides = array<i32>} : memref<2x128x16xf32, #tpu.memory_space<vmem>>, vector<16xf32>,
        %parallel_loop3A_550 = arith.constant 16 : i32
        %parallel_loop3A_551 = arith.muli %parallel_loop3A_516, %parallel_loop3A_550 : i32
        %parallel_loop3A_552 = arith.constant 2 : i32
        %parallel_loop3A_553 = arith.addi %parallel_loop3A_551, %parallel_loop3A_552 : i32
        %parallel_loop3A_554 = arith.index_cast %select_n3A_276 : i32 to index
        %parallel_loop3A_555 = arith.index_cast %parallel_loop3A_553 : i32 to index
        %parallel_loop3A_556 = arith.constant 0 : index
        %parallel_loop3A_557 = tpu.vector_load %arg25[%parallel_loop3A_554, %parallel_loop3A_555, %parallel_loop3A_556] {strides = array<i32>} : memref<2x128x16xf32, #tpu.memory_space<vmem>>, vector<16xf32>,
        %parallel_loop3A_558 = arith.constant 16 : i32
        %parallel_loop3A_559 = arith.muli %parallel_loop3A_516, %parallel_loop3A_558 : i32
        %parallel_loop3A_560 = arith.constant 3 : i32
        %parallel_loop3A_561 = arith.addi %parallel_loop3A_559, %parallel_loop3A_560 : i32
        %parallel_loop3A_562 = arith.index_cast %select_n3A_276 : i32 to index
        %parallel_loop3A_563 = arith.index_cast %parallel_loop3A_561 : i32 to index
        %parallel_loop3A_564 = arith.constant 0 : index
        %parallel_loop3A_565 = tpu.vector_load %arg25[%parallel_loop3A_562, %parallel_loop3A_563, %parallel_loop3A_564] {strides = array<i32>} : memref<2x128x16xf32, #tpu.memory_space<vmem>>, vector<16xf32>,
        %parallel_loop3A_566 = arith.constant 16 : i32
        %parallel_loop3A_567 = arith.muli %parallel_loop3A_516, %parallel_loop3A_566 : i32
        %parallel_loop3A_568 = arith.constant 4 : i32
        %parallel_loop3A_569 = arith.addi %parallel_loop3A_567, %parallel_loop3A_568 : i32
        %parallel_loop3A_570 = arith.index_cast %select_n3A_276 : i32 to index
        %parallel_loop3A_571 = arith.index_cast %parallel_loop3A_569 : i32 to index
        %parallel_loop3A_572 = arith.constant 0 : index
        %parallel_loop3A_573 = tpu.vector_load %arg25[%parallel_loop3A_570, %parallel_loop3A_571, %parallel_loop3A_572] {strides = array<i32>} : memref<2x128x16xf32, #tpu.memory_space<vmem>>, vector<16xf32>,
        %parallel_loop3A_574 = arith.constant 16 : i32
        %parallel_loop3A_575 = arith.muli %parallel_loop3A_516, %parallel_loop3A_574 : i32
        %parallel_loop3A_576 = arith.constant 5 : i32
        %parallel_loop3A_577 = arith.addi %parallel_loop3A_575, %parallel_loop3A_576 : i32
        %parallel_loop3A_578 = arith.index_cast %select_n3A_276 : i32 to index
        %parallel_loop3A_579 = arith.index_cast %parallel_loop3A_577 : i32 to index
        %parallel_loop3A_580 = arith.constant 0 : index
        %parallel_loop3A_581 = tpu.vector_load %arg25[%parallel_loop3A_578, %parallel_loop3A_579, %parallel_loop3A_580] {strides = array<i32>} : memref<2x128x16xf32, #tpu.memory_space<vmem>>, vector<16xf32>,
        %parallel_loop3A_582 = arith.constant 16 : i32
        %parallel_loop3A_583 = arith.muli %parallel_loop3A_516, %parallel_loop3A_582 : i32
        %parallel_loop3A_584 = arith.constant 6 : i32
        %parallel_loop3A_585 = arith.addi %parallel_loop3A_583, %parallel_loop3A_584 : i32
        %parallel_loop3A_586 = arith.index_cast %select_n3A_276 : i32 to index
        %parallel_loop3A_587 = arith.index_cast %parallel_loop3A_585 : i32 to index
        %parallel_loop3A_588 = arith.constant 0 : index
        %parallel_loop3A_589 = tpu.vector_load %arg25[%parallel_loop3A_586, %parallel_loop3A_587, %parallel_loop3A_588] {strides = array<i32>} : memref<2x128x16xf32, #tpu.memory_space<vmem>>, vector<16xf32>,
        %parallel_loop3A_590 = arith.constant 16 : i32
        %parallel_loop3A_591 = arith.muli %parallel_loop3A_516, %parallel_loop3A_590 : i32
        %parallel_loop3A_592 = arith.constant 7 : i32
        %parallel_loop3A_593 = arith.addi %parallel_loop3A_591, %parallel_loop3A_592 : i32
        %parallel_loop3A_594 = arith.index_cast %select_n3A_276 : i32 to index
        %parallel_loop3A_595 = arith.index_cast %parallel_loop3A_593 : i32 to index
        %parallel_loop3A_596 = arith.constant 0 : index
        %parallel_loop3A_597 = tpu.vector_load %arg25[%parallel_loop3A_594, %parallel_loop3A_595, %parallel_loop3A_596] {strides = array<i32>} : memref<2x128x16xf32, #tpu.memory_space<vmem>>, vector<16xf32>,
        %parallel_loop3A_598 = arith.constant 16 : i32
        %parallel_loop3A_599 = arith.muli %parallel_loop3A_516, %parallel_loop3A_598 : i32
        %parallel_loop3A_600 = arith.constant 8 : i32
        %parallel_loop3A_601 = arith.addi %parallel_loop3A_599, %parallel_loop3A_600 : i32
        %parallel_loop3A_602 = arith.index_cast %select_n3A_276 : i32 to index
        %parallel_loop3A_603 = arith.index_cast %parallel_loop3A_601 : i32 to index
        %parallel_loop3A_604 = arith.constant 0 : index
        %parallel_loop3A_605 = tpu.vector_load %arg25[%parallel_loop3A_602, %parallel_loop3A_603, %parallel_loop3A_604] {strides = array<i32>} : memref<2x128x16xf32, #tpu.memory_space<vmem>>, vector<16xf32>,
        %parallel_loop3A_606 = arith.constant 16 : i32
        %parallel_loop3A_607 = arith.muli %parallel_loop3A_516, %parallel_loop3A_606 : i32
        %parallel_loop3A_608 = arith.constant 9 : i32
        %parallel_loop3A_609 = arith.addi %parallel_loop3A_607, %parallel_loop3A_608 : i32
        %parallel_loop3A_610 = arith.index_cast %select_n3A_276 : i32 to index
        %parallel_loop3A_611 = arith.index_cast %parallel_loop3A_609 : i32 to index
        %parallel_loop3A_612 = arith.constant 0 : index
        %parallel_loop3A_613 = tpu.vector_load %arg25[%parallel_loop3A_610, %parallel_loop3A_611, %parallel_loop3A_612] {strides = array<i32>} : memref<2x128x16xf32, #tpu.memory_space<vmem>>, vector<16xf32>,
        %parallel_loop3A_614 = arith.constant 16 : i32
        %parallel_loop3A_615 = arith.muli %parallel_loop3A_516, %parallel_loop3A_614 : i32
        %parallel_loop3A_616 = arith.constant 10 : i32
        %parallel_loop3A_617 = arith.addi %parallel_loop3A_615, %parallel_loop3A_616 : i32
        %parallel_loop3A_618 = arith.index_cast %select_n3A_276 : i32 to index
        %parallel_loop3A_619 = arith.index_cast %parallel_loop3A_617 : i32 to index
        %parallel_loop3A_620 = arith.constant 0 : index
        %parallel_loop3A_621 = tpu.vector_load %arg25[%parallel_loop3A_618, %parallel_loop3A_619, %parallel_loop3A_620] {strides = array<i32>} : memref<2x128x16xf32, #tpu.memory_space<vmem>>, vector<16xf32>,
        %parallel_loop3A_622 = arith.constant 16 : i32
        %parallel_loop3A_623 = arith.muli %parallel_loop3A_516, %parallel_loop3A_622 : i32
        %parallel_loop3A_624 = arith.constant 11 : i32
        %parallel_loop3A_625 = arith.addi %parallel_loop3A_623, %parallel_loop3A_624 : i32
        %parallel_loop3A_626 = arith.index_cast %select_n3A_276 : i32 to index
        %parallel_loop3A_627 = arith.index_cast %parallel_loop3A_625 : i32 to index
        %parallel_loop3A_628 = arith.constant 0 : index
        %parallel_loop3A_629 = tpu.vector_load %arg25[%parallel_loop3A_626, %parallel_loop3A_627, %parallel_loop3A_628] {strides = array<i32>} : memref<2x128x16xf32, #tpu.memory_space<vmem>>, vector<16xf32>,
        %parallel_loop3A_630 = arith.constant 16 : i32
        %parallel_loop3A_631 = arith.muli %parallel_loop3A_516, %parallel_loop3A_630 : i32
        %parallel_loop3A_632 = arith.constant 12 : i32
        %parallel_loop3A_633 = arith.addi %parallel_loop3A_631, %parallel_loop3A_632 : i32
        %parallel_loop3A_634 = arith.index_cast %select_n3A_276 : i32 to index
        %parallel_loop3A_635 = arith.index_cast %parallel_loop3A_633 : i32 to index
        %parallel_loop3A_636 = arith.constant 0 : index
        %parallel_loop3A_637 = tpu.vector_load %arg25[%parallel_loop3A_634, %parallel_loop3A_635, %parallel_loop3A_636] {strides = array<i32>} : memref<2x128x16xf32, #tpu.memory_space<vmem>>, vector<16xf32>,
        %parallel_loop3A_638 = arith.constant 16 : i32
        %parallel_loop3A_639 = arith.muli %parallel_loop3A_516, %parallel_loop3A_638 : i32
        %parallel_loop3A_640 = arith.constant 13 : i32
        %parallel_loop3A_641 = arith.addi %parallel_loop3A_639, %parallel_loop3A_640 : i32
        %parallel_loop3A_642 = arith.index_cast %select_n3A_276 : i32 to index
        %parallel_loop3A_643 = arith.index_cast %parallel_loop3A_641 : i32 to index
        %parallel_loop3A_644 = arith.constant 0 : index
        %parallel_loop3A_645 = tpu.vector_load %arg25[%parallel_loop3A_642, %parallel_loop3A_643, %parallel_loop3A_644] {strides = array<i32>} : memref<2x128x16xf32, #tpu.memory_space<vmem>>, vector<16xf32>,
        %parallel_loop3A_646 = arith.constant 16 : i32
        %parallel_loop3A_647 = arith.muli %parallel_loop3A_516, %parallel_loop3A_646 : i32
        %parallel_loop3A_648 = arith.constant 14 : i32
        %parallel_loop3A_649 = arith.addi %parallel_loop3A_647, %parallel_loop3A_648 : i32
        %parallel_loop3A_650 = arith.index_cast %select_n3A_276 : i32 to index
        %parallel_loop3A_651 = arith.index_cast %parallel_loop3A_649 : i32 to index
        %parallel_loop3A_652 = arith.constant 0 : index
        %parallel_loop3A_653 = tpu.vector_load %arg25[%parallel_loop3A_650, %parallel_loop3A_651, %parallel_loop3A_652] {strides = array<i32>} : memref<2x128x16xf32, #tpu.memory_space<vmem>>, vector<16xf32>,
        %parallel_loop3A_654 = arith.constant 16 : i32
        %parallel_loop3A_655 = arith.muli %parallel_loop3A_516, %parallel_loop3A_654 : i32
        %parallel_loop3A_656 = arith.constant 15 : i32
        %parallel_loop3A_657 = arith.addi %parallel_loop3A_655, %parallel_loop3A_656 : i32
        %parallel_loop3A_658 = arith.index_cast %select_n3A_276 : i32 to index
        %parallel_loop3A_659 = arith.index_cast %parallel_loop3A_657 : i32 to index
        %parallel_loop3A_660 = arith.constant 0 : index
        %parallel_loop3A_661 = tpu.vector_load %arg25[%parallel_loop3A_658, %parallel_loop3A_659, %parallel_loop3A_660] {strides = array<i32>} : memref<2x128x16xf32, #tpu.memory_space<vmem>>, vector<16xf32>,
        %parallel_loop3A_662 = arith.index_cast %parallel_loop3A_519 : i32 to index
        %parallel_loop3A_663 = arith.constant 0 : index
        %parallel_loop3A_664 = tpu.vector_load %arg19[%parallel_loop3A_662, %parallel_loop3A_663] {strides = array<i32>} : memref<128x16xf32, #tpu.memory_space<vmem>>, vector<16xf32>,
        %parallel_loop3A_665 = vector.extract_strided_slice %parallel_loop3A_529 {offsets = [0], sizes = [1], strides = [1]} : vector<16xf32> to vector<1xf32>
        %parallel_loop3A_666 = vector.extract %parallel_loop3A_665[0] : f32 from vector<1xf32>
        %parallel_loop3A_667 = vector.broadcast %parallel_loop3A_666 : f32 to vector<16xf32>
        %parallel_loop3A_668 = arith.mulf %parallel_loop3A_667, %parallel_loop3A_541 : vector<16xf32>
        %parallel_loop3A_669 = vector.extract_strided_slice %parallel_loop3A_529 {offsets = [1], sizes = [1], strides = [1]} : vector<16xf32> to vector<1xf32>
        %parallel_loop3A_670 = vector.extract %parallel_loop3A_669[0] : f32 from vector<1xf32>
        %parallel_loop3A_671 = vector.broadcast %parallel_loop3A_670 : f32 to vector<16xf32>
        %parallel_loop3A_672 = arith.mulf %parallel_loop3A_671, %parallel_loop3A_549 : vector<16xf32>
        %parallel_loop3A_673 = arith.addf %parallel_loop3A_668, %parallel_loop3A_672 : vector<16xf32>
        %parallel_loop3A_674 = vector.extract_strided_slice %parallel_loop3A_529 {offsets = [2], sizes = [1], strides = [1]} : vector<16xf32> to vector<1xf32>
        %parallel_loop3A_675 = vector.extract %parallel_loop3A_674[0] : f32 from vector<1xf32>
        %parallel_loop3A_676 = vector.broadcast %parallel_loop3A_675 : f32 to vector<16xf32>
        %parallel_loop3A_677 = arith.mulf %parallel_loop3A_676, %parallel_loop3A_557 : vector<16xf32>
        %parallel_loop3A_678 = arith.addf %parallel_loop3A_673, %parallel_loop3A_677 : vector<16xf32>
        %parallel_loop3A_679 = vector.extract_strided_slice %parallel_loop3A_529 {offsets = [3], sizes = [1], strides = [1]} : vector<16xf32> to vector<1xf32>
        %parallel_loop3A_680 = vector.extract %parallel_loop3A_679[0] : f32 from vector<1xf32>
        %parallel_loop3A_681 = vector.broadcast %parallel_loop3A_680 : f32 to vector<16xf32>
        %parallel_loop3A_682 = arith.mulf %parallel_loop3A_681, %parallel_loop3A_565 : vector<16xf32>
        %parallel_loop3A_683 = arith.addf %parallel_loop3A_678, %parallel_loop3A_682 : vector<16xf32>
        %parallel_loop3A_684 = vector.extract_strided_slice %parallel_loop3A_529 {offsets = [4], sizes = [1], strides = [1]} : vector<16xf32> to vector<1xf32>
        %parallel_loop3A_685 = vector.extract %parallel_loop3A_684[0] : f32 from vector<1xf32>
        %parallel_loop3A_686 = vector.broadcast %parallel_loop3A_685 : f32 to vector<16xf32>
        %parallel_loop3A_687 = arith.mulf %parallel_loop3A_686, %parallel_loop3A_573 : vector<16xf32>
        %parallel_loop3A_688 = vector.extract_strided_slice %parallel_loop3A_529 {offsets = [5], sizes = [1], strides = [1]} : vector<16xf32> to vector<1xf32>
        %parallel_loop3A_689 = vector.extract %parallel_loop3A_688[0] : f32 from vector<1xf32>
        %parallel_loop3A_690 = vector.broadcast %parallel_loop3A_689 : f32 to vector<16xf32>
        %parallel_loop3A_691 = arith.mulf %parallel_loop3A_690, %parallel_loop3A_581 : vector<16xf32>
        %parallel_loop3A_692 = arith.addf %parallel_loop3A_687, %parallel_loop3A_691 : vector<16xf32>
        %parallel_loop3A_693 = vector.extract_strided_slice %parallel_loop3A_529 {offsets = [6], sizes = [1], strides = [1]} : vector<16xf32> to vector<1xf32>
        %parallel_loop3A_694 = vector.extract %parallel_loop3A_693[0] : f32 from vector<1xf32>
        %parallel_loop3A_695 = vector.broadcast %parallel_loop3A_694 : f32 to vector<16xf32>
        %parallel_loop3A_696 = arith.mulf %parallel_loop3A_695, %parallel_loop3A_589 : vector<16xf32>
        %parallel_loop3A_697 = arith.addf %parallel_loop3A_692, %parallel_loop3A_696 : vector<16xf32>
        %parallel_loop3A_698 = vector.extract_strided_slice %parallel_loop3A_529 {offsets = [7], sizes = [1], strides = [1]} : vector<16xf32> to vector<1xf32>
        %parallel_loop3A_699 = vector.extract %parallel_loop3A_698[0] : f32 from vector<1xf32>
        %parallel_loop3A_700 = vector.broadcast %parallel_loop3A_699 : f32 to vector<16xf32>
        %parallel_loop3A_701 = arith.mulf %parallel_loop3A_700, %parallel_loop3A_597 : vector<16xf32>
        %parallel_loop3A_702 = arith.addf %parallel_loop3A_697, %parallel_loop3A_701 : vector<16xf32>
        %parallel_loop3A_703 = vector.extract_strided_slice %parallel_loop3A_529 {offsets = [8], sizes = [1], strides = [1]} : vector<16xf32> to vector<1xf32>
        %parallel_loop3A_704 = vector.extract %parallel_loop3A_703[0] : f32 from vector<1xf32>
        %parallel_loop3A_705 = vector.broadcast %parallel_loop3A_704 : f32 to vector<16xf32>
        %parallel_loop3A_706 = arith.mulf %parallel_loop3A_705, %parallel_loop3A_605 : vector<16xf32>
        %parallel_loop3A_707 = vector.extract_strided_slice %parallel_loop3A_529 {offsets = [9], sizes = [1], strides = [1]} : vector<16xf32> to vector<1xf32>
        %parallel_loop3A_708 = vector.extract %parallel_loop3A_707[0] : f32 from vector<1xf32>
        %parallel_loop3A_709 = vector.broadcast %parallel_loop3A_708 : f32 to vector<16xf32>
        %parallel_loop3A_710 = arith.mulf %parallel_loop3A_709, %parallel_loop3A_613 : vector<16xf32>
        %parallel_loop3A_711 = arith.addf %parallel_loop3A_706, %parallel_loop3A_710 : vector<16xf32>
        %parallel_loop3A_712 = vector.extract_strided_slice %parallel_loop3A_529 {offsets = [10], sizes = [1], strides = [1]} : vector<16xf32> to vector<1xf32>
        %parallel_loop3A_713 = vector.extract %parallel_loop3A_712[0] : f32 from vector<1xf32>
        %parallel_loop3A_714 = vector.broadcast %parallel_loop3A_713 : f32 to vector<16xf32>
        %parallel_loop3A_715 = arith.mulf %parallel_loop3A_714, %parallel_loop3A_621 : vector<16xf32>
        %parallel_loop3A_716 = arith.addf %parallel_loop3A_711, %parallel_loop3A_715 : vector<16xf32>
        %parallel_loop3A_717 = vector.extract_strided_slice %parallel_loop3A_529 {offsets = [11], sizes = [1], strides = [1]} : vector<16xf32> to vector<1xf32>
        %parallel_loop3A_718 = vector.extract %parallel_loop3A_717[0] : f32 from vector<1xf32>
        %parallel_loop3A_719 = vector.broadcast %parallel_loop3A_718 : f32 to vector<16xf32>
        %parallel_loop3A_720 = arith.mulf %parallel_loop3A_719, %parallel_loop3A_629 : vector<16xf32>
        %parallel_loop3A_721 = arith.addf %parallel_loop3A_716, %parallel_loop3A_720 : vector<16xf32>
        %parallel_loop3A_722 = vector.extract_strided_slice %parallel_loop3A_529 {offsets = [12], sizes = [1], strides = [1]} : vector<16xf32> to vector<1xf32>
        %parallel_loop3A_723 = vector.extract %parallel_loop3A_722[0] : f32 from vector<1xf32>
        %parallel_loop3A_724 = vector.broadcast %parallel_loop3A_723 : f32 to vector<16xf32>
        %parallel_loop3A_725 = arith.mulf %parallel_loop3A_724, %parallel_loop3A_637 : vector<16xf32>
        %parallel_loop3A_726 = vector.extract_strided_slice %parallel_loop3A_529 {offsets = [13], sizes = [1], strides = [1]} : vector<16xf32> to vector<1xf32>
        %parallel_loop3A_727 = vector.extract %parallel_loop3A_726[0] : f32 from vector<1xf32>
        %parallel_loop3A_728 = vector.broadcast %parallel_loop3A_727 : f32 to vector<16xf32>
        %parallel_loop3A_729 = arith.mulf %parallel_loop3A_728, %parallel_loop3A_645 : vector<16xf32>
        %parallel_loop3A_730 = arith.addf %parallel_loop3A_725, %parallel_loop3A_729 : vector<16xf32>
        %parallel_loop3A_731 = vector.extract_strided_slice %parallel_loop3A_529 {offsets = [14], sizes = [1], strides = [1]} : vector<16xf32> to vector<1xf32>
        %parallel_loop3A_732 = vector.extract %parallel_loop3A_731[0] : f32 from vector<1xf32>
        %parallel_loop3A_733 = vector.broadcast %parallel_loop3A_732 : f32 to vector<16xf32>
        %parallel_loop3A_734 = arith.mulf %parallel_loop3A_733, %parallel_loop3A_653 : vector<16xf32>
        %parallel_loop3A_735 = arith.addf %parallel_loop3A_730, %parallel_loop3A_734 : vector<16xf32>
        %parallel_loop3A_736 = vector.extract_strided_slice %parallel_loop3A_529 {offsets = [15], sizes = [1], strides = [1]} : vector<16xf32> to vector<1xf32>
        %parallel_loop3A_737 = vector.extract %parallel_loop3A_736[0] : f32 from vector<1xf32>
        %parallel_loop3A_738 = vector.broadcast %parallel_loop3A_737 : f32 to vector<16xf32>
        %parallel_loop3A_739 = arith.mulf %parallel_loop3A_738, %parallel_loop3A_661 : vector<16xf32>
        %parallel_loop3A_740 = arith.addf %parallel_loop3A_735, %parallel_loop3A_739 : vector<16xf32>
        %parallel_loop3A_741 = arith.addf %parallel_loop3A_683, %parallel_loop3A_702 : vector<16xf32>
        %parallel_loop3A_742 = arith.addf %parallel_loop3A_721, %parallel_loop3A_740 : vector<16xf32>
        %parallel_loop3A_743 = arith.addf %parallel_loop3A_741, %parallel_loop3A_742 : vector<16xf32>
        %parallel_loop3A_744 = vector.broadcast %parallel_loop3A_533 : f32 to vector<16xf32>
        %parallel_loop3A_745 = arith.divf %parallel_loop3A_743, %parallel_loop3A_744 : vector<16xf32>
        %parallel_loop3A_746 = arith.addf %parallel_loop3A_664, %parallel_loop3A_745 : vector<16xf32>
        %parallel_loop3A_747 = arith.index_cast %parallel_loop3A_519 : i32 to index
        %parallel_loop3A_748 = arith.constant 0 : index
        %parallel_loop3A_749 = tpu.vector_load %arg24[%parallel_loop3A_747, %parallel_loop3A_748] {strides = array<i32>} : memref<128x16xf32, #tpu.memory_space<vmem>>, vector<16xf32>,
        tpu.vector_store %arg24[%parallel_loop3A_747, %parallel_loop3A_748], %parallel_loop3A_746 {strides = array<i32>} : memref<128x16xf32, #tpu.memory_space<vmem>>, vector<16xf32>,
      } {sc.loop_unroll_factor = 8 : i64, sc.parallel_access}
      %parallel_loop3A_313 = arith.constant 0 : i32
      %parallel_loop3A_314 = arith.constant 16 : i32
      %parallel_loop3A_315 = arith.constant 1 : i32
      scf.for %parallel_loop3A_516 = %parallel_loop3A_313 to %parallel_loop3A_314 step %parallel_loop3A_315  : i32 {
        %parallel_loop3A_517 = arith.constant 8 : i32
        %parallel_loop3A_518 = arith.muli %parallel_loop3A_516, %parallel_loop3A_517 : i32
        %parallel_loop3A_519 = arith.constant 0 : i32
        %parallel_loop3A_520 = arith.addi %parallel_loop3A_518, %parallel_loop3A_519 : i32
        %parallel_loop3A_521 = arith.index_cast %select_n3A_276 : i32 to index
        %parallel_loop3A_522 = arith.index_cast %parallel_loop3A_520 : i32 to index
        %parallel_loop3A_523 = arith.constant 0 : index
        %parallel_loop3A_524 = tpu.vector_load %arg27[%parallel_loop3A_521, %parallel_loop3A_522, %parallel_loop3A_523] {strides = array<i32>} : memref<2x128x16xi32, #tpu.memory_space<vmem>>, vector<16xi32>,
        %parallel_loop3A_525 = arith.index_cast %parallel_loop3A_516 : i32 to index
        %parallel_loop3A_526 = arith.constant 0 : index
        %parallel_loop3A_527 = tpu.vector_load %arg28[%parallel_loop3A_525, %parallel_loop3A_526] {strides = array<i32>} : memref<16x128xi32, #tpu.memory_space<vmem>>, vector<16xi32>,
        tpu.vector_store %arg28[%parallel_loop3A_525, %parallel_loop3A_526], %parallel_loop3A_524 {strides = array<i32>} : memref<16x128xi32, #tpu.memory_space<vmem>>, vector<16xi32>,
        %parallel_loop3A_528 = arith.constant 8 : i32
        %parallel_loop3A_529 = arith.muli %parallel_loop3A_516, %parallel_loop3A_528 : i32
        %parallel_loop3A_530 = arith.constant 1 : i32
        %parallel_loop3A_531 = arith.addi %parallel_loop3A_529, %parallel_loop3A_530 : i32
        %parallel_loop3A_532 = arith.index_cast %select_n3A_276 : i32 to index
        %parallel_loop3A_533 = arith.index_cast %parallel_loop3A_531 : i32 to index
        %parallel_loop3A_534 = arith.constant 0 : index
        %parallel_loop3A_535 = tpu.vector_load %arg27[%parallel_loop3A_532, %parallel_loop3A_533, %parallel_loop3A_534] {strides = array<i32>} : memref<2x128x16xi32, #tpu.memory_space<vmem>>, vector<16xi32>,
        %parallel_loop3A_536 = arith.index_cast %parallel_loop3A_516 : i32 to index
        %parallel_loop3A_537 = arith.constant 16 : index
        %parallel_loop3A_538 = tpu.vector_load %arg28[%parallel_loop3A_536, %parallel_loop3A_537] {strides = array<i32>} : memref<16x128xi32, #tpu.memory_space<vmem>>, vector<16xi32>,
        tpu.vector_store %arg28[%parallel_loop3A_536, %parallel_loop3A_537], %parallel_loop3A_535 {strides = array<i32>} : memref<16x128xi32, #tpu.memory_space<vmem>>, vector<16xi32>,
        %parallel_loop3A_539 = arith.constant 8 : i32
        %parallel_loop3A_540 = arith.muli %parallel_loop3A_516, %parallel_loop3A_539 : i32
        %parallel_loop3A_541 = arith.constant 2 : i32
        %parallel_loop3A_542 = arith.addi %parallel_loop3A_540, %parallel_loop3A_541 : i32
        %parallel_loop3A_543 = arith.index_cast %select_n3A_276 : i32 to index
        %parallel_loop3A_544 = arith.index_cast %parallel_loop3A_542 : i32 to index
        %parallel_loop3A_545 = arith.constant 0 : index
        %parallel_loop3A_546 = tpu.vector_load %arg27[%parallel_loop3A_543, %parallel_loop3A_544, %parallel_loop3A_545] {strides = array<i32>} : memref<2x128x16xi32, #tpu.memory_space<vmem>>, vector<16xi32>,
        %parallel_loop3A_547 = arith.index_cast %parallel_loop3A_516 : i32 to index
        %parallel_loop3A_548 = arith.constant 32 : index
        %parallel_loop3A_549 = tpu.vector_load %arg28[%parallel_loop3A_547, %parallel_loop3A_548] {strides = array<i32>} : memref<16x128xi32, #tpu.memory_space<vmem>>, vector<16xi32>,
        tpu.vector_store %arg28[%parallel_loop3A_547, %parallel_loop3A_548], %parallel_loop3A_546 {strides = array<i32>} : memref<16x128xi32, #tpu.memory_space<vmem>>, vector<16xi32>,
        %parallel_loop3A_550 = arith.constant 8 : i32
        %parallel_loop3A_551 = arith.muli %parallel_loop3A_516, %parallel_loop3A_550 : i32
        %parallel_loop3A_552 = arith.constant 3 : i32
        %parallel_loop3A_553 = arith.addi %parallel_loop3A_551, %parallel_loop3A_552 : i32
        %parallel_loop3A_554 = arith.index_cast %select_n3A_276 : i32 to index
        %parallel_loop3A_555 = arith.index_cast %parallel_loop3A_553 : i32 to index
        %parallel_loop3A_556 = arith.constant 0 : index
        %parallel_loop3A_557 = tpu.vector_load %arg27[%parallel_loop3A_554, %parallel_loop3A_555, %parallel_loop3A_556] {strides = array<i32>} : memref<2x128x16xi32, #tpu.memory_space<vmem>>, vector<16xi32>,
        %parallel_loop3A_558 = arith.index_cast %parallel_loop3A_516 : i32 to index
        %parallel_loop3A_559 = arith.constant 48 : index
        %parallel_loop3A_560 = tpu.vector_load %arg28[%parallel_loop3A_558, %parallel_loop3A_559] {strides = array<i32>} : memref<16x128xi32, #tpu.memory_space<vmem>>, vector<16xi32>,
        tpu.vector_store %arg28[%parallel_loop3A_558, %parallel_loop3A_559], %parallel_loop3A_557 {strides = array<i32>} : memref<16x128xi32, #tpu.memory_space<vmem>>, vector<16xi32>,
        %parallel_loop3A_561 = arith.constant 8 : i32
        %parallel_loop3A_562 = arith.muli %parallel_loop3A_516, %parallel_loop3A_561 : i32
        %parallel_loop3A_563 = arith.constant 4 : i32
        %parallel_loop3A_564 = arith.addi %parallel_loop3A_562, %parallel_loop3A_563 : i32
        %parallel_loop3A_565 = arith.index_cast %select_n3A_276 : i32 to index
        %parallel_loop3A_566 = arith.index_cast %parallel_loop3A_564 : i32 to index
        %parallel_loop3A_567 = arith.constant 0 : index
        %parallel_loop3A_568 = tpu.vector_load %arg27[%parallel_loop3A_565, %parallel_loop3A_566, %parallel_loop3A_567] {strides = array<i32>} : memref<2x128x16xi32, #tpu.memory_space<vmem>>, vector<16xi32>,
        %parallel_loop3A_569 = arith.index_cast %parallel_loop3A_516 : i32 to index
        %parallel_loop3A_570 = arith.constant 64 : index
        %parallel_loop3A_571 = tpu.vector_load %arg28[%parallel_loop3A_569, %parallel_loop3A_570] {strides = array<i32>} : memref<16x128xi32, #tpu.memory_space<vmem>>, vector<16xi32>,
        tpu.vector_store %arg28[%parallel_loop3A_569, %parallel_loop3A_570], %parallel_loop3A_568 {strides = array<i32>} : memref<16x128xi32, #tpu.memory_space<vmem>>, vector<16xi32>,
        %parallel_loop3A_572 = arith.constant 8 : i32
        %parallel_loop3A_573 = arith.muli %parallel_loop3A_516, %parallel_loop3A_572 : i32
        %parallel_loop3A_574 = arith.constant 5 : i32
        %parallel_loop3A_575 = arith.addi %parallel_loop3A_573, %parallel_loop3A_574 : i32
        %parallel_loop3A_576 = arith.index_cast %select_n3A_276 : i32 to index
        %parallel_loop3A_577 = arith.index_cast %parallel_loop3A_575 : i32 to index
        %parallel_loop3A_578 = arith.constant 0 : index
        %parallel_loop3A_579 = tpu.vector_load %arg27[%parallel_loop3A_576, %parallel_loop3A_577, %parallel_loop3A_578] {strides = array<i32>} : memref<2x128x16xi32, #tpu.memory_space<vmem>>, vector<16xi32>,
        %parallel_loop3A_580 = arith.index_cast %parallel_loop3A_516 : i32 to index
        %parallel_loop3A_581 = arith.constant 80 : index
        %parallel_loop3A_582 = tpu.vector_load %arg28[%parallel_loop3A_580, %parallel_loop3A_581] {strides = array<i32>} : memref<16x128xi32, #tpu.memory_space<vmem>>, vector<16xi32>,
        tpu.vector_store %arg28[%parallel_loop3A_580, %parallel_loop3A_581], %parallel_loop3A_579 {strides = array<i32>} : memref<16x128xi32, #tpu.memory_space<vmem>>, vector<16xi32>,
        %parallel_loop3A_583 = arith.constant 8 : i32
        %parallel_loop3A_584 = arith.muli %parallel_loop3A_516, %parallel_loop3A_583 : i32
        %parallel_loop3A_585 = arith.constant 6 : i32
        %parallel_loop3A_586 = arith.addi %parallel_loop3A_584, %parallel_loop3A_585 : i32
        %parallel_loop3A_587 = arith.index_cast %select_n3A_276 : i32 to index
        %parallel_loop3A_588 = arith.index_cast %parallel_loop3A_586 : i32 to index
        %parallel_loop3A_589 = arith.constant 0 : index
        %parallel_loop3A_590 = tpu.vector_load %arg27[%parallel_loop3A_587, %parallel_loop3A_588, %parallel_loop3A_589] {strides = array<i32>} : memref<2x128x16xi32, #tpu.memory_space<vmem>>, vector<16xi32>,
        %parallel_loop3A_591 = arith.index_cast %parallel_loop3A_516 : i32 to index
        %parallel_loop3A_592 = arith.constant 96 : index
        %parallel_loop3A_593 = tpu.vector_load %arg28[%parallel_loop3A_591, %parallel_loop3A_592] {strides = array<i32>} : memref<16x128xi32, #tpu.memory_space<vmem>>, vector<16xi32>,
        tpu.vector_store %arg28[%parallel_loop3A_591, %parallel_loop3A_592], %parallel_loop3A_590 {strides = array<i32>} : memref<16x128xi32, #tpu.memory_space<vmem>>, vector<16xi32>,
        %parallel_loop3A_594 = arith.constant 8 : i32
        %parallel_loop3A_595 = arith.muli %parallel_loop3A_516, %parallel_loop3A_594 : i32
        %parallel_loop3A_596 = arith.constant 7 : i32
        %parallel_loop3A_597 = arith.addi %parallel_loop3A_595, %parallel_loop3A_596 : i32
        %parallel_loop3A_598 = arith.index_cast %select_n3A_276 : i32 to index
        %parallel_loop3A_599 = arith.index_cast %parallel_loop3A_597 : i32 to index
        %parallel_loop3A_600 = arith.constant 0 : index
        %parallel_loop3A_601 = tpu.vector_load %arg27[%parallel_loop3A_598, %parallel_loop3A_599, %parallel_loop3A_600] {strides = array<i32>} : memref<2x128x16xi32, #tpu.memory_space<vmem>>, vector<16xi32>,
        %parallel_loop3A_602 = arith.index_cast %parallel_loop3A_516 : i32 to index
        %parallel_loop3A_603 = arith.constant 112 : index
        %parallel_loop3A_604 = tpu.vector_load %arg28[%parallel_loop3A_602, %parallel_loop3A_603] {strides = array<i32>} : memref<16x128xi32, #tpu.memory_space<vmem>>, vector<16xi32>,
        tpu.vector_store %arg28[%parallel_loop3A_602, %parallel_loop3A_603], %parallel_loop3A_601 {strides = array<i32>} : memref<16x128xi32, #tpu.memory_space<vmem>>, vector<16xi32>,
      } {sc.loop_unroll_factor = 4 : i64, sc.parallel_access}
      %dma_start3A_316 = arith.constant 0 : i32
      %dma_start3A_317 = arith.constant 0 : i32
      %dma_start3A_318 = arith.constant 0 : i32
      %dma_start3A_319 = arith.constant 0 : i32
      %dma_start3A_320 = tpu.memref_slice %arg30[%dma_start3A_317, %dma_start3A_318, %dma_start3A_319] : memref<16x128x16xf32, #tpu.memory_space<vmem>> -> memref<1x128x16xf32, #tpu.memory_space<vmem>>
      %dma_start3A_321 = tpu.memref_squeeze %dma_start3A_320 : memref<1x128x16xf32, #tpu.memory_space<vmem>> -> memref<128x16xf32, #tpu.memory_space<vmem>>
      %dma_start3A_322 = arith.constant 0 : i32
      %dma_start3A_323 = tpu.memref_slice %arg28[%dma_start3A_316, %dma_start3A_322] : memref<16x128xi32, #tpu.memory_space<vmem>> -> memref<1x128xi32, #tpu.memory_space<vmem>>
      %dma_start3A_324 = tpu.memref_squeeze %dma_start3A_323 : memref<1x128xi32, #tpu.memory_space<vmem>> -> memref<128xi32, #tpu.memory_space<vmem>>
      %dma_start3A_325 = arith.constant 0 : i32
      %dma_start3A_326 = arith.constant 0 : i32
      %dma_start3A_327 = tpu.memref_slice %arg5[%dma_start3A_325, %dma_start3A_326] : memref<100000x16xf32, #tpu.memory_space<hbm>> -> memref<100000x16xf32, #tpu.memory_space<hbm>>
      tpu.enqueue_indirect_dma source(%dma_start3A_327 : memref<100000x16xf32, #tpu.memory_space<hbm>>) target(%dma_start3A_321 : memref<128x16xf32, #tpu.memory_space<vmem>>) offsets(%dma_start3A_324 : memref<128xi32, #tpu.memory_space<vmem>>) semaphore(%arg32 : memref<!tpu.dma_semaphore, #tpu.memory_space<semaphore_mem>>)
      %dma_start3A_328 = arith.constant 1 : i32
      %dma_start3A_329 = arith.constant 1 : i32
      %dma_start3A_330 = arith.constant 0 : i32
      %dma_start3A_331 = arith.constant 0 : i32
      %dma_start3A_332 = tpu.memref_slice %arg30[%dma_start3A_329, %dma_start3A_330, %dma_start3A_331] : memref<16x128x16xf32, #tpu.memory_space<vmem>> -> memref<1x128x16xf32, #tpu.memory_space<vmem>>
      %dma_start3A_333 = tpu.memref_squeeze %dma_start3A_332 : memref<1x128x16xf32, #tpu.memory_space<vmem>> -> memref<128x16xf32, #tpu.memory_space<vmem>>
      %dma_start3A_334 = arith.constant 0 : i32
      %dma_start3A_335 = tpu.memref_slice %arg28[%dma_start3A_328, %dma_start3A_334] : memref<16x128xi32, #tpu.memory_space<vmem>> -> memref<1x128xi32, #tpu.memory_space<vmem>>
      %dma_start3A_336 = tpu.memref_squeeze %dma_start3A_335 : memref<1x128xi32, #tpu.memory_space<vmem>> -> memref<128xi32, #tpu.memory_space<vmem>>
      %dma_start3A_337 = arith.constant 0 : i32
      %dma_start3A_338 = arith.constant 0 : i32
      %dma_start3A_339 = tpu.memref_slice %arg5[%dma_start3A_337, %dma_start3A_338] : memref<100000x16xf32, #tpu.memory_space<hbm>> -> memref<100000x16xf32, #tpu.memory_space<hbm>>
      tpu.enqueue_indirect_dma source(%dma_start3A_339 : memref<100000x16xf32, #tpu.memory_space<hbm>>) target(%dma_start3A_333 : memref<128x16xf32, #tpu.memory_space<vmem>>) offsets(%dma_start3A_336 : memref<128xi32, #tpu.memory_space<vmem>>) semaphore(%arg32 : memref<!tpu.dma_semaphore, #tpu.memory_space<semaphore_mem>>)
      %dma_start3A_340 = arith.constant 2 : i32
      %dma_start3A_341 = arith.constant 2 : i32
      %dma_start3A_342 = arith.constant 0 : i32
      %dma_start3A_343 = arith.constant 0 : i32
      %dma_start3A_344 = tpu.memref_slice %arg30[%dma_start3A_341, %dma_start3A_342, %dma_start3A_343] : memref<16x128x16xf32, #tpu.memory_space<vmem>> -> memref<1x128x16xf32, #tpu.memory_space<vmem>>
      %dma_start3A_345 = tpu.memref_squeeze %dma_start3A_344 : memref<1x128x16xf32, #tpu.memory_space<vmem>> -> memref<128x16xf32, #tpu.memory_space<vmem>>
      %dma_start3A_346 = arith.constant 0 : i32
      %dma_start3A_347 = tpu.memref_slice %arg28[%dma_start3A_340, %dma_start3A_346] : memref<16x128xi32, #tpu.memory_space<vmem>> -> memref<1x128xi32, #tpu.memory_space<vmem>>
      %dma_start3A_348 = tpu.memref_squeeze %dma_start3A_347 : memref<1x128xi32, #tpu.memory_space<vmem>> -> memref<128xi32, #tpu.memory_space<vmem>>
      %dma_start3A_349 = arith.constant 0 : i32
      %dma_start3A_350 = arith.constant 0 : i32
      %dma_start3A_351 = tpu.memref_slice %arg5[%dma_start3A_349, %dma_start3A_350] : memref<100000x16xf32, #tpu.memory_space<hbm>> -> memref<100000x16xf32, #tpu.memory_space<hbm>>
      tpu.enqueue_indirect_dma source(%dma_start3A_351 : memref<100000x16xf32, #tpu.memory_space<hbm>>) target(%dma_start3A_345 : memref<128x16xf32, #tpu.memory_space<vmem>>) offsets(%dma_start3A_348 : memref<128xi32, #tpu.memory_space<vmem>>) semaphore(%arg32 : memref<!tpu.dma_semaphore, #tpu.memory_space<semaphore_mem>>)
      %dma_start3A_352 = arith.constant 3 : i32
      %dma_start3A_353 = arith.constant 3 : i32
      %dma_start3A_354 = arith.constant 0 : i32
      %dma_start3A_355 = arith.constant 0 : i32
      %dma_start3A_356 = tpu.memref_slice %arg30[%dma_start3A_353, %dma_start3A_354, %dma_start3A_355] : memref<16x128x16xf32, #tpu.memory_space<vmem>> -> memref<1x128x16xf32, #tpu.memory_space<vmem>>
      %dma_start3A_357 = tpu.memref_squeeze %dma_start3A_356 : memref<1x128x16xf32, #tpu.memory_space<vmem>> -> memref<128x16xf32, #tpu.memory_space<vmem>>
      %dma_start3A_358 = arith.constant 0 : i32
      %dma_start3A_359 = tpu.memref_slice %arg28[%dma_start3A_352, %dma_start3A_358] : memref<16x128xi32, #tpu.memory_space<vmem>> -> memref<1x128xi32, #tpu.memory_space<vmem>>
      %dma_start3A_360 = tpu.memref_squeeze %dma_start3A_359 : memref<1x128xi32, #tpu.memory_space<vmem>> -> memref<128xi32, #tpu.memory_space<vmem>>
      %dma_start3A_361 = arith.constant 0 : i32
      %dma_start3A_362 = arith.constant 0 : i32
      %dma_start3A_363 = tpu.memref_slice %arg5[%dma_start3A_361, %dma_start3A_362] : memref<100000x16xf32, #tpu.memory_space<hbm>> -> memref<100000x16xf32, #tpu.memory_space<hbm>>
      tpu.enqueue_indirect_dma source(%dma_start3A_363 : memref<100000x16xf32, #tpu.memory_space<hbm>>) target(%dma_start3A_357 : memref<128x16xf32, #tpu.memory_space<vmem>>) offsets(%dma_start3A_360 : memref<128xi32, #tpu.memory_space<vmem>>) semaphore(%arg32 : memref<!tpu.dma_semaphore, #tpu.memory_space<semaphore_mem>>)
      %dma_start3A_364 = arith.constant 4 : i32
      %dma_start3A_365 = arith.constant 4 : i32
      %dma_start3A_366 = arith.constant 0 : i32
      %dma_start3A_367 = arith.constant 0 : i32
      %dma_start3A_368 = tpu.memref_slice %arg30[%dma_start3A_365, %dma_start3A_366, %dma_start3A_367] : memref<16x128x16xf32, #tpu.memory_space<vmem>> -> memref<1x128x16xf32, #tpu.memory_space<vmem>>
      %dma_start3A_369 = tpu.memref_squeeze %dma_start3A_368 : memref<1x128x16xf32, #tpu.memory_space<vmem>> -> memref<128x16xf32, #tpu.memory_space<vmem>>
      %dma_start3A_370 = arith.constant 0 : i32
      %dma_start3A_371 = tpu.memref_slice %arg28[%dma_start3A_364, %dma_start3A_370] : memref<16x128xi32, #tpu.memory_space<vmem>> -> memref<1x128xi32, #tpu.memory_space<vmem>>
      %dma_start3A_372 = tpu.memref_squeeze %dma_start3A_371 : memref<1x128xi32, #tpu.memory_space<vmem>> -> memref<128xi32, #tpu.memory_space<vmem>>
      %dma_start3A_373 = arith.constant 0 : i32
      %dma_start3A_374 = arith.constant 0 : i32
      %dma_start3A_375 = tpu.memref_slice %arg5[%dma_start3A_373, %dma_start3A_374] : memref<100000x16xf32, #tpu.memory_space<hbm>> -> memref<100000x16xf32, #tpu.memory_space<hbm>>
      tpu.enqueue_indirect_dma source(%dma_start3A_375 : memref<100000x16xf32, #tpu.memory_space<hbm>>) target(%dma_start3A_369 : memref<128x16xf32, #tpu.memory_space<vmem>>) offsets(%dma_start3A_372 : memref<128xi32, #tpu.memory_space<vmem>>) semaphore(%arg32 : memref<!tpu.dma_semaphore, #tpu.memory_space<semaphore_mem>>)
      %dma_start3A_376 = arith.constant 5 : i32
      %dma_start3A_377 = arith.constant 5 : i32
      %dma_start3A_378 = arith.constant 0 : i32
      %dma_start3A_379 = arith.constant 0 : i32
      %dma_start3A_380 = tpu.memref_slice %arg30[%dma_start3A_377, %dma_start3A_378, %dma_start3A_379] : memref<16x128x16xf32, #tpu.memory_space<vmem>> -> memref<1x128x16xf32, #tpu.memory_space<vmem>>
      %dma_start3A_381 = tpu.memref_squeeze %dma_start3A_380 : memref<1x128x16xf32, #tpu.memory_space<vmem>> -> memref<128x16xf32, #tpu.memory_space<vmem>>
      %dma_start3A_382 = arith.constant 0 : i32
      %dma_start3A_383 = tpu.memref_slice %arg28[%dma_start3A_376, %dma_start3A_382] : memref<16x128xi32, #tpu.memory_space<vmem>> -> memref<1x128xi32, #tpu.memory_space<vmem>>
      %dma_start3A_384 = tpu.memref_squeeze %dma_start3A_383 : memref<1x128xi32, #tpu.memory_space<vmem>> -> memref<128xi32, #tpu.memory_space<vmem>>
      %dma_start3A_385 = arith.constant 0 : i32
      %dma_start3A_386 = arith.constant 0 : i32
      %dma_start3A_387 = tpu.memref_slice %arg5[%dma_start3A_385, %dma_start3A_386] : memref<100000x16xf32, #tpu.memory_space<hbm>> -> memref<100000x16xf32, #tpu.memory_space<hbm>>
      tpu.enqueue_indirect_dma source(%dma_start3A_387 : memref<100000x16xf32, #tpu.memory_space<hbm>>) target(%dma_start3A_381 : memref<128x16xf32, #tpu.memory_space<vmem>>) offsets(%dma_start3A_384 : memref<128xi32, #tpu.memory_space<vmem>>) semaphore(%arg32 : memref<!tpu.dma_semaphore, #tpu.memory_space<semaphore_mem>>)
      %dma_start3A_388 = arith.constant 6 : i32
      %dma_start3A_389 = arith.constant 6 : i32
      %dma_start3A_390 = arith.constant 0 : i32
      %dma_start3A_391 = arith.constant 0 : i32
      %dma_start3A_392 = tpu.memref_slice %arg30[%dma_start3A_389, %dma_start3A_390, %dma_start3A_391] : memref<16x128x16xf32, #tpu.memory_space<vmem>> -> memref<1x128x16xf32, #tpu.memory_space<vmem>>
      %dma_start3A_393 = tpu.memref_squeeze %dma_start3A_392 : memref<1x128x16xf32, #tpu.memory_space<vmem>> -> memref<128x16xf32, #tpu.memory_space<vmem>>
      %dma_start3A_394 = arith.constant 0 : i32
      %dma_start3A_395 = tpu.memref_slice %arg28[%dma_start3A_388, %dma_start3A_394] : memref<16x128xi32, #tpu.memory_space<vmem>> -> memref<1x128xi32, #tpu.memory_space<vmem>>
      %dma_start3A_396 = tpu.memref_squeeze %dma_start3A_395 : memref<1x128xi32, #tpu.memory_space<vmem>> -> memref<128xi32, #tpu.memory_space<vmem>>
      %dma_start3A_397 = arith.constant 0 : i32
      %dma_start3A_398 = arith.constant 0 : i32
      %dma_start3A_399 = tpu.memref_slice %arg5[%dma_start3A_397, %dma_start3A_398] : memref<100000x16xf32, #tpu.memory_space<hbm>> -> memref<100000x16xf32, #tpu.memory_space<hbm>>
      tpu.enqueue_indirect_dma source(%dma_start3A_399 : memref<100000x16xf32, #tpu.memory_space<hbm>>) target(%dma_start3A_393 : memref<128x16xf32, #tpu.memory_space<vmem>>) offsets(%dma_start3A_396 : memref<128xi32, #tpu.memory_space<vmem>>) semaphore(%arg32 : memref<!tpu.dma_semaphore, #tpu.memory_space<semaphore_mem>>)
      %dma_start3A_400 = arith.constant 7 : i32
      %dma_start3A_401 = arith.constant 7 : i32
      %dma_start3A_402 = arith.constant 0 : i32
      %dma_start3A_403 = arith.constant 0 : i32
      %dma_start3A_404 = tpu.memref_slice %arg30[%dma_start3A_401, %dma_start3A_402, %dma_start3A_403] : memref<16x128x16xf32, #tpu.memory_space<vmem>> -> memref<1x128x16xf32, #tpu.memory_space<vmem>>
      %dma_start3A_405 = tpu.memref_squeeze %dma_start3A_404 : memref<1x128x16xf32, #tpu.memory_space<vmem>> -> memref<128x16xf32, #tpu.memory_space<vmem>>
      %dma_start3A_406 = arith.constant 0 : i32
      %dma_start3A_407 = tpu.memref_slice %arg28[%dma_start3A_400, %dma_start3A_406] : memref<16x128xi32, #tpu.memory_space<vmem>> -> memref<1x128xi32, #tpu.memory_space<vmem>>
      %dma_start3A_408 = tpu.memref_squeeze %dma_start3A_407 : memref<1x128xi32, #tpu.memory_space<vmem>> -> memref<128xi32, #tpu.memory_space<vmem>>
      %dma_start3A_409 = arith.constant 0 : i32
      %dma_start3A_410 = arith.constant 0 : i32
      %dma_start3A_411 = tpu.memref_slice %arg5[%dma_start3A_409, %dma_start3A_410] : memref<100000x16xf32, #tpu.memory_space<hbm>> -> memref<100000x16xf32, #tpu.memory_space<hbm>>
      tpu.enqueue_indirect_dma source(%dma_start3A_411 : memref<100000x16xf32, #tpu.memory_space<hbm>>) target(%dma_start3A_405 : memref<128x16xf32, #tpu.memory_space<vmem>>) offsets(%dma_start3A_408 : memref<128xi32, #tpu.memory_space<vmem>>) semaphore(%arg32 : memref<!tpu.dma_semaphore, #tpu.memory_space<semaphore_mem>>)
      %dma_start3A_412 = arith.constant 8 : i32
      %dma_start3A_413 = arith.constant 8 : i32
      %dma_start3A_414 = arith.constant 0 : i32
      %dma_start3A_415 = arith.constant 0 : i32
      %dma_start3A_416 = tpu.memref_slice %arg30[%dma_start3A_413, %dma_start3A_414, %dma_start3A_415] : memref<16x128x16xf32, #tpu.memory_space<vmem>> -> memref<1x128x16xf32, #tpu.memory_space<vmem>>
      %dma_start3A_417 = tpu.memref_squeeze %dma_start3A_416 : memref<1x128x16xf32, #tpu.memory_space<vmem>> -> memref<128x16xf32, #tpu.memory_space<vmem>>
      %dma_start3A_418 = arith.constant 0 : i32
      %dma_start3A_419 = tpu.memref_slice %arg28[%dma_start3A_412, %dma_start3A_418] : memref<16x128xi32, #tpu.memory_space<vmem>> -> memref<1x128xi32, #tpu.memory_space<vmem>>
      %dma_start3A_420 = tpu.memref_squeeze %dma_start3A_419 : memref<1x128xi32, #tpu.memory_space<vmem>> -> memref<128xi32, #tpu.memory_space<vmem>>
      %dma_start3A_421 = arith.constant 0 : i32
      %dma_start3A_422 = arith.constant 0 : i32
      %dma_start3A_423 = tpu.memref_slice %arg5[%dma_start3A_421, %dma_start3A_422] : memref<100000x16xf32, #tpu.memory_space<hbm>> -> memref<100000x16xf32, #tpu.memory_space<hbm>>
      tpu.enqueue_indirect_dma source(%dma_start3A_423 : memref<100000x16xf32, #tpu.memory_space<hbm>>) target(%dma_start3A_417 : memref<128x16xf32, #tpu.memory_space<vmem>>) offsets(%dma_start3A_420 : memref<128xi32, #tpu.memory_space<vmem>>) semaphore(%arg32 : memref<!tpu.dma_semaphore, #tpu.memory_space<semaphore_mem>>)
      %dma_start3A_424 = arith.constant 9 : i32
      %dma_start3A_425 = arith.constant 9 : i32
      %dma_start3A_426 = arith.constant 0 : i32
      %dma_start3A_427 = arith.constant 0 : i32
      %dma_start3A_428 = tpu.memref_slice %arg30[%dma_start3A_425, %dma_start3A_426, %dma_start3A_427] : memref<16x128x16xf32, #tpu.memory_space<vmem>> -> memref<1x128x16xf32, #tpu.memory_space<vmem>>
      %dma_start3A_429 = tpu.memref_squeeze %dma_start3A_428 : memref<1x128x16xf32, #tpu.memory_space<vmem>> -> memref<128x16xf32, #tpu.memory_space<vmem>>
      %dma_start3A_430 = arith.constant 0 : i32
      %dma_start3A_431 = tpu.memref_slice %arg28[%dma_start3A_424, %dma_start3A_430] : memref<16x128xi32, #tpu.memory_space<vmem>> -> memref<1x128xi32, #tpu.memory_space<vmem>>
      %dma_start3A_432 = tpu.memref_squeeze %dma_start3A_431 : memref<1x128xi32, #tpu.memory_space<vmem>> -> memref<128xi32, #tpu.memory_space<vmem>>
      %dma_start3A_433 = arith.constant 0 : i32
      %dma_start3A_434 = arith.constant 0 : i32
      %dma_start3A_435 = tpu.memref_slice %arg5[%dma_start3A_433, %dma_start3A_434] : memref<100000x16xf32, #tpu.memory_space<hbm>> -> memref<100000x16xf32, #tpu.memory_space<hbm>>
      tpu.enqueue_indirect_dma source(%dma_start3A_435 : memref<100000x16xf32, #tpu.memory_space<hbm>>) target(%dma_start3A_429 : memref<128x16xf32, #tpu.memory_space<vmem>>) offsets(%dma_start3A_432 : memref<128xi32, #tpu.memory_space<vmem>>) semaphore(%arg32 : memref<!tpu.dma_semaphore, #tpu.memory_space<semaphore_mem>>)
      %dma_start3A_436 = arith.constant 10 : i32
      %dma_start3A_437 = arith.constant 10 : i32
      %dma_start3A_438 = arith.constant 0 : i32
      %dma_start3A_439 = arith.constant 0 : i32
      %dma_start3A_440 = tpu.memref_slice %arg30[%dma_start3A_437, %dma_start3A_438, %dma_start3A_439] : memref<16x128x16xf32, #tpu.memory_space<vmem>> -> memref<1x128x16xf32, #tpu.memory_space<vmem>>
      %dma_start3A_441 = tpu.memref_squeeze %dma_start3A_440 : memref<1x128x16xf32, #tpu.memory_space<vmem>> -> memref<128x16xf32, #tpu.memory_space<vmem>>
      %dma_start3A_442 = arith.constant 0 : i32
      %dma_start3A_443 = tpu.memref_slice %arg28[%dma_start3A_436, %dma_start3A_442] : memref<16x128xi32, #tpu.memory_space<vmem>> -> memref<1x128xi32, #tpu.memory_space<vmem>>
      %dma_start3A_444 = tpu.memref_squeeze %dma_start3A_443 : memref<1x128xi32, #tpu.memory_space<vmem>> -> memref<128xi32, #tpu.memory_space<vmem>>
      %dma_start3A_445 = arith.constant 0 : i32
      %dma_start3A_446 = arith.constant 0 : i32
      %dma_start3A_447 = tpu.memref_slice %arg5[%dma_start3A_445, %dma_start3A_446] : memref<100000x16xf32, #tpu.memory_space<hbm>> -> memref<100000x16xf32, #tpu.memory_space<hbm>>
      tpu.enqueue_indirect_dma source(%dma_start3A_447 : memref<100000x16xf32, #tpu.memory_space<hbm>>) target(%dma_start3A_441 : memref<128x16xf32, #tpu.memory_space<vmem>>) offsets(%dma_start3A_444 : memref<128xi32, #tpu.memory_space<vmem>>) semaphore(%arg32 : memref<!tpu.dma_semaphore, #tpu.memory_space<semaphore_mem>>)
      %dma_start3A_448 = arith.constant 11 : i32
      %dma_start3A_449 = arith.constant 11 : i32
      %dma_start3A_450 = arith.constant 0 : i32
      %dma_start3A_451 = arith.constant 0 : i32
      %dma_start3A_452 = tpu.memref_slice %arg30[%dma_start3A_449, %dma_start3A_450, %dma_start3A_451] : memref<16x128x16xf32, #tpu.memory_space<vmem>> -> memref<1x128x16xf32, #tpu.memory_space<vmem>>
      %dma_start3A_453 = tpu.memref_squeeze %dma_start3A_452 : memref<1x128x16xf32, #tpu.memory_space<vmem>> -> memref<128x16xf32, #tpu.memory_space<vmem>>
      %dma_start3A_454 = arith.constant 0 : i32
      %dma_start3A_455 = tpu.memref_slice %arg28[%dma_start3A_448, %dma_start3A_454] : memref<16x128xi32, #tpu.memory_space<vmem>> -> memref<1x128xi32, #tpu.memory_space<vmem>>
      %dma_start3A_456 = tpu.memref_squeeze %dma_start3A_455 : memref<1x128xi32, #tpu.memory_space<vmem>> -> memref<128xi32, #tpu.memory_space<vmem>>
      %dma_start3A_457 = arith.constant 0 : i32
      %dma_start3A_458 = arith.constant 0 : i32
      %dma_start3A_459 = tpu.memref_slice %arg5[%dma_start3A_457, %dma_start3A_458] : memref<100000x16xf32, #tpu.memory_space<hbm>> -> memref<100000x16xf32, #tpu.memory_space<hbm>>
      tpu.enqueue_indirect_dma source(%dma_start3A_459 : memref<100000x16xf32, #tpu.memory_space<hbm>>) target(%dma_start3A_453 : memref<128x16xf32, #tpu.memory_space<vmem>>) offsets(%dma_start3A_456 : memref<128xi32, #tpu.memory_space<vmem>>) semaphore(%arg32 : memref<!tpu.dma_semaphore, #tpu.memory_space<semaphore_mem>>)
      %dma_start3A_460 = arith.constant 12 : i32
      %dma_start3A_461 = arith.constant 12 : i32
      %dma_start3A_462 = arith.constant 0 : i32
      %dma_start3A_463 = arith.constant 0 : i32
      %dma_start3A_464 = tpu.memref_slice %arg30[%dma_start3A_461, %dma_start3A_462, %dma_start3A_463] : memref<16x128x16xf32, #tpu.memory_space<vmem>> -> memref<1x128x16xf32, #tpu.memory_space<vmem>>
      %dma_start3A_465 = tpu.memref_squeeze %dma_start3A_464 : memref<1x128x16xf32, #tpu.memory_space<vmem>> -> memref<128x16xf32, #tpu.memory_space<vmem>>
      %dma_start3A_466 = arith.constant 0 : i32
      %dma_start3A_467 = tpu.memref_slice %arg28[%dma_start3A_460, %dma_start3A_466] : memref<16x128xi32, #tpu.memory_space<vmem>> -> memref<1x128xi32, #tpu.memory_space<vmem>>
      %dma_start3A_468 = tpu.memref_squeeze %dma_start3A_467 : memref<1x128xi32, #tpu.memory_space<vmem>> -> memref<128xi32, #tpu.memory_space<vmem>>
      %dma_start3A_469 = arith.constant 0 : i32
      %dma_start3A_470 = arith.constant 0 : i32
      %dma_start3A_471 = tpu.memref_slice %arg5[%dma_start3A_469, %dma_start3A_470] : memref<100000x16xf32, #tpu.memory_space<hbm>> -> memref<100000x16xf32, #tpu.memory_space<hbm>>
      tpu.enqueue_indirect_dma source(%dma_start3A_471 : memref<100000x16xf32, #tpu.memory_space<hbm>>) target(%dma_start3A_465 : memref<128x16xf32, #tpu.memory_space<vmem>>) offsets(%dma_start3A_468 : memref<128xi32, #tpu.memory_space<vmem>>) semaphore(%arg32 : memref<!tpu.dma_semaphore, #tpu.memory_space<semaphore_mem>>)
      %dma_start3A_472 = arith.constant 13 : i32
      %dma_start3A_473 = arith.constant 13 : i32
      %dma_start3A_474 = arith.constant 0 : i32
      %dma_start3A_475 = arith.constant 0 : i32
      %dma_start3A_476 = tpu.memref_slice %arg30[%dma_start3A_473, %dma_start3A_474, %dma_start3A_475] : memref<16x128x16xf32, #tpu.memory_space<vmem>> -> memref<1x128x16xf32, #tpu.memory_space<vmem>>
      %dma_start3A_477 = tpu.memref_squeeze %dma_start3A_476 : memref<1x128x16xf32, #tpu.memory_space<vmem>> -> memref<128x16xf32, #tpu.memory_space<vmem>>
      %dma_start3A_478 = arith.constant 0 : i32
      %dma_start3A_479 = tpu.memref_slice %arg28[%dma_start3A_472, %dma_start3A_478] : memref<16x128xi32, #tpu.memory_space<vmem>> -> memref<1x128xi32, #tpu.memory_space<vmem>>
      %dma_start3A_480 = tpu.memref_squeeze %dma_start3A_479 : memref<1x128xi32, #tpu.memory_space<vmem>> -> memref<128xi32, #tpu.memory_space<vmem>>
      %dma_start3A_481 = arith.constant 0 : i32
      %dma_start3A_482 = arith.constant 0 : i32
      %dma_start3A_483 = tpu.memref_slice %arg5[%dma_start3A_481, %dma_start3A_482] : memref<100000x16xf32, #tpu.memory_space<hbm>> -> memref<100000x16xf32, #tpu.memory_space<hbm>>
      tpu.enqueue_indirect_dma source(%dma_start3A_483 : memref<100000x16xf32, #tpu.memory_space<hbm>>) target(%dma_start3A_477 : memref<128x16xf32, #tpu.memory_space<vmem>>) offsets(%dma_start3A_480 : memref<128xi32, #tpu.memory_space<vmem>>) semaphore(%arg32 : memref<!tpu.dma_semaphore, #tpu.memory_space<semaphore_mem>>)
      %dma_start3A_484 = arith.constant 14 : i32
      %dma_start3A_485 = arith.constant 14 : i32
      %dma_start3A_486 = arith.constant 0 : i32
      %dma_start3A_487 = arith.constant 0 : i32
      %dma_start3A_488 = tpu.memref_slice %arg30[%dma_start3A_485, %dma_start3A_486, %dma_start3A_487] : memref<16x128x16xf32, #tpu.memory_space<vmem>> -> memref<1x128x16xf32, #tpu.memory_space<vmem>>
      %dma_start3A_489 = tpu.memref_squeeze %dma_start3A_488 : memref<1x128x16xf32, #tpu.memory_space<vmem>> -> memref<128x16xf32, #tpu.memory_space<vmem>>
      %dma_start3A_490 = arith.constant 0 : i32
      %dma_start3A_491 = tpu.memref_slice %arg28[%dma_start3A_484, %dma_start3A_490] : memref<16x128xi32, #tpu.memory_space<vmem>> -> memref<1x128xi32, #tpu.memory_space<vmem>>
      %dma_start3A_492 = tpu.memref_squeeze %dma_start3A_491 : memref<1x128xi32, #tpu.memory_space<vmem>> -> memref<128xi32, #tpu.memory_space<vmem>>
      %dma_start3A_493 = arith.constant 0 : i32
      %dma_start3A_494 = arith.constant 0 : i32
      %dma_start3A_495 = tpu.memref_slice %arg5[%dma_start3A_493, %dma_start3A_494] : memref<100000x16xf32, #tpu.memory_space<hbm>> -> memref<100000x16xf32, #tpu.memory_space<hbm>>
      tpu.enqueue_indirect_dma source(%dma_start3A_495 : memref<100000x16xf32, #tpu.memory_space<hbm>>) target(%dma_start3A_489 : memref<128x16xf32, #tpu.memory_space<vmem>>) offsets(%dma_start3A_492 : memref<128xi32, #tpu.memory_space<vmem>>) semaphore(%arg32 : memref<!tpu.dma_semaphore, #tpu.memory_space<semaphore_mem>>)
      %dma_start3A_496 = arith.constant 15 : i32
      %dma_start3A_497 = arith.constant 15 : i32
      %dma_start3A_498 = arith.constant 0 : i32
      %dma_start3A_499 = arith.constant 0 : i32
      %dma_start3A_500 = tpu.memref_slice %arg30[%dma_start3A_497, %dma_start3A_498, %dma_start3A_499] : memref<16x128x16xf32, #tpu.memory_space<vmem>> -> memref<1x128x16xf32, #tpu.memory_space<vmem>>
      %dma_start3A_501 = tpu.memref_squeeze %dma_start3A_500 : memref<1x128x16xf32, #tpu.memory_space<vmem>> -> memref<128x16xf32, #tpu.memory_space<vmem>>
      %dma_start3A_502 = arith.constant 0 : i32
      %dma_start3A_503 = tpu.memref_slice %arg28[%dma_start3A_496, %dma_start3A_502] : memref<16x128xi32, #tpu.memory_space<vmem>> -> memref<1x128xi32, #tpu.memory_space<vmem>>
      %dma_start3A_504 = tpu.memref_squeeze %dma_start3A_503 : memref<1x128xi32, #tpu.memory_space<vmem>> -> memref<128xi32, #tpu.memory_space<vmem>>
      %dma_start3A_505 = arith.constant 0 : i32
      %dma_start3A_506 = arith.constant 0 : i32
      %dma_start3A_507 = tpu.memref_slice %arg5[%dma_start3A_505, %dma_start3A_506] : memref<100000x16xf32, #tpu.memory_space<hbm>> -> memref<100000x16xf32, #tpu.memory_space<hbm>>
      tpu.enqueue_indirect_dma source(%dma_start3A_507 : memref<100000x16xf32, #tpu.memory_space<hbm>>) target(%dma_start3A_501 : memref<128x16xf32, #tpu.memory_space<vmem>>) offsets(%dma_start3A_504 : memref<128xi32, #tpu.memory_space<vmem>>) semaphore(%arg32 : memref<!tpu.dma_semaphore, #tpu.memory_space<semaphore_mem>>)
      %scan3A_508 = arith.constant 0 : i32
      %scan3A_509 = arith.constant 0 : i32
      %scan3A_510 = arith.constant 16 : i32
      %scan3A_511 = arith.addi %scan3A_509, %scan3A_510 : i32
      %scan3A_512 = arith.constant 1 : i32
      scf.for %scan3A_516 = %scan3A_509 to %scan3A_511 step %scan3A_512  : i32 {
        %dma_wait3A_517 = arith.constant 0 : i32
        %dma_wait3A_518 = arith.constant 0 : i32
        %dma_wait3A_519 = tpu.memref_slice %arg30[%scan3A_516, %dma_wait3A_517, %dma_wait3A_518] : memref<16x128x16xf32, #tpu.memory_space<vmem>> -> memref<1x128x16xf32, #tpu.memory_space<vmem>>
        %dma_wait3A_520 = tpu.memref_squeeze %dma_wait3A_519 : memref<1x128x16xf32, #tpu.memory_space<vmem>> -> memref<128x16xf32, #tpu.memory_space<vmem>>
        %dma_wait3A_521 = arith.constant 0 : i32
        %dma_wait3A_522 = tpu.memref_slice %arg28[%scan3A_516, %dma_wait3A_521] : memref<16x128xi32, #tpu.memory_space<vmem>> -> memref<1x128xi32, #tpu.memory_space<vmem>>
        %dma_wait3A_523 = tpu.memref_squeeze %dma_wait3A_522 : memref<1x128xi32, #tpu.memory_space<vmem>> -> memref<128xi32, #tpu.memory_space<vmem>>
        %dma_wait3A_524 = arith.constant 0 : i32
        %dma_wait3A_525 = arith.constant 0 : i32
        %dma_wait3A_526 = tpu.memref_slice %arg5[%dma_wait3A_524, %dma_wait3A_525] : memref<100000x16xf32, #tpu.memory_space<hbm>> -> memref<100000x16xf32, #tpu.memory_space<hbm>>
        tpu.wait_indirect_dma semaphore(%arg32 : memref<!tpu.dma_semaphore, #tpu.memory_space<semaphore_mem>>) src(%dma_wait3A_526 : memref<100000x16xf32, #tpu.memory_space<hbm>>) dst(%dma_wait3A_520 : memref<128x16xf32, #tpu.memory_space<vmem>>)
        %parallel_loop3A_527 = arith.constant 0 : i32
        %parallel_loop3A_528 = arith.constant 8 : i32
        %parallel_loop3A_529 = arith.constant 1 : i32
        scf.for %parallel_loop3A_530 = %parallel_loop3A_527 to %parallel_loop3A_528 step %parallel_loop3A_529  : i32 {
          %parallel_loop3A_531 = arith.constant 8 : i32
          %parallel_loop3A_532 = arith.muli %scan3A_516, %parallel_loop3A_531 : i32
          %parallel_loop3A_533 = arith.addi %parallel_loop3A_532, %parallel_loop3A_530 : i32
          %parallel_loop3A_534 = arith.constant 8 : i32
          %parallel_loop3A_535 = arith.muli %scan3A_267, %parallel_loop3A_534 : i32
          %parallel_loop3A_536 = arith.constant 16 : i32
          %parallel_loop3A_537 = arith.divsi %parallel_loop3A_533, %parallel_loop3A_536 : i32
          %parallel_loop3A_538 = arith.constant 0 : i32
          %parallel_loop3A_539 = arith.cmpi sgt, %parallel_loop3A_533, %parallel_loop3A_538 : i32
          %parallel_loop3A_540 = arith.extui %parallel_loop3A_539 : i1 to i32
          %parallel_loop3A_541 = arith.constant 0 : i32
          %parallel_loop3A_542 = arith.cmpi slt, %parallel_loop3A_533, %parallel_loop3A_541 : i32
          %parallel_loop3A_543 = arith.extui %parallel_loop3A_542 : i1 to i32
          %parallel_loop3A_544 = arith.subi %parallel_loop3A_540, %parallel_loop3A_543 : i32
          %parallel_loop3A_545 = arith.constant 0 : i32
          %parallel_loop3A_546 = arith.cmpi sgt, %parallel_loop3A_536, %parallel_loop3A_545 : i32
          %parallel_loop3A_547 = arith.extui %parallel_loop3A_546 : i1 to i32
          %parallel_loop3A_548 = arith.constant 0 : i32
          %parallel_loop3A_549 = arith.cmpi slt, %parallel_loop3A_536, %parallel_loop3A_548 : i32
          %parallel_loop3A_550 = arith.extui %parallel_loop3A_549 : i1 to i32
          %parallel_loop3A_551 = arith.subi %parallel_loop3A_547, %parallel_loop3A_550 : i32
          %parallel_loop3A_552 = arith.cmpi ne, %parallel_loop3A_544, %parallel_loop3A_551 : i32
          %parallel_loop3A_553 = arith.remsi %parallel_loop3A_533, %parallel_loop3A_536 : i32
          %parallel_loop3A_554 = arith.constant 0 : i32
          %parallel_loop3A_555 = arith.cmpi ne, %parallel_loop3A_553, %parallel_loop3A_554 : i32
          %parallel_loop3A_556 = arith.andi %parallel_loop3A_552, %parallel_loop3A_555 : i1
          %parallel_loop3A_557 = arith.constant 1 : i32
          %parallel_loop3A_558 = arith.subi %parallel_loop3A_537, %parallel_loop3A_557 : i32
          %parallel_loop3A_559 = arith.select %parallel_loop3A_556, %parallel_loop3A_558, %parallel_loop3A_537 : i32
          %parallel_loop3A_560 = arith.addi %parallel_loop3A_535, %parallel_loop3A_559 : i32
          %parallel_loop3A_561 = vector.broadcast %parallel_loop3A_560 : i32 to vector<16xi32>
          %parallel_loop3A_562 = arith.index_cast %select_n3A_276 : i32 to index
          %parallel_loop3A_563 = arith.index_cast %parallel_loop3A_533 : i32 to index
          %parallel_loop3A_564 = arith.constant 0 : index
          %parallel_loop3A_565 = tpu.vector_load %arg26[%parallel_loop3A_562, %parallel_loop3A_563, %parallel_loop3A_564] {strides = array<i32>} : memref<2x128x16xi32, #tpu.memory_space<vmem>>, vector<16xi32>,
          %parallel_loop3A_566 = tpu.vector_load_idx %arg17[%parallel_loop3A_561, %parallel_loop3A_565] : memref<128x32xf32, #tpu.memory_space<vmem>>[vector<16xi32>, vector<16xi32>], vector<16xf32>,
          %parallel_loop3A_567 = arith.constant true
          %parallel_loop3A_568 = vector.broadcast %parallel_loop3A_567 : i1 to vector<16xi1>
          %parallel_loop3A_569 = tpu.scan <max>, %parallel_loop3A_566 masked %parallel_loop3A_568 : vector<16xf32>, vector<16xi1> -> vector<16xf32>
          %parallel_loop3A_570 = vector.extract %parallel_loop3A_569[15] : f32 from vector<16xf32>
          %parallel_loop3A_571 = vector.broadcast %parallel_loop3A_570 : f32 to vector<16xf32>
          %parallel_loop3A_572 = arith.subf %parallel_loop3A_566, %parallel_loop3A_571 : vector<16xf32>
          %parallel_loop3A_573 = math.exp %parallel_loop3A_572 : vector<16xf32>
          %parallel_loop3A_574 = arith.constant true
          %parallel_loop3A_575 = vector.broadcast %parallel_loop3A_574 : i1 to vector<16xi1>
          %parallel_loop3A_576 = tpu.scan <sum>, %parallel_loop3A_573 masked %parallel_loop3A_575 : vector<16xf32>, vector<16xi1> -> vector<16xf32>
          %parallel_loop3A_577 = vector.extract %parallel_loop3A_576[15] : f32 from vector<16xf32>
          %parallel_loop3A_578 = arith.constant 16 : i32
          %parallel_loop3A_579 = arith.muli %parallel_loop3A_530, %parallel_loop3A_578 : i32
          %parallel_loop3A_580 = arith.constant 0 : i32
          %parallel_loop3A_581 = arith.addi %parallel_loop3A_579, %parallel_loop3A_580 : i32
          %parallel_loop3A_582 = arith.index_cast %scan3A_516 : i32 to index
          %parallel_loop3A_583 = arith.index_cast %parallel_loop3A_581 : i32 to index
          %parallel_loop3A_584 = arith.constant 0 : index
          %parallel_loop3A_585 = tpu.vector_load %arg30[%parallel_loop3A_582, %parallel_loop3A_583, %parallel_loop3A_584] {strides = array<i32>} : memref<16x128x16xf32, #tpu.memory_space<vmem>>, vector<16xf32>,
          %parallel_loop3A_586 = arith.constant 16 : i32
          %parallel_loop3A_587 = arith.muli %parallel_loop3A_530, %parallel_loop3A_586 : i32
          %parallel_loop3A_588 = arith.constant 1 : i32
          %parallel_loop3A_589 = arith.addi %parallel_loop3A_587, %parallel_loop3A_588 : i32
          %parallel_loop3A_590 = arith.index_cast %scan3A_516 : i32 to index
          %parallel_loop3A_591 = arith.index_cast %parallel_loop3A_589 : i32 to index
          %parallel_loop3A_592 = arith.constant 0 : index
          %parallel_loop3A_593 = tpu.vector_load %arg30[%parallel_loop3A_590, %parallel_loop3A_591, %parallel_loop3A_592] {strides = array<i32>} : memref<16x128x16xf32, #tpu.memory_space<vmem>>, vector<16xf32>,
          %parallel_loop3A_594 = arith.constant 16 : i32
          %parallel_loop3A_595 = arith.muli %parallel_loop3A_530, %parallel_loop3A_594 : i32
          %parallel_loop3A_596 = arith.constant 2 : i32
          %parallel_loop3A_597 = arith.addi %parallel_loop3A_595, %parallel_loop3A_596 : i32
          %parallel_loop3A_598 = arith.index_cast %scan3A_516 : i32 to index
          %parallel_loop3A_599 = arith.index_cast %parallel_loop3A_597 : i32 to index
          %parallel_loop3A_600 = arith.constant 0 : index
          %parallel_loop3A_601 = tpu.vector_load %arg30[%parallel_loop3A_598, %parallel_loop3A_599, %parallel_loop3A_600] {strides = array<i32>} : memref<16x128x16xf32, #tpu.memory_space<vmem>>, vector<16xf32>,
          %parallel_loop3A_602 = arith.constant 16 : i32
          %parallel_loop3A_603 = arith.muli %parallel_loop3A_530, %parallel_loop3A_602 : i32
          %parallel_loop3A_604 = arith.constant 3 : i32
          %parallel_loop3A_605 = arith.addi %parallel_loop3A_603, %parallel_loop3A_604 : i32
          %parallel_loop3A_606 = arith.index_cast %scan3A_516 : i32 to index
          %parallel_loop3A_607 = arith.index_cast %parallel_loop3A_605 : i32 to index
          %parallel_loop3A_608 = arith.constant 0 : index
          %parallel_loop3A_609 = tpu.vector_load %arg30[%parallel_loop3A_606, %parallel_loop3A_607, %parallel_loop3A_608] {strides = array<i32>} : memref<16x128x16xf32, #tpu.memory_space<vmem>>, vector<16xf32>,
          %parallel_loop3A_610 = arith.constant 16 : i32
          %parallel_loop3A_611 = arith.muli %parallel_loop3A_530, %parallel_loop3A_610 : i32
          %parallel_loop3A_612 = arith.constant 4 : i32
          %parallel_loop3A_613 = arith.addi %parallel_loop3A_611, %parallel_loop3A_612 : i32
          %parallel_loop3A_614 = arith.index_cast %scan3A_516 : i32 to index
          %parallel_loop3A_615 = arith.index_cast %parallel_loop3A_613 : i32 to index
          %parallel_loop3A_616 = arith.constant 0 : index
          %parallel_loop3A_617 = tpu.vector_load %arg30[%parallel_loop3A_614, %parallel_loop3A_615, %parallel_loop3A_616] {strides = array<i32>} : memref<16x128x16xf32, #tpu.memory_space<vmem>>, vector<16xf32>,
          %parallel_loop3A_618 = arith.constant 16 : i32
          %parallel_loop3A_619 = arith.muli %parallel_loop3A_530, %parallel_loop3A_618 : i32
          %parallel_loop3A_620 = arith.constant 5 : i32
          %parallel_loop3A_621 = arith.addi %parallel_loop3A_619, %parallel_loop3A_620 : i32
          %parallel_loop3A_622 = arith.index_cast %scan3A_516 : i32 to index
          %parallel_loop3A_623 = arith.index_cast %parallel_loop3A_621 : i32 to index
          %parallel_loop3A_624 = arith.constant 0 : index
          %parallel_loop3A_625 = tpu.vector_load %arg30[%parallel_loop3A_622, %parallel_loop3A_623, %parallel_loop3A_624] {strides = array<i32>} : memref<16x128x16xf32, #tpu.memory_space<vmem>>, vector<16xf32>,
          %parallel_loop3A_626 = arith.constant 16 : i32
          %parallel_loop3A_627 = arith.muli %parallel_loop3A_530, %parallel_loop3A_626 : i32
          %parallel_loop3A_628 = arith.constant 6 : i32
          %parallel_loop3A_629 = arith.addi %parallel_loop3A_627, %parallel_loop3A_628 : i32
          %parallel_loop3A_630 = arith.index_cast %scan3A_516 : i32 to index
          %parallel_loop3A_631 = arith.index_cast %parallel_loop3A_629 : i32 to index
          %parallel_loop3A_632 = arith.constant 0 : index
          %parallel_loop3A_633 = tpu.vector_load %arg30[%parallel_loop3A_630, %parallel_loop3A_631, %parallel_loop3A_632] {strides = array<i32>} : memref<16x128x16xf32, #tpu.memory_space<vmem>>, vector<16xf32>,
          %parallel_loop3A_634 = arith.constant 16 : i32
          %parallel_loop3A_635 = arith.muli %parallel_loop3A_530, %parallel_loop3A_634 : i32
          %parallel_loop3A_636 = arith.constant 7 : i32
          %parallel_loop3A_637 = arith.addi %parallel_loop3A_635, %parallel_loop3A_636 : i32
          %parallel_loop3A_638 = arith.index_cast %scan3A_516 : i32 to index
          %parallel_loop3A_639 = arith.index_cast %parallel_loop3A_637 : i32 to index
          %parallel_loop3A_640 = arith.constant 0 : index
          %parallel_loop3A_641 = tpu.vector_load %arg30[%parallel_loop3A_638, %parallel_loop3A_639, %parallel_loop3A_640] {strides = array<i32>} : memref<16x128x16xf32, #tpu.memory_space<vmem>>, vector<16xf32>,
          %parallel_loop3A_642 = arith.constant 16 : i32
          %parallel_loop3A_643 = arith.muli %parallel_loop3A_530, %parallel_loop3A_642 : i32
          %parallel_loop3A_644 = arith.constant 8 : i32
          %parallel_loop3A_645 = arith.addi %parallel_loop3A_643, %parallel_loop3A_644 : i32
          %parallel_loop3A_646 = arith.index_cast %scan3A_516 : i32 to index
          %parallel_loop3A_647 = arith.index_cast %parallel_loop3A_645 : i32 to index
          %parallel_loop3A_648 = arith.constant 0 : index
          %parallel_loop3A_649 = tpu.vector_load %arg30[%parallel_loop3A_646, %parallel_loop3A_647, %parallel_loop3A_648] {strides = array<i32>} : memref<16x128x16xf32, #tpu.memory_space<vmem>>, vector<16xf32>,
          %parallel_loop3A_650 = arith.constant 16 : i32
          %parallel_loop3A_651 = arith.muli %parallel_loop3A_530, %parallel_loop3A_650 : i32
          %parallel_loop3A_652 = arith.constant 9 : i32
          %parallel_loop3A_653 = arith.addi %parallel_loop3A_651, %parallel_loop3A_652 : i32
          %parallel_loop3A_654 = arith.index_cast %scan3A_516 : i32 to index
          %parallel_loop3A_655 = arith.index_cast %parallel_loop3A_653 : i32 to index
          %parallel_loop3A_656 = arith.constant 0 : index
          %parallel_loop3A_657 = tpu.vector_load %arg30[%parallel_loop3A_654, %parallel_loop3A_655, %parallel_loop3A_656] {strides = array<i32>} : memref<16x128x16xf32, #tpu.memory_space<vmem>>, vector<16xf32>,
          %parallel_loop3A_658 = arith.constant 16 : i32
          %parallel_loop3A_659 = arith.muli %parallel_loop3A_530, %parallel_loop3A_658 : i32
          %parallel_loop3A_660 = arith.constant 10 : i32
          %parallel_loop3A_661 = arith.addi %parallel_loop3A_659, %parallel_loop3A_660 : i32
          %parallel_loop3A_662 = arith.index_cast %scan3A_516 : i32 to index
          %parallel_loop3A_663 = arith.index_cast %parallel_loop3A_661 : i32 to index
          %parallel_loop3A_664 = arith.constant 0 : index
          %parallel_loop3A_665 = tpu.vector_load %arg30[%parallel_loop3A_662, %parallel_loop3A_663, %parallel_loop3A_664] {strides = array<i32>} : memref<16x128x16xf32, #tpu.memory_space<vmem>>, vector<16xf32>,
          %parallel_loop3A_666 = arith.constant 16 : i32
          %parallel_loop3A_667 = arith.muli %parallel_loop3A_530, %parallel_loop3A_666 : i32
          %parallel_loop3A_668 = arith.constant 11 : i32
          %parallel_loop3A_669 = arith.addi %parallel_loop3A_667, %parallel_loop3A_668 : i32
          %parallel_loop3A_670 = arith.index_cast %scan3A_516 : i32 to index
          %parallel_loop3A_671 = arith.index_cast %parallel_loop3A_669 : i32 to index
          %parallel_loop3A_672 = arith.constant 0 : index
          %parallel_loop3A_673 = tpu.vector_load %arg30[%parallel_loop3A_670, %parallel_loop3A_671, %parallel_loop3A_672] {strides = array<i32>} : memref<16x128x16xf32, #tpu.memory_space<vmem>>, vector<16xf32>,
          %parallel_loop3A_674 = arith.constant 16 : i32
          %parallel_loop3A_675 = arith.muli %parallel_loop3A_530, %parallel_loop3A_674 : i32
          %parallel_loop3A_676 = arith.constant 12 : i32
          %parallel_loop3A_677 = arith.addi %parallel_loop3A_675, %parallel_loop3A_676 : i32
          %parallel_loop3A_678 = arith.index_cast %scan3A_516 : i32 to index
          %parallel_loop3A_679 = arith.index_cast %parallel_loop3A_677 : i32 to index
          %parallel_loop3A_680 = arith.constant 0 : index
          %parallel_loop3A_681 = tpu.vector_load %arg30[%parallel_loop3A_678, %parallel_loop3A_679, %parallel_loop3A_680] {strides = array<i32>} : memref<16x128x16xf32, #tpu.memory_space<vmem>>, vector<16xf32>,
          %parallel_loop3A_682 = arith.constant 16 : i32
          %parallel_loop3A_683 = arith.muli %parallel_loop3A_530, %parallel_loop3A_682 : i32
          %parallel_loop3A_684 = arith.constant 13 : i32
          %parallel_loop3A_685 = arith.addi %parallel_loop3A_683, %parallel_loop3A_684 : i32
          %parallel_loop3A_686 = arith.index_cast %scan3A_516 : i32 to index
          %parallel_loop3A_687 = arith.index_cast %parallel_loop3A_685 : i32 to index
          %parallel_loop3A_688 = arith.constant 0 : index
          %parallel_loop3A_689 = tpu.vector_load %arg30[%parallel_loop3A_686, %parallel_loop3A_687, %parallel_loop3A_688] {strides = array<i32>} : memref<16x128x16xf32, #tpu.memory_space<vmem>>, vector<16xf32>,
          %parallel_loop3A_690 = arith.constant 16 : i32
          %parallel_loop3A_691 = arith.muli %parallel_loop3A_530, %parallel_loop3A_690 : i32
          %parallel_loop3A_692 = arith.constant 14 : i32
          %parallel_loop3A_693 = arith.addi %parallel_loop3A_691, %parallel_loop3A_692 : i32
          %parallel_loop3A_694 = arith.index_cast %scan3A_516 : i32 to index
          %parallel_loop3A_695 = arith.index_cast %parallel_loop3A_693 : i32 to index
          %parallel_loop3A_696 = arith.constant 0 : index
          %parallel_loop3A_697 = tpu.vector_load %arg30[%parallel_loop3A_694, %parallel_loop3A_695, %parallel_loop3A_696] {strides = array<i32>} : memref<16x128x16xf32, #tpu.memory_space<vmem>>, vector<16xf32>,
          %parallel_loop3A_698 = arith.constant 16 : i32
          %parallel_loop3A_699 = arith.muli %parallel_loop3A_530, %parallel_loop3A_698 : i32
          %parallel_loop3A_700 = arith.constant 15 : i32
          %parallel_loop3A_701 = arith.addi %parallel_loop3A_699, %parallel_loop3A_700 : i32
          %parallel_loop3A_702 = arith.index_cast %scan3A_516 : i32 to index
          %parallel_loop3A_703 = arith.index_cast %parallel_loop3A_701 : i32 to index
          %parallel_loop3A_704 = arith.constant 0 : index
          %parallel_loop3A_705 = tpu.vector_load %arg30[%parallel_loop3A_702, %parallel_loop3A_703, %parallel_loop3A_704] {strides = array<i32>} : memref<16x128x16xf32, #tpu.memory_space<vmem>>, vector<16xf32>,
          %parallel_loop3A_706 = arith.index_cast %select_n3A_276 : i32 to index
          %parallel_loop3A_707 = arith.index_cast %parallel_loop3A_533 : i32 to index
          %parallel_loop3A_708 = arith.constant 0 : index
          %parallel_loop3A_709 = tpu.vector_load %arg25[%parallel_loop3A_706, %parallel_loop3A_707, %parallel_loop3A_708] {strides = array<i32>} : memref<2x128x16xf32, #tpu.memory_space<vmem>>, vector<16xf32>,
          %parallel_loop3A_710 = vector.extract_strided_slice %parallel_loop3A_573 {offsets = [0], sizes = [1], strides = [1]} : vector<16xf32> to vector<1xf32>
          %parallel_loop3A_711 = vector.extract %parallel_loop3A_710[0] : f32 from vector<1xf32>
          %parallel_loop3A_712 = vector.broadcast %parallel_loop3A_711 : f32 to vector<16xf32>
          %parallel_loop3A_713 = arith.mulf %parallel_loop3A_712, %parallel_loop3A_585 : vector<16xf32>
          %parallel_loop3A_714 = vector.extract_strided_slice %parallel_loop3A_573 {offsets = [1], sizes = [1], strides = [1]} : vector<16xf32> to vector<1xf32>
          %parallel_loop3A_715 = vector.extract %parallel_loop3A_714[0] : f32 from vector<1xf32>
          %parallel_loop3A_716 = vector.broadcast %parallel_loop3A_715 : f32 to vector<16xf32>
          %parallel_loop3A_717 = arith.mulf %parallel_loop3A_716, %parallel_loop3A_593 : vector<16xf32>
          %parallel_loop3A_718 = arith.addf %parallel_loop3A_713, %parallel_loop3A_717 : vector<16xf32>
          %parallel_loop3A_719 = vector.extract_strided_slice %parallel_loop3A_573 {offsets = [2], sizes = [1], strides = [1]} : vector<16xf32> to vector<1xf32>
          %parallel_loop3A_720 = vector.extract %parallel_loop3A_719[0] : f32 from vector<1xf32>
          %parallel_loop3A_721 = vector.broadcast %parallel_loop3A_720 : f32 to vector<16xf32>
          %parallel_loop3A_722 = arith.mulf %parallel_loop3A_721, %parallel_loop3A_601 : vector<16xf32>
          %parallel_loop3A_723 = arith.addf %parallel_loop3A_718, %parallel_loop3A_722 : vector<16xf32>
          %parallel_loop3A_724 = vector.extract_strided_slice %parallel_loop3A_573 {offsets = [3], sizes = [1], strides = [1]} : vector<16xf32> to vector<1xf32>
          %parallel_loop3A_725 = vector.extract %parallel_loop3A_724[0] : f32 from vector<1xf32>
          %parallel_loop3A_726 = vector.broadcast %parallel_loop3A_725 : f32 to vector<16xf32>
          %parallel_loop3A_727 = arith.mulf %parallel_loop3A_726, %parallel_loop3A_609 : vector<16xf32>
          %parallel_loop3A_728 = arith.addf %parallel_loop3A_723, %parallel_loop3A_727 : vector<16xf32>
          %parallel_loop3A_729 = vector.extract_strided_slice %parallel_loop3A_573 {offsets = [4], sizes = [1], strides = [1]} : vector<16xf32> to vector<1xf32>
          %parallel_loop3A_730 = vector.extract %parallel_loop3A_729[0] : f32 from vector<1xf32>
          %parallel_loop3A_731 = vector.broadcast %parallel_loop3A_730 : f32 to vector<16xf32>
          %parallel_loop3A_732 = arith.mulf %parallel_loop3A_731, %parallel_loop3A_617 : vector<16xf32>
          %parallel_loop3A_733 = vector.extract_strided_slice %parallel_loop3A_573 {offsets = [5], sizes = [1], strides = [1]} : vector<16xf32> to vector<1xf32>
          %parallel_loop3A_734 = vector.extract %parallel_loop3A_733[0] : f32 from vector<1xf32>
          %parallel_loop3A_735 = vector.broadcast %parallel_loop3A_734 : f32 to vector<16xf32>
          %parallel_loop3A_736 = arith.mulf %parallel_loop3A_735, %parallel_loop3A_625 : vector<16xf32>
          %parallel_loop3A_737 = arith.addf %parallel_loop3A_732, %parallel_loop3A_736 : vector<16xf32>
          %parallel_loop3A_738 = vector.extract_strided_slice %parallel_loop3A_573 {offsets = [6], sizes = [1], strides = [1]} : vector<16xf32> to vector<1xf32>
          %parallel_loop3A_739 = vector.extract %parallel_loop3A_738[0] : f32 from vector<1xf32>
          %parallel_loop3A_740 = vector.broadcast %parallel_loop3A_739 : f32 to vector<16xf32>
          %parallel_loop3A_741 = arith.mulf %parallel_loop3A_740, %parallel_loop3A_633 : vector<16xf32>
          %parallel_loop3A_742 = arith.addf %parallel_loop3A_737, %parallel_loop3A_741 : vector<16xf32>
          %parallel_loop3A_743 = vector.extract_strided_slice %parallel_loop3A_573 {offsets = [7], sizes = [1], strides = [1]} : vector<16xf32> to vector<1xf32>
          %parallel_loop3A_744 = vector.extract %parallel_loop3A_743[0] : f32 from vector<1xf32>
          %parallel_loop3A_745 = vector.broadcast %parallel_loop3A_744 : f32 to vector<16xf32>
          %parallel_loop3A_746 = arith.mulf %parallel_loop3A_745, %parallel_loop3A_641 : vector<16xf32>
          %parallel_loop3A_747 = arith.addf %parallel_loop3A_742, %parallel_loop3A_746 : vector<16xf32>
          %parallel_loop3A_748 = vector.extract_strided_slice %parallel_loop3A_573 {offsets = [8], sizes = [1], strides = [1]} : vector<16xf32> to vector<1xf32>
          %parallel_loop3A_749 = vector.extract %parallel_loop3A_748[0] : f32 from vector<1xf32>
          %parallel_loop3A_750 = vector.broadcast %parallel_loop3A_749 : f32 to vector<16xf32>
          %parallel_loop3A_751 = arith.mulf %parallel_loop3A_750, %parallel_loop3A_649 : vector<16xf32>
          %parallel_loop3A_752 = vector.extract_strided_slice %parallel_loop3A_573 {offsets = [9], sizes = [1], strides = [1]} : vector<16xf32> to vector<1xf32>
          %parallel_loop3A_753 = vector.extract %parallel_loop3A_752[0] : f32 from vector<1xf32>
          %parallel_loop3A_754 = vector.broadcast %parallel_loop3A_753 : f32 to vector<16xf32>
          %parallel_loop3A_755 = arith.mulf %parallel_loop3A_754, %parallel_loop3A_657 : vector<16xf32>
          %parallel_loop3A_756 = arith.addf %parallel_loop3A_751, %parallel_loop3A_755 : vector<16xf32>
          %parallel_loop3A_757 = vector.extract_strided_slice %parallel_loop3A_573 {offsets = [10], sizes = [1], strides = [1]} : vector<16xf32> to vector<1xf32>
          %parallel_loop3A_758 = vector.extract %parallel_loop3A_757[0] : f32 from vector<1xf32>
          %parallel_loop3A_759 = vector.broadcast %parallel_loop3A_758 : f32 to vector<16xf32>
          %parallel_loop3A_760 = arith.mulf %parallel_loop3A_759, %parallel_loop3A_665 : vector<16xf32>
          %parallel_loop3A_761 = arith.addf %parallel_loop3A_756, %parallel_loop3A_760 : vector<16xf32>
          %parallel_loop3A_762 = vector.extract_strided_slice %parallel_loop3A_573 {offsets = [11], sizes = [1], strides = [1]} : vector<16xf32> to vector<1xf32>
          %parallel_loop3A_763 = vector.extract %parallel_loop3A_762[0] : f32 from vector<1xf32>
          %parallel_loop3A_764 = vector.broadcast %parallel_loop3A_763 : f32 to vector<16xf32>
          %parallel_loop3A_765 = arith.mulf %parallel_loop3A_764, %parallel_loop3A_673 : vector<16xf32>
          %parallel_loop3A_766 = arith.addf %parallel_loop3A_761, %parallel_loop3A_765 : vector<16xf32>
          %parallel_loop3A_767 = vector.extract_strided_slice %parallel_loop3A_573 {offsets = [12], sizes = [1], strides = [1]} : vector<16xf32> to vector<1xf32>
          %parallel_loop3A_768 = vector.extract %parallel_loop3A_767[0] : f32 from vector<1xf32>
          %parallel_loop3A_769 = vector.broadcast %parallel_loop3A_768 : f32 to vector<16xf32>
          %parallel_loop3A_770 = arith.mulf %parallel_loop3A_769, %parallel_loop3A_681 : vector<16xf32>
          %parallel_loop3A_771 = vector.extract_strided_slice %parallel_loop3A_573 {offsets = [13], sizes = [1], strides = [1]} : vector<16xf32> to vector<1xf32>
          %parallel_loop3A_772 = vector.extract %parallel_loop3A_771[0] : f32 from vector<1xf32>
          %parallel_loop3A_773 = vector.broadcast %parallel_loop3A_772 : f32 to vector<16xf32>
          %parallel_loop3A_774 = arith.mulf %parallel_loop3A_773, %parallel_loop3A_689 : vector<16xf32>
          %parallel_loop3A_775 = arith.addf %parallel_loop3A_770, %parallel_loop3A_774 : vector<16xf32>
          %parallel_loop3A_776 = vector.extract_strided_slice %parallel_loop3A_573 {offsets = [14], sizes = [1], strides = [1]} : vector<16xf32> to vector<1xf32>
          %parallel_loop3A_777 = vector.extract %parallel_loop3A_776[0] : f32 from vector<1xf32>
          %parallel_loop3A_778 = vector.broadcast %parallel_loop3A_777 : f32 to vector<16xf32>
          %parallel_loop3A_779 = arith.mulf %parallel_loop3A_778, %parallel_loop3A_697 : vector<16xf32>
          %parallel_loop3A_780 = arith.addf %parallel_loop3A_775, %parallel_loop3A_779 : vector<16xf32>
          %parallel_loop3A_781 = vector.extract_strided_slice %parallel_loop3A_573 {offsets = [15], sizes = [1], strides = [1]} : vector<16xf32> to vector<1xf32>
          %parallel_loop3A_782 = vector.extract %parallel_loop3A_781[0] : f32 from vector<1xf32>
          %parallel_loop3A_783 = vector.broadcast %parallel_loop3A_782 : f32 to vector<16xf32>
          %parallel_loop3A_784 = arith.mulf %parallel_loop3A_783, %parallel_loop3A_705 : vector<16xf32>
          %parallel_loop3A_785 = arith.addf %parallel_loop3A_780, %parallel_loop3A_784 : vector<16xf32>
          %parallel_loop3A_786 = arith.addf %parallel_loop3A_728, %parallel_loop3A_747 : vector<16xf32>
          %parallel_loop3A_787 = arith.addf %parallel_loop3A_766, %parallel_loop3A_785 : vector<16xf32>
          %parallel_loop3A_788 = arith.addf %parallel_loop3A_786, %parallel_loop3A_787 : vector<16xf32>
          %parallel_loop3A_789 = vector.broadcast %parallel_loop3A_577 : f32 to vector<16xf32>
          %parallel_loop3A_790 = arith.divf %parallel_loop3A_788, %parallel_loop3A_789 : vector<16xf32>
          %parallel_loop3A_791 = arith.addf %parallel_loop3A_709, %parallel_loop3A_790 : vector<16xf32>
          %parallel_loop3A_792 = arith.constant 16 : i32
          %parallel_loop3A_793 = arith.divsi %parallel_loop3A_533, %parallel_loop3A_792 : i32
          %parallel_loop3A_794 = arith.constant 0 : i32
          %parallel_loop3A_795 = arith.cmpi sgt, %parallel_loop3A_533, %parallel_loop3A_794 : i32
          %parallel_loop3A_796 = arith.extui %parallel_loop3A_795 : i1 to i32
          %parallel_loop3A_797 = arith.constant 0 : i32
          %parallel_loop3A_798 = arith.cmpi slt, %parallel_loop3A_533, %parallel_loop3A_797 : i32
          %parallel_loop3A_799 = arith.extui %parallel_loop3A_798 : i1 to i32
          %parallel_loop3A_800 = arith.subi %parallel_loop3A_796, %parallel_loop3A_799 : i32
          %parallel_loop3A_801 = arith.constant 0 : i32
          %parallel_loop3A_802 = arith.cmpi sgt, %parallel_loop3A_792, %parallel_loop3A_801 : i32
          %parallel_loop3A_803 = arith.extui %parallel_loop3A_802 : i1 to i32
          %parallel_loop3A_804 = arith.constant 0 : i32
          %parallel_loop3A_805 = arith.cmpi slt, %parallel_loop3A_792, %parallel_loop3A_804 : i32
          %parallel_loop3A_806 = arith.extui %parallel_loop3A_805 : i1 to i32
          %parallel_loop3A_807 = arith.subi %parallel_loop3A_803, %parallel_loop3A_806 : i32
          %parallel_loop3A_808 = arith.cmpi ne, %parallel_loop3A_800, %parallel_loop3A_807 : i32
          %parallel_loop3A_809 = arith.remsi %parallel_loop3A_533, %parallel_loop3A_792 : i32
          %parallel_loop3A_810 = arith.constant 0 : i32
          %parallel_loop3A_811 = arith.cmpi ne, %parallel_loop3A_809, %parallel_loop3A_810 : i32
          %parallel_loop3A_812 = arith.andi %parallel_loop3A_808, %parallel_loop3A_811 : i1
          %parallel_loop3A_813 = arith.constant 1 : i32
          %parallel_loop3A_814 = arith.subi %parallel_loop3A_793, %parallel_loop3A_813 : i32
          %parallel_loop3A_815 = arith.select %parallel_loop3A_812, %parallel_loop3A_814, %parallel_loop3A_793 : i32
          %parallel_loop3A_816 = arith.constant 16 : i32
          %parallel_loop3A_817 = arith.constant 0 : i32
          %parallel_loop3A_818 = arith.cmpi eq, %parallel_loop3A_816, %parallel_loop3A_817 : i32
          %parallel_loop3A_819 = arith.constant 1 : i32
          %parallel_loop3A_820 = arith.select %parallel_loop3A_818, %parallel_loop3A_819, %parallel_loop3A_816 : i32
          %parallel_loop3A_821 = arith.remsi %parallel_loop3A_533, %parallel_loop3A_820 : i32
          %parallel_loop3A_822 = arith.constant 0 : i32
          %parallel_loop3A_823 = arith.cmpi ne, %parallel_loop3A_821, %parallel_loop3A_822 : i32
          %parallel_loop3A_824 = arith.constant 0 : i32
          %parallel_loop3A_825 = arith.cmpi slt, %parallel_loop3A_821, %parallel_loop3A_824 : i32
          %parallel_loop3A_826 = arith.constant 0 : i32
          %parallel_loop3A_827 = arith.cmpi slt, %parallel_loop3A_820, %parallel_loop3A_826 : i32
          %parallel_loop3A_828 = arith.xori %parallel_loop3A_825, %parallel_loop3A_827 : i1
          %parallel_loop3A_829 = arith.andi %parallel_loop3A_828, %parallel_loop3A_823 : i1
          %parallel_loop3A_830 = arith.addi %parallel_loop3A_821, %parallel_loop3A_820 : i32
          %parallel_loop3A_831 = arith.select %parallel_loop3A_829, %parallel_loop3A_830, %parallel_loop3A_821 : i32
          %parallel_loop3A_832 = arith.constant 16 : i32
          %parallel_loop3A_833 = arith.muli %parallel_loop3A_831, %parallel_loop3A_832 : i32
          %parallel_loop3A_834 = arith.index_cast %parallel_loop3A_815 : i32 to index
          %parallel_loop3A_835 = arith.index_cast %parallel_loop3A_833 : i32 to index
          %parallel_loop3A_836 = tpu.vector_load %arg29[%parallel_loop3A_834, %parallel_loop3A_835] {strides = array<i32>} : memref<8x256xf32, #tpu.memory_space<vmem>>, vector<16xf32>,
          tpu.vector_store %arg29[%parallel_loop3A_834, %parallel_loop3A_835], %parallel_loop3A_791 {strides = array<i32>} : memref<8x256xf32, #tpu.memory_space<vmem>>, vector<16xf32>,
        } {sc.loop_unroll_factor = 8 : i64, sc.parallel_access}
      }
      %scan3A_513 = arith.constant 16 : i32
      %mul3A_514 = arith.constant 8 : i32
      %mul3A_515 = arith.muli %scan3A_267, %mul3A_514 : i32
      "tpu.region"() ({
        %run_scoped3A = tpu.sem_alloc : memref<!tpu.dma_semaphore, #tpu.memory_space<semaphore_mem>>
        %dma_start3A_516 = arith.constant 0 : i32
        %dma_start3A_517 = tpu.memref_slice %arg12[%add3A, %mul3A_515, %dma_start3A_516] : memref<32x128x256xf32, #tpu.memory_space<hbm>> -> memref<1x8x256xf32, #tpu.memory_space<hbm>>
        %dma_start3A_518 = tpu.memref_squeeze %dma_start3A_517 : memref<1x8x256xf32, #tpu.memory_space<hbm>> -> memref<8x256xf32, #tpu.memory_space<hbm>>
        %dma_start3A_519 = arith.constant 0 : i32
        %dma_start3A_520 = tpu.memref_slice %arg12[%add3A, %mul3A_515, %dma_start3A_519] : memref<32x128x256xf32, #tpu.memory_space<hbm>> -> memref<1x8x256xf32, #tpu.memory_space<hbm>>
        %dma_start3A_521 = tpu.memref_squeeze %dma_start3A_520 : memref<1x8x256xf32, #tpu.memory_space<hbm>> -> memref<8x256xf32, #tpu.memory_space<hbm>>
        tpu.enqueue_dma source(%arg29 : memref<8x256xf32, #tpu.memory_space<vmem>>) target(%dma_start3A_521 : memref<8x256xf32, #tpu.memory_space<hbm>>) target_semaphore(%run_scoped3A : memref<!tpu.dma_semaphore, #tpu.memory_space<semaphore_mem>>)
        %dma_wait3A_522 = arith.constant 0 : i32
        %dma_wait3A_523 = tpu.memref_slice %arg12[%add3A, %mul3A_515, %dma_wait3A_522] : memref<32x128x256xf32, #tpu.memory_space<hbm>> -> memref<1x8x256xf32, #tpu.memory_space<hbm>>
        %dma_wait3A_524 = tpu.memref_squeeze %dma_wait3A_523 : memref<1x8x256xf32, #tpu.memory_space<hbm>> -> memref<8x256xf32, #tpu.memory_space<hbm>>
        %dma_wait3A_525 = arith.constant 0 : i32
        %dma_wait3A_526 = tpu.memref_slice %arg12[%add3A, %mul3A_515, %dma_wait3A_525] : memref<32x128x256xf32, #tpu.memory_space<hbm>> -> memref<1x8x256xf32, #tpu.memory_space<hbm>>
        %dma_wait3A_527 = tpu.memref_squeeze %dma_wait3A_526 : memref<1x8x256xf32, #tpu.memory_space<hbm>> -> memref<8x256xf32, #tpu.memory_space<hbm>>
        tpu.wait_dma2 semaphore(%run_scoped3A : memref<!tpu.dma_semaphore, #tpu.memory_space<semaphore_mem>>) src(%arg29 : memref<8x256xf32, #tpu.memory_space<vmem>>) dst(%dma_wait3A_527 : memref<8x256xf32, #tpu.memory_space<hbm>>)
        tpu.yield
      }) : () -> ()
    }
    %scan3A_266 = arith.constant 16 : i32
    "tpu.region"() ({
      %run_scoped3A = tpu.sem_alloc : memref<!tpu.dma_semaphore, #tpu.memory_space<semaphore_mem>>
      %dma_start3A_267 = arith.constant 0 : i32
      %dma_start3A_268 = arith.constant 0 : i32
      %dma_start3A_269 = tpu.memref_slice %arg11[%add3A, %dma_start3A_267, %dma_start3A_268] : memref<32x128x16xf32, #tpu.memory_space<hbm>> -> memref<1x128x16xf32, #tpu.memory_space<hbm>>
      %dma_start3A_270 = tpu.memref_squeeze %dma_start3A_269 : memref<1x128x16xf32, #tpu.memory_space<hbm>> -> memref<128x16xf32, #tpu.memory_space<hbm>>
      %dma_start3A_271 = arith.constant 0 : i32
      %dma_start3A_272 = arith.constant 0 : i32
      %dma_start3A_273 = tpu.memref_slice %arg11[%add3A, %dma_start3A_271, %dma_start3A_272] : memref<32x128x16xf32, #tpu.memory_space<hbm>> -> memref<1x128x16xf32, #tpu.memory_space<hbm>>
      %dma_start3A_274 = tpu.memref_squeeze %dma_start3A_273 : memref<1x128x16xf32, #tpu.memory_space<hbm>> -> memref<128x16xf32, #tpu.memory_space<hbm>>
      tpu.enqueue_dma source(%arg24 : memref<128x16xf32, #tpu.memory_space<vmem>>) target(%dma_start3A_274 : memref<128x16xf32, #tpu.memory_space<hbm>>) target_semaphore(%run_scoped3A : memref<!tpu.dma_semaphore, #tpu.memory_space<semaphore_mem>>)
      %dma_wait3A_275 = arith.constant 0 : i32
      %dma_wait3A_276 = arith.constant 0 : i32
      %dma_wait3A_277 = tpu.memref_slice %arg11[%add3A, %dma_wait3A_275, %dma_wait3A_276] : memref<32x128x16xf32, #tpu.memory_space<hbm>> -> memref<1x128x16xf32, #tpu.memory_space<hbm>>
      %dma_wait3A_278 = tpu.memref_squeeze %dma_wait3A_277 : memref<1x128x16xf32, #tpu.memory_space<hbm>> -> memref<128x16xf32, #tpu.memory_space<hbm>>
      %dma_wait3A_279 = arith.constant 0 : i32
      %dma_wait3A_280 = arith.constant 0 : i32
      %dma_wait3A_281 = tpu.memref_slice %arg11[%add3A, %dma_wait3A_279, %dma_wait3A_280] : memref<32x128x16xf32, #tpu.memory_space<hbm>> -> memref<1x128x16xf32, #tpu.memory_space<hbm>>
      %dma_wait3A_282 = tpu.memref_squeeze %dma_wait3A_281 : memref<1x128x16xf32, #tpu.memory_space<hbm>> -> memref<128x16xf32, #tpu.memory_space<hbm>>
      tpu.wait_dma2 semaphore(%run_scoped3A : memref<!tpu.dma_semaphore, #tpu.memory_space<semaphore_mem>>) src(%arg24 : memref<128x16xf32, #tpu.memory_space<vmem>>) dst(%dma_wait3A_282 : memref<128x16xf32, #tpu.memory_space<hbm>>)
      tpu.yield
    }) : () -> ()
    return
  }
}

module attributes {stable_mosaic.version = 14 : i64} {
  func.func @_head_body(%arg0: i32, %arg1: memref<1024x16xf32, #tpu.memory_space<vmem>>, %arg2: memref<1024x16xf32, #tpu.memory_space<vmem>>, %arg3: memref<1024x16xf32, #tpu.memory_space<vmem>>, %arg4: memref<1024x256xf32, #tpu.memory_space<vmem>>, %arg5: memref<16x16xf32, #tpu.memory_space<vmem>>, %arg6: memref<1x16xf32, #tpu.memory_space<vmem>>, %arg7: memref<1024x1xf32, #tpu.memory_space<vmem>>) attributes {dimension_semantics = [#tpu.dimension_semantics<arbitrary>], iteration_bounds = array<i64: 4>, scalar_prefetch = 0 : i64, scratch_operands = 0 : i64, tpu.core_type = #tpu.core_type<tc>, window_params = [{transform_indices = @transform_0, window_bounds = array<i64: 1024, 16>}, {transform_indices = @transform_1, window_bounds = array<i64: 1024, 16>}, {transform_indices = @transform_2, window_bounds = array<i64: 1024, 16>}, {transform_indices = @transform_3, window_bounds = array<i64: 1024, 256>}, {pipeline_mode = #tpu.pipeline_mode<synchronous>, transform_indices = @transform_4, window_bounds = array<i64: 16, 16>}, {pipeline_mode = #tpu.pipeline_mode<synchronous>, transform_indices = @transform_5, window_bounds = array<i64: 1, 16>}, {transform_indices = @transform_6, window_bounds = array<i64: 1024, 1>}]} {
    %get3A = arith.constant 0 : index
    %get3A_0 = arith.constant 0 : index
    %get3A_1 = vector.load %arg5[%get3A, %get3A_0] : memref<16x16xf32, #tpu.memory_space<vmem>>, vector<16x16xf32>
    %get3A_2 = arith.constant 0 : index
    %get3A_3 = arith.constant 0 : index
    %get3A_4 = vector.load %arg6[%get3A_2, %get3A_3] : memref<1x16xf32, #tpu.memory_space<vmem>>, vector<1x16xf32>
    %iota3A = tpu.iota {dimensions = array<i32: 1>} : vector<16x256xi32>
    %jit3A = arith.constant 16 : i32
    %div3A = vector.broadcast %jit3A : i32 to vector<16x256xi32>
    %div3A_5 = arith.divsi %iota3A, %div3A : vector<16x256xi32>
    %sign3A = arith.constant 0 : i32
    %sign3A_6 = vector.broadcast %sign3A : i32 to vector<16x256xi32>
    %sign3A_7 = arith.cmpi sgt, %iota3A, %sign3A_6 : vector<16x256xi32>
    %sign3A_8 = arith.extui %sign3A_7 : vector<16x256xi1> to vector<16x256xi32>
    %sign3A_9 = arith.constant 0 : i32
    %sign3A_10 = vector.broadcast %sign3A_9 : i32 to vector<16x256xi32>
    %sign3A_11 = arith.cmpi slt, %iota3A, %sign3A_10 : vector<16x256xi32>
    %sign3A_12 = arith.extui %sign3A_11 : vector<16x256xi1> to vector<16x256xi32>
    %sign3A_13 = arith.subi %sign3A_8, %sign3A_12 : vector<16x256xi32>
    %sign3A_14 = arith.constant 0 : i32
    %sign3A_15 = arith.cmpi sgt, %jit3A, %sign3A_14 : i32
    %sign3A_16 = arith.extui %sign3A_15 : i1 to i32
    %sign3A_17 = arith.constant 0 : i32
    %sign3A_18 = arith.cmpi slt, %jit3A, %sign3A_17 : i32
    %sign3A_19 = arith.extui %sign3A_18 : i1 to i32
    %sign3A_20 = arith.subi %sign3A_16, %sign3A_19 : i32
    %ne3A = vector.broadcast %sign3A_20 : i32 to vector<16x256xi32>
    %ne3A_21 = arith.cmpi ne, %sign3A_13, %ne3A : vector<16x256xi32>
    %rem3A = vector.broadcast %jit3A : i32 to vector<16x256xi32>
    %rem3A_22 = arith.remsi %iota3A, %rem3A : vector<16x256xi32>
    %ne3A_23 = arith.constant 0 : i32
    %ne3A_24 = vector.broadcast %ne3A_23 : i32 to vector<16x256xi32>
    %ne3A_25 = arith.cmpi ne, %rem3A_22, %ne3A_24 : vector<16x256xi32>
    %and3A = arith.andi %ne3A_21, %ne3A_25 : vector<16x256xi1>
    %sub3A = arith.constant 1 : i32
    %sub3A_26 = vector.broadcast %sub3A : i32 to vector<16x256xi32>
    %sub3A_27 = arith.subi %div3A_5, %sub3A_26 : vector<16x256xi32>
    %select_n3A = arith.select %and3A, %sub3A_27, %div3A_5 : vector<16x256xi1>, vector<16x256xi32>
    %iota3A_28 = tpu.iota {dimensions = array<i32: 0>} : vector<16x256xi32>
    %eq3A = arith.cmpi eq, %select_n3A, %iota3A_28 : vector<16x256xi32>
    %convert_element_type3A = arith.extui %eq3A : vector<16x256xi1> to vector<16x256xi32>
    %convert_element_type3A_29 = arith.sitofp %convert_element_type3A : vector<16x256xi32> to vector<16x256xf32>
    %iota3A_30 = tpu.iota {dimensions = array<i32: 0>} : vector<256x16xi32>
    %jit3A_31 = arith.constant 16 : i32
    %eq3A_32 = arith.constant 0 : i32
    %eq3A_33 = arith.cmpi eq, %jit3A_31, %eq3A_32 : i32
    %jit3A_34 = arith.constant 1 : i32
    %select_n3A_35 = arith.select %eq3A_33, %jit3A_34, %jit3A_31 : i32
    %rem3A_36 = vector.broadcast %select_n3A_35 : i32 to vector<256x16xi32>
    %rem3A_37 = arith.remsi %iota3A_30, %rem3A_36 : vector<256x16xi32>
    %ne3A_38 = arith.constant 0 : i32
    %ne3A_39 = vector.broadcast %ne3A_38 : i32 to vector<256x16xi32>
    %ne3A_40 = arith.cmpi ne, %rem3A_37, %ne3A_39 : vector<256x16xi32>
    %lt3A = arith.constant 0 : i32
    %lt3A_41 = vector.broadcast %lt3A : i32 to vector<256x16xi32>
    %lt3A_42 = arith.cmpi slt, %rem3A_37, %lt3A_41 : vector<256x16xi32>
    %lt3A_43 = arith.constant 0 : i32
    %lt3A_44 = arith.cmpi slt, %select_n3A_35, %lt3A_43 : i32
    %ne3A_45 = vector.broadcast %lt3A_44 : i1 to vector<256x16xi1>
    %ne3A_46 = vector.broadcast %ne3A_45 : vector<256x16xi1> to vector<256x16xi1>
    %ne3A_47 = arith.xori %lt3A_42, %ne3A_46 : vector<256x16xi1>
    %and3A_48 = arith.andi %ne3A_47, %ne3A_40 : vector<256x16xi1>
    %add3A = vector.broadcast %select_n3A_35 : i32 to vector<256x16xi32>
    %add3A_49 = arith.addi %rem3A_37, %add3A : vector<256x16xi32>
    %select_n3A_50 = arith.select %and3A_48, %add3A_49, %rem3A_37 : vector<256x16xi1>, vector<256x16xi32>
    %iota3A_51 = tpu.iota {dimensions = array<i32: 1>} : vector<256x16xi32>
    %eq3A_52 = arith.cmpi eq, %select_n3A_50, %iota3A_51 : vector<256x16xi32>
    %convert_element_type3A_53 = arith.extui %eq3A_52 : vector<256x16xi1> to vector<256x16xi32>
    %convert_element_type3A_54 = arith.sitofp %convert_element_type3A_53 : vector<256x16xi32> to vector<256x16xf32>
    %iota3A_55 = tpu.iota {dimensions = array<i32: 1>} : vector<16x256xi32>
    %jit3A_56 = arith.constant 16 : i32
    %eq3A_57 = arith.constant 0 : i32
    %eq3A_58 = arith.cmpi eq, %jit3A_56, %eq3A_57 : i32
    %jit3A_59 = arith.constant 1 : i32
    %select_n3A_60 = arith.select %eq3A_58, %jit3A_59, %jit3A_56 : i32
    %rem3A_61 = vector.broadcast %select_n3A_60 : i32 to vector<16x256xi32>
    %rem3A_62 = arith.remsi %iota3A_55, %rem3A_61 : vector<16x256xi32>
    %ne3A_63 = arith.constant 0 : i32
    %ne3A_64 = vector.broadcast %ne3A_63 : i32 to vector<16x256xi32>
    %ne3A_65 = arith.cmpi ne, %rem3A_62, %ne3A_64 : vector<16x256xi32>
    %lt3A_66 = arith.constant 0 : i32
    %lt3A_67 = vector.broadcast %lt3A_66 : i32 to vector<16x256xi32>
    %lt3A_68 = arith.cmpi slt, %rem3A_62, %lt3A_67 : vector<16x256xi32>
    %lt3A_69 = arith.constant 0 : i32
    %lt3A_70 = arith.cmpi slt, %select_n3A_60, %lt3A_69 : i32
    %ne3A_71 = vector.broadcast %lt3A_70 : i1 to vector<16x256xi1>
    %ne3A_72 = vector.broadcast %ne3A_71 : vector<16x256xi1> to vector<16x256xi1>
    %ne3A_73 = arith.xori %lt3A_68, %ne3A_72 : vector<16x256xi1>
    %and3A_74 = arith.andi %ne3A_73, %ne3A_65 : vector<16x256xi1>
    %add3A_75 = vector.broadcast %select_n3A_60 : i32 to vector<16x256xi32>
    %add3A_76 = arith.addi %rem3A_62, %add3A_75 : vector<16x256xi32>
    %select_n3A_77 = arith.select %and3A_74, %add3A_76, %rem3A_62 : vector<16x256xi1>, vector<16x256xi32>
    %iota3A_78 = tpu.iota {dimensions = array<i32: 0>} : vector<16x256xi32>
    %eq3A_79 = arith.cmpi eq, %select_n3A_77, %iota3A_78 : vector<16x256xi32>
    %convert_element_type3A_80 = arith.extui %eq3A_79 : vector<16x256xi1> to vector<16x256xi32>
    %convert_element_type3A_81 = arith.sitofp %convert_element_type3A_80 : vector<16x256xi32> to vector<16x256xf32>
    %iota3A_82 = tpu.iota {dimensions = array<i32: 0>} : vector<256x256xi32>
    %jit3A_83 = arith.constant 16 : i32
    %div3A_84 = vector.broadcast %jit3A_83 : i32 to vector<256x256xi32>
    %div3A_85 = arith.divsi %iota3A_82, %div3A_84 : vector<256x256xi32>
    %sign3A_86 = arith.constant 0 : i32
    %sign3A_87 = vector.broadcast %sign3A_86 : i32 to vector<256x256xi32>
    %sign3A_88 = arith.cmpi sgt, %iota3A_82, %sign3A_87 : vector<256x256xi32>
    %sign3A_89 = arith.extui %sign3A_88 : vector<256x256xi1> to vector<256x256xi32>
    %sign3A_90 = arith.constant 0 : i32
    %sign3A_91 = vector.broadcast %sign3A_90 : i32 to vector<256x256xi32>
    %sign3A_92 = arith.cmpi slt, %iota3A_82, %sign3A_91 : vector<256x256xi32>
    %sign3A_93 = arith.extui %sign3A_92 : vector<256x256xi1> to vector<256x256xi32>
    %sign3A_94 = arith.subi %sign3A_89, %sign3A_93 : vector<256x256xi32>
    %sign3A_95 = arith.constant 0 : i32
    %sign3A_96 = arith.cmpi sgt, %jit3A_83, %sign3A_95 : i32
    %sign3A_97 = arith.extui %sign3A_96 : i1 to i32
    %sign3A_98 = arith.constant 0 : i32
    %sign3A_99 = arith.cmpi slt, %jit3A_83, %sign3A_98 : i32
    %sign3A_100 = arith.extui %sign3A_99 : i1 to i32
    %sign3A_101 = arith.subi %sign3A_97, %sign3A_100 : i32
    %ne3A_102 = vector.broadcast %sign3A_101 : i32 to vector<256x256xi32>
    %ne3A_103 = arith.cmpi ne, %sign3A_94, %ne3A_102 : vector<256x256xi32>
    %rem3A_104 = vector.broadcast %jit3A_83 : i32 to vector<256x256xi32>
    %rem3A_105 = arith.remsi %iota3A_82, %rem3A_104 : vector<256x256xi32>
    %ne3A_106 = arith.constant 0 : i32
    %ne3A_107 = vector.broadcast %ne3A_106 : i32 to vector<256x256xi32>
    %ne3A_108 = arith.cmpi ne, %rem3A_105, %ne3A_107 : vector<256x256xi32>
    %and3A_109 = arith.andi %ne3A_103, %ne3A_108 : vector<256x256xi1>
    %sub3A_110 = arith.constant 1 : i32
    %sub3A_111 = vector.broadcast %sub3A_110 : i32 to vector<256x256xi32>
    %sub3A_112 = arith.subi %div3A_85, %sub3A_111 : vector<256x256xi32>
    %select_n3A_113 = arith.select %and3A_109, %sub3A_112, %div3A_85 : vector<256x256xi1>, vector<256x256xi32>
    %iota3A_114 = tpu.iota {dimensions = array<i32: 1>} : vector<256x256xi32>
    %jit3A_115 = arith.constant 16 : i32
    %div3A_116 = vector.broadcast %jit3A_115 : i32 to vector<256x256xi32>
    %div3A_117 = arith.divsi %iota3A_114, %div3A_116 : vector<256x256xi32>
    %sign3A_118 = arith.constant 0 : i32
    %sign3A_119 = vector.broadcast %sign3A_118 : i32 to vector<256x256xi32>
    %sign3A_120 = arith.cmpi sgt, %iota3A_114, %sign3A_119 : vector<256x256xi32>
    %sign3A_121 = arith.extui %sign3A_120 : vector<256x256xi1> to vector<256x256xi32>
    %sign3A_122 = arith.constant 0 : i32
    %sign3A_123 = vector.broadcast %sign3A_122 : i32 to vector<256x256xi32>
    %sign3A_124 = arith.cmpi slt, %iota3A_114, %sign3A_123 : vector<256x256xi32>
    %sign3A_125 = arith.extui %sign3A_124 : vector<256x256xi1> to vector<256x256xi32>
    %sign3A_126 = arith.subi %sign3A_121, %sign3A_125 : vector<256x256xi32>
    %sign3A_127 = arith.constant 0 : i32
    %sign3A_128 = arith.cmpi sgt, %jit3A_115, %sign3A_127 : i32
    %sign3A_129 = arith.extui %sign3A_128 : i1 to i32
    %sign3A_130 = arith.constant 0 : i32
    %sign3A_131 = arith.cmpi slt, %jit3A_115, %sign3A_130 : i32
    %sign3A_132 = arith.extui %sign3A_131 : i1 to i32
    %sign3A_133 = arith.subi %sign3A_129, %sign3A_132 : i32
    %ne3A_134 = vector.broadcast %sign3A_133 : i32 to vector<256x256xi32>
    %ne3A_135 = arith.cmpi ne, %sign3A_126, %ne3A_134 : vector<256x256xi32>
    %rem3A_136 = vector.broadcast %jit3A_115 : i32 to vector<256x256xi32>
    %rem3A_137 = arith.remsi %iota3A_114, %rem3A_136 : vector<256x256xi32>
    %ne3A_138 = arith.constant 0 : i32
    %ne3A_139 = vector.broadcast %ne3A_138 : i32 to vector<256x256xi32>
    %ne3A_140 = arith.cmpi ne, %rem3A_137, %ne3A_139 : vector<256x256xi32>
    %and3A_141 = arith.andi %ne3A_135, %ne3A_140 : vector<256x256xi1>
    %sub3A_142 = arith.constant 1 : i32
    %sub3A_143 = vector.broadcast %sub3A_142 : i32 to vector<256x256xi32>
    %sub3A_144 = arith.subi %div3A_117, %sub3A_143 : vector<256x256xi32>
    %select_n3A_145 = arith.select %and3A_141, %sub3A_144, %div3A_117 : vector<256x256xi1>, vector<256x256xi32>
    %eq3A_146 = arith.cmpi eq, %select_n3A_113, %select_n3A_145 : vector<256x256xi32>
    %convert_element_type3A_147 = arith.extui %eq3A_146 : vector<256x256xi1> to vector<256x256xi32>
    %convert_element_type3A_148 = arith.sitofp %convert_element_type3A_147 : vector<256x256xi32> to vector<256x256xf32>
    %dot_general3A = arith.constant dense<0.000000e+00> : vector<16x256xf32>
    %dot_general3A_149 = tpu.matmul %get3A_1, %convert_element_type3A_81, %dot_general3A {dimension_numbers = #tpu.dot_dimension_numbers<[1], [0], [0], [1], [0, 0, 1, 1], [], []>, transpose_lhs_hint = false} : vector<16x16xf32>, vector<16x256xf32>, vector<16x256xf32> -> vector<16x256xf32>
    %dot_general3A_150 = arith.constant dense<0.000000e+00> : vector<256x256xf32>
    %dot_general3A_151 = tpu.matmul %convert_element_type3A_54, %dot_general3A_149, %dot_general3A_150 {dimension_numbers = #tpu.dot_dimension_numbers<[1], [0], [0], [1], [0, 0, 1, 1], [], []>, transpose_lhs_hint = false} : vector<256x16xf32>, vector<16x256xf32>, vector<256x256xf32> -> vector<256x256xf32>
    %mul3A = arith.mulf %dot_general3A_151, %convert_element_type3A_148 : vector<256x256xf32>
    %dot_general3A_152 = arith.constant dense<0.000000e+00> : vector<1x256xf32>
    %dot_general3A_153 = tpu.matmul %get3A_4, %convert_element_type3A_81, %dot_general3A_152 {dimension_numbers = #tpu.dot_dimension_numbers<[1], [0], [0], [1], [0, 0, 1, 1], [], []>, transpose_lhs_hint = false} : vector<1x16xf32>, vector<16x256xf32>, vector<1x256xf32> -> vector<1x256xf32>
    %get3A_154 = arith.constant 0 : index
    %get3A_155 = arith.constant 0 : index
    %get3A_156 = vector.load %arg4[%get3A_154, %get3A_155] : memref<1024x256xf32, #tpu.memory_space<vmem>>, vector<1024x256xf32>
    %dot_general3A_157 = arith.constant dense<0.000000e+00> : vector<1024x256xf32>
    %dot_general3A_158 = tpu.matmul %get3A_156, %mul3A, %dot_general3A_157 {dimension_numbers = #tpu.dot_dimension_numbers<[1], [0], [0], [1], [0, 0, 1, 1], [], []>, transpose_lhs_hint = false} : vector<1024x256xf32>, vector<256x256xf32>, vector<1024x256xf32> -> vector<1024x256xf32>
    %add3A_159 = vector.broadcast %dot_general3A_153 : vector<1x256xf32> to vector<1024x256xf32>
    %add3A_160 = arith.addf %dot_general3A_158, %add3A_159 : vector<1024x256xf32>
    %max3A = arith.constant 0.000000e+00 : f32
    %max3A_161 = vector.broadcast %max3A : f32 to vector<1024x256xf32>
    %max3A_162 = arith.maximumf %add3A_160, %max3A_161 : vector<1024x256xf32>
    %get3A_163 = arith.constant 0 : index
    %get3A_164 = arith.constant 0 : index
    %get3A_165 = vector.load %arg3[%get3A_163, %get3A_164] : memref<1024x16xf32, #tpu.memory_space<vmem>>, vector<1024x16xf32>
    %dot_general3A_166 = arith.constant dense<0.000000e+00> : vector<1024x16xf32>
    %dot_general3A_167 = tpu.matmul %get3A_165, %get3A_1, %dot_general3A_166 {dimension_numbers = #tpu.dot_dimension_numbers<[1], [0], [0], [1], [0, 0, 1, 1], [], []>, transpose_lhs_hint = false} : vector<1024x16xf32>, vector<16x16xf32>, vector<1024x16xf32> -> vector<1024x16xf32>
    %add3A_168 = vector.broadcast %get3A_4 : vector<1x16xf32> to vector<1024x16xf32>
    %add3A_169 = arith.addf %dot_general3A_167, %add3A_168 : vector<1024x16xf32>
    %max3A_170 = arith.constant 0.000000e+00 : f32
    %max3A_171 = vector.broadcast %max3A_170 : f32 to vector<1024x16xf32>
    %max3A_172 = arith.maximumf %add3A_169, %max3A_171 : vector<1024x16xf32>
    %get3A_173 = arith.constant 0 : index
    %get3A_174 = arith.constant 0 : index
    %get3A_175 = vector.load %arg2[%get3A_173, %get3A_174] : memref<1024x16xf32, #tpu.memory_space<vmem>>, vector<1024x16xf32>
    %reduce_max3A = arith.constant dense<0xFF800000> : vector<1024xf32>
    %reduce_max3A_176 = vector.multi_reduction <maximumf>, %get3A_175, %reduce_max3A [1] : vector<1024x16xf32> to vector<1024xf32>
    %broadcast_in_dim3A = vector.shape_cast %reduce_max3A_176 : vector<1024xf32> to vector<1024x1xf32>
    %sub3A_177 = vector.broadcast %broadcast_in_dim3A : vector<1024x1xf32> to vector<1024x16xf32>
    %sub3A_178 = arith.subf %get3A_175, %sub3A_177 : vector<1024x16xf32>
    %exp3A = math.exp %sub3A_178 : vector<1024x16xf32>
    %reduce_sum3A = arith.constant dense<0.000000e+00> : vector<1024xf32>
    %reduce_sum3A_179 = vector.multi_reduction <add>, %exp3A, %reduce_sum3A [1] : vector<1024x16xf32> to vector<1024xf32>
    %broadcast_in_dim3A_180 = vector.shape_cast %reduce_sum3A_179 : vector<1024xf32> to vector<1024x1xf32>
    %div3A_181 = vector.broadcast %broadcast_in_dim3A_180 : vector<1024x1xf32> to vector<1024x16xf32>
    %div3A_182 = arith.divf %exp3A, %div3A_181 : vector<1024x16xf32>
    %dot_general3A_183 = arith.constant dense<0.000000e+00> : vector<1024x256xf32>
    %dot_general3A_184 = tpu.matmul %div3A_182, %convert_element_type3A_29, %dot_general3A_183 {dimension_numbers = #tpu.dot_dimension_numbers<[1], [0], [0], [1], [0, 0, 1, 1], [], []>, transpose_lhs_hint = false} : vector<1024x16xf32>, vector<16x256xf32>, vector<1024x256xf32> -> vector<1024x256xf32>
    %mul3A_185 = arith.mulf %dot_general3A_184, %max3A_162 : vector<1024x256xf32>
    %dot_general3A_186 = arith.constant dense<0.000000e+00> : vector<1024x16xf32>
    %dot_general3A_187 = tpu.matmul %mul3A_185, %convert_element_type3A_54, %dot_general3A_186 {dimension_numbers = #tpu.dot_dimension_numbers<[1], [0], [0], [1], [0, 0, 1, 1], [], []>, transpose_lhs_hint = false} : vector<1024x256xf32>, vector<256x16xf32>, vector<1024x16xf32> -> vector<1024x16xf32>
    %add3A_188 = arith.addf %max3A_172, %dot_general3A_187 : vector<1024x16xf32>
    %dot_general3A_189 = arith.constant dense<0.000000e+00> : vector<1024x16xf32>
    %dot_general3A_190 = tpu.matmul %add3A_188, %get3A_1, %dot_general3A_189 {dimension_numbers = #tpu.dot_dimension_numbers<[1], [0], [0], [1], [0, 0, 1, 1], [], []>, transpose_lhs_hint = false} : vector<1024x16xf32>, vector<16x16xf32>, vector<1024x16xf32> -> vector<1024x16xf32>
    %add3A_191 = vector.broadcast %get3A_4 : vector<1x16xf32> to vector<1024x16xf32>
    %add3A_192 = arith.addf %dot_general3A_190, %add3A_191 : vector<1024x16xf32>
    %tanh3A = math.tanh %add3A_192 : vector<1024x16xf32>
    %get3A_193 = arith.constant 0 : index
    %get3A_194 = arith.constant 0 : index
    %get3A_195 = vector.load %arg1[%get3A_193, %get3A_194] : memref<1024x16xf32, #tpu.memory_space<vmem>>, vector<1024x16xf32>
    %mul3A_196 = arith.mulf %get3A_195, %tanh3A : vector<1024x16xf32>
    %reduce_sum3A_197 = arith.constant dense<0.000000e+00> : vector<1024xf32>
    %reduce_sum3A_198 = vector.multi_reduction <add>, %mul3A_196, %reduce_sum3A_197 [1] : vector<1024x16xf32> to vector<1024xf32>
    %broadcast_in_dim3A_199 = vector.shape_cast %reduce_sum3A_198 : vector<1024xf32> to vector<1024x1xf32>
    %logistic3A = arith.negf %broadcast_in_dim3A_199 : vector<1024x1xf32>
    %logistic3A_200 = math.exp %logistic3A : vector<1024x1xf32>
    %logistic3A_201 = arith.constant 1.000000e+00 : f32
    %logistic3A_202 = vector.broadcast %logistic3A_201 : f32 to vector<1024x1xf32>
    %logistic3A_203 = arith.addf %logistic3A_202, %logistic3A_200 : vector<1024x1xf32>
    %logistic3A_204 = arith.divf %logistic3A_202, %logistic3A_203 : vector<1024x1xf32>
    %swap3A = arith.constant 0 : index
    %swap3A_205 = arith.constant 0 : index
    %swap3A_206 = vector.load %arg7[%swap3A, %swap3A_205] : memref<1024x1xf32, #tpu.memory_space<vmem>>, vector<1024x1xf32>
    tpu.vector_store %arg7[%swap3A, %swap3A_205], %logistic3A_204 {strides = array<i32>} : memref<1024x1xf32, #tpu.memory_space<vmem>>, vector<1024x1xf32>,
    return
  }
  func.func @transform_0(%arg0: i32) -> (i32, i32) {
    %c0_i32 = arith.constant 0 : i32
    %c0_i32_0 = arith.constant 0 : i32
    return %arg0, %c0_i32 : i32, i32
  }
  func.func @transform_1(%arg0: i32) -> (i32, i32) {
    %c0_i32 = arith.constant 0 : i32
    %c0_i32_0 = arith.constant 0 : i32
    return %arg0, %c0_i32 : i32, i32
  }
  func.func @transform_2(%arg0: i32) -> (i32, i32) {
    %c0_i32 = arith.constant 0 : i32
    %c0_i32_0 = arith.constant 0 : i32
    return %arg0, %c0_i32 : i32, i32
  }
  func.func @transform_3(%arg0: i32) -> (i32, i32) {
    %c0_i32 = arith.constant 0 : i32
    %c0_i32_0 = arith.constant 0 : i32
    return %arg0, %c0_i32 : i32, i32
  }
  func.func @transform_4(%arg0: i32) -> (i32, i32) {
    %c0_i32 = arith.constant 0 : i32
    %c0_i32_0 = arith.constant 0 : i32
    %c0_i32_1 = arith.constant 0 : i32
    return %c0_i32, %c0_i32_0 : i32, i32
  }
  func.func @transform_5(%arg0: i32) -> (i32, i32) {
    %c0_i32 = arith.constant 0 : i32
    %c0_i32_0 = arith.constant 0 : i32
    %c0_i32_1 = arith.constant 0 : i32
    return %c0_i32, %c0_i32_0 : i32, i32
  }
  func.func @transform_6(%arg0: i32) -> (i32, i32) {
    %c0_i32 = arith.constant 0 : i32
    %c0_i32_0 = arith.constant 0 : i32
    return %arg0, %c0_i32 : i32, i32
  }
}

</mosaic_0001>

<sc_bundles>
// kernel: kernel.5.cloned.1.call-start
scs
__scs_entry_jumppad:
0x0: {  	(pc) =	sbr.rel $0x88, $3  }
0x1: {  	(tag) =	ssettag $0x0;
	lr =	simm.s32 $0x1  }
0x2: {  	[smem:$0x3F98] =	sst lr;
	_ =	strace $0xD0000000  }
0x3: {  	_ = 	snop  }
0x4: {  	_ = 	snop  }
0x5: {  	_ = 	snop  }
0x6: {  	_ = 	snop  }
0x7: {  	_ = 	snop  }
__scs_overlays_trampoline_lowered:
0x8: {  	[smem:$0x3FA7] =	sst s0  }
0x9: {  	[smem:$0x3FA8] =	sst s1  }
0xa: {  	[smem:$0x3FA9] =	sst s2  }
0xb: {  	[smem:$0x3FAA] =	sst s3  }
0xc: {  	[smem:$0x3FAB] =	sst s4  }
0xd: {  	[smem:$0x3FAC] =	sst s5  }
0xe: {  	[smem:$0x3FAD] =	sst s6  }
0xf: {  	[smem:$0x3FAE] =	sst s7  }
0x10: {  	[smem:$0x3FAF] =	sst s8  }
0x11: {  	[smem:$0x3FB0] =	sst s9;
	s0 =	simm.s32 @!p0 $0x0  }
0x12: {  	s1 =	sld [smem:$0x3F96];
	s0 =	simm.s32 @p0 $0x1  }
0x13: {  	[smem:$0x3FB1] =	sst s0;
	s0 =	simm.s32 @!p1 $0x0  }
0x14: {  	s2 =	sld [smem:$0x3F95];
	s0 =	simm.s32 @p1 $0x1  }
0x15: {  	[smem:$0x3FB2] =	sst s0;
	s0 =	simm.s32 @!p2 $0x0  }
0x16: {  	s3 =	sld [smem:$0x3FDB];
	s0 =	simm.s32 @p2 $0x1  }
0x17: {  	s4 =	simm.s32 $0x1BF5;
	[smem:$0x3FB4] =	sst s0  }
0x18: {  	s0 =	sld [smem:$0x3F97];
	_ =	swait.ge [sflag:s4], $0x0  }
0x19: {  	s7 =	sld [smem:$0x3F98]  }
0x1a: {  	s8 =	sadd.s32 $0xFFFFE003, lr  }
0x1b: {  	s9 =	sadd.s32 $0xFFFFFEF7, lr;
	s5 =	simm.s32 $0xFFFFFFFF;
	p2 =	slt.u32 s8, $0xFFFFF086  }
0x1c: {  	p1 =	slt.u32 s9, $0xF7A;
	s5 =	simm.s32 @!p2 $0x0  }
0x1d: {  	s5 =	simm.s32 @p1 $0x1;
	p0 =	seq.s32 s7, s2  }
0x1e: {  	s7 =	smul.u32 @!p0 $0xF7A, s2;
	p2 =	seq.s32 @!p0 s5, $0x0  }
0x1f: {  	s9 =	smul.u32 $0xF7A, s1;
	s8 =	simm.s32 @!p0 $0x1BF5;
	p2 =	por !p2, p0  }
0x20: {  	[sflag:s8] =	ssyncset.s32 @!p0 $0xFFFFF086;
	s6 =	sadd.s32 @!p0 s3, s7;
	s7 =	simm.s32 @!p0 $0x108  }
0x21: {  	s3 =	sadd.s32 s3, s9;
	s6 =	sadd.s32 @!p0 $0x88, s6;
	s7 =	simm.s32 @p2 $0x1082  }
0x22: {  	[simem:s7], [sflag:s8] =	dma.local @!p0 [hbm:s6], $0xF7A  }
0x23: {  	s9 =	sor.u32 $0xD0000000, s2;
	s6 =	simm.s32 $0x108;
	_ =	swait.ge @!p0 [sflag:s8], $0x0  }
0x24: {  	s3 =	sadd.s32 $0x88, s3;
	s6 =	simm.s32 @!p1 $0x1082;
	[sflag:s4] =	ssyncset.s32 $0xFFFFF086  }
0x25: {  	[simem:s6], [sflag:s4] =	dma.local [hbm:s3], $0xF7A  }
0x26: {  	[smem:$0x3F98] =	sst s1;
	(tag) =	ssettag s2;
	_ =	strace s9  }
0x27: {  	s1 =	sld [smem:$0x3FA8]  }
0x28: {  	s2 =	sld [smem:$0x3FA9]  }
0x29: {  	s4 =	sld [smem:$0x3FAB]  }
0x2a: {  	p0 =	seq.s32 s5, $0x0;
	s5 =	sld [smem:$0x3FAC]  }
0x2b: {  	s6 =	sld [smem:$0x3FAD]  }
0x2c: {  	s7 =	sld [smem:$0x3FAE]  }
0x2d: {  	s3 =	simm.s32 $0x108;
	s8 =	sld [smem:$0x3FAF]  }
0x2e: {  	s3 =	simm.s32 @!p0 $0x1082;
	s9 =	sld [smem:$0x3FB0]  }
0x2f: {  	lr =	sadd.s32 s0, s3;
	s0 =	sld [smem:$0x3FA7]  }
0x30: {  	s3 =	sld [smem:$0x3FAA]  }
0x31: {  	[smem:$0x3FB3] =	sst s10  }
0x32: {  	s10 =	sld [smem:$0x3FB1];
	_ =	sdelay $0x3  }
0x33: {  	p0 =	seq.s32 s10, $0x1;
	s10 =	sld [smem:$0x3FB3];
	_ =	sdelay $0x3  }
0x34: {  	[smem:$0x3FB3] =	sst s10  }
0x35: {  	s10 =	sld [smem:$0x3FB2];
	_ =	sdelay $0x3  }
0x36: {  	p1 =	seq.s32 s10, $0x1;
	s10 =	sld [smem:$0x3FB3];
	_ =	sdelay $0x3  }
0x37: {  	[smem:$0x3FB3] =	sst s10  }
0x38: {  	s10 =	sld [smem:$0x3FB4]  }
0x39: {  	_ = 	snop;
	(pc) =	sbr.ind lr, $3  }
0x3a: {  	_ = 	snop  }
0x3b: {  	_ = 	snop  }
0x3c: {  	p2 =	seq.s32 s10, $0x1;
	s10 =	sld [smem:$0x3FB3]  }
0x3d: {  	_ =	shalt  }
0x3e: {  	_ =	shalt  }
0x3f: {  	_ =	shalt  }
0x40: {  	_ =	shalt  }
0x41: {  	_ =	shalt  }
0x42: {  	_ =	shalt  }
0x43: {  	_ =	shalt  }
0x44: {  	_ =	shalt  }
0x45: {  	_ =	shalt  }
0x46: {  	_ =	shalt  }
0x47: {  	_ =	shalt  }
0x48: {  	_ =	shalt  }
0x49: {  	_ =	shalt  }
0x4a: {  	_ =	shalt  }
0x4b: {  	_ =	shalt  }
0x4c: {  	_ =	shalt  }
0x4d: {  	_ =	shalt  }
0x4e: {  	_ =	shalt  }
0x4f: {  	_ =	shalt  }
0x50: {  	_ =	shalt  }
0x51: {  	_ =	shalt  }
0x52: {  	_ =	shalt  }
0x53: {  	_ =	shalt  }
0x54: {  	_ =	shalt  }
0x55: {  	_ =	shalt  }
0x56: {  	_ =	shalt  }
0x57: {  	_ =	shalt  }
0x58: {  	_ =	shalt  }
0x59: {  	_ =	shalt  }
0x5a: {  	_ =	shalt  }
0x5b: {  	_ =	shalt  }
0x5c: {  	_ =	shalt  }
0x5d: {  	_ =	shalt  }
0x5e: {  	_ =	shalt  }
0x5f: {  	_ =	shalt  }
0x60: {  	_ =	shalt  }
0x61: {  	_ =	shalt  }
0x62: {  	_ =	shalt  }
0x63: {  	_ =	shalt  }
0x64: {  	_ =	shalt  }
0x65: {  	_ =	shalt  }
0x66: {  	_ =	shalt  }
0x67: {  	_ =	shalt  }
0x68: {  	_ =	shalt  }
0x69: {  	_ =	shalt  }
0x6a: {  	_ =	shalt  }
0x6b: {  	_ =	shalt  }
0x6c: {  	_ =	shalt  }
0x6d: {  	_ =	shalt  }
0x6e: {  	_ =	shalt  }
0x6f: {  	_ =	shalt  }
0x70: {  	_ =	shalt  }
0x71: {  	_ =	shalt  }
0x72: {  	_ =	shalt  }
0x73: {  	_ =	shalt  }
0x74: {  	_ =	shalt  }
0x75: {  	_ =	shalt  }
0x76: {  	_ =	shalt  }
0x77: {  	_ =	shalt  }
0x78: {  	_ =	shalt  }
0x79: {  	_ =	shalt  }
0x7a: {  	_ =	shalt  }
0x7b: {  	_ =	shalt  }
0x7c: {  	_ =	shalt  }
0x7d: {  	_ =	shalt  }
0x7e: {  	_ =	shalt  }
0x7f: {  	_ =	shalt  }
0x80: {  	_ =	shalt  }
0x81: {  	_ =	shalt  }
0x82: {  	_ =	shalt  }
0x83: {  	_ =	shalt  }
0x84: {  	_ =	shalt  }
0x85: {  	_ =	shalt  }
0x86: {  	_ =	shalt  }
0x87: {  	_ =	shalt  }
.Lfunc_end0:
.L_simem_size_0:
called_computation_lowered:
.L_overlay_start_0:
0x88: {  	s2 =	sld [smem:$0x3FD9]  }
0x89: {  	s3 =	sld [smem:$0x3FFE];
	_ =	sdelay $0x1  }
0x8a: {  	s1 =	srdreg.scid  }
0x8b: {  	s0 =	sand.u32 $0x1, s1  }
0x8c: {  	s16 =	sshll.u32 s0, $0xA;
	s2 =	sadd.s32 s3, s2  }
0x8d: {  	s2 =	sadd.s32 s2, s16  }
0x8e: {  	[smem:$0x3FBF] =	sst s2  }
0x8f: {  	_ = 	snop  }
0x90: {  	(tm) =	ssettm $0x1  }
0x91: {  	s17 =	sld [smem:$0x3FFB];
	_ =	sdelay $0x3  }
0x92: {  	_ =	strace s17  }
0x93: {  	s2 =	sld [smem:$0x3FFC];
	_ =	sdelay $0x3  }
0x94: {  	_ =	strace s2  }
0x95: {  	s2 =	sld [smem:$0x3FFD];
	_ =	sdelay $0x3  }
0x96: {  	_ =	strace s2  }
0x97: {  	_ =	strace $0x8FFFFFFF  }
0x98: {  	s18 =	sld [smem:$0x3FDB];
	_ =	sdelay $0x1  }
0x99: {  	s19 =	simm.s32 $_scs_section_size  }
0x9a: {  	s4 =	simm.s32 $_size__tile_overlayer_lowered;
	s5 =	simm.s32 $_tile_overlayer_lowered  }
0x9b: {  	s22 =	simm.s32 $0x1BFF;
	s21 =	sshll.u32 s5, $0x1;
	s2 =	sadd.s32 s19, s18  }
0x9c: {  	s6 =	simm.s32 $0x0;
	s20 =	sshll.u32 s4, $0x1;
	s4 =	sadd.s32 s21, s2  }
0x9d: {  	[timem:s6], [sflag:s22] =	dma.local [hbm:s4], s20  }
0x9e: {  	_ =	swait.ge [sflag:s22], s20  }
0x9f: {  	s3 =	ssub.s32 $0x0, s20;
	[sflag:s22] =	ssyncset.done $0x0  }
0xa0: {  	[sflag:s22] =	ssyncadd.s32 s3;
	_ =	sdelay $0x1  }
0xa1: {  	s23 =	simm.s32 $0x1B8B  }
0xa2: {  	_ =	swait.ge [sflag:s23], $0x1  }
0xa3: {  	[sflag:s23] =	ssyncset.done $0x0  }
0xa4: {  	s25 =	simm.s32 $0x1B8E;
	s24 =	sld [smem:$0x3FFE];
	[sflag:s23] =	ssyncadd.s32 $0xFFFFFFFF  }
0xa5: {  	s26 =	simm.s32 $execute0_lowered;
	[smem:$0x3FD2] =	sst s25  }
0xa6: {  	s4 =	sshll.u32 s26, $0x1;
	_ =	strace $0x80000046;
	[dreg:$0x1] =	wrdreg $0xFFFFFFFF  }
0xa7: {  	s28 =	simm.s32 $_size_execute0_lowered;
	s2 =	sadd.s32 s2, s4;
	[dreg:$0x0] =	wrdreg $0x0  }
0xa8: {  	s4 =	sshll.u32 s28, $0x1;
	[dreg:$0x2] =	wrdreg s2  }
0xa9: {  	[dreg:$0x3] =	wrdreg s4  }
0xaa: {  	[dreg:$0x4] =	wrdreg $0xC0  }
0xab: {  	_ =	task [dreg:s6], $0x5FFFF  }
0xac: {  	[dreg:$0x1] =	wrdreg $0xFFFFFFFF  }
0xad: {  	[dreg:$0x0] =	wrdreg $0x60  }
0xae: {  	[dreg:$0x2] =	wrdreg s24  }
0xaf: {  	[dreg:$0x3] =	wrdreg $0x9  }
0xb0: {  	_ =	task.clear_ibuf [dreg:s6], $0x4FFFF;
	_ =	strace $0x90000046  }
0xb1: {  	s29 =	simm.s32 $0x9;
	_ =	strace $0x80000048  }
0xb2: {  	_ =	swait.ge [sflag:s29], $0x1  }
0xb3: {  	[sflag:s29] =	ssyncadd.s32 $0xFFFFFFFF  }
0xb4: {  	_ =	strace $0x90000048  }
0xb5: {  	_ =	sfence  }
0xb6: {  	s30 =	sld [smem:$0x0];
	_ =	sdelay $0x2  }
0xb7: {  	s31 =	sshll.u32 s1, $0xD;
	s1 =	sshrl.u32 s1, $0x2  }
0xb8: {  	s3 =	sand.u32 $0x4000, s31;
	s1 =	sadd.s32 s1, s30  }
0xb9: {  	s0 =	sor.u32 s3, s0;
	s1 =	sshll.u32 s1, $0x11  }
0xba: {  	s0 =	sor.u32 s1, s0  }
0xbb: {  	s0 =	sadd.s32 $0x8F2B, s0  }
0xbc: {  	[sflag:s0] =	ssyncadd.remote.s32 $0x1  }
0xbd: {  	_ =	sfence.sel $0xFFFF  }
0xbe: {  	[dreg:$0x0] =	wrdreg $0xFFFFFFFF;
	(pc) =	sbr.abs _section_cstart, $3  }
0xbf: {  	[dreg:$0x1] =	wrdreg $0xFFFFFFFF  }
0xc0: {  	_ =	task.clear_ibuf [dreg:s6], $0x2FFFF;
	_ =	strace $0x9FFFFFFF  }
0xc1: {  	(tm) =	ssettm $0x7FFFFFFF  }
tec
execute0_lowered:
.L_overlay_start_1:
0x0: {  	(tag) =	ssettag $0x1  }
0x1: {  	s0 =	rddreg [dreg:$0x0];
	s1 =	simm.s32 $0x0  }
0x2: {  	s5 =	srdreg.scid;
	s2 =	stileid.u32;
	s17 =	simm.s32 $0x190  }
0x3: {  	s18 =	simm.s32 $0x186A0;
	s19 =	simm.s32 $0x1;
	s20 =	simm.s32 $0x6400  }
0x4: {  	s21 =	simm.s32 $0x2;
	s22 =	simm.s32 $0x3200;
	s23 =	simm.s32 $0xAF00  }
0x5: {  	s24 =	simm.s32 $0x0;
	[smem:$0x7FF] =	sst s1;
	s3 =	sadd.s32 $0x64600, s0  }
0x6: {  	s4 =	sadd.s32 $0x33800, s0;
	s9 =	sand.u32 $0x1, s5;
	s7 =	sshll.u32 s2, $0x1  }
0x7: {  	s5 =	sadd.s32 $0x2A00, s0;
	s6 =	sadd.s32 $0x95400, s0;
	s8 =	sadd.s32 $0xC6200, s0  }
.Ltmp0:
0x8: {  	s10 =	sadd.s32 $0x127E00, s0;
	s7 =	sor.u32 s9, s7;
	(pc) =	sbr.rel .LBB2_1-.Ltmp0, $4  }
0x9: {  	s11 =	sadd.s32 $0x158C00, s0;
	s12 =	ssub.s32 $0x2, s9;
	s15 =	smul.u32 $0x32, s7  }
0xa: {  	_ =	strace $0x80000047;
	s9 =	sadd.s32 $0xF7000, s0;
	s13 =	sshrl.u32 s12, $0x1  }
0xb: {  	v0 =	vlaneseq.u32;
	s31 =	ssub.s32 s12, s13;
	s12 =	sadd.s32 s3, s15;
	s13 =	sadd.s32 s4, s15  }
0xc: {  	v0 =	vmul.u32 $0x190, v0;
	s14 =	sadd.s32 s5, s15;
	s15 =	sadd.s32 s6, s15;
	s16 =	smax.u32 s31, $0x1  }
.LBB2_25:
0xd: {  	s24 =	sadd.s32 $0x1, s24  }
0xe: {  	p0 =	sne.s32 s24, s16  }
.Ltmp1:
0xf: {  	_ = 	snop;
	(pc) =	sbr.rel @!p0 .LBB2_26-.Ltmp1, $1  }
0x10: {  	_ =	sdelay $0x3  }
.LBB2_1:
.Ltmp2:
0x11: {  	(pc) =	sbr.rel .LBB2_2-.Ltmp2, $3  }
0x12: {  	_ =	sdelay $0x1  }
0x13: {  	[tilespmem:s1], [sflag:$0x1] =	stream.strided.gather [hbm4b:s12+s17], $0x1900, s18, s17, $0x38;
	[tilespmem:$0xFA00] =	vst v63  }
0x14: {  	s25 =	simm.s32 $0x0  }
.LBB2_6:
0x15: {  	s25 =	sadd.s32 $0x1, s25  }
0x16: {  	p0 =	sne.s32 s25, $0x8  }
.Ltmp3:
0x17: {  	_ = 	snop;
	(pc) =	sbr.rel @!p0 .LBB2_7-.Ltmp3, $1  }
0x18: {  	_ =	sdelay $0x3  }
.LBB2_2:
0x19: {  	s0 =	sshll.u32 s25, $0x5  }
0x1a: {  	s26 =	sor.u32 s7, s0  }
0x1b: {  	p0 =	sgt.u32 s26, $0xF9  }
.Ltmp4:
0x1c: {  	_ = 	snop;
	(pc) =	sbr.rel @p0 .LBB2_6-.Ltmp4, $1  }
0x1d: {  	_ =	sdelay $0x3  }
0x1e: {  	s0 =	sand.u32 $0x1, s25  }
0x1f: {  	v1 =	vmov s0  }
0x20: {  	s28 =	simm.s32 $0x0;
	s29 =	simm.s32 $0x1;
	v1 =	vmul.u32 $0x1900, v1  }
0x21: {  	v2 =	vmov s28;
	s28 =	simm.s32 $0x3;
	v3 =	vmov s29  }
0x22: {  	s29 =	simm.s32 $0x2;
	v4 =	vand.u32 $0x1F8, v2;
	v5 =	vmov s28;
	v1 =	vbroadcast v1, $0x0  }
0x23: {  	v6 =	vand.u32 $0x5, v3;
	v7 =	vmov s29;
	v3 =	vand.u32 $0x1F8, v3  }
0x24: {  	_ =	swait.ge [sflag:s19], $0x1900;
	p0 =	sgt.u32 s26, $0xD9;
	v2 =	vand.u32 $0x4, v2;
	v8 =	vand.u32 $0x1F8, v5;
	v1 =	vadd.s32 v0, v1  }
0x25: {  	s30 =	simm.s32 $0x5;
	s0 =	sxor.u32 @!p0 $0x1, s0;
	s28 =	smul.u32 @!p0 $0x190, s26;
	v5 =	vand.u32 $0x7, v5;
	v9 =	vand.u32 $0x1F8, v7;
	v8 =	vadd.s32 v1, v8  }
0x26: {  	[sflag:s19] =	ssyncset.done $0x0;
	s31 =	simm.s32 @!p0 $0x186A0;
	s0 =	smul.u32 @!p0 $0x6400, s0;
	v3 =	vadd.s32 v1, v3;
	v4 =	vadd.s32 v1, v4;
	v5 =	vor.u32 v5, v8  }
0x27: {  	[sflag:s19] =	ssyncadd.s32 $0xFFFFE700;
	s29 =	simm.s32 $0x4;
	s28 =	sshrl.u32 @!p0 s28, $0x3;
	v6 =	vor.u32 v6, v3;
	v3 =	vand.u32 $0x6, v7;
	v7 =	vadd.s32 v1, v9  }
0x28: {  	s0 =	sshrl.u32 @!p0 s0, $0x2;
	s28 =	sadd.s32 @!p0 s3, s28;
	v9 =	vmov s29;
	s29 =	simm.s32 $0x7;
	v10 =	vor.u32 v2, v4;
	v7 =	vor.u32 v3, v7  }
0x29: {  	s28 =	sadd.s32 @!p0 $0x640, s28;
	v2 =	vmov s30;
	s30 =	simm.s32 $0x6;
	v3 =	vmov s29;
	s29 =	simm.s32 @!p0 $0x190;
	v11 =	vand.u32 $0x1F8, v9  }
0x2a: {  	v4 =	vand.u32 $0x5, v2;
	v12 =	vmov s30;
	[tilespmem:s0], [sflag:$0x1] =	stream.strided.gather @!p0 [hbm4b:s28+s29], $0x1900, s31, s29, $0x38;
	v8 =	vand.u32 $0x1F8, v3;
	[tilespmem:$0xFA00] =	vst v63  }
0x2b: {  	v2 =	vand.u32 $0x1F8, v2;
	v13 =	vand.u32 $0x7, v3;
	v3 =	vld.idx.msk [tilespmem:v5+s1+$0x0], $0xffff;
	v5 =	vadd.s32 v1, v8  }
0x2c: {  	v14 =	vadd.s32 v1, v2;
	v15 =	vand.u32 $0x1F8, v12;
	v2 =	vld.idx.msk [tilespmem:v6+s1+$0x0], $0xffff;
	v8 =	vor.u32 v13, v5  }
0x2d: {  	v12 =	vand.u32 $0x6, v12;
	v6 =	vor.u32 v4, v14;
	v4 =	vld.idx.msk [tilespmem:v7+s1+$0x0], $0xffff;
	v7 =	vadd.s32 v1, v15  }
0x2e: {  	v63 =	vand.u32 $0x4, v9;
	s30 =	simm.s32 $0xC;
	s29 =	simm.s32 $0x8;
	v11 =	vadd.s32 v1, v11;
	v5 =	vld.idx.msk [tilespmem:v10+s1+$0x0], $0xffff;
	v9 =	vor.u32 v12, v7  }
0x2f: {  	s28 =	simm.s32 $0x6420;
	s31 =	simm.s32 $0x9;
	s0 =	simm.s32 $0xB;
	v10 =	vor.u32 v63, v11;
	v7 =	vmov s29  }
.LBB2_4:
0x30: {  	p0 =	slt.u32 s30, $0x18C;
	v11 =	vand.u32 $0x1F8, v7;
	v12 =	vmov s31;
	s31 =	sadd.s32 $0x2, s29;
	v13 =	vmov s0;
	[tilespmem:s28+$0x10] =	vst v3;
	s29 =	smov.u32 s30  }
0x31: {  	v14 =	vand.u32 $0x5, v12;
	v15 =	vmov s31;
	v16 =	vand.u32 $0x1F8, v13;
	v3 =	vld.idx.msk [tilespmem:v8+s1+$0x0], $0xffff;
	[tilespmem:s28+$0xFFFFFFF0] =	vst v2  }
.Ltmp5:
0x32: {  	v8 =	vand.u32 $0x1F8, v12;
	v12 =	vand.u32 $0x7, v13;
	v13 =	vadd.s32 v1, v16;
	v2 =	vld.idx.msk [tilespmem:v6+s1+$0x0], $0xffff;
	[tilespmem:s28+$0x0] =	vst v4;
	(pc) =	sbr.rel @p0 .LBB2_4-.Ltmp5, $4  }
0x33: {  	v6 =	vadd.s32 v1, v8;
	v16 =	vand.u32 $0x1F8, v15;
	v8 =	vor.u32 v12, v13;
	v4 =	vld.idx.msk [tilespmem:v9+s1+$0x0], $0xffff;
	[tilespmem:s28+$0xFFFFFFE0] =	vst v5  }
0x34: {  	v6 =	vor.u32 v14, v6;
	v9 =	vand.u32 $0x6, v15;
	v12 =	vadd.s32 v1, v16;
	v5 =	vld.idx.msk [tilespmem:v10+s1+$0x0], $0xffff  }
0x35: {  	s31 =	sadd.s32 $0x1, s30;
	v11 =	vadd.s32 v1, v11;
	v10 =	vand.u32 $0x4, v7;
	v9 =	vor.u32 v9, v12  }
0x36: {  	s0 =	sadd.s32 $0x3, s29;
	s30 =	sadd.s32 $0x4, s30;
	s28 =	sadd.s32 $0x40, s28;
	v7 =	vmov s29;
	v10 =	vor.u32 v10, v11  }
0x37: {  	v11 =	vmov s31;
	s29 =	sadd.s32 $0x2, s29;
	v12 =	vmov s0;
	v58 =	vand.u32 $0x1F8, v7  }
0x38: {  	v13 =	vand.u32 $0x5, v11;
	v14 =	vmov s29;
	v15 =	vand.u32 $0x1F8, v12  }
0x39: {  	v11 =	vand.u32 $0x1F8, v11;
	v12 =	vand.u32 $0x7, v12;
	v15 =	vadd.s32 v1, v15  }
0x3a: {  	v11 =	vadd.s32 v1, v11;
	v57 =	vand.u32 $0x1F8, v14;
	v12 =	vor.u32 v12, v15  }
0x3b: {  	v8 =	vld.idx.msk [tilespmem:v8+s1+$0x0], $0xffff;
	v14 =	vand.u32 $0x6, v14;
	v11 =	vor.u32 v13, v11;
	v15 =	vadd.s32 v1, v57  }
0x3c: {  	[tilespmem:s28+$0x10] =	vst v3;
	v3 =	vld.idx.msk [tilespmem:v6+s1+$0x0], $0xffff;
	v59 =	vand.u32 $0x4, v7;
	v1 =	vadd.s32 v1, v58;
	v60 =	vor.u32 v14, v15  }
0x3d: {  	[tilespmem:s28+$0xFFFFFFF0] =	vst v2;
	v2 =	vld.idx.msk [tilespmem:v9+s1+$0x0], $0xffff;
	v1 =	vor.u32 v59, v1  }
0x3e: {  	v61 =	vld.idx.msk [tilespmem:v10+s1+$0x0], $0xffff;
	[tilespmem:s28+$0x0] =	vst v4  }
0x3f: {  	s30 =	sadd.s32 $0x40, s28;
	[tilespmem:s28+$0xFFFFFFE0] =	vst v5;
	v62 =	vld.idx.msk [tilespmem:v12+s1+$0x0], $0xffff  }
0x40: {  	[tilespmem:s30+$0x10] =	vst v8;
	v63 =	vld.idx.msk [tilespmem:v11+s1+$0x0], $0xffff  }
0x41: {  	[tilespmem:s30+$0xFFFFFFF0] =	vst v3;
	v3 =	vld.idx.msk [tilespmem:v60+s1+$0x0], $0xffff  }
0x42: {  	[tilespmem:s30+$0x0] =	vst v2;
	v1 =	vld.idx.msk [tilespmem:v1+s1+$0x0], $0xffff  }
0x43: {  	s0 =	sadd.s32 $0x40, s30;
	[tilespmem:s30+$0xFFFFFFE0] =	vst v61  }
0x44: {  	[tilespmem:s0+$0x10] =	vst v62  }
0x45: {  	s26 =	smul.u32 $0x320, s26;
	[tilespmem:s0+$0xFFFFFFF0] =	vst v63  }
0x46: {  	[tilespmem:s0+$0x0] =	vst v3  }
.Ltmp6:
0x47: {  	s31 =	sadd.s32 s8, s26;
	[tilespmem:s0+$0xFFFFFFE0] =	vst v1;
	(pc) =	sbr.rel .LBB2_6-.Ltmp6, $4  }
0x48: {  	[hbm4b:s31+s1] =	stream.linear.scatter [tilespmem:s20], [sflag:$0x2], $0x1900, $0x38;
	[tilespmem:$0xFA00] =	vst v63  }
0x49: {  	_ =	swait.ge [sflag:s21], $0x1900  }
0x4a: {  	[sflag:s21] =	ssyncset.done $0x0  }
0x4b: {  	[sflag:s21] =	ssyncadd.s32 $0xFFFFE700  }
.LBB2_7:
.Ltmp7:
0x4c: {  	(pc) =	sbr.rel .LBB2_8-.Ltmp7, $3  }
0x4d: {  	_ =	sdelay $0x1  }
0x4e: {  	s25 =	simm.s32 $0x0  }
0x4f: {  	[tilespmem:s25], [sflag:$0x1] =	stream.strided.gather [hbm4b:s13+s17], $0x1900, s18, s17, $0x38;
	[tilespmem:$0xFA00] =	vst v63  }
.LBB2_12:
0x50: {  	s25 =	sadd.s32 $0x1, s25  }
0x51: {  	p0 =	sne.s32 s25, $0x8  }
.Ltmp8:
0x52: {  	_ = 	snop;
	(pc) =	sbr.rel @!p0 .LBB2_13-.Ltmp8, $1  }
0x53: {  	_ =	sdelay $0x3  }
.LBB2_8:
0x54: {  	s0 =	sshll.u32 s25, $0x5  }
0x55: {  	s26 =	sor.u32 s7, s0  }
0x56: {  	p0 =	sgt.u32 s26, $0xF9  }
.Ltmp9:
0x57: {  	_ = 	snop;
	(pc) =	sbr.rel @p0 .LBB2_12-.Ltmp9, $1  }
0x58: {  	_ =	sdelay $0x3  }
0x59: {  	s0 =	sand.u32 $0x1, s25  }
0x5a: {  	v1 =	vmov s0  }
0x5b: {  	s28 =	simm.s32 $0x0;
	s29 =	simm.s32 $0x1;
	v1 =	vmul.u32 $0x1900, v1  }
0x5c: {  	v2 =	vmov s28;
	s28 =	simm.s32 $0x3;
	v3 =	vmov s29  }
0x5d: {  	s29 =	simm.s32 $0x2;
	v4 =	vand.u32 $0x1F8, v2;
	v5 =	vmov s28;
	v1 =	vbroadcast v1, $0x0  }
0x5e: {  	v6 =	vand.u32 $0x5, v3;
	v7 =	vmov s29;
	v3 =	vand.u32 $0x1F8, v3  }
0x5f: {  	_ =	swait.ge [sflag:s19], $0x1900;
	p0 =	sgt.u32 s26, $0xD9;
	v2 =	vand.u32 $0x4, v2;
	v8 =	vand.u32 $0x1F8, v5;
	v1 =	vadd.s32 v0, v1  }
0x60: {  	s30 =	simm.s32 $0x5;
	s0 =	sxor.u32 @!p0 $0x1, s0;
	s28 =	smul.u32 @!p0 $0x190, s26;
	v5 =	vand.u32 $0x7, v5;
	v9 =	vand.u32 $0x1F8, v7;
	v8 =	vadd.s32 v1, v8  }
0x61: {  	[sflag:s19] =	ssyncset.done $0x0;
	s31 =	simm.s32 @!p0 $0x186A0;
	s0 =	smul.u32 @!p0 $0x6400, s0;
	v3 =	vadd.s32 v1, v3;
	v4 =	vadd.s32 v1, v4;
	v5 =	vor.u32 v5, v8  }
0x62: {  	[sflag:s19] =	ssyncadd.s32 $0xFFFFE700;
	s29 =	simm.s32 $0x4;
	s28 =	sshrl.u32 @!p0 s28, $0x3;
	v6 =	vor.u32 v6, v3;
	v3 =	vand.u32 $0x6, v7;
	v7 =	vadd.s32 v1, v9  }
0x63: {  	s0 =	sshrl.u32 @!p0 s0, $0x2;
	s28 =	sadd.s32 @!p0 s4, s28;
	v9 =	vmov s29;
	s29 =	simm.s32 $0x7;
	v10 =	vor.u32 v2, v4;
	v7 =	vor.u32 v3, v7  }
0x64: {  	s28 =	sadd.s32 @!p0 $0x640, s28;
	v2 =	vmov s30;
	s30 =	simm.s32 $0x6;
	v3 =	vmov s29;
	s29 =	simm.s32 @!p0 $0x190;
	v11 =	vand.u32 $0x1F8, v9  }
0x65: {  	v4 =	vand.u32 $0x5, v2;
	v12 =	vmov s30;
	[tilespmem:s0], [sflag:$0x1] =	stream.strided.gather @!p0 [hbm4b:s28+s29], $0x1900, s31, s29, $0x38;
	v8 =	vand.u32 $0x1F8, v3;
	[tilespmem:$0xFA00] =	vst v63  }
0x66: {  	v2 =	vand.u32 $0x1F8, v2;
	v13 =	vand.u32 $0x7, v3;
	v3 =	vld.idx.msk [tilespmem:v5+s1+$0x0], $0xffff;
	v5 =	vadd.s32 v1, v8  }
0x67: {  	v14 =	vadd.s32 v1, v2;
	v15 =	vand.u32 $0x1F8, v12;
	v2 =	vld.idx.msk [tilespmem:v6+s1+$0x0], $0xffff;
	v8 =	vor.u32 v13, v5  }
0x68: {  	v12 =	vand.u32 $0x6, v12;
	v6 =	vor.u32 v4, v14;
	v4 =	vld.idx.msk [tilespmem:v7+s1+$0x0], $0xffff;
	v7 =	vadd.s32 v1, v15  }
0x69: {  	v63 =	vand.u32 $0x4, v9;
	s30 =	simm.s32 $0xC;
	s29 =	simm.s32 $0x8;
	v11 =	vadd.s32 v1, v11;
	v5 =	vld.idx.msk [tilespmem:v10+s1+$0x0], $0xffff;
	v9 =	vor.u32 v12, v7  }
0x6a: {  	s28 =	simm.s32 $0x6420;
	s31 =	simm.s32 $0x9;
	s0 =	simm.s32 $0xB;
	v10 =	vor.u32 v63, v11;
	v7 =	vmov s29  }
.LBB2_10:
0x6b: {  	p0 =	slt.u32 s30, $0x18C;
	v11 =	vand.u32 $0x1F8, v7;
	v12 =	vmov s31;
	s31 =	sadd.s32 $0x2, s29;
	v13 =	vmov s0;
	[tilespmem:s28+$0x10] =	vst v3;
	s29 =	smov.u32 s30  }
0x6c: {  	v14 =	vand.u32 $0x5, v12;
	v15 =	vmov s31;
	v16 =	vand.u32 $0x1F8, v13;
	v3 =	vld.idx.msk [tilespmem:v8+s1+$0x0], $0xffff;
	[tilespmem:s28+$0xFFFFFFF0] =	vst v2  }
.Ltmp10:
0x6d: {  	v8 =	vand.u32 $0x1F8, v12;
	v12 =	vand.u32 $0x7, v13;
	v13 =	vadd.s32 v1, v16;
	v2 =	vld.idx.msk [tilespmem:v6+s1+$0x0], $0xffff;
	[tilespmem:s28+$0x0] =	vst v4;
	(pc) =	sbr.rel @p0 .LBB2_10-.Ltmp10, $4  }
0x6e: {  	v6 =	vadd.s32 v1, v8;
	v16 =	vand.u32 $0x1F8, v15;
	v8 =	vor.u32 v12, v13;
	v4 =	vld.idx.msk [tilespmem:v9+s1+$0x0], $0xffff;
	[tilespmem:s28+$0xFFFFFFE0] =	vst v5  }
0x6f: {  	v6 =	vor.u32 v14, v6;
	v9 =	vand.u32 $0x6, v15;
	v12 =	vadd.s32 v1, v16;
	v5 =	vld.idx.msk [tilespmem:v10+s1+$0x0], $0xffff  }
0x70: {  	s31 =	sadd.s32 $0x1, s30;
	v11 =	vadd.s32 v1, v11;
	v10 =	vand.u32 $0x4, v7;
	v9 =	vor.u32 v9, v12  }
0x71: {  	s0 =	sadd.s32 $0x3, s29;
	s30 =	sadd.s32 $0x4, s30;
	s28 =	sadd.s32 $0x40, s28;
	v7 =	vmov s29;
	v10 =	vor.u32 v10, v11  }
0x72: {  	v11 =	vmov s31;
	s29 =	sadd.s32 $0x2, s29;
	v12 =	vmov s0;
	v58 =	vand.u32 $0x1F8, v7  }
0x73: {  	v13 =	vand.u32 $0x5, v11;
	v14 =	vmov s29;
	v15 =	vand.u32 $0x1F8, v12  }
0x74: {  	v11 =	vand.u32 $0x1F8, v11;
	v12 =	vand.u32 $0x7, v12;
	v15 =	vadd.s32 v1, v15  }
0x75: {  	v11 =	vadd.s32 v1, v11;
	v57 =	vand.u32 $0x1F8, v14;
	v12 =	vor.u32 v12, v15  }
0x76: {  	v8 =	vld.idx.msk [tilespmem:v8+s1+$0x0], $0xffff;
	v14 =	vand.u32 $0x6, v14;
	v11 =	vor.u32 v13, v11;
	v15 =	vadd.s32 v1, v57  }
0x77: {  	[tilespmem:s28+$0x10] =	vst v3;
	v3 =	vld.idx.msk [tilespmem:v6+s1+$0x0], $0xffff;
	v59 =	vand.u32 $0x4, v7;
	v1 =	vadd.s32 v1, v58;
	v60 =	vor.u32 v14, v15  }
0x78: {  	[tilespmem:s28+$0xFFFFFFF0] =	vst v2;
	v2 =	vld.idx.msk [tilespmem:v9+s1+$0x0], $0xffff;
	v1 =	vor.u32 v59, v1  }
0x79: {  	v61 =	vld.idx.msk [tilespmem:v10+s1+$0x0], $0xffff;
	[tilespmem:s28+$0x0] =	vst v4  }
0x7a: {  	s30 =	sadd.s32 $0x40, s28;
	[tilespmem:s28+$0xFFFFFFE0] =	vst v5;
	v62 =	vld.idx.msk [tilespmem:v12+s1+$0x0], $0xffff  }
0x7b: {  	[tilespmem:s30+$0x10] =	vst v8;
	v63 =	vld.idx.msk [tilespmem:v11+s1+$0x0], $0xffff  }
0x7c: {  	[tilespmem:s30+$0xFFFFFFF0] =	vst v3;
	v3 =	vld.idx.msk [tilespmem:v60+s1+$0x0], $0xffff  }
0x7d: {  	[tilespmem:s30+$0x0] =	vst v2;
	v1 =	vld.idx.msk [tilespmem:v1+s1+$0x0], $0xffff  }
0x7e: {  	s0 =	sadd.s32 $0x40, s30;
	[tilespmem:s30+$0xFFFFFFE0] =	vst v61  }
0x7f: {  	[tilespmem:s0+$0x10] =	vst v62  }
0x80: {  	s26 =	smul.u32 $0x320, s26;
	[tilespmem:s0+$0xFFFFFFF0] =	vst v63  }
0x81: {  	[tilespmem:s0+$0x0] =	vst v3  }
.Ltmp11:
0x82: {  	s31 =	sadd.s32 s9, s26;
	[tilespmem:s0+$0xFFFFFFE0] =	vst v1;
	(pc) =	sbr.rel .LBB2_12-.Ltmp11, $4  }
0x83: {  	[hbm4b:s31+s1] =	stream.linear.scatter [tilespmem:s20], [sflag:$0x2], $0x1900, $0x38;
	[tilespmem:$0xFA00] =	vst v63  }
0x84: {  	_ =	swait.ge [sflag:s21], $0x1900  }
0x85: {  	[sflag:s21] =	ssyncset.done $0x0  }
0x86: {  	[sflag:s21] =	ssyncadd.s32 $0xFFFFE700  }
.LBB2_13:
.Ltmp12:
0x87: {  	(pc) =	sbr.rel .LBB2_14-.Ltmp12, $3  }
0x88: {  	_ =	sdelay $0x1  }
0x89: {  	[tilespmem:s22], [sflag:$0x1] =	stream.strided.gather [hbm4b:s14+s17], $0x1900, s18, s17, $0x38;
	[tilespmem:$0xFA00] =	vst v63  }
0x8a: {  	s25 =	simm.s32 $0x0  }
.LBB2_18:
0x8b: {  	s25 =	sadd.s32 $0x1, s25  }
0x8c: {  	p0 =	sne.s32 s25, $0x8  }
.Ltmp13:
0x8d: {  	_ = 	snop;
	(pc) =	sbr.rel @!p0 .LBB2_19-.Ltmp13, $1  }
0x8e: {  	_ =	sdelay $0x3  }
.LBB2_14:
0x8f: {  	s0 =	sshll.u32 s25, $0x5  }
0x90: {  	s26 =	sor.u32 s7, s0  }
0x91: {  	p0 =	sgt.u32 s26, $0xF9  }
.Ltmp14:
0x92: {  	_ = 	snop;
	(pc) =	sbr.rel @p0 .LBB2_18-.Ltmp14, $1  }
0x93: {  	_ =	sdelay $0x3  }
0x94: {  	s0 =	sand.u32 $0x1, s25  }
0x95: {  	v1 =	vmov s0  }
0x96: {  	s28 =	simm.s32 $0x0;
	s29 =	simm.s32 $0x1;
	v1 =	vmul.u32 $0x1900, v1  }
0x97: {  	v2 =	vmov s28;
	s28 =	simm.s32 $0x3;
	v3 =	vmov s29  }
0x98: {  	p0 =	sgt.u32 s26, $0xD9;
	s29 =	simm.s32 $0x2;
	v4 =	vand.u32 $0x1F8, v2;
	v5 =	vmov s28;
	v1 =	vbroadcast v1, $0x0  }
0x99: {  	s0 =	sxor.u32 @!p0 $0x1, s0;
	v6 =	vand.u32 $0x5, v3;
	v7 =	vmov s29;
	v3 =	vand.u32 $0x1F8, v3  }
0x9a: {  	_ =	swait.ge [sflag:s19], $0x1900;
	s0 =	smul.u32 @!p0 $0x6400, s0;
	v2 =	vand.u32 $0x4, v2;
	v8 =	vand.u32 $0x1F8, v5;
	v1 =	vadd.s32 v0, v1  }
0x9b: {  	[sflag:s19] =	ssyncset.done $0x0;
	s28 =	smul.u32 @!p0 $0x190, s26;
	v5 =	vand.u32 $0x7, v5;
	v9 =	vand.u32 $0x1F8, v7;
	v8 =	vadd.s32 v1, v8  }
0x9c: {  	s30 =	simm.s32 $0x5;
	s31 =	simm.s32 @!p0 $0x186A0;
	[sflag:s19] =	ssyncadd.s32 $0xFFFFE700;
	v3 =	vadd.s32 v1, v3;
	v4 =	vadd.s32 v1, v4;
	v5 =	vor.u32 v5, v8  }
0x9d: {  	s29 =	simm.s32 $0x4;
	s0 =	sshrl.u32 @!p0 s0, $0x2;
	s28 =	sshrl.u32 @!p0 s28, $0x3;
	v6 =	vor.u32 v6, v3;
	v3 =	vand.u32 $0x6, v7;
	v7 =	vadd.s32 v1, v9  }
0x9e: {  	s0 =	sadd.s32 @!p0 $0x3200, s0;
	s28 =	sadd.s32 @!p0 s5, s28;
	v9 =	vmov s29;
	s29 =	simm.s32 $0x7;
	v10 =	vor.u32 v2, v4;
	v7 =	vor.u32 v3, v7  }
0x9f: {  	s28 =	sadd.s32 @!p0 $0x640, s28;
	v2 =	vmov s30;
	s30 =	simm.s32 $0x6;
	v3 =	vmov s29;
	s29 =	simm.s32 @!p0 $0x190;
	v11 =	vand.u32 $0x1F8, v9  }
0xa0: {  	v4 =	vand.u32 $0x5, v2;
	v12 =	vmov s30;
	[tilespmem:s0], [sflag:$0x1] =	stream.strided.gather @!p0 [hbm4b:s28+s29], $0x1900, s31, s29, $0x38;
	v8 =	vand.u32 $0x1F8, v3;
	[tilespmem:$0xFA00] =	vst v63  }
0xa1: {  	v2 =	vand.u32 $0x1F8, v2;
	v13 =	vand.u32 $0x7, v3;
	v3 =	vld.idx.msk [tilespmem:v5+s22+$0x0], $0xffff;
	v5 =	vadd.s32 v1, v8  }
0xa2: {  	v14 =	vadd.s32 v1, v2;
	v15 =	vand.u32 $0x1F8, v12;
	v2 =	vld.idx.msk [tilespmem:v6+s22+$0x0], $0xffff;
	v8 =	vor.u32 v13, v5  }
0xa3: {  	v12 =	vand.u32 $0x6, v12;
	v6 =	vor.u32 v4, v14;
	v4 =	vld.idx.msk [tilespmem:v7+s22+$0x0], $0xffff;
	v7 =	vadd.s32 v1, v15  }
0xa4: {  	v63 =	vand.u32 $0x4, v9;
	s30 =	simm.s32 $0xC;
	s29 =	simm.s32 $0x8;
	v11 =	vadd.s32 v1, v11;
	v5 =	vld.idx.msk [tilespmem:v10+s22+$0x0], $0xffff;
	v9 =	vor.u32 v12, v7  }
0xa5: {  	s28 =	simm.s32 $0xAF20;
	s31 =	simm.s32 $0x9;
	s0 =	simm.s32 $0xB;
	v10 =	vor.u32 v63, v11;
	v7 =	vmov s29  }
.LBB2_16:
0xa6: {  	p0 =	slt.u32 s30, $0x18C;
	v11 =	vand.u32 $0x1F8, v7;
	v12 =	vmov s31;
	s31 =	sadd.s32 $0x2, s29;
	v13 =	vmov s0;
	[tilespmem:s28+$0x10] =	vst v3;
	s29 =	smov.u32 s30  }
0xa7: {  	v14 =	vand.u32 $0x5, v12;
	v15 =	vmov s31;
	v16 =	vand.u32 $0x1F8, v13;
	v3 =	vld.idx.msk [tilespmem:v8+s22+$0x0], $0xffff;
	[tilespmem:s28+$0xFFFFFFF0] =	vst v2  }
.Ltmp15:
0xa8: {  	v8 =	vand.u32 $0x1F8, v12;
	v12 =	vand.u32 $0x7, v13;
	v13 =	vadd.s32 v1, v16;
	v2 =	vld.idx.msk [tilespmem:v6+s22+$0x0], $0xffff;
	[tilespmem:s28+$0x0] =	vst v4;
	(pc) =	sbr.rel @p0 .LBB2_16-.Ltmp15, $4  }
0xa9: {  	v6 =	vadd.s32 v1, v8;
	v16 =	vand.u32 $0x1F8, v15;
	v8 =	vor.u32 v12, v13;
	v4 =	vld.idx.msk [tilespmem:v9+s22+$0x0], $0xffff;
	[tilespmem:s28+$0xFFFFFFE0] =	vst v5  }
0xaa: {  	v6 =	vor.u32 v14, v6;
	v9 =	vand.u32 $0x6, v15;
	v12 =	vadd.s32 v1, v16;
	v5 =	vld.idx.msk [tilespmem:v10+s22+$0x0], $0xffff  }
0xab: {  	s31 =	sadd.s32 $0x1, s30;
	v11 =	vadd.s32 v1, v11;
	v10 =	vand.u32 $0x4, v7;
	v9 =	vor.u32 v9, v12  }
0xac: {  	s0 =	sadd.s32 $0x3, s29;
	s30 =	sadd.s32 $0x4, s30;
	s28 =	sadd.s32 $0x40, s28;
	v7 =	vmov s29;
	v10 =	vor.u32 v10, v11  }
0xad: {  	v11 =	vmov s31;
	s29 =	sadd.s32 $0x2, s29;
	v12 =	vmov s0;
	v58 =	vand.u32 $0x1F8, v7  }
0xae: {  	v13 =	vand.u32 $0x5, v11;
	v14 =	vmov s29;
	v15 =	vand.u32 $0x1F8, v12  }
0xaf: {  	v11 =	vand.u32 $0x1F8, v11;
	v12 =	vand.u32 $0x7, v12;
	v15 =	vadd.s32 v1, v15  }
0xb0: {  	v11 =	vadd.s32 v1, v11;
	v57 =	vand.u32 $0x1F8, v14;
	v12 =	vor.u32 v12, v15  }
0xb1: {  	v8 =	vld.idx.msk [tilespmem:v8+s22+$0x0], $0xffff;
	v14 =	vand.u32 $0x6, v14;
	v11 =	vor.u32 v13, v11;
	v15 =	vadd.s32 v1, v57  }
0xb2: {  	[tilespmem:s28+$0x10] =	vst v3;
	v3 =	vld.idx.msk [tilespmem:v6+s22+$0x0], $0xffff;
	v59 =	vand.u32 $0x4, v7;
	v1 =	vadd.s32 v1, v58;
	v60 =	vor.u32 v14, v15  }
0xb3: {  	[tilespmem:s28+$0xFFFFFFF0] =	vst v2;
	v2 =	vld.idx.msk [tilespmem:v9+s22+$0x0], $0xffff;
	v1 =	vor.u32 v59, v1  }
0xb4: {  	v61 =	vld.idx.msk [tilespmem:v10+s22+$0x0], $0xffff;
	[tilespmem:s28+$0x0] =	vst v4  }
0xb5: {  	s30 =	sadd.s32 $0x40, s28;
	[tilespmem:s28+$0xFFFFFFE0] =	vst v5;
	v62 =	vld.idx.msk [tilespmem:v12+s22+$0x0], $0xffff  }
0xb6: {  	[tilespmem:s30+$0x10] =	vst v8;
	v63 =	vld.idx.msk [tilespmem:v11+s22+$0x0], $0xffff  }
0xb7: {  	[tilespmem:s30+$0xFFFFFFF0] =	vst v3;
	v3 =	vld.idx.msk [tilespmem:v60+s22+$0x0], $0xffff  }
0xb8: {  	[tilespmem:s30+$0x0] =	vst v2;
	v1 =	vld.idx.msk [tilespmem:v1+s22+$0x0], $0xffff  }
0xb9: {  	s0 =	sadd.s32 $0x40, s30;
	[tilespmem:s30+$0xFFFFFFE0] =	vst v61  }
0xba: {  	[tilespmem:s0+$0x10] =	vst v62  }
0xbb: {  	s26 =	smul.u32 $0x320, s26;
	[tilespmem:s0+$0xFFFFFFF0] =	vst v63  }
0xbc: {  	[tilespmem:s0+$0x0] =	vst v3  }
.Ltmp16:
0xbd: {  	s31 =	sadd.s32 s10, s26;
	[tilespmem:s0+$0xFFFFFFE0] =	vst v1;
	(pc) =	sbr.rel .LBB2_18-.Ltmp16, $4  }
0xbe: {  	[hbm4b:s31+s1] =	stream.linear.scatter [tilespmem:s23], [sflag:$0x2], $0x1900, $0x38;
	[tilespmem:$0xFA00] =	vst v63  }
0xbf: {  	_ =	swait.ge [sflag:s21], $0x1900  }
0xc0: {  	[sflag:s21] =	ssyncset.done $0x0  }
0xc1: {  	[sflag:s21] =	ssyncadd.s32 $0xFFFFE700  }
.LBB2_19:
.Ltmp17:
0xc2: {  	(pc) =	sbr.rel .LBB2_20-.Ltmp17, $3  }
0xc3: {  	_ =	sdelay $0x1  }
0xc4: {  	[tilespmem:s22], [sflag:$0x1] =	stream.strided.gather [hbm4b:s15+s17], $0x1900, s18, s17, $0x38;
	[tilespmem:$0xFA00] =	vst v63  }
0xc5: {  	s25 =	simm.s32 $0x0  }
.LBB2_24:
0xc6: {  	s25 =	sadd.s32 $0x1, s25  }
0xc7: {  	p0 =	sne.s32 s25, $0x8  }
.Ltmp18:
0xc8: {  	_ = 	snop;
	(pc) =	sbr.rel @!p0 .LBB2_25-.Ltmp18, $1  }
0xc9: {  	_ =	sdelay $0x3  }
.LBB2_20:
0xca: {  	s0 =	sshll.u32 s25, $0x5  }
0xcb: {  	s26 =	sor.u32 s7, s0  }
0xcc: {  	p0 =	sgt.u32 s26, $0xF9  }
.Ltmp19:
0xcd: {  	_ = 	snop;
	(pc) =	sbr.rel @p0 .LBB2_24-.Ltmp19, $1  }
0xce: {  	_ =	sdelay $0x3  }
0xcf: {  	s0 =	sand.u32 $0x1, s25  }
0xd0: {  	v1 =	vmov s0  }
0xd1: {  	s28 =	simm.s32 $0x0;
	s29 =	simm.s32 $0x1;
	v1 =	vmul.u32 $0x1900, v1  }
0xd2: {  	v2 =	vmov s28;
	s28 =	simm.s32 $0x3;
	v3 =	vmov s29  }
0xd3: {  	p0 =	sgt.u32 s26, $0xD9;
	s29 =	simm.s32 $0x2;
	v4 =	vand.u32 $0x1F8, v2;
	v5 =	vmov s28;
	v1 =	vbroadcast v1, $0x0  }
0xd4: {  	s0 =	sxor.u32 @!p0 $0x1, s0;
	v6 =	vand.u32 $0x5, v3;
	v7 =	vmov s29;
	v3 =	vand.u32 $0x1F8, v3  }
0xd5: {  	_ =	swait.ge [sflag:s19], $0x1900;
	s0 =	smul.u32 @!p0 $0x6400, s0;
	v2 =	vand.u32 $0x4, v2;
	v8 =	vand.u32 $0x1F8, v5;
	v1 =	vadd.s32 v0, v1  }
0xd6: {  	[sflag:s19] =	ssyncset.done $0x0;
	s28 =	smul.u32 @!p0 $0x190, s26;
	v5 =	vand.u32 $0x7, v5;
	v9 =	vand.u32 $0x1F8, v7;
	v8 =	vadd.s32 v1, v8  }
0xd7: {  	s30 =	simm.s32 $0x5;
	s31 =	simm.s32 @!p0 $0x186A0;
	[sflag:s19] =	ssyncadd.s32 $0xFFFFE700;
	v3 =	vadd.s32 v1, v3;
	v4 =	vadd.s32 v1, v4;
	v5 =	vor.u32 v5, v8  }
0xd8: {  	s29 =	simm.s32 $0x4;
	s0 =	sshrl.u32 @!p0 s0, $0x2;
	s28 =	sshrl.u32 @!p0 s28, $0x3;
	v6 =	vor.u32 v6, v3;
	v3 =	vand.u32 $0x6, v7;
	v7 =	vadd.s32 v1, v9  }
0xd9: {  	s0 =	sadd.s32 @!p0 $0x3200, s0;
	s28 =	sadd.s32 @!p0 s6, s28;
	v9 =	vmov s29;
	s29 =	simm.s32 $0x7;
	v10 =	vor.u32 v2, v4;
	v7 =	vor.u32 v3, v7  }
0xda: {  	s28 =	sadd.s32 @!p0 $0x640, s28;
	v2 =	vmov s30;
	s30 =	simm.s32 $0x6;
	v3 =	vmov s29;
	s29 =	simm.s32 @!p0 $0x190;
	v11 =	vand.u32 $0x1F8, v9  }
0xdb: {  	v4 =	vand.u32 $0x5, v2;
	v12 =	vmov s30;
	[tilespmem:s0], [sflag:$0x1] =	stream.strided.gather @!p0 [hbm4b:s28+s29], $0x1900, s31, s29, $0x38;
	v8 =	vand.u32 $0x1F8, v3;
	[tilespmem:$0xFA00] =	vst v63  }
0xdc: {  	v2 =	vand.u32 $0x1F8, v2;
	v13 =	vand.u32 $0x7, v3;
	v3 =	vld.idx.msk [tilespmem:v5+s22+$0x0], $0xffff;
	v5 =	vadd.s32 v1, v8  }
0xdd: {  	v14 =	vadd.s32 v1, v2;
	v15 =	vand.u32 $0x1F8, v12;
	v2 =	vld.idx.msk [tilespmem:v6+s22+$0x0], $0xffff;
	v8 =	vor.u32 v13, v5  }
0xde: {  	v12 =	vand.u32 $0x6, v12;
	v6 =	vor.u32 v4, v14;
	v4 =	vld.idx.msk [tilespmem:v7+s22+$0x0], $0xffff;
	v7 =	vadd.s32 v1, v15  }
0xdf: {  	v63 =	vand.u32 $0x4, v9;
	s30 =	simm.s32 $0xC;
	s29 =	simm.s32 $0x8;
	v11 =	vadd.s32 v1, v11;
	v5 =	vld.idx.msk [tilespmem:v10+s22+$0x0], $0xffff;
	v9 =	vor.u32 v12, v7  }
0xe0: {  	s28 =	simm.s32 $0xAF20;
	s31 =	simm.s32 $0x9;
	s0 =	simm.s32 $0xB;
	v10 =	vor.u32 v63, v11;
	v7 =	vmov s29  }
.LBB2_22:
0xe1: {  	p0 =	slt.u32 s30, $0x18C;
	v11 =	vand.u32 $0x1F8, v7;
	v12 =	vmov s31;
	s31 =	sadd.s32 $0x2, s29;
	v13 =	vmov s0;
	[tilespmem:s28+$0x10] =	vst v3;
	s29 =	smov.u32 s30  }
0xe2: {  	v14 =	vand.u32 $0x5, v12;
	v15 =	vmov s31;
	v16 =	vand.u32 $0x1F8, v13;
	v3 =	vld.idx.msk [tilespmem:v8+s22+$0x0], $0xffff;
	[tilespmem:s28+$0xFFFFFFF0] =	vst v2  }
.Ltmp20:
0xe3: {  	v8 =	vand.u32 $0x1F8, v12;
	v12 =	vand.u32 $0x7, v13;
	v13 =	vadd.s32 v1, v16;
	v2 =	vld.idx.msk [tilespmem:v6+s22+$0x0], $0xffff;
	[tilespmem:s28+$0x0] =	vst v4;
	(pc) =	sbr.rel @p0 .LBB2_22-.Ltmp20, $4  }
0xe4: {  	v6 =	vadd.s32 v1, v8;
	v16 =	vand.u32 $0x1F8, v15;
	v8 =	vor.u32 v12, v13;
	v4 =	vld.idx.msk [tilespmem:v9+s22+$0x0], $0xffff;
	[tilespmem:s28+$0xFFFFFFE0] =	vst v5  }
0xe5: {  	v6 =	vor.u32 v14, v6;
	v9 =	vand.u32 $0x6, v15;
	v12 =	vadd.s32 v1, v16;
	v5 =	vld.idx.msk [tilespmem:v10+s22+$0x0], $0xffff  }
0xe6: {  	s31 =	sadd.s32 $0x1, s30;
	v11 =	vadd.s32 v1, v11;
	v10 =	vand.u32 $0x4, v7;
	v9 =	vor.u32 v9, v12  }
0xe7: {  	s0 =	sadd.s32 $0x3, s29;
	s30 =	sadd.s32 $0x4, s30;
	s28 =	sadd.s32 $0x40, s28;
	v7 =	vmov s29;
	v10 =	vor.u32 v10, v11  }
0xe8: {  	v11 =	vmov s31;
	s29 =	sadd.s32 $0x2, s29;
	v12 =	vmov s0;
	v58 =	vand.u32 $0x1F8, v7  }
0xe9: {  	v13 =	vand.u32 $0x5, v11;
	v14 =	vmov s29;
	v15 =	vand.u32 $0x1F8, v12  }
0xea: {  	v11 =	vand.u32 $0x1F8, v11;
	v12 =	vand.u32 $0x7, v12;
	v15 =	vadd.s32 v1, v15  }
0xeb: {  	v11 =	vadd.s32 v1, v11;
	v57 =	vand.u32 $0x1F8, v14;
	v12 =	vor.u32 v12, v15  }
0xec: {  	v8 =	vld.idx.msk [tilespmem:v8+s22+$0x0], $0xffff;
	v14 =	vand.u32 $0x6, v14;
	v11 =	vor.u32 v13, v11;
	v15 =	vadd.s32 v1, v57  }
0xed: {  	[tilespmem:s28+$0x10] =	vst v3;
	v3 =	vld.idx.msk [tilespmem:v6+s22+$0x0], $0xffff;
	v59 =	vand.u32 $0x4, v7;
	v1 =	vadd.s32 v1, v58;
	v60 =	vor.u32 v14, v15  }
0xee: {  	[tilespmem:s28+$0xFFFFFFF0] =	vst v2;
	v2 =	vld.idx.msk [tilespmem:v9+s22+$0x0], $0xffff;
	v1 =	vor.u32 v59, v1  }
0xef: {  	v61 =	vld.idx.msk [tilespmem:v10+s22+$0x0], $0xffff;
	[tilespmem:s28+$0x0] =	vst v4  }
0xf0: {  	s30 =	sadd.s32 $0x40, s28;
	[tilespmem:s28+$0xFFFFFFE0] =	vst v5;
	v62 =	vld.idx.msk [tilespmem:v12+s22+$0x0], $0xffff  }
0xf1: {  	[tilespmem:s30+$0x10] =	vst v8;
	v63 =	vld.idx.msk [tilespmem:v11+s22+$0x0], $0xffff  }
0xf2: {  	[tilespmem:s30+$0xFFFFFFF0] =	vst v3;
	v3 =	vld.idx.msk [tilespmem:v60+s22+$0x0], $0xffff  }
0xf3: {  	[tilespmem:s30+$0x0] =	vst v2;
	v1 =	vld.idx.msk [tilespmem:v1+s22+$0x0], $0xffff  }
0xf4: {  	s0 =	sadd.s32 $0x40, s30;
	[tilespmem:s30+$0xFFFFFFE0] =	vst v61  }
0xf5: {  	[tilespmem:s0+$0x10] =	vst v62  }
0xf6: {  	s26 =	smul.u32 $0x320, s26;
	[tilespmem:s0+$0xFFFFFFF0] =	vst v63  }
0xf7: {  	[tilespmem:s0+$0x0] =	vst v3  }
.Ltmp21:
0xf8: {  	s31 =	sadd.s32 s11, s26;
	[tilespmem:s0+$0xFFFFFFE0] =	vst v1;
	(pc) =	sbr.rel .LBB2_24-.Ltmp21, $4  }
0xf9: {  	[hbm4b:s31+s1] =	stream.linear.scatter [tilespmem:s23], [sflag:$0x2], $0x1900, $0x38;
	[tilespmem:$0xFA00] =	vst v63  }
0xfa: {  	_ =	swait.ge [sflag:s21], $0x1900  }
0xfb: {  	[sflag:s21] =	ssyncset.done $0x0  }
0xfc: {  	[sflag:s21] =	ssyncadd.s32 $0xFFFFE700  }
.LBB2_26:
0xfd: {  	_ =	sfence.sel $0x180000  }
0xfe: {  	[bflag:$0x0] =	sbarrier.arrive $0xFFFF  }
0xff: {  	_ =	strace $0x90000047  }
0x100: {  	[bflag:$0x2] =	sbarrier.arrive $0xFFFF  }
0x101: {  	p0 =	sne.s32 s2, $0x0;
	s0 =	rddreg [dreg:$0x1]  }
0x102: {  	s0 =	sadd.s32 @!p0 $0x100000, s0  }
0x103: {  	[sflag:s0] =	ssyncadd.tile.s32 @!p0 $0x1;
	_ =	shalt  }
.Lfunc_end2:
_tile_overlayer_lowered:
.L_overlay_start_2:
0x104: {  	(tag) =	ssettag $0x2  }
0x105: {  	s0 =	rddreg [dreg:$0x0];
	s2 =	stileid.u32  }
0x106: {  	s1 =	rddreg [dreg:$0x1];
	p0 =	sne.s32 s2, $0x0  }
0x107: {  	s3 =	rddreg [dreg:$0x2];
	[bflag:$0x3] =	sbarrier.arrive $0xFFFF;
	s2 =	simm.s32 @!p0 $0x1C02  }
0x108: {  	[timem:s3], [sflag:s2] =	dma.local @!p0 [hbm:s0], s1  }
0x109: {  	s0 =	simm.s32 @!p0 $0x2  }
0x10a: {  	_ =	swait.ge @!p0 [sflag:s0], s1  }
0x10b: {  	s1 =	ssub.s32 @!p0 $0x0, s1;
	[sflag:s0] =	ssyncset.done @!p0 $0x0  }
0x10c: {  	[sflag:s0] =	ssyncadd.s32 @!p0 s1  }
0x10d: {  	[bflag:$0x3] =	sbarrier.arrive $0xFFFF  }
0x10e: {  	_ =	shalt  }

// kernel: kernel.8.cloned.1.call-start
scs
__scs_entry_jumppad:
0x0: {  	(pc) =	sbr.rel $0x88, $3  }
0x1: {  	(tag) =	ssettag $0x0;
	lr =	simm.s32 $0x1  }
0x2: {  	[smem:$0x3F98] =	sst lr;
	_ =	strace $0xD0000000  }
0x3: {  	_ = 	snop  }
0x4: {  	_ = 	snop  }
0x5: {  	_ = 	snop  }
0x6: {  	_ = 	snop  }
0x7: {  	_ = 	snop  }
__scs_overlays_trampoline_lowered:
0x8: {  	[smem:$0x3FA7] =	sst s0  }
0x9: {  	[smem:$0x3FA8] =	sst s1  }
0xa: {  	[smem:$0x3FA9] =	sst s2  }
0xb: {  	[smem:$0x3FAA] =	sst s3  }
0xc: {  	[smem:$0x3FAB] =	sst s4  }
0xd: {  	[smem:$0x3FAC] =	sst s5  }
0xe: {  	[smem:$0x3FAD] =	sst s6  }
0xf: {  	[smem:$0x3FAE] =	sst s7  }
0x10: {  	[smem:$0x3FAF] =	sst s8  }
0x11: {  	[smem:$0x3FB0] =	sst s9;
	s0 =	simm.s32 @!p0 $0x0  }
0x12: {  	s1 =	sld [smem:$0x3F96];
	s0 =	simm.s32 @p0 $0x1  }
0x13: {  	[smem:$0x3FB1] =	sst s0;
	s0 =	simm.s32 @!p1 $0x0  }
0x14: {  	s2 =	sld [smem:$0x3F95];
	s0 =	simm.s32 @p1 $0x1  }
0x15: {  	[smem:$0x3FB2] =	sst s0;
	s0 =	simm.s32 @!p2 $0x0  }
0x16: {  	s3 =	sld [smem:$0x3FDB];
	s0 =	simm.s32 @p2 $0x1  }
0x17: {  	s4 =	simm.s32 $0x1BF5;
	[smem:$0x3FB4] =	sst s0  }
0x18: {  	s0 =	sld [smem:$0x3F97];
	_ =	swait.ge [sflag:s4], $0x0  }
0x19: {  	s7 =	sld [smem:$0x3F98]  }
0x1a: {  	s8 =	sadd.s32 $0xFFFFE003, lr  }
0x1b: {  	s9 =	sadd.s32 $0xFFFFFEF7, lr;
	s5 =	simm.s32 $0xFFFFFFFF;
	p2 =	slt.u32 s8, $0xFFFFF086  }
0x1c: {  	p1 =	slt.u32 s9, $0xF7A;
	s5 =	simm.s32 @!p2 $0x0  }
0x1d: {  	s5 =	simm.s32 @p1 $0x1;
	p0 =	seq.s32 s7, s2  }
0x1e: {  	s7 =	smul.u32 @!p0 $0xF7A, s2;
	p2 =	seq.s32 @!p0 s5, $0x0  }
0x1f: {  	s9 =	smul.u32 $0xF7A, s1;
	s8 =	simm.s32 @!p0 $0x1BF5;
	p2 =	por !p2, p0  }
0x20: {  	[sflag:s8] =	ssyncset.s32 @!p0 $0xFFFFF086;
	s6 =	sadd.s32 @!p0 s3, s7;
	s7 =	simm.s32 @!p0 $0x108  }
0x21: {  	s3 =	sadd.s32 s3, s9;
	s6 =	sadd.s32 @!p0 $0x88, s6;
	s7 =	simm.s32 @p2 $0x1082  }
0x22: {  	[simem:s7], [sflag:s8] =	dma.local @!p0 [hbm:s6], $0xF7A  }
0x23: {  	s9 =	sor.u32 $0xD0000000, s2;
	s6 =	simm.s32 $0x108;
	_ =	swait.ge @!p0 [sflag:s8], $0x0  }
0x24: {  	s3 =	sadd.s32 $0x88, s3;
	s6 =	simm.s32 @!p1 $0x1082;
	[sflag:s4] =	ssyncset.s32 $0xFFFFF086  }
0x25: {  	[simem:s6], [sflag:s4] =	dma.local [hbm:s3], $0xF7A  }
0x26: {  	[smem:$0x3F98] =	sst s1;
	(tag) =	ssettag s2;
	_ =	strace s9  }
0x27: {  	s1 =	sld [smem:$0x3FA8]  }
0x28: {  	s2 =	sld [smem:$0x3FA9]  }
0x29: {  	s4 =	sld [smem:$0x3FAB]  }
0x2a: {  	p0 =	seq.s32 s5, $0x0;
	s5 =	sld [smem:$0x3FAC]  }
0x2b: {  	s6 =	sld [smem:$0x3FAD]  }
0x2c: {  	s7 =	sld [smem:$0x3FAE]  }
0x2d: {  	s3 =	simm.s32 $0x108;
	s8 =	sld [smem:$0x3FAF]  }
0x2e: {  	s3 =	simm.s32 @!p0 $0x1082;
	s9 =	sld [smem:$0x3FB0]  }
0x2f: {  	lr =	sadd.s32 s0, s3;
	s0 =	sld [smem:$0x3FA7]  }
0x30: {  	s3 =	sld [smem:$0x3FAA]  }
0x31: {  	[smem:$0x3FB3] =	sst s10  }
0x32: {  	s10 =	sld [smem:$0x3FB1];
	_ =	sdelay $0x3  }
0x33: {  	p0 =	seq.s32 s10, $0x1;
	s10 =	sld [smem:$0x3FB3];
	_ =	sdelay $0x3  }
0x34: {  	[smem:$0x3FB3] =	sst s10  }
0x35: {  	s10 =	sld [smem:$0x3FB2];
	_ =	sdelay $0x3  }
0x36: {  	p1 =	seq.s32 s10, $0x1;
	s10 =	sld [smem:$0x3FB3];
	_ =	sdelay $0x3  }
0x37: {  	[smem:$0x3FB3] =	sst s10  }
0x38: {  	s10 =	sld [smem:$0x3FB4]  }
0x39: {  	_ = 	snop;
	(pc) =	sbr.ind lr, $3  }
0x3a: {  	_ = 	snop  }
0x3b: {  	_ = 	snop  }
0x3c: {  	p2 =	seq.s32 s10, $0x1;
	s10 =	sld [smem:$0x3FB3]  }
0x3d: {  	_ =	shalt  }
0x3e: {  	_ =	shalt  }
0x3f: {  	_ =	shalt  }
0x40: {  	_ =	shalt  }
0x41: {  	_ =	shalt  }
0x42: {  	_ =	shalt  }
0x43: {  	_ =	shalt  }
0x44: {  	_ =	shalt  }
0x45: {  	_ =	shalt  }
0x46: {  	_ =	shalt  }
0x47: {  	_ =	shalt  }
0x48: {  	_ =	shalt  }
0x49: {  	_ =	shalt  }
0x4a: {  	_ =	shalt  }
0x4b: {  	_ =	shalt  }
0x4c: {  	_ =	shalt  }
0x4d: {  	_ =	shalt  }
0x4e: {  	_ =	shalt  }
0x4f: {  	_ =	shalt  }
0x50: {  	_ =	shalt  }
0x51: {  	_ =	shalt  }
0x52: {  	_ =	shalt  }
0x53: {  	_ =	shalt  }
0x54: {  	_ =	shalt  }
0x55: {  	_ =	shalt  }
0x56: {  	_ =	shalt  }
0x57: {  	_ =	shalt  }
0x58: {  	_ =	shalt  }
0x59: {  	_ =	shalt  }
0x5a: {  	_ =	shalt  }
0x5b: {  	_ =	shalt  }
0x5c: {  	_ =	shalt  }
0x5d: {  	_ =	shalt  }
0x5e: {  	_ =	shalt  }
0x5f: {  	_ =	shalt  }
0x60: {  	_ =	shalt  }
0x61: {  	_ =	shalt  }
0x62: {  	_ =	shalt  }
0x63: {  	_ =	shalt  }
0x64: {  	_ =	shalt  }
0x65: {  	_ =	shalt  }
0x66: {  	_ =	shalt  }
0x67: {  	_ =	shalt  }
0x68: {  	_ =	shalt  }
0x69: {  	_ =	shalt  }
0x6a: {  	_ =	shalt  }
0x6b: {  	_ =	shalt  }
0x6c: {  	_ =	shalt  }
0x6d: {  	_ =	shalt  }
0x6e: {  	_ =	shalt  }
0x6f: {  	_ =	shalt  }
0x70: {  	_ =	shalt  }
0x71: {  	_ =	shalt  }
0x72: {  	_ =	shalt  }
0x73: {  	_ =	shalt  }
0x74: {  	_ =	shalt  }
0x75: {  	_ =	shalt  }
0x76: {  	_ =	shalt  }
0x77: {  	_ =	shalt  }
0x78: {  	_ =	shalt  }
0x79: {  	_ =	shalt  }
0x7a: {  	_ =	shalt  }
0x7b: {  	_ =	shalt  }
0x7c: {  	_ =	shalt  }
0x7d: {  	_ =	shalt  }
0x7e: {  	_ =	shalt  }
0x7f: {  	_ =	shalt  }
0x80: {  	_ =	shalt  }
0x81: {  	_ =	shalt  }
0x82: {  	_ =	shalt  }
0x83: {  	_ =	shalt  }
0x84: {  	_ =	shalt  }
0x85: {  	_ =	shalt  }
0x86: {  	_ =	shalt  }
0x87: {  	_ =	shalt  }
.Lfunc_end0:
.L_simem_size_0:
called_computation.1_lowered:
.L_overlay_start_0:
0x88: {  	s2 =	sld [smem:$0x3FD9]  }
0x89: {  	s3 =	sld [smem:$0x3FFE];
	_ =	sdelay $0x1  }
0x8a: {  	s1 =	srdreg.scid  }
0x8b: {  	s0 =	sand.u32 $0x1, s1  }
0x8c: {  	s17 =	sshll.u32 s0, $0xA;
	s2 =	sadd.s32 s3, s2  }
0x8d: {  	s2 =	sadd.s32 s2, s17  }
0x8e: {  	[smem:$0x3FBF] =	sst s2  }
0x8f: {  	_ = 	snop  }
0x90: {  	s2 =	sld [smem:$0x3FC9]  }
0x91: {  	s18 =	sld [smem:$0x3FC8]  }
0x92: {  	s4 =	sld [smem:$0x3FD0];
	(tm) =	ssettm $0x1  }
0x93: {  	s5 =	sld [smem:$0x3FFB];
	_ =	sdelay $0x3  }
0x94: {  	_ =	strace s5  }
0x95: {  	s5 =	sld [smem:$0x3FFC];
	_ =	sdelay $0x3  }
0x96: {  	_ =	strace s5  }
0x97: {  	s5 =	sld [smem:$0x3FFD];
	_ =	sdelay $0x3  }
0x98: {  	_ =	strace s5  }
0x99: {  	_ =	strace $0x8FFFFFFF  }
0x9a: {  	s19 =	sld [smem:$0x3FDB];
	_ =	sdelay $0x1  }
0x9b: {  	s6 =	simm.s32 $_scs_section_size  }
0x9c: {  	s7 =	simm.s32 $_size__tile_overlayer_lowered;
	s8 =	simm.s32 $_tile_overlayer_lowered  }
0x9d: {  	s22 =	simm.s32 $0x1BFF;
	s21 =	sshll.u32 s8, $0x1;
	s5 =	sadd.s32 s6, s19  }
0x9e: {  	s9 =	simm.s32 $0x0;
	s20 =	sshll.u32 s7, $0x1;
	s7 =	sadd.s32 s21, s5  }
0x9f: {  	[timem:s9], [sflag:s22] =	dma.local [hbm:s7], s20  }
0xa0: {  	_ =	swait.ge [sflag:s22], s20  }
0xa1: {  	s6 =	ssub.s32 $0x0, s20;
	[sflag:s22] =	ssyncset.done $0x0  }
0xa2: {  	[sflag:s22] =	ssyncadd.s32 s6;
	_ =	sdelay $0x1  }
0xa3: {  	s23 =	simm.s32 $0x1B8B  }
0xa4: {  	_ =	swait.ge [sflag:s23], $0x1  }
0xa5: {  	[sflag:s23] =	ssyncset.done $0x0  }
0xa6: {  	s25 =	simm.s32 $0x1B8E;
	s24 =	sld [smem:$0x3FFE];
	[sflag:s23] =	ssyncadd.s32 $0xFFFFFFFF  }
0xa7: {  	s26 =	simm.s32 $execute0_lowered;
	[smem:$0x3FD2] =	sst s25  }
0xa8: {  	s7 =	sshll.u32 s26, $0x1;
	_ =	strace $0x80000049;
	[dreg:$0x1] =	wrdreg $0xFFFFFFFF  }
0xa9: {  	s28 =	simm.s32 $_size_execute0_lowered;
	s5 =	sadd.s32 s5, s7;
	[dreg:$0x0] =	wrdreg $0x0  }
0xaa: {  	s7 =	sshll.u32 s28, $0x1;
	[dreg:$0x2] =	wrdreg s5  }
0xab: {  	[dreg:$0x3] =	wrdreg s7  }
0xac: {  	[dreg:$0x4] =	wrdreg $0xC0  }
0xad: {  	_ =	task [dreg:s9], $0x5FFFF  }
0xae: {  	[dreg:$0x1] =	wrdreg $0xFFFFFFFF  }
0xaf: {  	[dreg:$0x0] =	wrdreg $0x60  }
0xb0: {  	[dreg:$0x2] =	wrdreg s2  }
0xb1: {  	[dreg:$0x3] =	wrdreg s18  }
0xb2: {  	[dreg:$0x4] =	wrdreg s24  }
0xb3: {  	[dreg:$0x5] =	wrdreg s4  }
0xb4: {  	[dreg:$0x6] =	wrdreg $0x9  }
0xb5: {  	_ =	task.clear_ibuf [dreg:s9], $0x7FFFF;
	_ =	strace $0x90000049  }
0xb6: {  	s29 =	simm.s32 $0x9;
	_ =	strace $0x8000004B  }
0xb7: {  	_ =	swait.ge [sflag:s29], $0x1  }
0xb8: {  	[sflag:s29] =	ssyncadd.s32 $0xFFFFFFFF  }
0xb9: {  	_ =	strace $0x9000004B  }
0xba: {  	_ =	sfence  }
0xbb: {  	s30 =	sld [smem:$0x0];
	_ =	sdelay $0x2  }
0xbc: {  	s31 =	sshll.u32 s1, $0xD;
	s1 =	sshrl.u32 s1, $0x2  }
0xbd: {  	s3 =	sand.u32 $0x4000, s31;
	s1 =	sadd.s32 s1, s30  }
0xbe: {  	s0 =	sor.u32 s3, s0;
	s1 =	sshll.u32 s1, $0x11  }
0xbf: {  	s0 =	sor.u32 s1, s0  }
0xc0: {  	s0 =	sadd.s32 $0x8F2B, s0  }
0xc1: {  	[sflag:s0] =	ssyncadd.remote.s32 $0x1  }
0xc2: {  	_ =	sfence.sel $0xFFFF  }
0xc3: {  	[dreg:$0x0] =	wrdreg $0xFFFFFFFF;
	(pc) =	sbr.abs _section_cstart, $3  }
0xc4: {  	[dreg:$0x1] =	wrdreg $0xFFFFFFFF  }
0xc5: {  	_ =	task.clear_ibuf [dreg:s9], $0x2FFFF;
	_ =	strace $0x9FFFFFFF  }
0xc6: {  	(tm) =	ssettm $0x7FFFFFFF  }
0xc7: {  	_ =	shalt  }
tec
execute0_lowered:
.L_overlay_start_1:
0x0: {  	(tag) =	ssettag $0x1  }
0x1: {  	s0 =	rddreg [dreg:$0x0];
	v0 =	vlaneseq.u32  }
0x2: {  	s1 =	rddreg [dreg:$0x1];
	s3 =	simm.s32 $0x0;
	v0 =	vmul.u32 $0x20, v0  }
0x3: {  	[smem:$0x7FF] =	sst s3  }
0x4: {  	s2 =	rddreg [dreg:$0x2];
	_ =	strace $0x8000004A;
	v1 =	vor.u32 $0x1, v0;
	[tilespmem:$0x1FFE0] =	vst v0  }
0x5: {  	v35 =	vor.u32 $0x2, v0;
	[tilespmem:$0x1FE00] =	vst v1  }
0x6: {  	v36 =	vor.u32 $0x3, v0;
	[tilespmem:$0x1FE10] =	vst v35  }
0x7: {  	v37 =	vor.u32 $0x4, v0;
	[tilespmem:$0x1FE20] =	vst v36  }
0x8: {  	v38 =	vor.u32 $0x5, v0;
	[tilespmem:$0x1FE30] =	vst v37  }
0x9: {  	v39 =	vor.u32 $0x6, v0;
	[tilespmem:$0x1FE40] =	vst v38  }
0xa: {  	v40 =	vor.u32 $0x7, v0;
	[tilespmem:$0x1FE50] =	vst v39  }
0xb: {  	v41 =	vor.u32 $0x8, v0;
	[tilespmem:$0x1FE60] =	vst v40  }
0xc: {  	v42 =	vor.u32 $0x9, v0;
	[tilespmem:$0x1FE70] =	vst v41  }
0xd: {  	v43 =	vor.u32 $0xA, v0;
	[tilespmem:$0x1FE80] =	vst v42  }
0xe: {  	v44 =	vor.u32 $0xB, v0;
	[tilespmem:$0x1FE90] =	vst v43  }
0xf: {  	v45 =	vor.u32 $0xC, v0;
	[tilespmem:$0x1FEA0] =	vst v44  }
0x10: {  	v46 =	vor.u32 $0xD, v0;
	[tilespmem:$0x1FEB0] =	vst v45  }
0x11: {  	v47 =	vor.u32 $0xE, v0;
	[tilespmem:$0x1FEC0] =	vst v46  }
0x12: {  	v48 =	vor.u32 $0xF, v0;
	[tilespmem:$0x1FED0] =	vst v47  }
0x13: {  	v49 =	vor.u32 $0x10, v0;
	[tilespmem:$0x1FEE0] =	vst v48  }
0x14: {  	s4 =	srdreg.scid;
	s5 =	stileid.u32;
	v50 =	vor.u32 $0x11, v0;
	[tilespmem:$0x1FEF0] =	vst v49  }
0x15: {  	s15 =	simm.s32 $0x3;
	s16 =	simm.s32 $0x80;
	s17 =	simm.s32 $0x8380;
	v51 =	vor.u32 $0x12, v0;
	[tilespmem:$0x1FF00] =	vst v50  }
0x16: {  	s19 =	simm.s32 $0xF500;
	s20 =	simm.s32 $0x8400;
	s21 =	simm.s32 $0xFD00;
	v52 =	vor.u32 $0x13, v0;
	[tilespmem:$0x1FF10] =	vst v51  }
0x17: {  	s28 =	simm.s32 $0x10500;
	s29 =	simm.s32 $0x2;
	s30 =	simm.s32 $0x8500;
	v53 =	vor.u32 $0x14, v0;
	[tilespmem:$0x1FF20] =	vst v52  }
0x18: {  	s4 =	sand.u32 $0x1, s4;
	s5 =	sshll.u32 s5, $0x1;
	s6 =	sadd.s32 $0xC6200, s2;
	v54 =	vor.u32 $0x15, v0;
	[tilespmem:$0x1FF30] =	vst v53  }
0x19: {  	s7 =	sadd.s32 $0x158C00, s2;
	[dreg:$0x6] =	wrdreg s6;
	s8 =	sor.u32 s4, s5;
	v55 =	vor.u32 $0x16, v0;
	[tilespmem:$0x1FF40] =	vst v54  }
0x1a: {  	s5 =	sadd.s32 $0xF7000, s2;
	s6 =	sadd.s32 $0x127E00, s2;
	s4 =	ssub.s32 $0x2, s4;
	v56 =	vor.u32 $0x17, v0;
	[tilespmem:$0x1FF50] =	vst v55  }
0x1b: {  	s9 =	sshll.u32 s8, $0x8;
	s10 =	sshll.u32 s8, $0xC;
	s11 =	sshrl.u32 s4, $0x1;
	v57 =	vor.u32 $0x18, v0;
	[tilespmem:$0x1FF60] =	vst v56  }
0x1c: {  	s8 =	sshll.u32 s8, $0x4;
	v58 =	vor.u32 $0x19, v0;
	s9 =	sadd.s32 s9, s2;
	s2 =	sadd.s32 s10, s2;
	[tilespmem:$0x1FF70] =	vst v57  }
0x1d: {  	v59 =	vor.u32 $0x1A, v0;
	s4 =	ssub.s32 s4, s11;
	s0 =	sadd.s32 s0, s8;
	s23 =	sadd.s32 s1, s8;
	[tilespmem:$0x1FF80] =	vst v58  }
0x1e: {  	v60 =	vor.u32 $0x1B, v0;
	s1 =	simm.s32 $0x8300;
	[tilespmem:$0x1FF90] =	vst v59;
	s8 =	simm.s32 $0x0;
	[dreg:$0x7] =	wrdreg s0  }
0x1f: {  	v61 =	vor.u32 $0x1C, v0;
	[tilespmem:$0x1FFA0] =	vst v60;
	[dreg:$0x8] =	wrdreg s23;
	s24 =	sadd.s32 $0x22A00, s9;
	s25 =	sadd.s32 $0x24A00, s9  }
0x20: {  	v62 =	vor.u32 $0x1D, v0;
	[tilespmem:$0x1FFB0] =	vst v61;
	s12 =	sadd.s32 $0x2A00, s2;
	s26 =	sadd.s32 $0x26A00, s9;
	[dreg:$0x9] =	wrdreg s24  }
0x21: {  	v63 =	vor.u32 $0x1E, v0;
	[tilespmem:$0x1FFC0] =	vst v62;
	s31 =	smax.u32 s4, $0x1;
	s23 =	simm.s32 $0x1;
	[dreg:$0xa] =	wrdreg s25  }
0x22: {  	v0 =	vor.u32 $0x1F, v0;
	[tilespmem:$0x1FFD0] =	vst v63;
	s0 =	simm.s32 $0xE500;
	s2 =	simm.s32 $0xED00;
	[dreg:$0xb] =	wrdreg s26  }
0x23: {  	[tilespmem:$0x1FFF0] =	vst v0;
	[dreg:$0xc] =	wrdreg s31;
	s24 =	simm.s32 $0x500;
	s25 =	simm.s32 $0x8480  }
.LBB2_1:
0x24: {  	[dreg:$0xd] =	wrdreg s8  }
0x25: {  	s4 =	rddreg [dreg:$0x7]  }
0x26: {  	[tilespmem:s3], [sflag:$0x3] =	stream.linear.gather [hbm4b:s4+s3], $0x80, $0x38;
	[tilespmem:$0x10D00] =	vst v63  }
0x27: {  	_ =	swait.ge [sflag:s15], $0x80  }
0x28: {  	[sflag:s15] =	ssyncset.done $0x0  }
0x29: {  	s22 =	rddreg [dreg:$0x8];
	[sflag:s15] =	ssyncadd.s32 $0xFFFFFF80  }
0x2a: {  	[tilespmem:s16], [sflag:$0x3] =	stream.linear.gather [hbm4b:s22+s3], $0x80, $0x38;
	[tilespmem:$0x10D00] =	vst v63  }
0x2b: {  	_ =	swait.ge [sflag:s15], $0x80  }
0x2c: {  	[sflag:s15] =	ssyncset.done $0x0  }
0x2d: {  	[sflag:s15] =	ssyncadd.s32 $0xFFFFFF80  }
0x2e: {  	s31 =	simm.s32 $0x100;
	s26 =	rddreg [dreg:$0x3]  }
0x2f: {  	[tilespmem:s31], [sflag:$0x3] =	stream.linear.gather [hbm4b:s26+s3], $0x200, $0x38;
	[tilespmem:$0x10D00] =	vst v63  }
0x30: {  	_ =	swait.ge [sflag:s15], $0x200  }
0x31: {  	[sflag:s15] =	ssyncset.done $0x0  }
0x32: {  	s10 =	simm.s32 $0x1500;
	s9 =	rddreg [dreg:$0x6];
	[sflag:s15] =	ssyncadd.s32 $0xFFFFFE00  }
0x33: {  	[tilespmem:s10], [sflag:$0x1] =	stream.indirect.gather [hbm4b:s9+s16], $0x10, s3, s16, $0xb8;
	[tilespmem:$0x10D00] =	vst v63  }
0x34: {  	s11 =	simm.s32 $0x1D00  }
0x35: {  	[tilespmem:s11], [sflag:$0x1] =	stream.indirect.gather [hbm4b:s5+s16], $0x10, s16, s16, $0xb8;
	[tilespmem:$0x10D00] =	vst v63  }
0x36: {  	s13 =	simm.s32 $0x2500  }
0x37: {  	v1 =	vld [tilespmem:$0x1FFE0];
	[tilespmem:s13], [sflag:$0x1] =	stream.indirect.gather [hbm4b:s7+s16], $0x10, s16, s16, $0xb8  }
0x38: {  	s14 =	simm.s32 $0x2D00  }
0x39: {  	[tilespmem:s14], [sflag:$0x1] =	stream.indirect.gather [hbm4b:s6+s16], $0x10, s16, s16, $0xb8;
	[tilespmem:$0x10D00] =	vst v63  }
0x3a: {  	v0 =	vld [tilespmem:$0x100];
	_ =	sdelay $0x3  }
0x3b: {  	s18 =	simm.s32 $0x300  }
0x3c: {  	[tilespmem:v1+s18+$0x0] =	vst.idx.msk $0xffff, v0;
	v1 =	vld [tilespmem:$0x1FE00];
	_ =	sdelay $0x2  }
0x3d: {  	v0 =	vld [tilespmem:$0x110];
	_ =	sdelay $0x4  }
0x3e: {  	[tilespmem:v1+s18+$0x0] =	vst.idx.msk $0xffff, v0;
	v1 =	vld [tilespmem:$0x1FE10];
	_ =	sdelay $0x2  }
0x3f: {  	v0 =	vld [tilespmem:$0x120];
	_ =	sdelay $0x4  }
0x40: {  	[tilespmem:v1+s18+$0x0] =	vst.idx.msk $0xffff, v0;
	v1 =	vld [tilespmem:$0x1FE20];
	_ =	sdelay $0x2  }
0x41: {  	v0 =	vld [tilespmem:$0x130];
	_ =	sdelay $0x4  }
0x42: {  	[tilespmem:v1+s18+$0x0] =	vst.idx.msk $0xffff, v0;
	v1 =	vld [tilespmem:$0x1FE30];
	_ =	sdelay $0x2  }
0x43: {  	v0 =	vld [tilespmem:$0x140];
	_ =	sdelay $0x4  }
0x44: {  	[tilespmem:v1+s18+$0x0] =	vst.idx.msk $0xffff, v0;
	v1 =	vld [tilespmem:$0x1FE40];
	_ =	sdelay $0x2  }
0x45: {  	v0 =	vld [tilespmem:$0x150];
	_ =	sdelay $0x4  }
0x46: {  	[tilespmem:v1+s18+$0x0] =	vst.idx.msk $0xffff, v0;
	v1 =	vld [tilespmem:$0x1FE50];
	_ =	sdelay $0x2  }
0x47: {  	v0 =	vld [tilespmem:$0x160];
	_ =	sdelay $0x4  }
0x48: {  	[tilespmem:v1+s18+$0x0] =	vst.idx.msk $0xffff, v0;
	v1 =	vld [tilespmem:$0x1FE60];
	_ =	sdelay $0x2  }
0x49: {  	v0 =	vld [tilespmem:$0x170];
	_ =	sdelay $0x4  }
0x4a: {  	[tilespmem:v1+s18+$0x0] =	vst.idx.msk $0xffff, v0;
	v1 =	vld [tilespmem:$0x1FE70];
	_ =	sdelay $0x2  }
0x4b: {  	v0 =	vld [tilespmem:$0x180];
	_ =	sdelay $0x4  }
0x4c: {  	[tilespmem:v1+s18+$0x0] =	vst.idx.msk $0xffff, v0;
	v1 =	vld [tilespmem:$0x1FE80];
	_ =	sdelay $0x2  }
0x4d: {  	v0 =	vld [tilespmem:$0x190];
	_ =	sdelay $0x4  }
0x4e: {  	[tilespmem:v1+s18+$0x0] =	vst.idx.msk $0xffff, v0;
	v1 =	vld [tilespmem:$0x1FE90];
	_ =	sdelay $0x2  }
0x4f: {  	v0 =	vld [tilespmem:$0x1A0];
	_ =	sdelay $0x4  }
0x50: {  	[tilespmem:v1+s18+$0x0] =	vst.idx.msk $0xffff, v0;
	v1 =	vld [tilespmem:$0x1FEA0];
	_ =	sdelay $0x2  }
0x51: {  	v0 =	vld [tilespmem:$0x1B0];
	_ =	sdelay $0x4  }
0x52: {  	[tilespmem:v1+s18+$0x0] =	vst.idx.msk $0xffff, v0;
	v1 =	vld [tilespmem:$0x1FEB0];
	_ =	sdelay $0x2  }
0x53: {  	v0 =	vld [tilespmem:$0x1C0];
	_ =	sdelay $0x4  }
0x54: {  	[tilespmem:v1+s18+$0x0] =	vst.idx.msk $0xffff, v0;
	v1 =	vld [tilespmem:$0x1FEC0];
	_ =	sdelay $0x2  }
0x55: {  	v0 =	vld [tilespmem:$0x1D0];
	_ =	sdelay $0x4  }
0x56: {  	[tilespmem:v1+s18+$0x0] =	vst.idx.msk $0xffff, v0;
	v1 =	vld [tilespmem:$0x1FED0];
	_ =	sdelay $0x2  }
0x57: {  	v0 =	vld [tilespmem:$0x1E0];
	_ =	sdelay $0x4  }
0x58: {  	[tilespmem:v1+s18+$0x0] =	vst.idx.msk $0xffff, v0;
	v1 =	vld [tilespmem:$0x1FEE0];
	_ =	sdelay $0x2  }
0x59: {  	v0 =	vld [tilespmem:$0x1F0];
	_ =	sdelay $0x4  }
0x5a: {  	[tilespmem:v1+s18+$0x0] =	vst.idx.msk $0xffff, v0;
	v1 =	vld [tilespmem:$0x1FEF0];
	_ =	sdelay $0x2  }
0x5b: {  	v0 =	vld [tilespmem:$0x200];
	_ =	sdelay $0x4  }
0x5c: {  	[tilespmem:v1+s18+$0x0] =	vst.idx.msk $0xffff, v0;
	v1 =	vld [tilespmem:$0x1FF00];
	_ =	sdelay $0x2  }
0x5d: {  	v0 =	vld [tilespmem:$0x210];
	_ =	sdelay $0x4  }
0x5e: {  	[tilespmem:v1+s18+$0x0] =	vst.idx.msk $0xffff, v0;
	v1 =	vld [tilespmem:$0x1FF10];
	_ =	sdelay $0x2  }
0x5f: {  	v0 =	vld [tilespmem:$0x220];
	_ =	sdelay $0x4  }
0x60: {  	[tilespmem:v1+s18+$0x0] =	vst.idx.msk $0xffff, v0;
	v1 =	vld [tilespmem:$0x1FF20];
	_ =	sdelay $0x2  }
0x61: {  	v0 =	vld [tilespmem:$0x230];
	_ =	sdelay $0x4  }
0x62: {  	[tilespmem:v1+s18+$0x0] =	vst.idx.msk $0xffff, v0;
	v1 =	vld [tilespmem:$0x1FF30];
	_ =	sdelay $0x2  }
0x63: {  	v0 =	vld [tilespmem:$0x240];
	_ =	sdelay $0x4  }
0x64: {  	[tilespmem:v1+s18+$0x0] =	vst.idx.msk $0xffff, v0;
	v1 =	vld [tilespmem:$0x1FF40];
	_ =	sdelay $0x2  }
0x65: {  	v0 =	vld [tilespmem:$0x250];
	_ =	sdelay $0x4  }
0x66: {  	[tilespmem:v1+s18+$0x0] =	vst.idx.msk $0xffff, v0;
	v1 =	vld [tilespmem:$0x1FF50];
	_ =	sdelay $0x2  }
0x67: {  	v0 =	vld [tilespmem:$0x260];
	_ =	sdelay $0x4  }
0x68: {  	[tilespmem:v1+s18+$0x0] =	vst.idx.msk $0xffff, v0;
	v1 =	vld [tilespmem:$0x1FF60];
	_ =	sdelay $0x2  }
0x69: {  	v0 =	vld [tilespmem:$0x270];
	_ =	sdelay $0x4  }
0x6a: {  	[tilespmem:v1+s18+$0x0] =	vst.idx.msk $0xffff, v0;
	v1 =	vld [tilespmem:$0x1FF70];
	_ =	sdelay $0x2  }
0x6b: {  	v0 =	vld [tilespmem:$0x280];
	_ =	sdelay $0x4  }
0x6c: {  	[tilespmem:v1+s18+$0x0] =	vst.idx.msk $0xffff, v0;
	v1 =	vld [tilespmem:$0x1FF80];
	_ =	sdelay $0x2  }
0x6d: {  	v0 =	vld [tilespmem:$0x290];
	_ =	sdelay $0x4  }
0x6e: {  	[tilespmem:v1+s18+$0x0] =	vst.idx.msk $0xffff, v0;
	v1 =	vld [tilespmem:$0x1FF90];
	_ =	sdelay $0x2  }
0x6f: {  	v0 =	vld [tilespmem:$0x2A0];
	_ =	sdelay $0x4  }
0x70: {  	[tilespmem:v1+s18+$0x0] =	vst.idx.msk $0xffff, v0;
	v1 =	vld [tilespmem:$0x1FFA0];
	_ =	sdelay $0x2  }
0x71: {  	v0 =	vld [tilespmem:$0x2B0];
	_ =	sdelay $0x4  }
0x72: {  	[tilespmem:v1+s18+$0x0] =	vst.idx.msk $0xffff, v0;
	v1 =	vld [tilespmem:$0x1FFB0];
	_ =	sdelay $0x2  }
0x73: {  	v0 =	vld [tilespmem:$0x2C0];
	_ =	sdelay $0x4  }
0x74: {  	[tilespmem:v1+s18+$0x0] =	vst.idx.msk $0xffff, v0;
	v1 =	vld [tilespmem:$0x1FFC0];
	_ =	sdelay $0x2  }
0x75: {  	v0 =	vld [tilespmem:$0x2D0];
	_ =	sdelay $0x4  }
0x76: {  	[tilespmem:v1+s18+$0x0] =	vst.idx.msk $0xffff, v0;
	v1 =	vld [tilespmem:$0x1FFD0];
	_ =	sdelay $0x2  }
0x77: {  	v0 =	vld [tilespmem:$0x2E0];
	_ =	sdelay $0x4  }
0x78: {  	[tilespmem:v1+s18+$0x0] =	vst.idx.msk $0xffff, v0;
	v1 =	vld [tilespmem:$0x1FFF0];
	_ =	sdelay $0x2  }
0x79: {  	v0 =	vld [tilespmem:$0x2F0];
	_ =	sdelay $0x4  }
0x7a: {  	[tilespmem:v1+s18+$0x0] =	vst.idx.msk $0xffff, v0  }
0x7b: {  	_ =	swait.ge [sflag:s23], $0x800  }
0x7c: {  	[sflag:s23] =	ssyncset.done $0x0  }
0x7d: {  	[sflag:s23] =	ssyncadd.s32 $0xFFFFF800  }
0x7e: {  	_ =	swait.ge [sflag:s23], $0x800  }
0x7f: {  	[sflag:s23] =	ssyncset.done $0x0  }
0x80: {  	[sflag:s23] =	ssyncadd.s32 $0xFFFFF800  }
0x81: {  	_ =	swait.ge [sflag:s23], $0x800  }
0x82: {  	[sflag:s23] =	ssyncset.done $0x0  }
0x83: {  	[sflag:s23] =	ssyncadd.s32 $0xFFFFF800  }
0x84: {  	_ =	swait.ge [sflag:s23], $0x800  }
0x85: {  	[sflag:s23] =	ssyncset.done $0x0  }
0x86: {  	s22 =	rddreg [dreg:$0x9];
	[sflag:s23] =	ssyncadd.s32 $0xFFFFF800  }
0x87: {  	[hbm4b:s22+s3] =	stream.linear.scatter [tilespmem:s10], [sflag:$0x3], $0x800, $0x38;
	[tilespmem:$0x10D00] =	vst v63  }
0x88: {  	_ =	swait.ge [sflag:s15], $0x800  }
0x89: {  	[sflag:s15] =	ssyncset.done $0x0  }
0x8a: {  	s26 =	simm.s32 $0x1520;
	[sflag:s15] =	ssyncadd.s32 $0xFFFFF800  }
0x8b: {  	v3 =	vld [tilespmem:s26+$0x10];
	_ =	sdelay $0x1  }
0x8c: {  	v1 =	vld [tilespmem:s26+$0xFFFFFFF0]  }
0x8d: {  	v2 =	vld [tilespmem:$0x360]  }
0x8e: {  	v0 =	vld [tilespmem:$0x3E0]  }
0x8f: {  	v6 =	vld [tilespmem:$0x340];
	v35 =	vbroadcast v3, $0xB  }
0x90: {  	v5 =	vld [tilespmem:$0x3C0];
	v34 =	vbroadcast v3, $0xF  }
0x91: {  	v16 =	vld [tilespmem:$0x300];
	[tilespmem:$0x1F870] =	vst v35  }
0x92: {  	v37 =	vbroadcast v3, $0xA;
	[tilespmem:$0x1F890] =	vst v34  }
0x93: {  	v36 =	vbroadcast v3, $0xE;
	v17 =	vld [tilespmem:$0x320]  }
0x94: {  	v25 =	vbroadcast v3, $0x0;
	v20 =	vld [tilespmem:$0x380];
	[tilespmem:$0x1F850] =	vst v37  }
0x95: {  	v27 =	vbroadcast v3, $0x1;
	[tilespmem:$0x1F860] =	vst v36  }
0x96: {  	v4 =	vbroadcast v3, $0x4;
	v21 =	vld [tilespmem:$0x3A0];
	[tilespmem:$0x1F7C0] =	vst v25  }
0x97: {  	v28 =	vbroadcast v3, $0x5;
	[tilespmem:$0x1F7D0] =	vst v27  }
0x98: {  	v30 =	vbroadcast v3, $0x8;
	v13 =	vld [tilespmem:$0x400];
	[tilespmem:$0x1F7E0] =	vst v4  }
0x99: {  	v31 =	vbroadcast v3, $0x9;
	[tilespmem:$0x1F800] =	vst v28  }
0x9a: {  	v32 =	vbroadcast v3, $0xC;
	v12 =	vld [tilespmem:$0x420];
	[tilespmem:$0x1F810] =	vst v30  }
0x9b: {  	v14 =	vbroadcast v3, $0x3;
	v33 =	vbroadcast v3, $0xD;
	[tilespmem:$0x1F820] =	vst v31  }
0x9c: {  	v15 =	vbroadcast v3, $0x7;
	v18 =	vbroadcast v3, $0x2;
	v11 =	vld [tilespmem:$0x480];
	[tilespmem:$0x1F830] =	vst v32  }
0x9d: {  	v19 =	vbroadcast v3, $0x6;
	v57 =	vbroadcast v1, $0x0;
	[tilespmem:$0x1F840] =	vst v33  }
0x9e: {  	v9 =	vmul.f32 v14, v2;
	v22 =	vmul.f32 v15, v0;
	v10 =	vld [tilespmem:$0x4A0]  }
0x9f: {  	v23 =	vmul.f32 v18, v6;
	v24 =	vmul.f32 v19, v5;
	v7 =	vld [tilespmem:$0x440]  }
0xa0: {  	v25 =	vmul.f32 v25, v16;
	v8 =	vld [tilespmem:$0x4C0];
	v26 =	vmul.f32 v27, v17  }
0xa1: {  	v3 =	vld [tilespmem:$0x460];
	v27 =	vmul.f32 v4, v20;
	v28 =	vmul.f32 v28, v21  }
0xa2: {  	v56 =	vld [tilespmem:s26+$0xFFFFFFE0];
	v29 =	vmul.f32 v30, v13;
	v30 =	vmul.f32 v31, v12  }
0xa3: {  	v4 =	vld [tilespmem:$0x4E0];
	v25 =	vadd.f32 v26, v25;
	v31 =	vmul.f32 v32, v11;
	v55 =	vmul.f32 v33, v10  }
0xa4: {  	v26 =	vadd.f32 v28, v27;
	v27 =	vmul.f32 v37, v7;
	v28 =	vadd.f32 v30, v29  }
0xa5: {  	v23 =	vadd.f32 v25, v23;
	v30 =	vmul.f32 v36, v8;
	v29 =	vadd.f32 v55, v31  }
0xa6: {  	v24 =	vadd.f32 v26, v24;
	v25 =	vmul.f32 v35, v3;
	v26 =	vadd.f32 v28, v27  }
0xa7: {  	v9 =	vadd.f32 v23, v9;
	v27 =	vadd.f32 v29, v30;
	v29 =	vbroadcast v56, $0x0  }
0xa8: {  	[tilespmem:$0x1F940] =	vst v57;
	v28 =	vmul.f32 v34, v4;
	v23 =	vadd.f32 v26, v25;
	v26 =	vbroadcast v56, $0x1  }
0xa9: {  	v30 =	vbroadcast v56, $0x5;
	[tilespmem:$0x1F8A0] =	vst v29  }
0xaa: {  	v22 =	vadd.f32 v24, v22;
	v24 =	vadd.f32 v27, v28;
	[tilespmem:$0x1F8C0] =	vst v26;
	v27 =	vbroadcast v56, $0x4  }
0xab: {  	v47 =	vbroadcast v56, $0x8;
	[tilespmem:$0x1F8E0] =	vst v30  }
0xac: {  	v45 =	vbroadcast v56, $0x9;
	[tilespmem:$0x1F8D0] =	vst v27  }
0xad: {  	v46 =	vbroadcast v56, $0xC;
	v22 =	vadd.f32 v22, v9;
	v9 =	vld [tilespmem:s26+$0x0];
	[tilespmem:$0x1F8F0] =	vst v47  }
0xae: {  	v44 =	vbroadcast v56, $0xD;
	[tilespmem:$0x1F900] =	vst v45  }
0xaf: {  	v42 =	vbroadcast v1, $0x1;
	[tilespmem:$0x1F910] =	vst v46  }
0xb0: {  	v43 =	vbroadcast v1, $0x4;
	[tilespmem:$0x1F930] =	vst v44  }
0xb1: {  	v40 =	vbroadcast v1, $0x5;
	v23 =	vadd.f32 v24, v23;
	[tilespmem:$0x1F960] =	vst v42  }
0xb2: {  	v41 =	vbroadcast v1, $0x8;
	[tilespmem:$0x1F970] =	vst v43  }
0xb3: {  	[tilespmem:$0x1F980] =	vst v40;
	v22 =	vadd.f32 v23, v22  }
0xb4: {  	s18 =	simm.s32 $0x540;
	v38 =	vbroadcast v1, $0x9;
	[tilespmem:$0x1F990] =	vst v41  }
0xb5: {  	v39 =	vbroadcast v1, $0xC;
	[tilespmem:s18+$0x20] =	vst v22  }
0xb6: {  	[tilespmem:$0x1F9A0] =	vst v38  }
0xb7: {  	v58 =	vbroadcast v1, $0xD;
	v63 =	vmul.f32 v43, v20;
	[tilespmem:$0x1F9B0] =	vst v39  }
0xb8: {  	v35 =	vmul.f32 v38, v12;
	v22 =	vld [tilespmem:$0x370];
	v59 =	vbroadcast v9, $0x0  }
0xb9: {  	v62 =	vmul.f32 v10, v44;
	[tilespmem:$0x1F9C0] =	vst v58;
	v60 =	vbroadcast v9, $0x1  }
0xba: {  	v25 =	vmul.f32 v16, v29;
	v61 =	vbroadcast v9, $0x4;
	[tilespmem:$0x1F9D0] =	vst v59  }
0xbb: {  	v26 =	vmul.f32 v17, v26;
	v31 =	vbroadcast v9, $0x5;
	v23 =	vld [tilespmem:$0x3F0];
	[tilespmem:$0x1F9E0] =	vst v60  }
0xbc: {  	v29 =	vmul.f32 v21, v30;
	v27 =	vmul.f32 v20, v27;
	[tilespmem:$0x1FBB0] =	vst v61  }
0xbd: {  	v30 =	vmul.f32 v13, v47;
	v24 =	vld [tilespmem:$0x350];
	[tilespmem:$0x1FBC0] =	vst v31;
	v14 =	vmul.f32 v22, v14  }
0xbe: {  	v28 =	vld [tilespmem:$0x3D0];
	v22 =	vadd.f32 v26, v25;
	v25 =	vadd.f32 v29, v27;
	v29 =	vbroadcast v56, $0x2  }
0xbf: {  	v36 =	vmul.f32 v31, v21;
	v26 =	vmul.f32 v40, v21  }
0xc0: {  	[tilespmem:$0x1FC10] =	vst v29;
	v37 =	vmul.f32 v6, v29;
	v29 =	vbroadcast v56, $0x3  }
0xc1: {  	v15 =	vmul.f32 v23, v15;
	v23 =	vmul.f32 v57, v16  }
0xc2: {  	v18 =	vmul.f32 v24, v18;
	v24 =	vmul.f32 v42, v17  }
0xc3: {  	[tilespmem:$0x1F920] =	vst v14;
	v14 =	vmul.f32 v12, v45;
	v19 =	vmul.f32 v28, v19  }
0xc4: {  	v16 =	vmul.f32 v59, v16;
	v17 =	vmul.f32 v60, v17;
	[tilespmem:$0x1FD50] =	vst v29;
	v23 =	vadd.f32 v24, v23  }
0xc5: {  	v24 =	vmul.f32 v39, v11;
	[tilespmem:$0x1F8B0] =	vst v19;
	v19 =	vadd.f32 v26, v63;
	v26 =	vmul.f32 v58, v10  }
0xc6: {  	[tilespmem:$0x1F950] =	vst v15;
	v15 =	vmul.f32 v11, v46;
	v28 =	vbroadcast v56, $0xE  }
0xc7: {  	[tilespmem:$0x1F880] =	vst v18;
	v16 =	vadd.f32 v17, v16;
	v21 =	vadd.f32 v26, v24;
	v24 =	vbroadcast v56, $0x6  }
0xc8: {  	v17 =	vadd.f32 v37, v22;
	[tilespmem:$0x1FC50] =	vst v28;
	v22 =	vmul.f32 v8, v28;
	v26 =	vbroadcast v56, $0xA  }
0xc9: {  	v28 =	vbroadcast v56, $0x7;
	[tilespmem:$0x1FC30] =	vst v24;
	v38 =	vmul.f32 v5, v24  }
0xca: {  	v14 =	vadd.f32 v14, v30;
	[tilespmem:$0x1FC40] =	vst v26;
	v24 =	vmul.f32 v7, v26;
	v26 =	vbroadcast v56, $0xB  }
0xcb: {  	v15 =	vadd.f32 v62, v15;
	[tilespmem:$0x1FD60] =	vst v28;
	v18 =	vadd.f32 v38, v25;
	v25 =	vbroadcast v56, $0xF  }
0xcc: {  	[tilespmem:$0x1FD70] =	vst v26;
	v14 =	vadd.f32 v24, v14;
	v24 =	vmul.f32 v2, v29;
	v29 =	vbroadcast v9, $0x8  }
0xcd: {  	v15 =	vadd.f32 v22, v15;
	v22 =	vmul.f32 v0, v28;
	v28 =	vbroadcast v9, $0x9;
	[tilespmem:$0x1FD80] =	vst v25  }
0xce: {  	v62 =	vld [tilespmem:$0x310];
	[tilespmem:$0x1FBD0] =	vst v29  }
0xcf: {  	v63 =	vld [tilespmem:$0x330];
	[tilespmem:$0x1FBE0] =	vst v28  }
0xd0: {  	v17 =	vadd.f32 v24, v17;
	v24 =	vld [tilespmem:$0x390];
	_ =	sdelay $0x3  }
0xd1: {  	v18 =	vadd.f32 v22, v18;
	v22 =	vmul.f32 v4, v25  }
0xd2: {  	[tilespmem:$0x1F7F0] =	vst v24;
	v24 =	vmul.f32 v3, v26;
	v26 =	vbroadcast v9, $0xC  }
0xd3: {  	v25 =	vbroadcast v9, $0xD  }
0xd4: {  	v15 =	vadd.f32 v22, v15;
	v60 =	vld [tilespmem:$0x3B0];
	v14 =	vadd.f32 v24, v14;
	[tilespmem:$0x1FBF0] =	vst v26;
	v24 =	vbroadcast v1, $0x2  }
0xd5: {  	v27 =	vmul.f32 v41, v13;
	v22 =	vbroadcast v9, $0x2;
	v57 =	vld [tilespmem:$0x410];
	[tilespmem:$0x1FC00] =	vst v25  }
0xd6: {  	v12 =	vmul.f32 v28, v12;
	v59 =	vld [tilespmem:$0x430];
	[tilespmem:$0x1FC70] =	vst v24;
	v14 =	vadd.f32 v15, v14;
	v15 =	vmul.f32 v24, v6  }
0xd7: {  	v6 =	vmul.f32 v22, v6;
	v56 =	vld [tilespmem:$0x490];
	[tilespmem:$0x1FCD0] =	vst v22;
	v22 =	vbroadcast v1, $0x6  }
0xd8: {  	v13 =	vmul.f32 v29, v13;
	v17 =	vadd.f32 v18, v17;
	v24 =	vbroadcast v1, $0xA;
	v18 =	vld [tilespmem:$0x4B0]  }
0xd9: {  	v10 =	vmul.f32 v25, v10;
	v25 =	vbroadcast v1, $0xE;
	v54 =	vld [tilespmem:$0x450];
	[tilespmem:$0x1FC80] =	vst v22  }
0xda: {  	v39 =	vbroadcast v9, $0x6;
	v11 =	vmul.f32 v26, v11;
	v58 =	vld [tilespmem:$0x4D0];
	[tilespmem:$0x1FCA0] =	vst v24  }
0xdb: {  	v12 =	vadd.f32 v12, v13;
	v13 =	vadd.f32 v14, v17;
	[tilespmem:$0x1FCB0] =	vst v25  }
0xdc: {  	v10 =	vadd.f32 v10, v11;
	v11 =	vmul.f32 v22, v5;
	v22 =	vbroadcast v9, $0xA;
	v53 =	vld [tilespmem:$0x470];
	[tilespmem:$0x1FCE0] =	vst v39  }
0xdd: {  	v40 =	vbroadcast v9, $0xE;
	[tilespmem:s18+$0xFFFFFFC0] =	vst v13  }
0xde: {  	v52 =	vld [tilespmem:$0x4F0];
	v13 =	vmul.f32 v24, v7;
	[tilespmem:$0x1FD00] =	vst v22  }
0xdf: {  	v7 =	vmul.f32 v22, v7;
	[tilespmem:$0x1FD10] =	vst v40;
	v22 =	vbroadcast v1, $0x3  }
0xe0: {  	v41 =	vbroadcast v1, $0x7;
	v51 =	vld [tilespmem:$0x310]  }
0xe1: {  	v20 =	vmul.f32 v61, v20;
	v24 =	vbroadcast v1, $0xB;
	v50 =	vld [tilespmem:$0x330];
	[tilespmem:$0x1FDA0] =	vst v22  }
0xe2: {  	v42 =	vbroadcast v1, $0xF;
	v49 =	vld [tilespmem:$0x390];
	[tilespmem:$0x1FDD0] =	vst v41  }
0xe3: {  	v20 =	vadd.f32 v36, v20;
	[tilespmem:$0x1FDE0] =	vst v24  }
0xe4: {  	v27 =	vadd.f32 v35, v27;
	v14 =	vadd.f32 v23, v15;
	v5 =	vmul.f32 v39, v5;
	v48 =	vld [tilespmem:$0x3B0];
	[tilespmem:$0x1FDF0] =	vst v42  }
0xe5: {  	s31 =	simm.s32 $0x1560;
	v15 =	vmul.f32 v25, v8;
	v8 =	vmul.f32 v40, v8;
	v11 =	vadd.f32 v19, v11;
	v19 =	vld [tilespmem:$0x410]  }
0xe6: {  	v5 =	vadd.f32 v20, v5;
	v20 =	vbroadcast v9, $0x3;
	v1 =	vmul.f32 v22, v2;
	v22 =	vld [tilespmem:s31+$0x10]  }
0xe7: {  	v23 =	vbroadcast v9, $0xB;
	v15 =	vadd.f32 v21, v15;
	v21 =	vbroadcast v9, $0x7;
	v47 =	vld [tilespmem:$0x360]  }
0xe8: {  	v8 =	vadd.f32 v10, v8;
	v43 =	vadd.f32 v14, v1;
	v14 =	vmul.f32 v42, v4;
	v46 =	vld [tilespmem:$0x3E0];
	[tilespmem:$0x1F780] =	vst v20  }
0xe9: {  	v10 =	vmul.f32 v41, v0;
	v13 =	vadd.f32 v27, v13;
	v1 =	vbroadcast v9, $0xF;
	v25 =	vld [tilespmem:$0x300];
	[tilespmem:$0x1F790] =	vst v21  }
0xea: {  	v7 =	vadd.f32 v12, v7;
	v12 =	vmul.f32 v24, v3;
	v15 =	vadd.f32 v15, v14;
	v14 =	vld [tilespmem:$0x320];
	[tilespmem:$0x1F7A0] =	vst v23  }
0xeb: {  	v6 =	vadd.f32 v16, v6;
	v2 =	vmul.f32 v20, v2;
	[tilespmem:$0x1F7B0] =	vst v1  }
0xec: {  	v45 =	vadd.f32 v11, v10;
	v9 =	vmul.f32 v21, v0;
	v20 =	vadd.f32 v13, v12;
	v27 =	vld [tilespmem:$0x380]  }
0xed: {  	v21 =	vadd.f32 v6, v2;
	v6 =	vmul.f32 v23, v3;
	v4 =	vmul.f32 v1, v4;
	v26 =	vld [tilespmem:$0x3A0]  }
0xee: {  	v16 =	vadd.f32 v45, v43;
	v23 =	vadd.f32 v5, v9;
	v55 =	vld [tilespmem:$0x400];
	v37 =	vbroadcast v22, $0x2  }
0xef: {  	v24 =	vadd.f32 v7, v6;
	v29 =	vld [tilespmem:$0x420];
	v32 =	vbroadcast v22, $0x0;
	v35 =	vbroadcast v22, $0x1  }
0xf0: {  	v61 =	vadd.f32 v8, v4;
	v28 =	vld [tilespmem:$0x480];
	v30 =	vbroadcast v22, $0x4;
	v31 =	vbroadcast v22, $0x5  }
0xf1: {  	v34 =	vadd.f32 v15, v20;
	v15 =	vld [tilespmem:$0x4A0];
	v45 =	vbroadcast v22, $0x8;
	v44 =	vbroadcast v22, $0x9  }
0xf2: {  	v40 =	vld [tilespmem:$0x340];
	v10 =	vadd.f32 v23, v21;
	v42 =	vbroadcast v22, $0xC;
	v41 =	vbroadcast v22, $0xD  }
0xf3: {  	v9 =	vadd.f32 v61, v24;
	v21 =	vmul.f32 v32, v25;
	v23 =	vmul.f32 v35, v14  }
0xf4: {  	v5 =	vadd.f32 v34, v16;
	v16 =	vld [tilespmem:$0x440];
	v24 =	vmul.f32 v30, v27;
	v43 =	vmul.f32 v31, v26  }
0xf5: {  	v61 =	vmul.f32 v44, v29;
	v21 =	vadd.f32 v23, v21;
	v23 =	vmul.f32 v45, v55  }
0xf6: {  	[tilespmem:s18+$0xFFFFFFE0] =	vst v5;
	v1 =	vmul.f32 v42, v28;
	v0 =	vmul.f32 v41, v15;
	v3 =	vadd.f32 v43, v24;
	v43 =	vld [tilespmem:$0x460]  }
0xf7: {  	v33 =	vbroadcast v22, $0xA;
	v2 =	vmul.f32 v37, v40;
	v23 =	vadd.f32 v61, v23;
	v61 =	vld [tilespmem:$0x1F7C0]  }
0xf8: {  	v4 =	vadd.f32 v0, v1  }
0xf9: {  	v1 =	vmul.f32 v33, v16;
	v8 =	vadd.f32 v21, v2;
	v21 =	vbroadcast v22, $0xB;
	_ =	sdelay $0x1  }
0xfa: {  	v20 =	vld [tilespmem:$0x3C0];
	v6 =	vadd.f32 v23, v1;
	v2 =	vmul.f32 v21, v43  }
0xfb: {  	v62 =	vmul.f32 v62, v61;
	v61 =	vld [tilespmem:$0x1F7F0]  }
0xfc: {  	v2 =	vadd.f32 v6, v2;
	v6 =	vld [tilespmem:$0x1F7E0]  }
0xfd: {  	v17 =	vld [tilespmem:$0x4C0];
	_ =	sdelay $0x1  }
0xfe: {  	v39 =	vbroadcast v22, $0x3;
	v36 =	vbroadcast v22, $0x6;
	v34 =	vld [tilespmem:$0x4E0]  }
0xff: {  	v38 =	vbroadcast v22, $0x7;
	v24 =	vbroadcast v22, $0xE  }
0x100: {  	v0 =	vmul.f32 v36, v20;
	v6 =	vmul.f32 v61, v6;
	v61 =	vld [tilespmem:$0x1F800]  }
0x101: {  	v22 =	vbroadcast v22, $0xF;
	v5 =	vmul.f32 v24, v17  }
0x102: {  	v7 =	vadd.f32 v3, v0;
	v0 =	vmul.f32 v39, v47  }
0x103: {  	v1 =	vmul.f32 v38, v46;
	v3 =	vmul.f32 v22, v34;
	v4 =	vadd.f32 v4, v5  }
0x104: {  	v0 =	vadd.f32 v8, v0  }
0x105: {  	v1 =	vadd.f32 v7, v1;
	v3 =	vadd.f32 v4, v3;
	v60 =	vmul.f32 v60, v61;
	v61 =	vld [tilespmem:$0x1F810]  }
0x106: {  	v8 =	vld [tilespmem:$0x1F7D0]  }
0x107: {  	v0 =	vadd.f32 v1, v0;
	v1 =	vadd.f32 v3, v2;
	v3 =	vld [tilespmem:$0x1F820];
	_ =	sdelay $0x1  }
0x108: {  	v9 =	vadd.f32 v9, v10  }
0x109: {  	v57 =	vmul.f32 v57, v61;
	v61 =	vld [tilespmem:$0x1F840]  }
0x10a: {  	v8 =	vmul.f32 v63, v8;
	v63 =	vld [tilespmem:$0x1F830];
	[tilespmem:s18+$0x0] =	vst v9  }
0x10b: {  	v0 =	vadd.f32 v1, v0;
	v3 =	vmul.f32 v59, v3;
	v9 =	vld [tilespmem:$0x1F850]  }
0x10c: {  	s4 =	simm.s32 $0x5C0;
	v6 =	vadd.f32 v60, v6;
	v60 =	vld [tilespmem:$0x1F870]  }
0x10d: {  	v3 =	vadd.f32 v3, v57;
	v57 =	vld [tilespmem:$0x1F860];
	[tilespmem:s4+$0x20] =	vst v0  }
0x10e: {  	v18 =	vmul.f32 v18, v61;
	v61 =	vld [tilespmem:$0x1F8A0];
	_ =	sdelay $0x1  }
0x10f: {  	v9 =	vmul.f32 v54, v9;
	_ =	sdelay $0x1  }
0x110: {  	v3 =	vadd.f32 v9, v3;
	v9 =	vld [tilespmem:$0x1F8E0]  }
0x111: {  	v51 =	vmul.f32 v51, v61;
	v61 =	vld [tilespmem:$0x1F8F0];
	_ =	sdelay $0x2  }
0x112: {  	v0 =	vld [tilespmem:$0x1F880];
	_ =	sdelay $0x1  }
0x113: {  	v9 =	vmul.f32 v48, v9;
	v48 =	vmul.f32 v19, v61;
	v61 =	vld [tilespmem:$0x1F920]  }
0x114: {  	v8 =	vadd.f32 v8, v62;
	_ =	sdelay $0x1  }
0x115: {  	v62 =	vld [tilespmem:$0x1F8B0];
	v0 =	vadd.f32 v0, v8  }
0x116: {  	v13 =	vld [tilespmem:$0x430]  }
0x117: {  	v0 =	vadd.f32 v61, v0;
	v61 =	vld [tilespmem:$0x1F950]  }
0x118: {  	v12 =	vld [tilespmem:$0x490]  }
0x119: {  	v11 =	vld [tilespmem:$0x4B0]  }
0x11a: {  	v5 =	vld [tilespmem:$0x330];
	v6 =	vadd.f32 v62, v6  }
0x11b: {  	v62 =	vld [tilespmem:$0x1F900]  }
0x11c: {  	v6 =	vadd.f32 v61, v6;
	v61 =	vld [tilespmem:$0x1F960]  }
0x11d: {  	v10 =	vld [tilespmem:$0x410]  }
0x11e: {  	v23 =	vld [tilespmem:$0x310]  }
0x11f: {  	v7 =	vld [tilespmem:$0x390]  }
0x120: {  	v13 =	vmul.f32 v13, v62;
	v62 =	vld [tilespmem:$0x1F930]  }
0x121: {  	v61 =	vmul.f32 v5, v61;
	v5 =	vld [tilespmem:$0x1F970]  }
0x122: {  	v4 =	vld [tilespmem:$0x3B0]  }
0x123: {  	v2 =	vld [tilespmem:$0x430]  }
0x124: {  	v1 =	vld [tilespmem:$0x4B0]  }
0x125: {  	v59 =	vld [tilespmem:$0x490]  }
0x126: {  	v11 =	vmul.f32 v11, v62;
	v62 =	vmul.f32 v7, v5;
	v7 =	vld [tilespmem:$0x1F980]  }
0x127: {  	v56 =	vmul.f32 v56, v63;
	v63 =	vld [tilespmem:$0x1F8C0]  }
0x128: {  	v54 =	vld [tilespmem:$0x310]  }
0x129: {  	v53 =	vmul.f32 v53, v60;
	v60 =	vld [tilespmem:$0x1F8D0]  }
0x12a: {  	v56 =	vadd.f32 v18, v56;
	v18 =	vld [tilespmem:s31+$0xFFFFFFF0]  }
0x12b: {  	v4 =	vmul.f32 v4, v7;
	v7 =	vld [tilespmem:$0x1F990]  }
0x12c: {  	v57 =	vmul.f32 v58, v57;
	v58 =	vld [tilespmem:$0x3F0]  }
0x12d: {  	v8 =	vld [tilespmem:$0x1F890]  }
0x12e: {  	v0 =	vadd.f32 v6, v0;
	v6 =	vld [tilespmem:$0x1F9C0]  }
0x12f: {  	v50 =	vmul.f32 v50, v63;
	v63 =	vld [tilespmem:$0x1F910]  }
0x130: {  	v3 =	vadd.f32 v53, v3;
	v53 =	vmul.f32 v10, v7;
	v10 =	vld [tilespmem:$0x1F9A0]  }
0x131: {  	v49 =	vmul.f32 v49, v60;
	v60 =	vld [tilespmem:$0x350]  }
0x132: {  	v8 =	vmul.f32 v52, v8;
	v52 =	vld [tilespmem:$0x370]  }
0x133: {  	v19 =	vadd.f32 v57, v56;
	v1 =	vmul.f32 v1, v6;
	v6 =	vld [tilespmem:$0x1F9D0]  }
0x134: {  	v12 =	vmul.f32 v12, v63;
	v63 =	vld [tilespmem:$0x1F940]  }
0x135: {  	v8 =	vadd.f32 v8, v19;
	v2 =	vmul.f32 v2, v10;
	v10 =	vld [tilespmem:$0x1F9B0]  }
0x136: {  	v56 =	vld [tilespmem:$0x3D0]  }
0x137: {  	v57 =	vld [tilespmem:$0x310];
	v3 =	vadd.f32 v8, v3  }
0x138: {  	v5 =	vld [tilespmem:$0x330];
	v6 =	vmul.f32 v54, v6  }
0x139: {  	v0 =	vadd.f32 v3, v0;
	v7 =	vld [tilespmem:$0x390]  }
0x13a: {  	v59 =	vmul.f32 v59, v10;
	v10 =	vld [tilespmem:$0x3B0];
	[tilespmem:$0x1FC20] =	vst v6  }
0x13b: {  	v19 =	vld [tilespmem:s31+$0xFFFFFFE0];
	[tilespmem:$0x1FDB0] =	vst v0;
	v0 =	vadd.f32 v50, v51;
	_ =	sdelay $0x1  }
0x13c: {  	[tilespmem:$0x1FC60] =	vst v0;
	v0 =	vadd.f32 v9, v49  }
0x13d: {  	v38 =	vmul.f32 v58, v38  }
0x13e: {  	v37 =	vmul.f32 v60, v37;
	v23 =	vmul.f32 v23, v63;
	[tilespmem:$0x1FC90] =	vst v0;
	v0 =	vadd.f32 v13, v48  }
0x13f: {  	v39 =	vmul.f32 v52, v39;
	v49 =	vbroadcast v18, $0x0  }
0x140: {  	v36 =	vmul.f32 v56, v36;
	v8 =	vmul.f32 v57, v32;
	[tilespmem:$0x1FCC0] =	vst v0;
	v0 =	vadd.f32 v11, v12  }
0x141: {  	v56 =	vmul.f32 v5, v35;
	v57 =	vmul.f32 v7, v30;
	[tilespmem:$0x1FD90] =	vst v49  }
0x142: {  	v60 =	vmul.f32 v10, v31;
	v48 =	vbroadcast v18, $0x1;
	v35 =	vld [tilespmem:s31+$0x0];
	[tilespmem:$0x1FCF0] =	vst v0;
	v0 =	vadd.f32 v61, v23  }
0x143: {  	v10 =	vbroadcast v19, $0x0;
	v7 =	vbroadcast v19, $0x1  }
0x144: {  	v30 =	vbroadcast v19, $0x4;
	v31 =	vbroadcast v19, $0x5;
	v9 =	vld [tilespmem:$0x410];
	[tilespmem:$0x1FD20] =	vst v0;
	v0 =	vadd.f32 v2, v53  }
0x145: {  	v32 =	vbroadcast v19, $0x8;
	v51 =	vbroadcast v19, $0xC;
	v12 =	vld [tilespmem:$0x430];
	[tilespmem:$0x1FDC0] =	vst v48  }
0x146: {  	v50 =	vbroadcast v19, $0x9;
	v54 =	vbroadcast v19, $0xD;
	v13 =	vld [tilespmem:$0x490];
	[tilespmem:$0x1FD30] =	vst v0;
	v0 =	vadd.f32 v1, v59  }
0x147: {  	v52 =	vmul.f32 v26, v31;
	v3 =	vmul.f32 v28, v51  }
0x148: {  	v11 =	vadd.f32 v4, v62;
	v23 =	vmul.f32 v25, v10;
	v53 =	vmul.f32 v14, v7;
	v62 =	vld [tilespmem:$0x4B0];
	[tilespmem:$0x1FD40] =	vst v0  }
0x149: {  	v2 =	vmul.f32 v49, v25;
	v1 =	vmul.f32 v27, v30;
	v63 =	vld [tilespmem:$0x450]  }
0x14a: {  	v23 =	vadd.f32 v53, v23;
	v53 =	vmul.f32 v55, v32;
	v0 =	vmul.f32 v29, v50;
	v5 =	vld [tilespmem:$0x4D0]  }
0x14b: {  	v59 =	vadd.f32 v52, v1;
	v1 =	vmul.f32 v15, v54;
	v52 =	vadd.f32 v60, v57;
	v4 =	vld [tilespmem:$0x470]  }
0x14c: {  	v57 =	vbroadcast v18, $0x5;
	v61 =	vadd.f32 v0, v53;
	v0 =	vmul.f32 v48, v14  }
0x14d: {  	v3 =	vadd.f32 v1, v3;
	v1 =	vmul.f32 v9, v45;
	v9 =	vmul.f32 v12, v44;
	v12 =	vld [tilespmem:$0x4F0]  }
0x14e: {  	v53 =	vbroadcast v18, $0xC;
	v2 =	vadd.f32 v0, v2;
	v0 =	vmul.f32 v13, v42  }
0x14f: {  	v8 =	vadd.f32 v56, v8;
	v13 =	vmul.f32 v62, v41;
	v33 =	vmul.f32 v63, v33  }
0x150: {  	v6 =	vld [tilespmem:$0x330];
	v9 =	vadd.f32 v9, v1;
	v5 =	vmul.f32 v5, v24;
	v4 =	vmul.f32 v4, v21  }
0x151: {  	v1 =	vld [tilespmem:$0x1F9E0];
	v0 =	vadd.f32 v13, v0;
	v13 =	vbroadcast v35, $0x0;
	v21 =	vbroadcast v35, $0x1  }
0x152: {  	v24 =	vbroadcast v35, $0x5;
	v12 =	vmul.f32 v12, v22  }
0x153: {  	v8 =	vadd.f32 v37, v8;
	v22 =	vmul.f32 v57, v26;
	[tilespmem:$0x1F9F0] =	vst v13;
	v13 =	vmul.f32 v13, v25  }
0x154: {  	[tilespmem:$0x1FA00] =	vst v21;
	v14 =	vmul.f32 v21, v14;
	v9 =	vadd.f32 v33, v9;
	v21 =	vbroadcast v35, $0x4  }
0x155: {  	v0 =	vadd.f32 v5, v0;
	[tilespmem:$0x1FA20] =	vst v24;
	v24 =	vmul.f32 v24, v26;
	v25 =	vbroadcast v18, $0x8  }
0x156: {  	v5 =	vadd.f32 v39, v8;
	v26 =	vbroadcast v35, $0xC;
	v1 =	vmul.f32 v6, v1  }
0x157: {  	v6 =	vadd.f32 v36, v52;
	v52 =	vbroadcast v18, $0x4;
	[tilespmem:$0x1FA10] =	vst v21;
	v21 =	vmul.f32 v21, v27  }
0x158: {  	v4 =	vadd.f32 v4, v9;
	v9 =	vbroadcast v18, $0x9;
	v0 =	vadd.f32 v12, v0  }
0x159: {  	[tilespmem:$0x1FA50] =	vst v53;
	v12 =	vbroadcast v35, $0x9;
	v8 =	vmul.f32 v52, v27;
	v6 =	vadd.f32 v38, v6  }
0x15a: {  	v27 =	vbroadcast v18, $0xD;
	[tilespmem:$0x1FA40] =	vst v9;
	v9 =	vmul.f32 v9, v29;
	v0 =	vadd.f32 v0, v4  }
0x15b: {  	[tilespmem:$0x1FA80] =	vst v12;
	v12 =	vmul.f32 v12, v29;
	v5 =	vadd.f32 v6, v5;
	v6 =	vmul.f32 v25, v55  }
0x15c: {  	[tilespmem:$0x1FA30] =	vst v25;
	v8 =	vadd.f32 v22, v8;
	v22 =	vbroadcast v35, $0x8;
	v25 =	vbroadcast v35, $0xD  }
0x15d: {  	[tilespmem:$0x1FA90] =	vst v26;
	v4 =	vadd.f32 v9, v6;
	v6 =	vmul.f32 v53, v28;
	v9 =	vmul.f32 v27, v15  }
0x15e: {  	[tilespmem:$0x1FA60] =	vst v27;
	v53 =	vadd.f32 v0, v5;
	v5 =	vmul.f32 v22, v55;
	v15 =	vmul.f32 v25, v15  }
0x15f: {  	[tilespmem:$0x1FAA0] =	vst v25;
	v0 =	vbroadcast v19, $0x2;
	v25 =	vbroadcast v19, $0x6  }
0x160: {  	v13 =	vadd.f32 v14, v13;
	[tilespmem:$0x1FA70] =	vst v22;
	v22 =	vbroadcast v19, $0xA;
	v27 =	vbroadcast v19, $0xE  }
0x161: {  	v6 =	vadd.f32 v9, v6;
	v9 =	vmul.f32 v26, v28;
	v5 =	vadd.f32 v12, v5;
	v12 =	vld [tilespmem:$0x390];
	[tilespmem:$0x1FAB0] =	vst v0  }
0x162: {  	v14 =	vadd.f32 v24, v21;
	v26 =	vbroadcast v18, $0x2;
	v21 =	vmul.f32 v40, v0;
	v24 =	vld [tilespmem:$0x3B0];
	[tilespmem:$0x1FAC0] =	vst v25  }
0x163: {  	v9 =	vadd.f32 v15, v9;
	v15 =	vmul.f32 v20, v25;
	v25 =	vld [tilespmem:$0x410];
	[tilespmem:$0x1FAD0] =	vst v22;
	v22 =	vmul.f32 v16, v22  }
0x164: {  	v0 =	vbroadcast v18, $0x6;
	v21 =	vadd.f32 v21, v23;
	v23 =	vmul.f32 v17, v27  }
0x165: {  	v55 =	vbroadcast v18, $0xA;
	v37 =	vld [tilespmem:$0x430];
	[tilespmem:$0x1FAE0] =	vst v27;
	v27 =	vadd.f32 v22, v61;
	v22 =	vmul.f32 v26, v40  }
0x166: {  	v56 =	vbroadcast v18, $0xE;
	v28 =	vld [tilespmem:$0x490];
	[tilespmem:$0x1FAF0] =	vst v26;
	v3 =	vadd.f32 v23, v3;
	v23 =	vmul.f32 v0, v20  }
0x167: {  	v58 =	vbroadcast v35, $0x2;
	v29 =	vld [tilespmem:$0x4B0];
	[tilespmem:$0x1FB00] =	vst v0;
	v2 =	vadd.f32 v2, v22;
	v22 =	vmul.f32 v55, v16  }
0x168: {  	v60 =	vbroadcast v35, $0xE;
	v26 =	vbroadcast v35, $0x6;
	v33 =	vld [tilespmem:$0x350];
	[tilespmem:$0x1FB10] =	vst v55;
	v8 =	vadd.f32 v8, v23  }
0x169: {  	v23 =	vmul.f32 v56, v17;
	v36 =	vld [tilespmem:$0x3D0];
	[tilespmem:$0x1FB20] =	vst v56;
	v4 =	vadd.f32 v4, v22;
	v22 =	vmul.f32 v58, v40  }
0x16a: {  	v15 =	vadd.f32 v15, v59;
	v59 =	vbroadcast v35, $0xA;
	v20 =	vmul.f32 v26, v20;
	[tilespmem:$0x1FB30] =	vst v58  }
0x16b: {  	[tilespmem:$0x1FB40] =	vst v26;
	v6 =	vadd.f32 v6, v23;
	v13 =	vadd.f32 v13, v22;
	v22 =	vbroadcast v19, $0x7  }
0x16c: {  	v0 =	vld [tilespmem:$0x450];
	[tilespmem:$0x1FB50] =	vst v59;
	v23 =	vbroadcast v19, $0x3;
	v14 =	vadd.f32 v14, v20;
	v20 =	vbroadcast v19, $0xB  }
0x16d: {  	[tilespmem:$0x1FB60] =	vst v60;
	v19 =	vbroadcast v19, $0xF;
	v62 =	vmul.f32 v46, v22  }
0x16e: {  	v49 =	vbroadcast v35, $0x7;
	v48 =	vbroadcast v18, $0x7;
	v26 =	vld [tilespmem:$0x4D0]  }
0x16f: {  	v38 =	vbroadcast v35, $0xB;
	v39 =	vld [tilespmem:$0x350];
	v45 =	vadd.f32 v62, v15;
	v15 =	vmul.f32 v34, v19  }
0x170: {  	v16 =	vmul.f32 v59, v16;
	v17 =	vmul.f32 v60, v17;
	v40 =	vld [tilespmem:$0x3D0]  }
0x171: {  	v56 =	vbroadcast v18, $0xB;
	v41 =	vld [tilespmem:$0x450];
	[tilespmem:$0x1FB70] =	vst v23;
	v3 =	vadd.f32 v15, v3;
	v15 =	vmul.f32 v48, v46  }
0x172: {  	v58 =	vbroadcast v18, $0xF;
	v63 =	vmul.f32 v43, v20;
	v42 =	vld [tilespmem:$0x4D0];
	[tilespmem:$0x1FB80] =	vst v22  }
0x173: {  	v5 =	vadd.f32 v5, v16;
	v44 =	vld [tilespmem:$0x350];
	[tilespmem:$0x1FB90] =	vst v20;
	v8 =	vadd.f32 v8, v15;
	v15 =	vbroadcast v35, $0xF  }
0x174: {  	v27 =	vadd.f32 v63, v27;
	v63 =	vbroadcast v35, $0x3;
	v22 =	vld [tilespmem:$0x3D0];
	[tilespmem:$0x1FBA0] =	vst v19;
	v19 =	vmul.f32 v58, v34  }
0x175: {  	v9 =	vadd.f32 v9, v17;
	v35 =	vmul.f32 v38, v43;
	v34 =	vmul.f32 v15, v34  }
0x176: {  	v55 =	vbroadcast v18, $0x3  }
0x177: {  	v18 =	vmul.f32 v56, v43;
	v5 =	vadd.f32 v5, v35;
	v9 =	vadd.f32 v9, v34  }
0x178: {  	v61 =	vmul.f32 v47, v23  }
0x179: {  	v4 =	vadd.f32 v4, v18;
	v20 =	vmul.f32 v55, v47;
	v5 =	vadd.f32 v9, v5;
	v9 =	vld [tilespmem:$0x1FBF0]  }
0x17a: {  	v21 =	vadd.f32 v61, v21;
	v47 =	vmul.f32 v63, v47;
	v46 =	vmul.f32 v49, v46  }
0x17b: {  	v2 =	vadd.f32 v2, v20;
	v6 =	vadd.f32 v6, v19  }
0x17c: {  	v13 =	vadd.f32 v13, v47;
	v47 =	vld [tilespmem:$0x1FBB0];
	v14 =	vadd.f32 v14, v46  }
0x17d: {  	v21 =	vadd.f32 v45, v21;
	v45 =	vld [tilespmem:$0x1FBD0];
	v3 =	vadd.f32 v3, v27  }
0x17e: {  	v2 =	vadd.f32 v8, v2;
	v8 =	vadd.f32 v14, v13;
	v13 =	vmul.f32 v28, v9;
	v9 =	vld [tilespmem:$0x1FC20]  }
0x17f: {  	v4 =	vadd.f32 v6, v4;
	v6 =	vld [tilespmem:$0x1FBE0]  }
0x180: {  	v35 =	vld [tilespmem:$0x1FBC0];
	v3 =	vadd.f32 v3, v21  }
0x181: {  	v2 =	vadd.f32 v4, v2;
	v4 =	vld [tilespmem:$0x1FC00]  }
0x182: {  	v5 =	vadd.f32 v5, v8;
	v8 =	vld [tilespmem:$0x1FC10];
	[tilespmem:s4+$0xFFFFFFC0] =	vst v3  }
0x183: {  	v1 =	vadd.f32 v1, v9;
	v9 =	vld [tilespmem:$0x1FC40];
	_ =	sdelay $0x2  }
0x184: {  	v12 =	vmul.f32 v12, v47;
	v24 =	vmul.f32 v24, v35;
	_ =	sdelay $0x1  }
0x185: {  	v14 =	vadd.f32 v24, v12;
	v12 =	vmul.f32 v0, v9;
	v0 =	vld [tilespmem:$0x1FC50];
	_ =	sdelay $0x4  }
0x186: {  	v21 =	vmul.f32 v26, v0;
	v0 =	vld [tilespmem:$0x1FC60];
	_ =	sdelay $0x2  }
0x187: {  	v8 =	vmul.f32 v33, v8;
	_ =	sdelay $0x1  }
0x188: {  	v24 =	vadd.f32 v8, v0;
	v0 =	vld [tilespmem:$0x1FC70];
	_ =	sdelay $0x4  }
0x189: {  	v8 =	vmul.f32 v39, v0;
	v0 =	vld [tilespmem:$0x1FC80];
	_ =	sdelay $0x2  }
0x18a: {  	v25 =	vmul.f32 v25, v45;
	v6 =	vmul.f32 v37, v6;
	v3 =	vld [tilespmem:$0x1FC30];
	_ =	sdelay $0x1  }
0x18b: {  	v6 =	vadd.f32 v6, v25;
	v25 =	vmul.f32 v40, v0;
	v0 =	vld [tilespmem:$0x1FC90];
	_ =	sdelay $0x2  }
0x18c: {  	v3 =	vmul.f32 v36, v3;
	_ =	sdelay $0x1  }
0x18d: {  	v27 =	vadd.f32 v3, v0;
	v0 =	vld [tilespmem:$0x1FCA0];
	_ =	sdelay $0x4  }
0x18e: {  	v3 =	vmul.f32 v41, v0;
	v0 =	vld [tilespmem:$0x1FCB0];
	_ =	sdelay $0x4  }
0x18f: {  	v28 =	vmul.f32 v42, v0;
	v0 =	vld [tilespmem:$0x1FCC0];
	_ =	sdelay $0x4  }
0x190: {  	v36 =	vadd.f32 v12, v0;
	v12 =	vld [tilespmem:$0x1FCF0]  }
0x191: {  	v4 =	vmul.f32 v29, v4;
	_ =	sdelay $0x1  }
0x192: {  	v4 =	vadd.f32 v4, v13;
	v13 =	vld [tilespmem:$0x310]  }
0x193: {  	v59 =	vld [tilespmem:$0x450]  }
0x194: {  	v21 =	vadd.f32 v21, v12;
	v12 =	vld [tilespmem:$0x1FD00];
	_ =	sdelay $0x1  }
0x195: {  	v60 =	vld [tilespmem:$0x4D0]  }
0x196: {  	v13 =	vmul.f32 v13, v10;
	v10 =	vld [tilespmem:$0x1FD20]  }
0x197: {  	v26 =	vld [tilespmem:$0x330]  }
0x198: {  	v18 =	vmul.f32 v59, v12;
	v12 =	vld [tilespmem:$0x1FD10];
	_ =	sdelay $0x3  }
0x199: {  	v61 =	vld [tilespmem:$0x370]  }
0x19a: {  	v19 =	vmul.f32 v60, v12;
	v12 =	vadd.f32 v8, v10;
	v8 =	vmul.f32 v26, v7;
	v7 =	vld [tilespmem:$0x1FD30]  }
0x19b: {  	v0 =	vld [tilespmem:$0x1FCD0]  }
0x19c: {  	v29 =	vld [tilespmem:$0x390]  }
0x19d: {  	v17 =	vld [tilespmem:$0x3B0]  }
0x19e: {  	v11 =	vadd.f32 v25, v11;
	v25 =	vld [tilespmem:$0x430]  }
0x19f: {  	v10 =	vadd.f32 v3, v7;
	v3 =	vld [tilespmem:$0x1FD40]  }
0x1a0: {  	v9 =	vmul.f32 v44, v0;
	v0 =	vld [tilespmem:$0x1FCE0]  }
0x1a1: {  	v59 =	vld [tilespmem:$0x410]  }
0x1a2: {  	v23 =	vld [tilespmem:$0x3F0]  }
0x1a3: {  	v62 =	vld [tilespmem:$0x470];
	v60 =	vadd.f32 v8, v13  }
0x1a4: {  	v16 =	vld [tilespmem:$0x4F0];
	v13 =	vmul.f32 v17, v31;
	v3 =	vadd.f32 v28, v3;
	v28 =	vmul.f32 v29, v30  }
0x1a5: {  	v43 =	vld [tilespmem:$0x4F0];
	v0 =	vmul.f32 v22, v0  }
0x1a6: {  	v26 =	vld [tilespmem:$0x490];
	[tilespmem:s4+$0xFFFFFFE0] =	vst v2;
	v29 =	vmul.f32 v59, v32;
	v39 =	vadd.f32 v13, v28;
	v13 =	vmul.f32 v25, v50  }
0x1a7: {  	v2 =	vadd.f32 v0, v14;
	v0 =	vld [tilespmem:$0x1FD50]  }
0x1a8: {  	v41 =	vadd.f32 v13, v29;
	v13 =	vld [tilespmem:$0x1FD80]  }
0x1a9: {  	v7 =	vadd.f32 v9, v1;
	v1 =	vld [tilespmem:$0x4B0]  }
0x1aa: {  	v14 =	vld [tilespmem:$0x310]  }
0x1ab: {  	v9 =	vmul.f32 v26, v51;
	v51 =	vmov v15;
	v15 =	vld [tilespmem:$0x1FDB0]  }
0x1ac: {  	v30 =	vmul.f32 v61, v0;
	v0 =	vld [tilespmem:$0x1FD60]  }
0x1ad: {  	v25 =	vmul.f32 v43, v13;
	v13 =	vld [tilespmem:$0x1FD90]  }
0x1ae: {  	v46 =	vld [tilespmem:$0x370]  }
0x1af: {  	v47 =	vld [tilespmem:$0x3F0]  }
0x1b0: {  	v8 =	vadd.f32 v19, v4;
	v4 =	vld [tilespmem:$0x330]  }
0x1b1: {  	v1 =	vmul.f32 v1, v54;
	v31 =	vmul.f32 v23, v0;
	v0 =	vld [tilespmem:$0x1FD70]  }
0x1b2: {  	v14 =	vmul.f32 v14, v13;
	v13 =	vld [tilespmem:$0x1FDA0];
	[tilespmem:s18+$0x30] =	vst v15  }
0x1b3: {  	v40 =	vadd.f32 v1, v9;
	v1 =	vld [tilespmem:$0x1FDC0]  }
0x1b4: {  	v45 =	vld [tilespmem:$0x470]  }
0x1b5: {  	v34 =	vld [tilespmem:$0x3F0]  }
0x1b6: {  	v37 =	vld [tilespmem:$0x4F0]  }
0x1b7: {  	v26 =	vadd.f32 v30, v24;
	v30 =	vmul.f32 v62, v0;
	v0 =	vld [tilespmem:$0x3B0]  }
0x1b8: {  	v9 =	vmul.f32 v4, v1;
	v1 =	vld [tilespmem:$0x1FDD0]  }
0x1b9: {  	v35 =	vld [tilespmem:$0x370]  }
0x1ba: {  	v33 =	vld [tilespmem:$0x470]  }
0x1bb: {  	v61 =	vld [tilespmem:$0x390];
	[tilespmem:s4+$0x0] =	vst v5  }
0x1bc: {  	v5 =	vld [tilespmem:$0x1FDE0];
	[tilespmem:s4+$0x30] =	vst v53  }
0x1bd: {  	v4 =	vmul.f32 v47, v1;
	v1 =	vadd.f32 v30, v36;
	v36 =	vmul.f32 v0, v57;
	v0 =	vld [tilespmem:$0x1FDF0]  }
0x1be: {  	v28 =	vld [tilespmem:$0x410]  }
0x1bf: {  	v24 =	vld [tilespmem:$0x430]  }
0x1c0: {  	v6 =	vadd.f32 v18, v6;
	v29 =	vld [tilespmem:$0x490]  }
0x1c1: {  	s8 =	simm.s32 $0x3D20;
	v32 =	vmul.f32 v61, v52;
	v27 =	vadd.f32 v31, v27;
	v31 =	vld [tilespmem:$0x4B0];
	v13 =	vmul.f32 v46, v13  }
0x1c2: {  	s9 =	simm.s32 $0x2520;
	s11 =	simm.s32 $0x15A0;
	s10 =	simm.s32 $0x4;
	v43 =	vadd.f32 v9, v14;
	v14 =	vld [tilespmem:$0x310];
	v5 =	vmul.f32 v45, v5;
	v0 =	vmul.f32 v16, v0  }
.LBB2_2:
0x1c3: {  	v9 =	vld [tilespmem:$0x1FA30];
	_ =	sdelay $0x4  }
0x1c4: {  	v28 =	vmul.f32 v28, v9;
	v9 =	vld [tilespmem:$0x1F780];
	_ =	sdelay $0x4  }
0x1c5: {  	v35 =	vmul.f32 v35, v9;
	v9 =	vmov v55  }
0x1c6: {  	[tilespmem:$0x1F6D0] =	vst v9;
	v9 =	vadd.f32 v36, v32;
	_ =	sdelay $0x1  }
0x1c7: {  	[tilespmem:$0x1F5E0] =	vst v9;
	v9 =	vld [tilespmem:$0x1FA40];
	_ =	sdelay $0x4  }
0x1c8: {  	v23 =	vmul.f32 v24, v9;
	v9 =	vld [tilespmem:$0x1F790];
	_ =	sdelay $0x4  }
0x1c9: {  	v24 =	vmul.f32 v34, v9;
	v9 =	vmov v48  }
0x1ca: {  	[tilespmem:$0x1F700] =	vst v9;
	v9 =	vld [tilespmem:$0x1FA50];
	_ =	sdelay $0x4  }
0x1cb: {  	v22 =	vmul.f32 v29, v9;
	v9 =	vld [tilespmem:$0x1F7A0];
	_ =	sdelay $0x4  }
0x1cc: {  	v47 =	vmul.f32 v33, v9;
	v9 =	vmov v56  }
0x1cd: {  	[tilespmem:$0x1F730] =	vst v9;
	v9 =	vadd.f32 v23, v28;
	_ =	sdelay $0x1  }
0x1ce: {  	[tilespmem:$0x1F600] =	vst v9;
	v9 =	vld [tilespmem:$0x1FA60];
	_ =	sdelay $0x3  }
0x1cf: {  	v0 =	vadd.f32 v0, v3  }
0x1d0: {  	v29 =	vadd.f32 v13, v12;
	v12 =	vmul.f32 v31, v9;
	v31 =	vadd.f32 v5, v10;
	_ =	sdelay $0x1  }
0x1d1: {  	v31 =	vadd.f32 v0, v31;
	v0 =	vld [tilespmem:$0x330]  }
0x1d2: {  	v45 =	vld [tilespmem:s11+$0x10]  }
0x1d3: {  	v16 =	vld [tilespmem:$0x360]  }
0x1d4: {  	v17 =	vld [tilespmem:$0x3E0]  }
0x1d5: {  	v18 =	vld [tilespmem:$0x340]  }
0x1d6: {  	v46 =	vadd.f32 v25, v21;
	[tilespmem:$0x1F480] =	vst v0;
	v0 =	vld [tilespmem:$0x390]  }
0x1d7: {  	v9 =	vld [tilespmem:$0x1F7B0]  }
0x1d8: {  	v54 =	vld [tilespmem:$0x3C0];
	v20 =	vadd.f32 v27, v26;
	v1 =	vadd.f32 v46, v1  }
0x1d9: {  	v3 =	vmov v51;
	v51 =	vld [tilespmem:$0x480]  }
0x1da: {  	v1 =	vadd.f32 v1, v20;
	v20 =	vld [tilespmem:s11+$0xFFFFFFE0]  }
0x1db: {  	[tilespmem:$0x1F490] =	vst v0;
	v0 =	vld [tilespmem:$0x3B0]  }
0x1dc: {  	v52 =	vld [tilespmem:$0x4A0];
	v21 =	vbroadcast v45, $0x3;
	v19 =	vmul.f32 v37, v9;
	v9 =	vmov v58  }
0x1dd: {  	v25 =	vbroadcast v45, $0x7;
	v26 =	vbroadcast v45, $0xC;
	[tilespmem:$0x1F760] =	vst v9;
	v9 =	vld [tilespmem:$0x1F9F0]  }
0x1de: {  	v50 =	vld [tilespmem:$0x440];
	v53 =	vbroadcast v45, $0xE;
	v27 =	vmul.f32 v21, v16  }
0x1df: {  	[tilespmem:$0x1F5D0] =	vst v43;
	v46 =	vmul.f32 v26, v51;
	v43 =	vbroadcast v20, $0x1;
	v36 =	vld [tilespmem:$0x300]  }
0x1e0: {  	v55 =	vbroadcast v45, $0xF;
	v7 =	vadd.f32 v35, v7;
	v48 =	vbroadcast v45, $0xD;
	[tilespmem:$0x1F4A0] =	vst v0;
	v0 =	vld [tilespmem:$0x410]  }
0x1e1: {  	[tilespmem:$0x1F540] =	vst v60;
	v15 =	vadd.f32 v24, v2;
	v24 =	vbroadcast v45, $0x5;
	v13 =	vbroadcast v45, $0x1;
	v33 =	vld [tilespmem:$0x3A0]  }
0x1e2: {  	[tilespmem:$0x1F580] =	vst v41;
	v34 =	vld [tilespmem:$0x400];
	v56 =	vmul.f32 v25, v17;
	v28 =	vadd.f32 v4, v11;
	v9 =	vmul.f32 v14, v9  }
0x1e3: {  	[tilespmem:$0x1F570] =	vst v39;
	v35 =	vld [tilespmem:$0x420];
	v4 =	vmovc v38;
	v11 =	vbroadcast v45, $0x2;
	v38 =	vbroadcast v45, $0x9;
	v6 =	vadd.f32 v47, v6  }
0x1e4: {  	v47 =	vmul.f32 v48, v52;
	v28 =	vadd.f32 v28, v29;
	[tilespmem:$0x1F500] =	vst v9;
	v9 =	vadd.f32 v12, v22;
	v22 =	vld [tilespmem:$0x320]  }
0x1e5: {  	v29 =	vmul.f32 v11, v18;
	v37 =	vbroadcast v45, $0x8;
	v8 =	vadd.f32 v19, v8;
	[tilespmem:$0x1F4B0] =	vst v0;
	v0 =	vld [tilespmem:$0x430]  }
0x1e6: {  	[tilespmem:$0x1F5A0] =	vst v40;
	v23 =	vld [tilespmem:$0x380];
	v44 =	vmul.f32 v24, v33;
	v5 =	vmov v49;
	v49 =	vbroadcast v45, $0xA  }
0x1e7: {  	v39 =	vld [tilespmem:$0x4C0];
	[tilespmem:$0x1F790] =	vst v5;
	v5 =	vbroadcast v45, $0x0;
	v6 =	vadd.f32 v8, v6;
	v8 =	vmul.f32 v37, v34  }
0x1e8: {  	v60 =	vld [tilespmem:$0x4E0];
	[tilespmem:$0x1F450] =	vst v16;
	v14 =	vbroadcast v45, $0x4;
	v12 =	vbroadcast v45, $0x6  }
0x1e9: {  	v2 =	vld [tilespmem:$0x460];
	[tilespmem:$0x1F610] =	vst v9;
	v9 =	vbroadcast v45, $0xB;
	v45 =	vmul.f32 v38, v35  }
0x1ea: {  	v7 =	vadd.f32 v15, v7;
	v58 =	vmul.f32 v5, v36;
	v42 =	vmul.f32 v13, v22;
	[tilespmem:$0x1F4C0] =	vst v0;
	v0 =	vld [tilespmem:$0x490]  }
0x1eb: {  	v28 =	vadd.f32 v31, v28;
	v59 =	vmul.f32 v14, v23;
	[tilespmem:s18+$0xFFFFFFD0] =	vst v1;
	v1 =	vadd.f32 v45, v8  }
0x1ec: {  	[tilespmem:$0x1F460] =	vst v17;
	v19 =	vmul.f32 v53, v39;
	v8 =	vadd.f32 v47, v46;
	v31 =	vadd.f32 v42, v58  }
0x1ed: {  	[tilespmem:$0x1F440] =	vst v18;
	v18 =	vmul.f32 v49, v50;
	v57 =	vmul.f32 v12, v54;
	v17 =	vadd.f32 v44, v59  }
0x1ee: {  	v30 =	vld [tilespmem:s11+$0xFFFFFFF0];
	[tilespmem:s18+$0xFFFFFFF0] =	vst v28;
	v46 =	vmul.f32 v55, v60;
	v45 =	vadd.f32 v8, v19;
	v28 =	vadd.f32 v31, v29  }
0x1ef: {  	v1 =	vadd.f32 v1, v18;
	v29 =	vadd.f32 v17, v57;
	v31 =	vmul.f32 v9, v2;
	[tilespmem:$0x1F4D0] =	vst v0;
	v0 =	vld [tilespmem:$0x4B0]  }
0x1f0: {  	[tilespmem:$0x1F7A0] =	vst v4;
	v4 =	vld [tilespmem:$0x450];
	v61 =	vadd.f32 v45, v46;
	v47 =	vadd.f32 v28, v27  }
0x1f1: {  	[tilespmem:$0x1F5F0] =	vst v43;
	v29 =	vadd.f32 v29, v56;
	v1 =	vadd.f32 v1, v31  }
0x1f2: {  	[tilespmem:$0x1F470] =	vst v2;
	v6 =	vadd.f32 v6, v7  }
0x1f3: {  	[tilespmem:$0x1F7B0] =	vst v3;
	v7 =	vadd.f32 v29, v47;
	v1 =	vadd.f32 v61, v1  }
0x1f4: {  	[tilespmem:$0x1F4E0] =	vst v0;
	v0 =	vld [tilespmem:$0x350]  }
0x1f5: {  	v15 =	vld [tilespmem:s11+$0x0];
	[tilespmem:$0x1F520] =	vst v4;
	v1 =	vadd.f32 v1, v7  }
0x1f6: {  	v3 =	vld [tilespmem:$0x3D0];
	v58 =	vbroadcast v20, $0x5;
	[tilespmem:s18+$0x10] =	vst v6;
	s18 =	smov.u32 s4;
	s4 =	sadd.s32 $0x80, s4  }
0x1f7: {  	v42 =	vmul.f32 v22, v43;
	v57 =	vbroadcast v20, $0x4;
	[tilespmem:s4+$0x20] =	vst v1;
	v1 =	vld [tilespmem:$0x4D0]  }
0x1f8: {  	v2 =	vbroadcast v30, $0x0;
	[tilespmem:$0x1F630] =	vst v58;
	v58 =	vmul.f32 v33, v58;
	v4 =	vld [tilespmem:$0x370]  }
0x1f9: {  	v43 =	vmul.f32 v23, v57;
	v7 =	vld [tilespmem:$0x3F0];
	[tilespmem:$0x1F4F0] =	vst v0;
	v0 =	vbroadcast v20, $0xD  }
0x1fa: {  	v62 =	vbroadcast v20, $0xC;
	[tilespmem:$0x1F6C0] =	vst v2;
	v40 =	vld [tilespmem:$0x350]  }
0x1fb: {  	v43 =	vadd.f32 v58, v43;
	[tilespmem:$0x1F6A0] =	vst v0;
	v58 =	vmul.f32 v52, v0;
	v0 =	vmul.f32 v2, v36;
	v2 =	vld [tilespmem:$0x430]  }
0x1fc: {  	[tilespmem:$0x1F680] =	vst v62;
	v56 =	vbroadcast v20, $0x0;
	v41 =	vld [tilespmem:$0x3D0]  }
0x1fd: {  	[tilespmem:$0x1F510] =	vst v3;
	v44 =	vld [tilespmem:$0x310]  }
0x1fe: {  	v3 =	vbroadcast v30, $0x1;
	[tilespmem:$0x1F5C0] =	vst v56;
	v6 =	vmul.f32 v36, v56;
	v56 =	vld [tilespmem:$0x330]  }
0x1ff: {  	v10 =	vmov v63;
	[tilespmem:$0x1F620] =	vst v57;
	v28 =	vbroadcast v20, $0x9;
	v61 =	vbroadcast v20, $0x8;
	v57 =	vld [tilespmem:$0x390]  }
0x200: {  	[tilespmem:$0x1F780] =	vst v10;
	v38 =	vmul.f32 v2, v38;
	v2 =	vld [tilespmem:$0x350]  }
0x201: {  	[tilespmem:$0x1F6F0] =	vst v3;
	v59 =	vmul.f32 v34, v61;
	v42 =	vadd.f32 v42, v6;
	v6 =	vmul.f32 v35, v28;
	v63 =	vld [tilespmem:$0x410]  }
0x202: {  	[tilespmem:$0x1F640] =	vst v61;
	v61 =	vld [tilespmem:$0x3B0]  }
0x203: {  	v16 =	vbroadcast v30, $0xD;
	[tilespmem:$0x1F660] =	vst v28;
	v28 =	vadd.f32 v6, v59;
	v59 =	vmul.f32 v3, v22;
	v3 =	vld [tilespmem:$0x4B0]  }
0x204: {  	v62 =	vmul.f32 v51, v62;
	v27 =	vbroadcast v30, $0x4;
	[tilespmem:$0x1F530] =	vst v1;
	v1 =	vld [tilespmem:$0x490]  }
0x205: {  	v32 =	vbroadcast v15, $0x5;
	v10 =	vbroadcast v30, $0x9;
	[tilespmem:$0x1F550] =	vst v2;
	v2 =	vld [tilespmem:$0x3D0]  }
0x206: {  	v6 =	vmul.f32 v27, v23;
	v37 =	vmul.f32 v63, v37;
	v63 =	vld [tilespmem:$0x4F0]  }
0x207: {  	v25 =	vmul.f32 v7, v25;
	v7 =	vadd.f32 v59, v0;
	v0 =	vmul.f32 v40, v11;
	v11 =	vld [tilespmem:$0x450]  }
0x208: {  	[tilespmem:$0x1F720] =	vst v27;
	v5 =	vmul.f32 v44, v5;
	v13 =	vmul.f32 v56, v13;
	v27 =	vadd.f32 v58, v62;
	v62 =	vld [tilespmem:$0x4D0]  }
0x209: {  	[tilespmem:$0x1F430] =	vst v9;
	v58 =	vmul.f32 v4, v21;
	v21 =	vmul.f32 v61, v24;
	v24 =	vld [tilespmem:$0x470]  }
0x20a: {  	v12 =	vmul.f32 v41, v12;
	v14 =	vmul.f32 v57, v14;
	[tilespmem:$0x1F560] =	vst v2;
	v2 =	vld [tilespmem:$0x1F430]  }
0x20b: {  	v3 =	vmul.f32 v3, v48;
	v5 =	vadd.f32 v13, v5;
	v1 =	vmul.f32 v1, v26  }
0x20c: {  	v13 =	vadd.f32 v21, v14;
	v14 =	vmul.f32 v11, v49;
	v26 =	vadd.f32 v38, v37  }
0x20d: {  	v1 =	vadd.f32 v3, v1;
	v0 =	vadd.f32 v0, v5;
	v3 =	vmul.f32 v62, v53  }
0x20e: {  	v8 =	vbroadcast v30, $0x5;
	v5 =	vadd.f32 v12, v13;
	v14 =	vadd.f32 v14, v26  }
0x20f: {  	v1 =	vadd.f32 v3, v1;
	v13 =	vmul.f32 v24, v2;
	v24 =	vmul.f32 v63, v55  }
0x210: {  	v18 =	vbroadcast v15, $0x0;
	v0 =	vadd.f32 v58, v0;
	v5 =	vadd.f32 v25, v5  }
0x211: {  	v19 =	vbroadcast v15, $0xD;
	v13 =	vadd.f32 v13, v14;
	v1 =	vadd.f32 v24, v1  }
0x212: {  	v46 =	vbroadcast v15, $0x9;
	v45 =	vbroadcast v15, $0xC  }
0x213: {  	v9 =	vbroadcast v30, $0x8;
	v0 =	vadd.f32 v5, v0;
	v2 =	vld [tilespmem:$0x3D0];
	v1 =	vadd.f32 v1, v13  }
0x214: {  	v17 =	vbroadcast v30, $0xC;
	v29 =	vbroadcast v15, $0x1  }
0x215: {  	v4 =	vmul.f32 v10, v35;
	v25 =	vmul.f32 v9, v34;
	v0 =	vadd.f32 v1, v0  }
0x216: {  	v31 =	vbroadcast v15, $0x4;
	[tilespmem:$0x1FA30] =	vst v9;
	v47 =	vbroadcast v15, $0x8  }
0x217: {  	v9 =	vmul.f32 v29, v22;
	v5 =	vadd.f32 v4, v25;
	v4 =	vmul.f32 v18, v36;
	[tilespmem:s4+$0x30] =	vst v0;
	v0 =	vld [tilespmem:$0x370]  }
0x218: {  	v44 =	vbroadcast v15, $0x2;
	v41 =	vbroadcast v15, $0xA;
	[tilespmem:$0x1F590] =	vst v2;
	v2 =	vld [tilespmem:$0x4D0]  }
0x219: {  	v61 =	vbroadcast v20, $0xA;
	v59 =	vbroadcast v30, $0xE;
	v49 =	vadd.f32 v9, v4;
	v4 =	vld [tilespmem:$0x1F440]  }
0x21a: {  	v40 =	vbroadcast v15, $0xE;
	v26 =	vmul.f32 v8, v33;
	v1 =	vld [tilespmem:$0x470]  }
0x21b: {  	[tilespmem:$0x1F750] =	vst v8;
	v62 =	vbroadcast v20, $0x6;
	v53 =	vbroadcast v20, $0x7  }
0x21c: {  	v22 =	vmul.f32 v32, v33;
	v48 =	vadd.f32 v26, v6;
	v26 =	vbroadcast v20, $0xE;
	[tilespmem:$0x1F6E0] =	vst v0;
	v0 =	vld [tilespmem:$0x3F0]  }
0x21d: {  	v8 =	vbroadcast v15, $0xF;
	v9 =	vmul.f32 v45, v51;
	[tilespmem:$0x1F5B0] =	vst v2;
	v2 =	vld [tilespmem:$0x370]  }
0x21e: {  	[tilespmem:$0x1FA60] =	vst v16;
	v36 =	vmul.f32 v44, v4;
	v55 =	vmul.f32 v39, v26  }
0x21f: {  	v63 =	vmul.f32 v59, v39;
	v14 =	vmul.f32 v17, v51;
	[tilespmem:$0x1F690] =	vst v1;
	v1 =	vld [tilespmem:$0x4F0]  }
0x220: {  	[tilespmem:$0x1FA50] =	vst v17;
	v24 =	vmul.f32 v16, v52;
	v17 =	vmul.f32 v19, v52  }
0x221: {  	v6 =	vadd.f32 v55, v27;
	v16 =	vmul.f32 v41, v50;
	v55 =	vbroadcast v30, $0x3;
	[tilespmem:$0x1F710] =	vst v0;
	v0 =	vld [tilespmem:$0x470]  }
0x222: {  	v13 =	vmul.f32 v31, v23;
	v25 =	vadd.f32 v24, v14;
	v14 =	vmul.f32 v47, v34;
	[tilespmem:$0x1F650] =	vst v2;
	v2 =	vld [tilespmem:$0x3F0]  }
0x223: {  	v23 =	vmul.f32 v46, v35;
	v51 =	vadd.f32 v17, v9;
	v9 =	vmul.f32 v50, v61  }
0x224: {  	v22 =	vadd.f32 v22, v13;
	v13 =	vbroadcast v30, $0xA;
	[tilespmem:$0x1F6B0] =	vst v1;
	v1 =	vbroadcast v20, $0x2  }
0x225: {  	[tilespmem:$0x1F9F0] =	vst v18;
	v24 =	vbroadcast v30, $0x2;
	v23 =	vadd.f32 v23, v14;
	v14 =	vbroadcast v30, $0x6  }
0x226: {  	v9 =	vadd.f32 v9, v28;
	v58 =	vmul.f32 v13, v50;
	v18 =	vmul.f32 v4, v1;
	[tilespmem:$0x1F740] =	vst v0;
	v0 =	vld [tilespmem:$0x4F0]  }
0x227: {  	v28 =	vld [tilespmem:$0x1F470];
	v56 =	vmul.f32 v14, v54;
	[tilespmem:$0x1F670] =	vst v2;
	v2 =	vmov v19;
	v19 =	vmul.f32 v54, v62  }
0x228: {  	v5 =	vadd.f32 v5, v58;
	v52 =	vadd.f32 v18, v42;
	v42 =	vmul.f32 v24, v4  }
0x229: {  	v58 =	vbroadcast v30, $0xF;
	v4 =	vbroadcast v20, $0x3;
	v57 =	vadd.f32 v19, v43  }
0x22a: {  	[tilespmem:$0x1FA40] =	vst v10;
	v10 =	vld [tilespmem:$0x1F450];
	v7 =	vadd.f32 v7, v42;
	v43 =	vbroadcast v20, $0xB;
	v42 =	vbroadcast v20, $0xF  }
0x22b: {  	v20 =	vadd.f32 v48, v56;
	v48 =	vbroadcast v30, $0x7;
	[tilespmem:$0x1F770] =	vst v0;
	v0 =	vbroadcast v15, $0x6  }
0x22c: {  	v27 =	vld [tilespmem:$0x1F460];
	v17 =	vadd.f32 v49, v36;
	v56 =	vbroadcast v30, $0xB;
	v30 =	vmul.f32 v28, v43  }
0x22d: {  	v49 =	vbroadcast v15, $0x7;
	v25 =	vadd.f32 v25, v63;
	v38 =	vmul.f32 v0, v54  }
0x22e: {  	v63 =	vbroadcast v15, $0x3;
	v19 =	vmul.f32 v40, v39;
	v9 =	vadd.f32 v30, v9  }
0x22f: {  	v30 =	vmul.f32 v58, v60;
	v18 =	vadd.f32 v22, v38;
	v22 =	vmul.f32 v10, v4  }
0x230: {  	v21 =	vld [tilespmem:$0x450];
	v16 =	vadd.f32 v23, v16;
	v38 =	vbroadcast v15, $0xB;
	v15 =	vmul.f32 v56, v28  }
0x231: {  	v12 =	vld [tilespmem:$0x4D0];
	v39 =	vmul.f32 v48, v27;
	v22 =	vadd.f32 v22, v52;
	v52 =	vmul.f32 v55, v10  }
0x232: {  	v11 =	vld [tilespmem:$0x350];
	v5 =	vadd.f32 v5, v15;
	v15 =	vadd.f32 v25, v30  }
0x233: {  	v37 =	vld [tilespmem:$0x4F0];
	v20 =	vadd.f32 v20, v39;
	v7 =	vadd.f32 v7, v52  }
0x234: {  	v23 =	vmul.f32 v27, v53;
	v50 =	vmul.f32 v60, v42;
	v5 =	vadd.f32 v15, v5;
	v15 =	vld [tilespmem:$0x1FA80]  }
0x235: {  	v7 =	vadd.f32 v20, v7;
	v20 =	vld [tilespmem:$0x1F4C0]  }
0x236: {  	v3 =	vld [tilespmem:$0x450];
	v23 =	vadd.f32 v23, v57;
	v6 =	vadd.f32 v50, v6  }
0x237: {  	v33 =	vld [tilespmem:$0x470]  }
0x238: {  	v35 =	vld [tilespmem:$0x370];
	v6 =	vadd.f32 v6, v9;
	v22 =	vadd.f32 v23, v22  }
0x239: {  	v34 =	vld [tilespmem:$0x3F0]  }
0x23a: {  	v25 =	vld [tilespmem:$0x1FA00];
	v6 =	vadd.f32 v6, v22;
	v15 =	vmul.f32 v20, v15;
	v20 =	vmov v46  }
0x23b: {  	v19 =	vadd.f32 v51, v19;
	v51 =	vmov v8;
	v52 =	vmul.f32 v8, v60;
	v8 =	vld [tilespmem:$0x1F480]  }
0x23c: {  	[tilespmem:s4+$0xFFFFFFC0] =	vst v6;
	v6 =	vld [tilespmem:$0x1F510]  }
0x23d: {  	[tilespmem:$0x1FA80] =	vst v20;
	v20 =	vmov v1;
	v1 =	vld [tilespmem:$0x1FAC0]  }
0x23e: {  	v50 =	vmul.f32 v49, v27;
	v27 =	vld [tilespmem:$0x1F490]  }
0x23f: {  	v54 =	vmul.f32 v63, v10;
	v10 =	vmul.f32 v38, v28;
	v22 =	vld [tilespmem:$0x1F570]  }
0x240: {  	v57 =	vadd.f32 v18, v50;
	v60 =	vld [tilespmem:$0x1FA10]  }
0x241: {  	v39 =	vld [tilespmem:$0x1FA20];
	v10 =	vadd.f32 v16, v10;
	v36 =	vadd.f32 v19, v52  }
0x242: {  	v9 =	vld [tilespmem:$0x1FA70];
	v25 =	vmul.f32 v8, v25;
	v8 =	vadd.f32 v17, v54;
	v1 =	vmul.f32 v6, v1  }
0x243: {  	v23 =	vld [tilespmem:$0x1F4B0];
	v10 =	vadd.f32 v36, v10  }
0x244: {  	v8 =	vadd.f32 v57, v8;
	v1 =	vadd.f32 v1, v22;
	v22 =	vld [tilespmem:$0x1FB10]  }
0x245: {  	v18 =	vmul.f32 v27, v60;
	v27 =	vld [tilespmem:$0x1F4A0]  }
0x246: {  	v57 =	vld [tilespmem:$0x1F4F0];
	v8 =	vadd.f32 v10, v8  }
0x247: {  	v10 =	vld [tilespmem:$0x1FAB0]  }
0x248: {  	[tilespmem:s4+$0x0] =	vst v8;
	v8 =	vld [tilespmem:$0x1F540]  }
0x249: {  	v22 =	vmul.f32 v21, v22;
	v21 =	vld [tilespmem:$0x1FB20]  }
0x24a: {  	v5 =	vadd.f32 v5, v7  }
0x24b: {  	v54 =	vmov v2;
	v2 =	vld [tilespmem:$0x1F550]  }
0x24c: {  	[tilespmem:s4+$0xFFFFFFE0] =	vst v5;
	v5 =	vld [tilespmem:$0x1FAD0];
	v10 =	vmul.f32 v57, v10  }
0x24d: {  	v9 =	vmul.f32 v23, v9;
	v23 =	vmovc v47;
	v19 =	vmul.f32 v27, v39;
	v27 =	vmov v32;
	v32 =	vld [tilespmem:$0x1F520]  }
0x24e: {  	v50 =	vmovc v45;
	[tilespmem:$0x1FA70] =	vst v23;
	v45 =	vadd.f32 v10, v8;
	v8 =	vld [tilespmem:$0x1FAF0];
	v23 =	vmul.f32 v12, v21;
	v12 =	vmov v62  }
0x24f: {  	[tilespmem:$0x1FAC0] =	vst v12;
	v12 =	vld [tilespmem:$0x1F580];
	_ =	sdelay $0x2  }
0x250: {  	v5 =	vmul.f32 v32, v5;
	v10 =	vld [tilespmem:$0x1FB00]  }
0x251: {  	v8 =	vmul.f32 v2, v8;
	v2 =	vld [tilespmem:$0x1F560]  }
0x252: {  	v5 =	vadd.f32 v5, v12;
	v12 =	vld [tilespmem:$0x1FB30];
	_ =	sdelay $0x3  }
0x253: {  	v10 =	vmul.f32 v2, v10;
	v2 =	vld [tilespmem:$0x1F590]  }
0x254: {  	[tilespmem:$0x1FA20] =	vst v27;
	v27 =	vmul.f32 v11, v12;
	v11 =	vld [tilespmem:$0x1FB40];
	_ =	sdelay $0x2  }
0x255: {  	v36 =	vld [tilespmem:$0x1FAE0]  }
0x256: {  	v39 =	vld [tilespmem:$0x1F530]  }
0x257: {  	v2 =	vmul.f32 v2, v11;
	v11 =	vmov v61  }
0x258: {  	[tilespmem:$0x1FAD0] =	vst v11;
	v11 =	vld [tilespmem:$0x1F5A0];
	_ =	sdelay $0x2  }
0x259: {  	v47 =	vld [tilespmem:$0x1F4D0];
	v6 =	vadd.f32 v19, v18;
	v18 =	vmul.f32 v39, v36  }
0x25a: {  	v46 =	vld [tilespmem:$0x1FA90]  }
0x25b: {  	v21 =	vadd.f32 v18, v11;
	v11 =	vld [tilespmem:$0x1FB50];
	_ =	sdelay $0x4  }
0x25c: {  	v16 =	vmul.f32 v47, v46;
	v46 =	vmul.f32 v3, v11;
	v3 =	vld [tilespmem:$0x1FB60]  }
0x25d: {  	v11 =	vld [tilespmem:$0x1F5B0];
	_ =	sdelay $0x4  }
0x25e: {  	v28 =	vmovc v29;
	v9 =	vadd.f32 v15, v9;
	v15 =	vld [tilespmem:$0x310];
	v29 =	vmul.f32 v11, v3;
	v3 =	vmov v26  }
0x25f: {  	[tilespmem:$0x1FAE0] =	vst v3;
	v3 =	vld [tilespmem:$0x1F5C0];
	_ =	sdelay $0x4  }
0x260: {  	v15 =	vmul.f32 v15, v3;
	v3 =	vld [tilespmem:$0x1F5D0];
	_ =	sdelay $0x1  }
0x261: {  	v52 =	vld [tilespmem:$0x1F4E0]  }
0x262: {  	v7 =	vld [tilespmem:$0x1FAA0];
	_ =	sdelay $0x1  }
0x263: {  	v12 =	vadd.f32 v8, v3;
	v3 =	vld [tilespmem:$0x1F5E0];
	_ =	sdelay $0x2  }
0x264: {  	v7 =	vmul.f32 v52, v7  }
0x265: {  	v60 =	vld [tilespmem:$0x1F500]  }
0x266: {  	v16 =	vadd.f32 v7, v16;
	v7 =	vld [tilespmem:$0x330];
	v11 =	vadd.f32 v10, v3;
	v3 =	vmov v24  }
0x267: {  	[tilespmem:$0x1FAF0] =	vst v3;
	v3 =	vld [tilespmem:$0x1F5F0];
	_ =	sdelay $0x1  }
0x268: {  	v30 =	vmov v31  }
0x269: {  	[tilespmem:$0x1FA10] =	vst v30;
	v17 =	vadd.f32 v25, v60;
	v25 =	vld [tilespmem:$0x3B0]  }
0x26a: {  	[tilespmem:$0x1FAB0] =	vst v20;
	v20 =	vld [tilespmem:$0x390];
	v2 =	vadd.f32 v2, v6;
	v6 =	vmov v13  }
0x26b: {  	[tilespmem:$0x1FB10] =	vst v6;
	v6 =	vld [tilespmem:$0x1F630];
	v30 =	vmul.f32 v7, v3;
	v7 =	vmov v14  }
0x26c: {  	[tilespmem:$0x1FB00] =	vst v7;
	v7 =	vld [tilespmem:$0x1F620];
	_ =	sdelay $0x3  }
0x26d: {  	[tilespmem:$0x1FA00] =	vst v28;
	v28 =	vld [tilespmem:$0x410]  }
0x26e: {  	v13 =	vmul.f32 v25, v6;
	v26 =	vld [tilespmem:$0x430];
	v8 =	vmov v59;
	v14 =	vmul.f32 v20, v7  }
0x26f: {  	[tilespmem:$0x1FB20] =	vst v8;
	v8 =	vld [tilespmem:$0x1F640]  }
0x270: {  	v39 =	vadd.f32 v13, v14;
	v13 =	vld [tilespmem:$0x1F660];
	_ =	sdelay $0x3  }
0x271: {  	[tilespmem:$0x1FAA0] =	vst v54;
	v54 =	vld [tilespmem:$0x1FB80]  }
0x272: {  	v6 =	vadd.f32 v46, v9;
	v9 =	vmul.f32 v28, v8;
	v3 =	vld [tilespmem:$0x1F600];
	v13 =	vmul.f32 v26, v13  }
0x273: {  	v62 =	vld [tilespmem:$0x1F6B0]  }
0x274: {  	v61 =	vmov v41;
	v41 =	vadd.f32 v13, v9;
	v13 =	vld [tilespmem:$0x1FBA0]  }
0x275: {  	[tilespmem:$0x1FA90] =	vst v50;
	v50 =	vld [tilespmem:$0x1F650]  }
0x276: {  	v8 =	vld [tilespmem:$0x1FB70]  }
0x277: {  	v10 =	vadd.f32 v22, v3;
	v22 =	vld [tilespmem:$0x1F670];
	_ =	sdelay $0x1  }
0x278: {  	v60 =	vadd.f32 v30, v15;
	v15 =	vld [tilespmem:$0x310];
	v25 =	vmul.f32 v62, v13;
	v13 =	vmov v40  }
0x279: {  	[tilespmem:$0x1FB60] =	vst v13;
	v13 =	vld [tilespmem:$0x1F6C0];
	_ =	sdelay $0x1  }
0x27a: {  	v18 =	vmul.f32 v50, v8;
	v8 =	vadd.f32 v29, v16;
	v16 =	vmul.f32 v22, v54;
	_ =	sdelay $0x1  }
0x27b: {  	v7 =	vadd.f32 v27, v17;
	v27 =	vadd.f32 v16, v1;
	v1 =	vld [tilespmem:$0x1F6D0]  }
0x27c: {  	v15 =	vmul.f32 v15, v13;
	v13 =	vld [tilespmem:$0x1F6E0];
	_ =	sdelay $0x2  }
0x27d: {  	v24 =	vld [tilespmem:$0x490]  }
0x27e: {  	v20 =	vld [tilespmem:$0x4B0]  }
0x27f: {  	v13 =	vmul.f32 v13, v1;
	v1 =	vmov v4;
	v4 =	vld [tilespmem:$0x1F710]  }
0x280: {  	[tilespmem:$0x1FB70] =	vst v1;
	v1 =	vld [tilespmem:$0x1F700]  }
0x281: {  	v22 =	vmov v0;
	v0 =	vld [tilespmem:$0x1F680]  }
0x282: {  	v9 =	vld [tilespmem:$0x1F6A0]  }
0x283: {  	v57 =	vld [tilespmem:$0x1FB90]  }
0x284: {  	v59 =	vld [tilespmem:$0x1F690]  }
0x285: {  	v14 =	vld [tilespmem:$0x390];
	v4 =	vmul.f32 v4, v1;
	v1 =	vmov v53  }
0x286: {  	[tilespmem:$0x1FB80] =	vst v1;
	v1 =	vld [tilespmem:$0x1F720]  }
0x287: {  	v0 =	vmul.f32 v24, v0;
	v9 =	vmul.f32 v20, v9  }
0x288: {  	v47 =	vld [tilespmem:$0x330]  }
0x289: {  	v26 =	vadd.f32 v18, v45;
	v18 =	vmul.f32 v59, v57;
	v40 =	vadd.f32 v9, v0;
	v0 =	vld [tilespmem:$0x1F6F0]  }
0x28a: {  	v9 =	vld [tilespmem:$0x1F740]  }
0x28b: {  	v32 =	vmul.f32 v14, v1;
	v1 =	vadd.f32 v18, v5;
	v5 =	vld [tilespmem:$0x1F730];
	_ =	sdelay $0x2  }
0x28c: {  	v0 =	vmul.f32 v47, v0  }
0x28d: {  	[tilespmem:$0x1FB40] =	vst v22;
	v22 =	vld [tilespmem:$0x3B0]  }
0x28e: {  	v5 =	vmul.f32 v9, v5;
	v9 =	vmov v43;
	v43 =	vadd.f32 v0, v15;
	v0 =	vld [tilespmem:$0x1F750];
	_ =	sdelay $0x3  }
0x28f: {  	[tilespmem:$0x1FB90] =	vst v9;
	v9 =	vld [tilespmem:$0x1F770]  }
0x290: {  	s10 =	sadd.s32 $0x4, s10;
	v36 =	vmul.f32 v22, v0;
	v0 =	vld [tilespmem:$0x1F760]  }
0x291: {  	p0 =	slt.u32 s10, $0x7C;
	v3 =	vld [tilespmem:$0x1F610]  }
.Ltmp0:
0x292: {  	v31 =	vld [tilespmem:$0x4B0];
	(pc) =	sbr.rel @p0 .LBB2_2-.Ltmp0, $4  }
0x293: {  	v52 =	vmov v44;
	v28 =	vld [tilespmem:$0x410]  }
0x294: {  	[tilespmem:$0x1FB30] =	vst v52;
	v29 =	vld [tilespmem:$0x490]  }
0x295: {  	[tilespmem:$0x1FB50] =	vst v61;
	v24 =	vld [tilespmem:$0x430];
	v0 =	vmul.f32 v9, v0;
	v9 =	vmov v42  }
0x296: {  	s11 =	sadd.s32 $0x40, s11;
	v3 =	vadd.f32 v23, v3;
	v14 =	vld [tilespmem:$0x310];
	[tilespmem:$0x1FBA0] =	vst v9  }
0x297: {  	v9 =	vld [tilespmem:$0x330]  }
0x298: {  	v15 =	vld [tilespmem:$0x390]  }
0x299: {  	v16 =	vld [tilespmem:$0x3B0]  }
0x29a: {  	v17 =	vld [tilespmem:$0x410]  }
0x29b: {  	v18 =	vld [tilespmem:$0x430]  }
0x29c: {  	v19 =	vld [tilespmem:$0x490]  }
0x29d: {  	v20 =	vld [tilespmem:$0x1FA30]  }
0x29e: {  	v22 =	vld [tilespmem:$0x4B0]  }
0x29f: {  	v23 =	vld [tilespmem:$0x1F780]  }
0x2a0: {  	v57 =	vld [tilespmem:$0x1FA40]  }
0x2a1: {  	v59 =	vld [tilespmem:$0x350]  }
0x2a2: {  	v30 =	vld [tilespmem:$0x1FA50]  }
0x2a3: {  	v12 =	vadd.f32 v13, v12;
	v13 =	vld [tilespmem:$0x1FA60]  }
0x2a4: {  	v61 =	vld [tilespmem:$0x3D0]  }
0x2a5: {  	v62 =	vld [tilespmem:$0x1F790]  }
0x2a6: {  	v4 =	vadd.f32 v4, v11;
	v11 =	vld [tilespmem:$0x450]  }
0x2a7: {  	v21 =	vadd.f32 v25, v21;
	v25 =	vadd.f32 v36, v32;
	v36 =	vld [tilespmem:$0x1F7B0]  }
0x2a8: {  	v42 =	vld [tilespmem:$0x3D0]  }
0x2a9: {  	v45 =	vld [tilespmem:$0x450]  }
0x2aa: {  	v46 =	vld [tilespmem:$0x1F9F0]  }
0x2ab: {  	v47 =	vld [tilespmem:$0x1FA70]  }
0x2ac: {  	v50 =	vld [tilespmem:$0x450]  }
0x2ad: {  	v52 =	vld [tilespmem:$0x1FA90]  }
0x2ae: {  	v53 =	vld [tilespmem:$0x4D0]  }
0x2af: {  	v5 =	vadd.f32 v5, v10;
	v54 =	vld [tilespmem:$0x1FAB0];
	v0 =	vadd.f32 v0, v3  }
0x2b0: {  	v44 =	vadd.f32 v27, v26;
	v1 =	vadd.f32 v21, v1;
	v23 =	vmul.f32 v35, v23;
	v35 =	vld [tilespmem:$0x1F7A0]  }
0x2b1: {  	v4 =	vadd.f32 v4, v12;
	v12 =	vld [tilespmem:$0x4D0];
	v0 =	vadd.f32 v0, v5  }
0x2b2: {  	v1 =	vadd.f32 v1, v44;
	v44 =	vld [tilespmem:$0x3F0];
	v20 =	vmul.f32 v28, v20;
	v24 =	vmul.f32 v24, v57  }
0x2b3: {  	v29 =	vmul.f32 v29, v30;
	v13 =	vmul.f32 v31, v13;
	v0 =	vadd.f32 v0, v4;
	v4 =	vld [tilespmem:$0x1FA80]  }
0x2b4: {  	v21 =	vmul.f32 v59, v54;
	v57 =	vld [tilespmem:$0x370];
	v20 =	vadd.f32 v24, v20  }
0x2b5: {  	v59 =	vld [tilespmem:$0x1FAD0];
	v10 =	vadd.f32 v13, v29;
	v29 =	vmul.f32 v37, v36;
	v24 =	vmul.f32 v33, v35  }
0x2b6: {  	v31 =	vmul.f32 v34, v62;
	v62 =	vld [tilespmem:$0x470]  }
0x2b7: {  	v14 =	vmul.f32 v14, v46;
	v46 =	vld [tilespmem:$0x470];
	v8 =	vadd.f32 v29, v8;
	v6 =	vadd.f32 v24, v6  }
0x2b8: {  	v13 =	vld [tilespmem:$0x4D0]  }
0x2b9: {  	v5 =	vadd.f32 v8, v6;
	v6 =	vld [tilespmem:$0x1FA00]  }
0x2ba: {  	v3 =	vadd.f32 v23, v7;
	v7 =	vld [tilespmem:$0x350]  }
0x2bb: {  	v2 =	vadd.f32 v31, v2;
	v36 =	vld [tilespmem:$0x1FB10]  }
0x2bc: {  	v37 =	vld [tilespmem:$0x370]  }
0x2bd: {  	v2 =	vadd.f32 v2, v3;
	v3 =	vld [tilespmem:$0x350]  }
0x2be: {  	v35 =	vld [tilespmem:$0x1FB00];
	v6 =	vmul.f32 v9, v6  }
0x2bf: {  	v8 =	vld [tilespmem:$0x1FA10]  }
0x2c0: {  	v6 =	vadd.f32 v6, v14;
	v14 =	vld [tilespmem:$0x1FAC0]  }
0x2c1: {  	v33 =	vld [tilespmem:$0x1FAF0]  }
0x2c2: {  	v4 =	vmul.f32 v18, v4;
	v18 =	vmul.f32 v19, v52;
	v52 =	vld [tilespmem:$0x1FB60]  }
0x2c3: {  	v23 =	vmul.f32 v42, v35;
	v42 =	vld [tilespmem:$0x1FB30]  }
0x2c4: {  	v8 =	vmul.f32 v15, v8;
	v15 =	vld [tilespmem:$0x1FA20]  }
0x2c5: {  	v24 =	vmul.f32 v45, v36;
	v45 =	vld [tilespmem:$0x1FB40];
	v14 =	vmul.f32 v61, v14  }
0x2c6: {  	v9 =	vld [tilespmem:$0x3D0]  }
0x2c7: {  	v14 =	vadd.f32 v14, v39;
	v39 =	vld [tilespmem:$0x1FB20]  }
0x2c8: {  	v19 =	vmul.f32 v53, v52;
	v53 =	vld [tilespmem:$0x1FB90];
	v3 =	vmul.f32 v3, v42  }
0x2c9: {  	v2 =	vadd.f32 v5, v2;
	v5 =	vld [tilespmem:$0x1FAA0];
	v15 =	vmul.f32 v16, v15  }
0x2ca: {  	v3 =	vadd.f32 v3, v6;
	v6 =	vld [tilespmem:$0x370]  }
0x2cb: {  	v16 =	vmul.f32 v17, v47;
	v9 =	vmul.f32 v9, v45;
	v47 =	vld [tilespmem:$0x1FB50];
	v8 =	vadd.f32 v15, v8  }
0x2cc: {  	v15 =	vld [tilespmem:$0x3F0];
	v12 =	vmul.f32 v12, v39  }
0x2cd: {  	v32 =	vadd.f32 v21, v60;
	v11 =	vmul.f32 v11, v59;
	v8 =	vadd.f32 v9, v8;
	v9 =	vld [tilespmem:$0x1FB70]  }
0x2ce: {  	v7 =	vmul.f32 v7, v33;
	v5 =	vmul.f32 v22, v5;
	v10 =	vadd.f32 v12, v10;
	v12 =	vld [tilespmem:$0x1FB80]  }
0x2cf: {  	v11 =	vadd.f32 v11, v41;
	v59 =	vmul.f32 v37, v55;
	v20 =	vadd.f32 v24, v20;
	v61 =	vld [tilespmem:$0x1FAE0]  }
0x2d0: {  	v7 =	vadd.f32 v7, v43;
	v5 =	vadd.f32 v5, v18;
	v17 =	vmul.f32 v50, v47;
	v50 =	vld [tilespmem:$0x4F0]  }
0x2d1: {  	v34 =	vld [tilespmem:$0x4F0];
	v23 =	vadd.f32 v23, v25;
	v4 =	vadd.f32 v4, v16;
	v16 =	vmul.f32 v62, v53  }
0x2d2: {  	v54 =	vld [tilespmem:$0x470];
	v60 =	vmul.f32 v44, v48;
	v7 =	vadd.f32 v59, v7;
	v5 =	vadd.f32 v19, v5  }
0x2d3: {  	v11 =	vadd.f32 v16, v11;
	v9 =	vmul.f32 v57, v9;
	v57 =	vld [tilespmem:$0x1FBA0];
	v12 =	vmul.f32 v15, v12  }
0x2d4: {  	v6 =	vmul.f32 v6, v63;
	v63 =	vadd.f32 v60, v23;
	v13 =	vmul.f32 v13, v61;
	v15 =	vld [tilespmem:$0x3F0]  }
0x2d5: {  	v61 =	vmul.f32 v46, v56;
	v62 =	vmul.f32 v50, v58;
	v12 =	vadd.f32 v12, v14;
	v14 =	vld [tilespmem:$0x4F0]  }
0x2d6: {  	v3 =	vadd.f32 v6, v3;
	v4 =	vadd.f32 v17, v4  }
0x2d7: {  	v17 =	vmul.f32 v54, v38;
	v16 =	vadd.f32 v61, v20;
	v10 =	vadd.f32 v62, v10  }
0x2d8: {  	v7 =	vadd.f32 v63, v7;
	v13 =	vadd.f32 v13, v40  }
0x2d9: {  	v4 =	vadd.f32 v17, v4;
	[tilespmem:s18+$0xFFFFFFD0] =	vst v1;
	v18 =	vmul.f32 v34, v57;
	v1 =	vadd.f32 v10, v16  }
0x2da: {  	v9 =	vadd.f32 v9, v32;
	v15 =	vmul.f32 v15, v49;
	v14 =	vmul.f32 v14, v51  }
0x2db: {  	v13 =	vadd.f32 v18, v13;
	v1 =	vadd.f32 v1, v7  }
0x2dc: {  	v6 =	vadd.f32 v15, v8;
	v5 =	vadd.f32 v14, v5  }
0x2dd: {  	v8 =	vadd.f32 v12, v9;
	v9 =	vadd.f32 v13, v11  }
0x2de: {  	[tilespmem:s18+$0xFFFFFFF0] =	vst v0;
	v3 =	vadd.f32 v6, v3;
	v0 =	vadd.f32 v5, v4  }
0x2df: {  	[tilespmem:s18+$0x10] =	vst v2;
	v4 =	vadd.f32 v9, v8  }
0x2e0: {  	[tilespmem:s4+$0xFFFFFFF0] =	vst v1;
	v0 =	vadd.f32 v0, v3  }
0x2e1: {  	[tilespmem:s4+$0xFFFFFFD0] =	vst v4  }
0x2e2: {  	[tilespmem:s4+$0x10] =	vst v0  }
0x2e3: {  	v0 =	vld [tilespmem:s9+$0x10]  }
0x2e4: {  	v1 =	vld [tilespmem:s9+$0xFFFFFFE0];
	_ =	sdelay $0x3  }
0x2e5: {  	s26 =	simm.s32 $0x60;
	s10 =	simm.s32 $0x2560;
	v2 =	vld [tilespmem:s9+$0xFFFFFFF0];
	v3 =	vand.u32 $0xFFFFFFF8, v0  }
0x2e6: {  	s11 =	simm.s32 $0x0;
	v4 =	vld [tilespmem:s10+$0x10];
	v0 =	vand.u32 $0x7, v0;
	v5 =	vand.u32 $0xFFFFFFF8, v1;
	v3 =	vadd.s32 s26, v3  }
0x2e7: {  	v6 =	vld [tilespmem:s9+$0x0];
	v1 =	vand.u32 $0x7, v1;
	v0 =	vor.u32 v0, v3;
	v3 =	vadd.s32 s11, v5  }
0x2e8: {  	v1 =	vor.u32 v1, v3  }
0x2e9: {  	v7 =	vld [tilespmem:s10+$0xFFFFFFF0]  }
0x2ea: {  	v3 =	vld [tilespmem:s10+$0xFFFFFFE0]  }
0x2eb: {  	s31 =	simm.s32 $0x20;
	v8 =	vld [tilespmem:s10+$0x0];
	v9 =	vand.u32 $0xFFFFFFF8, v4;
	v5 =	vand.u32 $0xFFFFFFF8, v2  }
0x2ec: {  	s9 =	simm.s32 $0xE0;
	v10 =	vand.u32 $0xFFFFFFF8, v6;
	v2 =	vand.u32 $0x7, v2;
	v5 =	vadd.s32 s31, v5;
	v11 =	vld.idx.msk [tilespmem:v0+s24+$0x0], $0xffff  }
0x2ed: {  	s11 =	simm.s32 $0x25A0;
	s10 =	simm.s32 $0x40;
	v5 =	vor.u32 v2, v5;
	v0 =	vand.u32 $0x7, v4;
	v4 =	vadd.s32 s9, v9;
	v12 =	vld.idx.msk [tilespmem:v1+s24+$0x0], $0xffff  }
0x2ee: {  	v9 =	vadd.s32 s10, v10;
	v0 =	vor.u32 v0, v4;
	v1 =	vand.u32 $0x7, v6;
	v6 =	vld [tilespmem:s11+$0x10]  }
0x2ef: {  	s13 =	simm.s32 $0x80;
	v2 =	vand.u32 $0xFFFFFFF8, v3;
	v9 =	vor.u32 v1, v9;
	v1 =	vld [tilespmem:s11+$0xFFFFFFF0]  }
0x2f0: {  	v10 =	vand.u32 $0xFFFFFFF8, v7;
	v4 =	vand.u32 $0x7, v3;
	v3 =	vld [tilespmem:s11+$0x0];
	v2 =	vadd.s32 s13, v2  }
0x2f1: {  	s14 =	simm.s32 $0xA0;
	s18 =	simm.s32 $0xC0;
	v14 =	vld [tilespmem:s11+$0xFFFFFFE0];
	v7 =	vand.u32 $0x7, v7;
	v13 =	vor.u32 v4, v2;
	v4 =	vand.u32 $0xFFFFFFF8, v8  }
0x2f2: {  	v5 =	vld.idx.msk [tilespmem:v5+s24+$0x0], $0xffff;
	v2 =	vadd.s32 s14, v10;
	v8 =	vand.u32 $0x7, v8;
	v10 =	vadd.s32 s18, v4  }
0x2f3: {  	s22 =	simm.s32 $0x160;
	v2 =	vor.u32 v7, v2;
	v4 =	vld.idx.msk [tilespmem:v0+s24+$0x0], $0xffff;
	v0 =	vor.u32 v8, v10;
	v7 =	vand.u32 $0xFFFFFFF8, v6  }
0x2f4: {  	s26 =	simm.s32 $0x120;
	s9 =	simm.s32 $0x25E0;
	v15 =	vand.u32 $0x7, v6;
	v8 =	vand.u32 $0xFFFFFFF8, v1;
	v7 =	vadd.s32 s22, v7;
	v6 =	vld.idx.msk [tilespmem:v9+s24+$0x0], $0xffff  }
0x2f5: {  	s4 =	simm.s32 $0x3D20;
	s31 =	simm.s32 $0x140;
	[tilespmem:s8+$0x10] =	vst v11;
	v11 =	vand.u32 $0xFFFFFFF8, v3;
	v9 =	vld [tilespmem:s9+$0x10];
	v10 =	vadd.s32 s26, v8;
	v8 =	vor.u32 v15, v7  }
0x2f6: {  	s10 =	simm.s32 $0x10;
	s11 =	simm.s32 $0xC;
	s13 =	simm.s32 $0x100;
	[tilespmem:s8+$0xFFFFFFE0] =	vst v12;
	v12 =	vand.u32 $0x7, v14;
	v11 =	vadd.s32 s31, v11;
	v7 =	vld.idx.msk [tilespmem:v13+s24+$0x0], $0xffff;
	v13 =	vand.u32 $0xFFFFFFF8, v14  }
.LBB2_4:
0x2f7: {  	p0 =	slt.u32 s10, $0x7C;
	v13 =	vadd.s32 s13, v13;
	v14 =	vand.u32 $0x7, v1;
	v1 =	vld [tilespmem:s9+$0xFFFFFFF0];
	v15 =	vand.u32 $0x7, v3;
	s8 =	sadd.s32 $0x40, s8  }
0x2f8: {  	v3 =	vld [tilespmem:s9+$0x0];
	v12 =	vor.u32 v12, v13;
	v10 =	vor.u32 v14, v10;
	v11 =	vor.u32 v15, v11;
	[tilespmem:s8+$0x10] =	vst v4  }
0x2f9: {  	v14 =	vld [tilespmem:s9+$0xFFFFFFE0];
	[tilespmem:s4+$0xFFFFFFF0] =	vst v5  }
.Ltmp1:
0x2fa: {  	s13 =	sshll.u32 s11, $0x5;
	v4 =	vld.idx.msk [tilespmem:v8+s24+$0x0], $0xffff;
	[tilespmem:s4+$0x0] =	vst v6;
	s4 =	smov.u32 s8;
	(pc) =	sbr.rel @p0 .LBB2_4-.Ltmp1, $4  }
0x2fb: {  	s14 =	sadd.s32 $0x20, s13;
	s18 =	sadd.s32 $0x40, s13;
	s11 =	sadd.s32 $0x60, s13;
	v6 =	vand.u32 $0xFFFFFFF8, v9;
	[tilespmem:s8+$0xFFFFFFE0] =	vst v7;
	v5 =	vld.idx.msk [tilespmem:v2+s24+$0x0], $0xffff;
	v2 =	vmov v10  }
0x2fc: {  	v8 =	vand.u32 $0x7, v9;
	v7 =	vand.u32 $0xFFFFFFF8, v1;
	v9 =	vadd.s32 s11, v6;
	v6 =	vld.idx.msk [tilespmem:v0+s24+$0x0], $0xffff;
	v0 =	vmovc v11;
	s11 =	smov.u32 s10  }
0x2fd: {  	s9 =	sadd.s32 $0x40, s9;
	v10 =	vadd.s32 s14, v7;
	v11 =	vand.u32 $0xFFFFFFF8, v3;
	v8 =	vor.u32 v8, v9;
	v7 =	vld.idx.msk [tilespmem:v12+s24+$0x0], $0xffff  }
0x2fe: {  	s10 =	sadd.s32 $0x4, s10;
	v9 =	vld [tilespmem:s9+$0x10];
	v13 =	vand.u32 $0xFFFFFFF8, v14;
	v12 =	vand.u32 $0x7, v14;
	v11 =	vadd.s32 s18, v11  }
0x2ff: {  	v14 =	vld [tilespmem:s9+$0xFFFFFFF0]  }
0x300: {  	v15 =	vld [tilespmem:s9+$0xFFFFFFE0]  }
0x301: {  	v16 =	vld [tilespmem:s9+$0x0]  }
0x302: {  	v13 =	vadd.s32 s13, v13;
	s10 =	sshll.u32 s11, $0x5;
	v1 =	vand.u32 $0x7, v1;
	v3 =	vand.u32 $0x7, v3  }
0x303: {  	v12 =	vor.u32 v12, v13;
	s11 =	sadd.s32 $0x60, s10;
	v1 =	vor.u32 v1, v10;
	v57 =	vand.u32 $0xFFFFFFF8, v9  }
0x304: {  	v3 =	vor.u32 v3, v11;
	v58 =	vand.u32 $0x7, v9;
	v13 =	vadd.s32 s11, v57  }
0x305: {  	v2 =	vld.idx.msk [tilespmem:v2+s24+$0x0], $0xffff;
	v59 =	vand.u32 $0xFFFFFFF8, v14;
	v60 =	vand.u32 $0xFFFFFFF8, v15;
	v61 =	vand.u32 $0x7, v15  }
0x306: {  	s8 =	sadd.s32 $0x40, s8;
	v8 =	vld.idx.msk [tilespmem:v8+s24+$0x0], $0xffff;
	s13 =	sadd.s32 $0x20, s10;
	[tilespmem:s4+$0xFFFFFFF0] =	vst v5;
	v5 =	vand.u32 $0xFFFFFFF8, v16;
	v9 =	vor.u32 v58, v13;
	v11 =	vadd.s32 s10, v60  }
0x307: {  	v0 =	vld.idx.msk [tilespmem:v0+s24+$0x0], $0xffff;
	[tilespmem:s8+$0x10] =	vst v4;
	s14 =	sadd.s32 $0x40, s10;
	v62 =	vand.u32 $0x7, v14;
	v4 =	vadd.s32 s13, v59;
	v10 =	vor.u32 v61, v11  }
0x308: {  	[tilespmem:s4+$0x0] =	vst v6;
	v63 =	vand.u32 $0x7, v16;
	v6 =	vld.idx.msk [tilespmem:v12+s24+$0x0], $0xffff;
	v5 =	vadd.s32 s14, v5;
	v4 =	vor.u32 v62, v4  }
0x309: {  	[tilespmem:s8+$0xFFFFFFE0] =	vst v7;
	v1 =	vld.idx.msk [tilespmem:v1+s24+$0x0], $0xffff;
	v5 =	vor.u32 v63, v5  }
0x30a: {  	s18 =	sadd.s32 $0x40, s8;
	[tilespmem:s8+$0xFFFFFFF0] =	vst v2;
	v2 =	vld.idx.msk [tilespmem:v3+s24+$0x0], $0xffff  }
0x30b: {  	[tilespmem:s18+$0x10] =	vst v8;
	v7 =	vld.idx.msk [tilespmem:v9+s24+$0x0], $0xffff  }
0x30c: {  	[tilespmem:s8+$0x0] =	vst v0;
	v0 =	vld.idx.msk [tilespmem:v10+s24+$0x0], $0xffff  }
0x30d: {  	[tilespmem:s18+$0xFFFFFFE0] =	vst v6;
	v3 =	vld.idx.msk [tilespmem:v4+s24+$0x0], $0xffff  }
0x30e: {  	[tilespmem:s18+$0xFFFFFFF0] =	vst v1;
	v4 =	vld.idx.msk [tilespmem:v5+s24+$0x0], $0xffff  }
0x30f: {  	s22 =	sadd.s32 $0x40, s18;
	[tilespmem:s18+$0x0] =	vst v2  }
0x310: {  	[tilespmem:s22+$0x10] =	vst v7  }
0x311: {  	[tilespmem:s22+$0xFFFFFFE0] =	vst v0  }
0x312: {  	[tilespmem:s22+$0xFFFFFFF0] =	vst v3  }
0x313: {  	[tilespmem:s22+$0x0] =	vst v4  }
0x314: {  	s26 =	simm.s32 $0x0;
	s31 =	simm.s32 $0x3D00;
	s8 =	rddreg [dreg:$0xa]  }
0x315: {  	[hbm4b:s8+s26] =	stream.linear.scatter [tilespmem:s31], [sflag:$0x3], $0x800, $0x38;
	[tilespmem:$0x10D00] =	vst v63  }
0x316: {  	_ =	swait.ge [sflag:s15], $0x800  }
0x317: {  	[sflag:s15] =	ssyncset.done $0x0  }
0x318: {  	s4 =	simm.s32 $0x0;
	[sflag:s15] =	ssyncadd.s32 $0xFFFFF800  }
0x319: {  	v3 =	vld [tilespmem:s4+$0x2D70]  }
0x31a: {  	v4 =	vld [tilespmem:s4+$0x2D00]  }
0x31b: {  	v5 =	vld [tilespmem:s4+$0x2D10]  }
0x31c: {  	v2 =	vld [tilespmem:s4+$0x2D20]  }
0x31d: {  	v0 =	vld [tilespmem:s4+$0x2D30]  }
0x31e: {  	v1 =	vld [tilespmem:s4+$0x2D40];
	[tilespmem:s4+$0x3570] =	vst v3  }
0x31f: {  	[tilespmem:s4+$0x3500] =	vst v4;
	v3 =	vld [tilespmem:s4+$0x2D50]  }
0x320: {  	s9 =	simm.s32 $0x400;
	s8 =	simm.s32 $0x80;
	[tilespmem:s4+$0x3510] =	vst v5;
	v4 =	vld [tilespmem:s4+$0x2D60]  }
.LBB2_6:
0x321: {  	p0 =	sne.s32 s9, $0x1E00;
	v5 =	vld [tilespmem:s8+$0x2D70];
	[tilespmem:s4+$0x3520] =	vst v2  }
0x322: {  	v6 =	vld [tilespmem:s8+$0x2D00];
	[tilespmem:s4+$0x3530] =	vst v0  }
0x323: {  	v7 =	vld [tilespmem:s8+$0x2D10];
	[tilespmem:s4+$0x3540] =	vst v1  }
.Ltmp2:
0x324: {  	v2 =	vld [tilespmem:s8+$0x2D20];
	[tilespmem:s4+$0x3550] =	vst v3;
	(pc) =	sbr.rel @p0 .LBB2_6-.Ltmp2, $4  }
0x325: {  	v0 =	vld [tilespmem:s8+$0x2D30];
	[tilespmem:s4+$0x3560] =	vst v4;
	s4 =	smov.u32 s8  }
0x326: {  	v1 =	vld [tilespmem:s4+$0x2D40];
	[tilespmem:s4+$0x3570] =	vst v5  }
0x327: {  	[tilespmem:s4+$0x3500] =	vst v6;
	v3 =	vld [tilespmem:s4+$0x2D50]  }
0x328: {  	s8 =	sshra.s32 s9, $0x2;
	s9 =	sadd.s32 $0x200, s9;
	[tilespmem:s4+$0x3510] =	vst v7;
	v4 =	vld [tilespmem:s4+$0x2D60]  }
0x329: {  	v5 =	vld [tilespmem:s8+$0x2D70];
	[tilespmem:s4+$0x3520] =	vst v2  }
0x32a: {  	v2 =	vld [tilespmem:s8+$0x2D00];
	[tilespmem:s4+$0x3530] =	vst v0  }
0x32b: {  	v0 =	vld [tilespmem:s8+$0x2D10];
	[tilespmem:s4+$0x3540] =	vst v1  }
0x32c: {  	v1 =	vld [tilespmem:s8+$0x2D20];
	[tilespmem:s4+$0x3550] =	vst v3  }
0x32d: {  	v3 =	vld [tilespmem:s8+$0x2D30];
	[tilespmem:s4+$0x3560] =	vst v4  }
0x32e: {  	v4 =	vld [tilespmem:s8+$0x2D40];
	[tilespmem:s8+$0x3570] =	vst v5  }
0x32f: {  	v62 =	vld [tilespmem:s8+$0x2D50];
	[tilespmem:s8+$0x3500] =	vst v2  }
0x330: {  	v63 =	vld [tilespmem:s8+$0x2D60];
	[tilespmem:s8+$0x3510] =	vst v0  }
0x331: {  	[tilespmem:s8+$0x3520] =	vst v1  }
0x332: {  	[tilespmem:s8+$0x3530] =	vst v3  }
0x333: {  	[tilespmem:s8+$0x3540] =	vst v4  }
0x334: {  	[tilespmem:s8+$0x3550] =	vst v62  }
0x335: {  	s18 =	simm.s32 $0x3500;
	s22 =	simm.s32 $0x4D00;
	[tilespmem:s8+$0x3560] =	vst v63  }
0x336: {  	[tilespmem:s22], [sflag:$0x1] =	stream.indirect.gather [hbm4b:s5+s16], $0x10, s18, s16, $0xb8;
	[tilespmem:$0x10D00] =	vst v63  }
0x337: {  	s26 =	simm.s32 $0x5D00  }
0x338: {  	[tilespmem:s26], [sflag:$0x1] =	stream.indirect.gather [hbm4b:s7+s16], $0x10, s18, s16, $0xb8;
	[tilespmem:$0x10D00] =	vst v63  }
0x339: {  	s31 =	simm.s32 $0x6D00  }
0x33a: {  	[tilespmem:s31], [sflag:$0x1] =	stream.indirect.gather [hbm4b:s6+s16], $0x10, s18, s16, $0xb8;
	[tilespmem:$0x10D00] =	vst v63  }
0x33b: {  	p0 =	por $0x0, $0x0;
	s18 =	simm.s32 $0x0  }
.LBB2_8:
0x33c: {  	_ =	swait.ge [sflag:s23], $0x800  }
0x33d: {  	[sflag:s23] =	ssyncset.done $0x0  }
0x33e: {  	[sflag:s23] =	ssyncadd.s32 $0xFFFFF800  }
0x33f: {  	_ =	swait.ge [sflag:s23], $0x800  }
0x340: {  	p1 =	seq.s32 s18, $0xF;
	[sflag:s23] =	ssyncset.done $0x0  }
0x341: {  	s4 =	sadd.s32 @!p1 $0x1, s18;
	s10 =	simm.s32 @!p1 $0x80;
	[sflag:s23] =	ssyncadd.s32 $0xFFFFF800  }
0x342: {  	s8 =	sshll.u32 @!p1 s4, $0xB;
	s4 =	sshll.u32 @!p1 s4, $0x7;
	_ =	swait.ge [sflag:s23], $0x800  }
0x343: {  	s8 =	sand.u32 @!p1 $0x800, s8;
	s4 =	sand.u32 @!p1 $0x3FFFFF80, s4;
	[sflag:s23] =	ssyncset.done $0x0  }
0x344: {  	s9 =	sadd.s32 @!p1 $0x4D00, s8;
	s4 =	sadd.s32 @!p1 $0x3500, s4;
	[sflag:s23] =	ssyncadd.s32 $0xFFFFF800  }
0x345: {  	[tilespmem:s9], [sflag:$0x1] =	stream.indirect.gather @!p1 [hbm4b:s5+s10], $0x10, s4, s10, $0xb8;
	[tilespmem:$0x10D00] =	vst v63  }
0x346: {  	s9 =	sadd.s32 @!p1 $0x5D00, s8  }
0x347: {  	[tilespmem:s9], [sflag:$0x1] =	stream.indirect.gather @!p1 [hbm4b:s7+s10], $0x10, s4, s10, $0xb8;
	[tilespmem:$0x10D00] =	vst v63  }
0x348: {  	s26 =	sshll.u32 s18, $0x7;
	s8 =	sadd.s32 @!p1 $0x6D00, s8  }
0x349: {  	[tilespmem:s8], [sflag:$0x1] =	stream.indirect.gather @!p1 [hbm4b:s6+s10], $0x10, s4, s10, $0xb8;
	[tilespmem:$0x10D00] =	vst v63  }
0x34a: {  	v0 =	vld [tilespmem:s26+$0x3D00];
	_ =	sdelay $0x4  }
0x34b: {  	(xrf0) =	vmax.scan.msk.f32 $0xffff, v0;
	_ =	sdelay $0x5  }
0x34c: {  	v1, _, _ =	vpop (xrf0)  }
0x34d: {  	v1 =	vbroadcast v1, $0xF;
	_ =	sdelay $0x1  }
0x34e: {  	v0 =	vsub.f32 v0, v1;
	_ =	sdelay $0x1  }
0x34f: {  	v0 =	vmul.f32 $1.442695020e+00, v0;
	_ =	sdelay $0x1  }
0x350: {  	(erf) = vpow2.f32 v0;
	_ =	sdelay $0x5  }
0x351: {  	v0 =	vld [tilespmem:s26+$0x3D10];
	_ =	sdelay $0x2  }
0x352: {  	v1 =	vpop (erf)  }
0x353: {  	(xrf2) =	vadd.scan.msk.f32 $0xffff, v1  }
0x354: {  	(xrf0) =	vmax.scan.msk.f32 $0xffff, v0;
	_ =	sdelay $0x5  }
0x355: {  	v2, _, _ =	vpop (xrf0)  }
0x356: {  	v2 =	vbroadcast v2, $0xF;
	_ =	sdelay $0x1  }
0x357: {  	v0 =	vsub.f32 v0, v2;
	v3, _, _ =	vpop (xrf2)  }
0x358: {  	v2 =	vbroadcast v3, $0xF  }
0x359: {  	v0 =	vmul.f32 $1.442695020e+00, v0  }
0x35a: {  	(erf) = vrcp.f32 v2  }
0x35b: {  	(erf) = vpow2.f32 v0;
	_ =	sdelay $0x5  }
0x35c: {  	v2 =	vld [tilespmem:s26+$0x3D20];
	_ =	sdelay $0x1  }
0x35d: {  	v0 =	vpop (erf)  }
0x35e: {  	v3 =	vpop (erf)  }
0x35f: {  	(xrf2) =	vadd.scan.msk.f32 $0xffff, v3  }
0x360: {  	(xrf0) =	vmax.scan.msk.f32 $0xffff, v2;
	_ =	sdelay $0x5  }
0x361: {  	v4, _, _ =	vpop (xrf0)  }
0x362: {  	s31 =	sshll.u32 s18, $0xB;
	v4 =	vbroadcast v4, $0xF  }
0x363: {  	s8 =	sand.u32 $0x800, s31  }
0x364: {  	v5 =	vld [tilespmem:s8+$0x4D00];
	v2 =	vsub.f32 v2, v4;
	v7, _, _ =	vpop (xrf2)  }
0x365: {  	v6 =	vld [tilespmem:s8+$0x4D10];
	v7 =	vbroadcast v7, $0xF  }
0x366: {  	v8 =	vld [tilespmem:s8+$0x4D30];
	v2 =	vmul.f32 $1.442695020e+00, v2  }
0x367: {  	v9 =	vld [tilespmem:s8+$0x4D40];
	v10 =	vbroadcast v1, $0x0;
	(erf) = vrcp.f32 v7  }
0x368: {  	v12 =	vld [tilespmem:s8+$0x4D70];
	v11 =	vbroadcast v1, $0x1;
	(erf) = vpow2.f32 v2  }
0x369: {  	v15 =	vld [tilespmem:s8+$0x4D80];
	v13 =	vbroadcast v1, $0x2;
	v14 =	vbroadcast v1, $0x3  }
0x36a: {  	v45 =	vld [tilespmem:s8+$0x4D90];
	v47 =	vbroadcast v1, $0x4;
	v48 =	vbroadcast v1, $0x5  }
0x36b: {  	v16 =	vbroadcast v1, $0x6;
	v17 =	vbroadcast v1, $0x7;
	v2 =	vld [tilespmem:s8+$0x4D60]  }
0x36c: {  	v18 =	vld [tilespmem:s26+$0x3D30];
	v20 =	vbroadcast v1, $0x8;
	v21 =	vbroadcast v1, $0x9  }
0x36d: {  	v46 =	vld [tilespmem:s8+$0x4DA0];
	v23 =	vbroadcast v1, $0xA;
	v24 =	vbroadcast v1, $0xB  }
0x36e: {  	v19 =	vld [tilespmem:s8+$0x4DB0];
	v52 =	vbroadcast v1, $0xC;
	v53 =	vbroadcast v1, $0xD  }
0x36f: {  	v49 =	vld [tilespmem:s8+$0x4DC0];
	v5 =	vmul.f32 v10, v5;
	v6 =	vmul.f32 v11, v6  }
0x370: {  	v51 =	vld [tilespmem:s8+$0x4DD0];
	v8 =	vmul.f32 v14, v8;
	v50 =	vmul.f32 v2, v16;
	v16 =	vpop (erf)  }
0x371: {  	v25 =	vld [tilespmem:s8+$0x4DF0];
	v9 =	vmul.f32 v47, v9;
	v12 =	vmul.f32 v12, v17;
	(xrf0) =	vmax.scan.msk.f32 $0xffff, v18;
	v2 =	vpop (erf)  }
0x372: {  	v15 =	vmul.f32 v15, v20;
	v10 =	vmul.f32 v45, v21;
	(xrf2) =	vadd.scan.msk.f32 $0xffff, v2  }
0x373: {  	v11 =	vmul.f32 v46, v23;
	v19 =	vmul.f32 v19, v24  }
0x374: {  	v5 =	vadd.f32 v6, v5;
	v6 =	vbroadcast v1, $0xE;
	v1 =	vbroadcast v1, $0xF;
	v7 =	vld [tilespmem:s8+$0x4D50]  }
0x375: {  	v56 =	vmul.f32 v49, v52;
	v57 =	vmul.f32 v51, v53;
	v4 =	vld [tilespmem:s8+$0x4D20]  }
0x376: {  	v10 =	vadd.f32 v10, v15;
	v1 =	vmul.f32 v25, v1;
	v59 =	vbroadcast v3, $0x0  }
0x377: {  	v22 =	vld [tilespmem:s8+$0x4DE0];
	v60 =	vbroadcast v3, $0x1;
	v63 =	vbroadcast v3, $0x2  }
0x378: {  	v54 =	vld [tilespmem:s8+$0x4E00];
	v10 =	vadd.f32 v11, v10;
	v29 =	vbroadcast v3, $0x3;
	v35 =	vbroadcast v3, $0x4;
	v61, _, _ =	vpop (xrf0)  }
0x379: {  	v55 =	vld [tilespmem:s8+$0x4E10];
	v21 =	vbroadcast v61, $0xF;
	v7 =	vmul.f32 v48, v7  }
0x37a: {  	v58 =	vld [tilespmem:s8+$0x4E20];
	v10 =	vadd.f32 v19, v10;
	v37 =	vbroadcast v3, $0x5;
	v4 =	vmul.f32 v13, v4  }
0x37b: {  	v62 =	vld [tilespmem:s8+$0x4E40];
	v39 =	vbroadcast v3, $0x6;
	v18 =	vsub.f32 v18, v21;
	v7 =	vadd.f32 v7, v9  }
0x37c: {  	v30 =	vld [tilespmem:s8+$0x4E60];
	v4 =	vadd.f32 v5, v4;
	v5 =	vmul.f32 v22, v6;
	v9 =	vadd.f32 v57, v56;
	v31, _, _ =	vpop (xrf2)  }
0x37d: {  	v32 =	vld [tilespmem:s8+$0x4E70];
	v42 =	vbroadcast v3, $0x8;
	v7 =	vadd.f32 v7, v50;
	v33 =	vbroadcast v31, $0xF  }
0x37e: {  	v36 =	vld [tilespmem:s8+$0x4E90];
	v44 =	vbroadcast v3, $0x7;
	v18 =	vmul.f32 $1.442695020e+00, v18;
	v5 =	vadd.f32 v5, v9  }
0x37f: {  	v34 =	vld [tilespmem:s8+$0x4E80];
	v4 =	vadd.f32 v4, v8;
	v7 =	vadd.f32 v7, v12;
	(erf) = vrcp.f32 v33  }
0x380: {  	v46 =	vbroadcast v3, $0xC;
	v1 =	vadd.f32 v1, v5;
	v5 =	vld [tilespmem:s8+$0x4ED0];
	(erf) = vpow2.f32 v18  }
0x381: {  	v40 =	vld [tilespmem:s8+$0x4EC0];
	v49 =	vbroadcast v3, $0xA;
	v7 =	vadd.f32 v7, v4;
	v4 =	vbroadcast v3, $0x9  }
0x382: {  	v43 =	vld [tilespmem:s8+$0x4EB0];
	v53 =	vbroadcast v3, $0xB;
	v14 =	vmul.f32 v59, v54  }
0x383: {  	v38 =	vld [tilespmem:s8+$0x4EA0];
	v10 =	vadd.f32 v1, v10;
	v1 =	vmul.f32 v36, v4;
	v4 =	vbroadcast v3, $0xD  }
0x384: {  	v20 =	vmul.f32 v60, v55;
	v17 =	vmul.f32 v63, v58;
	v6 =	vld [tilespmem:s8+$0x4E30]  }
0x385: {  	v28 =	vld [tilespmem:s8+$0x4E50];
	v41 =	vmul.f32 v30, v39;
	v4 =	vmul.f32 v5, v4  }
0x386: {  	v51 =	vld [tilespmem:s26+$0x3D40];
	v15 =	vmul.f32 v32, v44;
	v13 =	vmul.f32 v34, v42  }
0x387: {  	v55 =	vmul.f32 v43, v53;
	v50 =	vmul.f32 v40, v46  }
0x388: {  	v45 =	vld [tilespmem:s8+$0x4EE0];
	v14 =	vadd.f32 v20, v14;
	v8 =	vmul.f32 v35, v62;
	v52 =	vadd.f32 v1, v13;
	v1 =	vpop (erf)  }
0x389: {  	v6 =	vmul.f32 v29, v6;
	v9 =	vmul.f32 v38, v49;
	v54 =	vadd.f32 v4, v50;
	v4 =	vpop (erf)  }
0x38a: {  	v47 =	vld [tilespmem:s8+$0x4EF0];
	v12 =	vmul.f32 v37, v28;
	v59 =	vbroadcast v2, $0x1;
	(xrf2) =	vadd.scan.msk.f32 $0xffff, v4  }
0x38b: {  	(xrf0) =	vmax.scan.msk.f32 $0xffff, v51;
	v48 =	vadd.f32 v14, v17;
	v62 =	vbroadcast v2, $0x2;
	v5 =	vbroadcast v3, $0xE  }
0x38c: {  	v37 =	vbroadcast v2, $0x3;
	v39 =	vbroadcast v2, $0x4;
	v8 =	vadd.f32 v12, v8  }
0x38d: {  	v6 =	vadd.f32 v48, v6;
	v48 =	vld [tilespmem:s8+$0x4FE0];
	v3 =	vbroadcast v3, $0xF;
	v5 =	vmul.f32 v45, v5  }
0x38e: {  	v38 =	vld [tilespmem:s8+$0x4F80];
	v42 =	vbroadcast v2, $0x5;
	v43 =	vbroadcast v2, $0x6;
	v8 =	vadd.f32 v8, v41  }
0x38f: {  	v56 =	vld [tilespmem:s8+$0x4F10];
	v9 =	vadd.f32 v9, v52;
	v3 =	vmul.f32 v47, v3;
	v5 =	vadd.f32 v5, v54  }
0x390: {  	v26 =	vld [tilespmem:s26+$0x3D50];
	v46 =	vbroadcast v2, $0x8;
	v28 =	vbroadcast v2, $0xE;
	v8 =	vadd.f32 v8, v15  }
0x391: {  	v58 =	vld [tilespmem:s26+$0x1D00];
	v60, _, _ =	vpop (xrf0);
	v53 =	vbroadcast v2, $0xD;
	v9 =	vadd.f32 v55, v9;
	v3 =	vadd.f32 v3, v5  }
0x392: {  	v44 =	vld [tilespmem:s8+$0x4FC0];
	v12 =	vbroadcast v60, $0xF;
	v24 =	vmul.f32 v48, v28;
	v7 =	vadd.f32 v10, v7  }
0x393: {  	v17 =	vmul.f32 v38, v46;
	v6 =	vadd.f32 v8, v6;
	v5 =	vld [tilespmem:s8+$0x4F00];
	v3 =	vadd.f32 v3, v9  }
0x394: {  	v57 =	vld [tilespmem:s8+$0x4F20];
	v10 =	vmul.f32 v59, v56;
	v12 =	vsub.f32 v51, v12;
	v51 =	vbroadcast v2, $0xC;
	v35, _, _ =	vpop (xrf2)  }
0x395: {  	v36 =	vld [tilespmem:s8+$0x4F70];
	v7 =	vmul.f32 v7, v0;
	v0 =	vadd.f32 v3, v6;
	v11 =	vbroadcast v35, $0xF  }
0x396: {  	v12 =	vmul.f32 $1.442695020e+00, v12;
	v3 =	vld [tilespmem:s8+$0x4F30];
	v6 =	vbroadcast v2, $0x0  }
0x397: {  	v63 =	vmul.f32 v0, v16;
	v0 =	vld [tilespmem:s8+$0x4F50];
	(erf) = vrcp.f32 v11  }
0x398: {  	v5 =	vmul.f32 v6, v5;
	v6 =	vld [tilespmem:s8+$0x4F60];
	(erf) = vpow2.f32 v12  }
0x399: {  	v20 =	vmul.f32 v44, v51;
	v45 =	vbroadcast v2, $0x7;
	v47 =	vld [tilespmem:s8+$0x4FD0]  }
0x39a: {  	v30 =	vld [tilespmem:s8+$0x5030];
	v8 =	vmul.f32 v62, v57;
	v50 =	vbroadcast v2, $0xB  }
0x39b: {  	v40 =	vld [tilespmem:s8+$0x4F90];
	v14 =	vmul.f32 v36, v45;
	v16 =	vmul.f32 v37, v3  }
0x39c: {  	v3 =	vld [tilespmem:s8+$0x4FA0];
	v13 =	vmul.f32 v42, v0;
	v0 =	vbroadcast v2, $0x9  }
0x39d: {  	v32 =	vld [tilespmem:s8+$0x5050];
	v18 =	vmul.f32 v6, v43;
	v6 =	vbroadcast v2, $0xA  }
0x39e: {  	v61 =	vld [tilespmem:s8+$0x4F40];
	v23 =	vmul.f32 v47, v53;
	v2 =	vbroadcast v2, $0xF  }
0x39f: {  	v29 =	vld [tilespmem:s8+$0x5020];
	v31 =	vbroadcast v4, $0x0;
	v34 =	vbroadcast v4, $0x3  }
0x3a0: {  	v49 =	vld [tilespmem:s8+$0x4FF0];
	v56 =	vbroadcast v4, $0x5;
	v19 =	vmul.f32 v40, v0;
	v0 =	vpop (erf)  }
0x3a1: {  	v36 =	vld [tilespmem:s8+$0x5070];
	v57 =	vbroadcast v4, $0x6;
	v27 =	vmul.f32 v3, v6;
	v6 =	vpop (erf)  }
0x3a2: {  	v33 =	vld [tilespmem:s8+$0x5060];
	v60 =	vbroadcast v4, $0x7;
	v42 =	vbroadcast v4, $0x9;
	(xrf2) =	vadd.scan.msk.f32 $0xffff, v6  }
0x3a3: {  	(xrf0) =	vmax.scan.msk.f32 $0xffff, v26;
	v52 =	vld [tilespmem:s8+$0x5010];
	v46 =	vbroadcast v4, $0xA;
	v47 =	vbroadcast v4, $0xB  }
0x3a4: {  	v48 =	vbroadcast v4, $0xC;
	v53 =	vbroadcast v4, $0xE;
	v3 =	vld [tilespmem:s8+$0x5000]  }
0x3a5: {  	v54 =	vld [tilespmem:s8+$0x5040];
	v21 =	vmul.f32 v49, v2;
	v2 =	vbroadcast v4, $0x1  }
0x3a6: {  	v59 =	vld [tilespmem:s8+$0x5090];
	v30 =	vmul.f32 v34, v30;
	v9 =	vmul.f32 v56, v32  }
0x3a7: {  	v55 =	vld [tilespmem:s26+$0x1D10];
	v32 =	vmul.f32 v33, v57;
	v28 =	vmul.f32 v36, v60  }
0x3a8: {  	v41 =	vld [tilespmem:s8+$0x4FB0];
	v20 =	vadd.f32 v23, v20;
	v22 =	vmul.f32 v2, v52;
	v35 =	vbroadcast v4, $0x4  }
0x3a9: {  	v44 =	vld [tilespmem:s8+$0x50E0];
	v2 =	vadd.f32 v7, v58;
	v58, _, _ =	vpop (xrf0);
	v31 =	vmul.f32 v31, v3;
	v3 =	vbroadcast v4, $0x2  }
0x3aa: {  	v62 =	vld [tilespmem:s8+$0x50B0];
	v20 =	vadd.f32 v24, v20;
	v25 =	vmul.f32 v35, v54;
	v35 =	vbroadcast v58, $0xF  }
0x3ab: {  	v5 =	vadd.f32 v10, v5;
	v15 =	vmul.f32 v59, v42;
	v7 =	vld [tilespmem:s8+$0x5080];
	v29 =	vmul.f32 v3, v29  }
0x3ac: {  	v43 =	vld [tilespmem:s8+$0x50D0];
	v3 =	vadd.f32 v63, v55;
	v63 =	vbroadcast v4, $0x8;
	v26 =	vsub.f32 v26, v35;
	v40, _, _ =	vpop (xrf2)  }
0x3ad: {  	v45 =	vld [tilespmem:s8+$0x50F0];
	v17 =	vadd.f32 v19, v17;
	v11 =	vmul.f32 v39, v61;
	v36 =	vbroadcast v40, $0xF  }
0x3ae: {  	v5 =	vadd.f32 v5, v8;
	v61 =	vld [tilespmem:s8+$0x50A0];
	v12 =	vmul.f32 v41, v50;
	v26 =	vmul.f32 $1.442695020e+00, v26  }
0x3af: {  	v17 =	vadd.f32 v27, v17;
	v41 =	vld [tilespmem:s8+$0x50C0];
	v50 =	vbroadcast v4, $0xD;
	(erf) = vrcp.f32 v36  }
0x3b0: {  	v7 =	vmul.f32 v7, v63;
	v11 =	vadd.f32 v13, v11;
	(erf) = vpow2.f32 v26  }
0x3b1: {  	v51 =	vld [tilespmem:s8+$0x5110];
	v5 =	vadd.f32 v5, v16;
	v4 =	vbroadcast v4, $0xF;
	v8 =	vmul.f32 v43, v50  }
0x3b2: {  	v37 =	vld [tilespmem:s8+$0x5180];
	v12 =	vadd.f32 v12, v17;
	v17 =	vmul.f32 v44, v53;
	v11 =	vadd.f32 v11, v18  }
0x3b3: {  	v49 =	vld [tilespmem:s8+$0x5100];
	v20 =	vadd.f32 v21, v20;
	v16 =	vmul.f32 v45, v4;
	v10 =	vmul.f32 v61, v46  }
0x3b4: {  	v19 =	vld [tilespmem:s26+$0x3D60];
	v11 =	vadd.f32 v11, v14;
	v14 =	vmul.f32 v62, v47;
	v13 =	vmul.f32 v41, v48  }
0x3b5: {  	v59 =	vld [tilespmem:s8+$0x5160];
	v56 =	vbroadcast v6, $0x0;
	v57 =	vbroadcast v6, $0x1  }
0x3b6: {  	v52 =	vld [tilespmem:s8+$0x5120];
	v12 =	vadd.f32 v20, v12;
	v60 =	vbroadcast v6, $0x2;
	v62 =	vbroadcast v6, $0x3  }
0x3b7: {  	v55 =	vld [tilespmem:s8+$0x5140];
	v5 =	vadd.f32 v11, v5;
	v63 =	vbroadcast v6, $0x4;
	v38 =	vbroadcast v6, $0x5  }
0x3b8: {  	v58 =	vld [tilespmem:s8+$0x5150];
	v41 =	vbroadcast v6, $0x6;
	v43 =	vbroadcast v6, $0x7;
	v4 =	vpop (erf)  }
0x3b9: {  	(xrf0) =	vmax.scan.msk.f32 $0xffff, v19;
	v61 =	vld [tilespmem:s8+$0x5170];
	v5 =	vadd.f32 v12, v5;
	v44 =	vbroadcast v6, $0x8;
	v46 =	vbroadcast v6, $0x9;
	v36 =	vpop (erf)  }
0x3ba: {  	v22 =	vadd.f32 v22, v31;
	v39 =	vld [tilespmem:s8+$0x5190];
	v48 =	vbroadcast v6, $0xA;
	v50 =	vbroadcast v6, $0xB;
	(xrf2) =	vadd.scan.msk.f32 $0xffff, v36  }
0x3bb: {  	v42 =	vld [tilespmem:s8+$0x51B0];
	v1 =	vmul.f32 v5, v1;
	v27 =	vmul.f32 v56, v49  }
0x3bc: {  	v22 =	vadd.f32 v22, v29;
	v54 =	vld [tilespmem:s8+$0x5130];
	v18 =	vmul.f32 v57, v51;
	v23 =	vmul.f32 v60, v52  }
0x3bd: {  	v9 =	vadd.f32 v9, v25;
	v45 =	vld [tilespmem:s8+$0x51C0];
	v24 =	vmul.f32 v63, v55;
	v21 =	vmul.f32 v38, v58  }
0x3be: {  	v22 =	vadd.f32 v22, v30;
	v47 =	vld [tilespmem:s8+$0x51D0];
	v11 =	vmul.f32 v59, v41;
	v20 =	vmul.f32 v61, v43  }
0x3bf: {  	v53 =	vld [tilespmem:s8+$0x51F0];
	v9 =	vadd.f32 v9, v32;
	v31 =	vmul.f32 v37, v44;
	v12 =	vmul.f32 v39, v46;
	v52, _, _ =	vpop (xrf0)  }
0x3c0: {  	v7 =	vadd.f32 v15, v7;
	v49 =	vld [tilespmem:s8+$0x51E0];
	v51 =	vbroadcast v6, $0xC;
	v35 =	vbroadcast v52, $0xF  }
0x3c1: {  	v9 =	vadd.f32 v9, v28;
	v37 =	vbroadcast v6, $0xD;
	v15 =	vmul.f32 v42, v50;
	v40 =	vld [tilespmem:s8+$0x51A0]  }
0x3c2: {  	v59 =	vbroadcast v6, $0xE;
	v6 =	vbroadcast v6, $0xF;
	v19 =	vsub.f32 v19, v35  }
0x3c3: {  	v34 =	vld [tilespmem:s26+$0x3D70];
	v8 =	vadd.f32 v8, v13;
	v55 =	vmul.f32 v45, v51;
	v56 =	vmul.f32 v47, v37  }
0x3c4: {  	v7 =	vadd.f32 v10, v7;
	v58 =	vld [tilespmem:s8+$0x5210];
	v10 =	vmul.f32 v53, v6;
	v19 =	vmul.f32 $1.442695020e+00, v19;
	v57, _, _ =	vpop (xrf2)  }
0x3c5: {  	v8 =	vadd.f32 v17, v8;
	v60 =	vld [tilespmem:s8+$0x5220];
	v26 =	vmul.f32 v62, v54;
	v32 =	vbroadcast v57, $0xF  }
0x3c6: {  	v7 =	vadd.f32 v14, v7;
	v61 =	vld [tilespmem:s8+$0x5230];
	v62 =	vmul.f32 v49, v59;
	v13 =	vmul.f32 v40, v48  }
0x3c7: {  	v8 =	vadd.f32 v16, v8;
	v63 =	vld [tilespmem:s8+$0x5240];
	v38 =	vbroadcast v36, $0x0;
	(erf) = vrcp.f32 v32  }
0x3c8: {  	v9 =	vadd.f32 v9, v22;
	v43 =	vld [tilespmem:s8+$0x5280];
	v39 =	vbroadcast v36, $0x1;
	(erf) = vpow2.f32 v19  }
0x3c9: {  	v44 =	vld [tilespmem:s8+$0x5290];
	v7 =	vadd.f32 v8, v7;
	v41 =	vbroadcast v36, $0x2;
	v42 =	vbroadcast v36, $0x3  }
0x3ca: {  	v6 =	vld [tilespmem:s8+$0x5250];
	v18 =	vadd.f32 v18, v27;
	v46 =	vbroadcast v36, $0x4;
	v47 =	vbroadcast v36, $0x5  }
0x3cb: {  	v37 =	vld [tilespmem:s8+$0x5260];
	v53 =	vadd.f32 v56, v55;
	v48 =	vbroadcast v36, $0x6;
	v49 =	vbroadcast v36, $0x7  }
0x3cc: {  	(xrf0) =	vmax.scan.msk.f32 $0xffff, v34;
	v21 =	vadd.f32 v21, v24;
	v40 =	vld [tilespmem:s8+$0x5270];
	v55 =	vbroadcast v36, $0x8;
	v56 =	vbroadcast v36, $0x9  }
0x3cd: {  	v50 =	vld [tilespmem:s8+$0x52B0];
	v8 =	vadd.f32 v62, v53;
	v59 =	vbroadcast v36, $0xB;
	v62 =	vbroadcast v36, $0xC  }
0x3ce: {  	v18 =	vadd.f32 v18, v23;
	v54 =	vld [tilespmem:s8+$0x5200];
	v22 =	vmul.f32 v39, v58;
	v25 =	vmul.f32 v41, v60  }
0x3cf: {  	v52 =	vld [tilespmem:s8+$0x52C0];
	v11 =	vadd.f32 v21, v11;
	v14 =	vmul.f32 v42, v61;
	v17 =	vmul.f32 v46, v63  }
0x3d0: {  	v45 =	vld [tilespmem:s8+$0x52A0];
	v18 =	vadd.f32 v18, v26;
	v51 =	vmul.f32 v47, v6;
	v26 =	vmul.f32 v37, v48;
	v6 =	vpop (erf)  }
0x3d1: {  	v12 =	vadd.f32 v12, v31;
	v27 =	vmul.f32 v40, v49;
	v58 =	vbroadcast v36, $0xA;
	v61 =	vld [tilespmem:s8+$0x52F0];
	v33 =	vpop (erf)  }
0x3d2: {  	v11 =	vadd.f32 v11, v20;
	v60 =	vmul.f32 v43, v55;
	v23 =	vmul.f32 v44, v56;
	v47, _, _ =	vpop (xrf0);
	v57 =	vld [tilespmem:s8+$0x52E0];
	(xrf2) =	vadd.scan.msk.f32 $0xffff, v33  }
0x3d3: {  	v12 =	vadd.f32 v13, v12;
	v24 =	vbroadcast v47, $0xF;
	v19 =	vmul.f32 v38, v54;
	v54 =	vld [tilespmem:s8+$0x52D0]  }
0x3d4: {  	v8 =	vadd.f32 v10, v8;
	v20 =	vmul.f32 v50, v59;
	v63 =	vbroadcast v36, $0xD  }
0x3d5: {  	v39 =	vbroadcast v36, $0xF;
	v10 =	vmul.f32 v52, v62;
	v24 =	vsub.f32 v34, v24  }
0x3d6: {  	v53 =	vld [tilespmem:s8+$0x5360];
	v12 =	vadd.f32 v15, v12;
	v15 =	vmul.f32 v45, v58;
	v38 =	vbroadcast v36, $0xE  }
0x3d7: {  	v11 =	vadd.f32 v11, v18;
	v37 =	vld [tilespmem:s8+$0x5300];
	v43 =	vmul.f32 v61, v39;
	v24 =	vmul.f32 $1.442695020e+00, v24  }
0x3d8: {  	v12 =	vadd.f32 v8, v12;
	v40 =	vld [tilespmem:s8+$0x5310];
	v42 =	vmul.f32 v57, v38;
	v21 =	vmul.f32 v54, v63  }
0x3d9: {  	v8 =	vadd.f32 v7, v9;
	v41 =	vld [tilespmem:s8+$0x5320];
	v45 =	vbroadcast v33, $0x0;
	v46 =	vbroadcast v33, $0x1  }
0x3da: {  	v44 =	vld [tilespmem:s8+$0x5330];
	v10 =	vadd.f32 v21, v10;
	v48 =	vbroadcast v33, $0x2;
	v50 =	vbroadcast v33, $0x3  }
0x3db: {  	v49 =	vld [tilespmem:s8+$0x5340];
	v17 =	vadd.f32 v51, v17;
	v56 =	vbroadcast v33, $0x4;
	v58 =	vbroadcast v33, $0x5  }
0x3dc: {  	v52 =	vld [tilespmem:s8+$0x5350];
	v9 =	vadd.f32 v42, v10;
	v62 =	vbroadcast v33, $0x6;
	v34 =	vbroadcast v33, $0x7;
	v51, _, _ =	vpop (xrf2)  }
0x3dd: {  	v7 =	vadd.f32 v12, v11;
	v55 =	vld [tilespmem:s8+$0x5370];
	v35 =	vbroadcast v33, $0x8;
	v54 =	vbroadcast v51, $0xF  }
0x3de: {  	v59 =	vld [tilespmem:s8+$0x5390];
	v42 =	vbroadcast v33, $0xB;
	v9 =	vadd.f32 v43, v9;
	v43 =	vbroadcast v33, $0xC  }
0x3df: {  	v16 =	vadd.f32 v23, v60;
	v57 =	vld [tilespmem:s8+$0x5380];
	v11 =	vmul.f32 v45, v37;
	(erf) = vrcp.f32 v54  }
0x3e0: {  	v60 =	vld [tilespmem:s8+$0x53A0];
	v19 =	vadd.f32 v22, v19;
	v12 =	vmul.f32 v46, v40;
	(erf) = vpow2.f32 v24  }
0x3e1: {  	v17 =	vadd.f32 v17, v26;
	v63 =	vld [tilespmem:s8+$0x53B0];
	v22 =	vmul.f32 v48, v41;
	v18 =	vmul.f32 v50, v44  }
0x3e2: {  	v36 =	vld [tilespmem:s8+$0x53C0];
	v19 =	vadd.f32 v19, v25;
	v28 =	vmul.f32 v56, v49;
	v61 =	vmul.f32 v58, v52  }
0x3e3: {  	v15 =	vadd.f32 v15, v16;
	v39 =	vld [tilespmem:s8+$0x53E0];
	v25 =	vmul.f32 v53, v62;
	v37 =	vbroadcast v33, $0x9  }
0x3e4: {  	v38 =	vld [tilespmem:s8+$0x53D0];
	v14 =	vadd.f32 v19, v14;
	v26 =	vmul.f32 v55, v34;
	v19 =	vmul.f32 v57, v35  }
0x3e5: {  	v17 =	vadd.f32 v17, v27;
	v40 =	vbroadcast v33, $0xA;
	v41 =	vld [tilespmem:s8+$0x53F0];
	v45 =	vbroadcast v33, $0xD  }
0x3e6: {  	v15 =	vadd.f32 v20, v15;
	v46 =	vld [tilespmem:s8+$0x5400];
	v47 =	vmul.f32 v63, v42;
	v49 =	vbroadcast v33, $0xE  }
0x3e7: {  	v14 =	vadd.f32 v17, v14;
	v48 =	vld [tilespmem:s8+$0x5410];
	v16 =	vmul.f32 v36, v43;
	v27 =	vmul.f32 v59, v37  }
0x3e8: {  	v50 =	vld [tilespmem:s8+$0x5420];
	v9 =	vadd.f32 v9, v15;
	v44 =	vmul.f32 v60, v40;
	v51 =	vbroadcast v33, $0xF;
	v32 =	vpop (erf)  }
0x3e9: {  	v52 =	vld [tilespmem:s8+$0x5430];
	v11 =	vadd.f32 v12, v11;
	v10 =	vmul.f32 v38, v45;
	v12 =	vmul.f32 v39, v49;
	v23 =	vpop (erf)  }
0x3ea: {  	v56 =	vld [tilespmem:s8+$0x5450];
	v9 =	vadd.f32 v9, v14;
	v13 =	vmul.f32 v41, v51;
	v53 =	vbroadcast v23, $0x0  }
0x3eb: {  	v58 =	vld [tilespmem:s8+$0x5460];
	v19 =	vadd.f32 v27, v19;
	v55 =	vbroadcast v23, $0x1;
	v59 =	vbroadcast v23, $0x2  }
0x3ec: {  	v63 =	vld [tilespmem:s8+$0x5490];
	v24 =	vadd.f32 v61, v28;
	v61 =	vbroadcast v23, $0x3;
	v62 =	vbroadcast v23, $0x4  }
0x3ed: {  	v17 =	vadd.f32 v44, v19;
	v54 =	vld [tilespmem:s8+$0x5440];
	(xrf2) =	vadd.scan.msk.f32 $0xffff, v23;
	v35 =	vbroadcast v23, $0x5;
	v38 =	vbroadcast v23, $0x6  }
0x3ee: {  	v42 =	vld [tilespmem:s8+$0x54E0];
	v11 =	vadd.f32 v11, v22;
	v40 =	vbroadcast v23, $0x8;
	v41 =	vbroadcast v23, $0x9  }
0x3ef: {  	v60 =	vld [tilespmem:s8+$0x5480];
	v15 =	vadd.f32 v47, v17;
	v43 =	vbroadcast v23, $0xA;
	v47 =	vbroadcast v23, $0xC  }
0x3f0: {  	v36 =	vld [tilespmem:s8+$0x54A0];
	v10 =	vadd.f32 v10, v16;
	v51 =	vbroadcast v23, $0xE;
	v57 =	vmul.f32 v53, v46  }
0x3f1: {  	v37 =	vld [tilespmem:s8+$0x54C0];
	v11 =	vadd.f32 v11, v18;
	v21 =	vmul.f32 v55, v48;
	v22 =	vmul.f32 v59, v50  }
0x3f2: {  	v10 =	vadd.f32 v12, v10;
	v29 =	vmul.f32 v61, v52;
	v20 =	vmul.f32 v62, v54  }
0x3f3: {  	v39 =	vld [tilespmem:s8+$0x54D0];
	v24 =	vadd.f32 v24, v25;
	v14 =	vmul.f32 v35, v56;
	v18 =	vmul.f32 v58, v38  }
0x3f4: {  	v10 =	vadd.f32 v13, v10;
	v44 =	vmul.f32 v60, v40;
	v45 =	vmul.f32 v63, v41  }
0x3f5: {  	v49 =	vld [tilespmem:s8+$0x54B0];
	v24 =	vadd.f32 v24, v26;
	v26 =	vmul.f32 v36, v43;
	v50 =	vbroadcast v23, $0xD  }
0x3f6: {  	v10 =	vadd.f32 v10, v15;
	v46 =	vld [tilespmem:s8+$0x5470];
	v19 =	vmul.f32 v37, v47;
	v17 =	vmul.f32 v42, v51  }
0x3f7: {  	v5 =	vadd.f32 v24, v11;
	v52 =	vld [tilespmem:s8+$0x54F0];
	v53 =	vbroadcast v23, $0x7;
	v54 =	vbroadcast v23, $0xB;
	v48, _, _ =	vpop (xrf2)  }
0x3f8: {  	v21 =	vadd.f32 v21, v57;
	v16 =	vmul.f32 v39, v50;
	v13 =	vbroadcast v48, $0xF  }
0x3f9: {  	v55 =	vbroadcast v23, $0xF;
	v14 =	vadd.f32 v14, v20;
	v12 =	vadd.f32 v45, v44  }
0x3fa: {  	v21 =	vadd.f32 v21, v22;
	v16 =	vadd.f32 v16, v19;
	(erf) = vrcp.f32 v13  }
0x3fb: {  	v56 =	vmul.f32 v49, v54;
	v14 =	vadd.f32 v14, v18;
	v12 =	vadd.f32 v26, v12  }
0x3fc: {  	v58 =	vld [tilespmem:s26+$0x1D20];
	v57 =	vmul.f32 v52, v55;
	v16 =	vadd.f32 v17, v16;
	v13 =	vmul.f32 v46, v53  }
0x3fd: {  	v60 =	vld [tilespmem:s26+$0x1D30];
	v59 =	vadd.f32 v21, v29;
	v12 =	vadd.f32 v56, v12  }
0x3fe: {  	v61 =	vld [tilespmem:s26+$0x1D40];
	v16 =	vadd.f32 v57, v16;
	v13 =	vadd.f32 v14, v13  }
0x3ff: {  	[tilespmem:s26+$0x4500] =	vst v2;
	v2 =	vmul.f32 v7, v4;
	v4 =	vadd.f32 v10, v5;
	v62 =	vld [tilespmem:s26+$0x1D50]  }
0x400: {  	v0 =	vmul.f32 v8, v0;
	v63 =	vld [tilespmem:s26+$0x1D60];
	v12 =	vadd.f32 v16, v12;
	v13 =	vadd.f32 v13, v59  }
0x401: {  	v5 =	vld [tilespmem:s26+$0x1D70];
	v1 =	vadd.f32 v1, v58  }
0x402: {  	[tilespmem:s26+$0x4510] =	vst v3;
	v3 =	vmul.f32 v9, v6;
	v0 =	vadd.f32 v0, v60;
	v6 =	vadd.f32 v12, v13  }
0x403: {  	[tilespmem:s26+$0x4520] =	vst v1;
	v1 =	vadd.f32 v2, v61;
	v2 =	vmul.f32 v4, v32;
	v4 =	vpop (erf)  }
0x404: {  	[tilespmem:s26+$0x4530] =	vst v0;
	v0 =	vadd.f32 v3, v62;
	v3 =	vmul.f32 v6, v4  }
0x405: {  	s8 =	simm.s32 $0x1;
	[tilespmem:s26+$0x4540] =	vst v1;
	v1 =	vadd.f32 v2, v63  }
0x406: {  	s8 =	simm.s32 @!p0 $0x0;
	[tilespmem:s26+$0x4550] =	vst v0;
	v0 =	vadd.f32 v3, v5  }
0x407: {  	s8 =	sshll.u32 s8, $0xB;
	[tilespmem:s26+$0x4560] =	vst v1  }
0x408: {  	s13 =	sadd.s32 $0x6E00, s8;
	[tilespmem:s26+$0x4570] =	vst v0  }
0x409: {  	v0 =	vld [tilespmem:s13+$0x80]  }
0x40a: {  	v2 =	vld [tilespmem:s13+$0x0]  }
0x40b: {  	v1 =	vld [tilespmem:s13+$0xFFFFFF80]  }
0x40c: {  	v3 =	vld [tilespmem:s13+$0xFFFFFF00]  }
0x40d: {  	s9 =	simm.s32 $0x7E00  }
0x40e: {  	[tilespmem:s9+$0x80] =	vst v0  }
0x40f: {  	[tilespmem:s9+$0x0] =	vst v2;
	v0 =	vld [tilespmem:s13+$0x90]  }
0x410: {  	[tilespmem:s9+$0xFFFFFF80] =	vst v1;
	v2 =	vld [tilespmem:s13+$0x10]  }
0x411: {  	[tilespmem:s9+$0xFFFFFF00] =	vst v3;
	v1 =	vld [tilespmem:s13+$0xFFFFFF90]  }
0x412: {  	v3 =	vld [tilespmem:s13+$0xFFFFFF10];
	_ =	sdelay $0x1  }
0x413: {  	[tilespmem:s9+$0x90] =	vst v0  }
0x414: {  	[tilespmem:s9+$0x10] =	vst v2;
	v0 =	vld [tilespmem:s13+$0xA0]  }
0x415: {  	[tilespmem:s9+$0xFFFFFF90] =	vst v1;
	v2 =	vld [tilespmem:s13+$0x20]  }
0x416: {  	[tilespmem:s9+$0xFFFFFF10] =	vst v3;
	v1 =	vld [tilespmem:s13+$0xFFFFFFA0]  }
0x417: {  	v3 =	vld [tilespmem:s13+$0xFFFFFF20];
	_ =	sdelay $0x1  }
0x418: {  	[tilespmem:s9+$0xA0] =	vst v0  }
0x419: {  	[tilespmem:s9+$0x20] =	vst v2;
	v0 =	vld [tilespmem:s13+$0xB0]  }
0x41a: {  	[tilespmem:s9+$0xFFFFFFA0] =	vst v1;
	v2 =	vld [tilespmem:s13+$0x30]  }
0x41b: {  	[tilespmem:s9+$0xFFFFFF20] =	vst v3;
	v1 =	vld [tilespmem:s13+$0xFFFFFFB0]  }
0x41c: {  	v3 =	vld [tilespmem:s13+$0xFFFFFF30];
	_ =	sdelay $0x1  }
0x41d: {  	[tilespmem:s9+$0xB0] =	vst v0  }
0x41e: {  	[tilespmem:s9+$0x30] =	vst v2;
	v0 =	vld [tilespmem:s13+$0xC0]  }
0x41f: {  	[tilespmem:s9+$0xFFFFFFB0] =	vst v1;
	v2 =	vld [tilespmem:s13+$0x40]  }
0x420: {  	[tilespmem:s9+$0xFFFFFF30] =	vst v3;
	v1 =	vld [tilespmem:s13+$0xFFFFFFC0]  }
0x421: {  	v3 =	vld [tilespmem:s13+$0xFFFFFF40]  }
0x422: {  	s10 =	sadd.s32 $0x200, s13  }
0x423: {  	v4 =	vld [tilespmem:s10+$0x80];
	[tilespmem:s9+$0xC0] =	vst v0  }
0x424: {  	[tilespmem:s9+$0x40] =	vst v2;
	v2 =	vld [tilespmem:s10+$0xFFFFFF80]  }
0x425: {  	[tilespmem:s9+$0xFFFFFFC0] =	vst v1;
	v0 =	vld [tilespmem:s13+$0xD0]  }
0x426: {  	[tilespmem:s9+$0xFFFFFF40] =	vst v3;
	v3 =	vld [tilespmem:s10+$0x0]  }
0x427: {  	s11 =	simm.s32 $0x8000;
	v1 =	vld [tilespmem:s13+$0xFFFFFFD0]  }
0x428: {  	v5 =	vld [tilespmem:s10+$0xFFFFFF00];
	[tilespmem:s11+$0x80] =	vst v4  }
0x429: {  	[tilespmem:s11+$0xFFFFFF80] =	vst v2;
	v2 =	vld [tilespmem:s10+$0x90]  }
0x42a: {  	[tilespmem:s9+$0xD0] =	vst v0;
	v4 =	vld [tilespmem:s10+$0xFFFFFF90]  }
0x42b: {  	[tilespmem:s11+$0x0] =	vst v3;
	v0 =	vld [tilespmem:s13+$0xE0]  }
0x42c: {  	[tilespmem:s9+$0xFFFFFFD0] =	vst v1;
	v1 =	vld [tilespmem:s13+$0xFFFFFF50]  }
0x42d: {  	[tilespmem:s11+$0xFFFFFF00] =	vst v5;
	v3 =	vld [tilespmem:s10+$0x10]  }
0x42e: {  	v5 =	vld [tilespmem:s10+$0xFFFFFF10];
	[tilespmem:s11+$0x90] =	vst v2  }
0x42f: {  	[tilespmem:s11+$0xFFFFFF90] =	vst v4;
	v2 =	vld [tilespmem:s10+$0xA0]  }
0x430: {  	[tilespmem:s9+$0xE0] =	vst v0;
	v4 =	vld [tilespmem:s10+$0xFFFFFFA0]  }
0x431: {  	[tilespmem:s9+$0xFFFFFF50] =	vst v1;
	v0 =	vld [tilespmem:s13+$0xF0]  }
0x432: {  	v1 =	vld [tilespmem:s13+$0x50];
	[tilespmem:s11+$0x10] =	vst v3  }
0x433: {  	[tilespmem:s11+$0xFFFFFF10] =	vst v5;
	v3 =	vld [tilespmem:s10+$0x20]  }
0x434: {  	v5 =	vld [tilespmem:s10+$0xFFFFFF20];
	[tilespmem:s11+$0xA0] =	vst v2  }
0x435: {  	[tilespmem:s11+$0xFFFFFFA0] =	vst v4;
	v2 =	vld [tilespmem:s10+$0xB0]  }
0x436: {  	[tilespmem:s9+$0xF0] =	vst v0;
	v0 =	vld [tilespmem:s13+$0xFFFFFF60]  }
0x437: {  	[tilespmem:s9+$0x50] =	vst v1;
	v4 =	vld [tilespmem:s10+$0xFFFFFFB0]  }
0x438: {  	v1 =	vld [tilespmem:s13+$0xFFFFFFE0];
	[tilespmem:s11+$0x20] =	vst v3  }
0x439: {  	[tilespmem:s11+$0xFFFFFF20] =	vst v5;
	v3 =	vld [tilespmem:s10+$0x30]  }
0x43a: {  	v5 =	vld [tilespmem:s10+$0xFFFFFF30];
	[tilespmem:s11+$0xB0] =	vst v2  }
0x43b: {  	[tilespmem:s9+$0xFFFFFF60] =	vst v0;
	v0 =	vld [tilespmem:s13+$0x60]  }
0x43c: {  	[tilespmem:s11+$0xFFFFFFB0] =	vst v4;
	v4 =	vld [tilespmem:s10+$0xC0]  }
0x43d: {  	[tilespmem:s9+$0xFFFFFFE0] =	vst v1;
	v1 =	vld [tilespmem:s13+$0xFFFFFF70]  }
0x43e: {  	[tilespmem:s11+$0x30] =	vst v3;
	v6 =	vld [tilespmem:s10+$0xFFFFFFC0]  }
0x43f: {  	[tilespmem:s11+$0xFFFFFF30] =	vst v5;
	v5 =	vld [tilespmem:s10+$0x40]  }
0x440: {  	v2 =	vld [tilespmem:s10+$0xFFFFFF40];
	[tilespmem:s9+$0x60] =	vst v0  }
0x441: {  	v0 =	vld [tilespmem:s13+$0xFFFFFFF0];
	[tilespmem:s11+$0xC0] =	vst v4  }
0x442: {  	[tilespmem:s9+$0xFFFFFF70] =	vst v1;
	v1 =	vld [tilespmem:s13+$0x70]  }
0x443: {  	s4 =	sadd.s32 $0x5D40, s8;
	[tilespmem:s11+$0xFFFFFFC0] =	vst v6;
	v3 =	vld [tilespmem:s10+$0xD0]  }
0x444: {  	s8 =	sadd.s32 $0x4D40, s8;
	s14 =	sadd.s32 $0x200, s10;
	s13 =	simm.s32 $0x4;
	[tilespmem:s11+$0x40] =	vst v5;
	v4 =	vld [tilespmem:s10+$0xFFFFFFD0]  }
.LBB2_9:
0x445: {  	v5 =	vld [tilespmem:s14+$0x80];
	s13 =	sadd.s32 $0x4, s13;
	[tilespmem:s11+$0xFFFFFF40] =	vst v2  }
0x446: {  	v2 =	vld [tilespmem:s14+$0xFFFFFF80];
	p1 =	slt.u32 s13, $0xC;
	[tilespmem:s9+$0xFFFFFFF0] =	vst v0  }
0x447: {  	v0 =	vld [tilespmem:s14+$0x0];
	[tilespmem:s9+$0x70] =	vst v1;
	s9 =	smov.u32 s11  }
0x448: {  	v1 =	vld [tilespmem:s14+$0xFFFFFF00];
	[tilespmem:s11+$0xD0] =	vst v3  }
0x449: {  	s11 =	sadd.s32 $0x200, s11;
	[tilespmem:s9+$0xFFFFFFD0] =	vst v4;
	v3 =	vld [tilespmem:s10+$0xE0]  }
0x44a: {  	[tilespmem:s11+$0x80] =	vst v5;
	v4 =	vld [tilespmem:s10+$0xFFFFFF50]  }
0x44b: {  	[tilespmem:s11+$0xFFFFFF80] =	vst v2;
	v2 =	vld [tilespmem:s14+$0x90]  }
0x44c: {  	v5 =	vld [tilespmem:s14+$0xFFFFFF90];
	[tilespmem:s11+$0x0] =	vst v0  }
0x44d: {  	[tilespmem:s11+$0xFFFFFF00] =	vst v1;
	v0 =	vld [tilespmem:s14+$0x10]  }
0x44e: {  	v1 =	vld [tilespmem:s14+$0xFFFFFF10];
	[tilespmem:s9+$0xE0] =	vst v3  }
0x44f: {  	[tilespmem:s9+$0xFFFFFF50] =	vst v4;
	v3 =	vld [tilespmem:s10+$0xF0]  }
0x450: {  	[tilespmem:s11+$0x90] =	vst v2;
	v2 =	vld [tilespmem:s10+$0x50]  }
0x451: {  	[tilespmem:s11+$0xFFFFFF90] =	vst v5;
	v4 =	vld [tilespmem:s14+$0xA0]  }
0x452: {  	v5 =	vld [tilespmem:s14+$0xFFFFFFA0];
	[tilespmem:s11+$0x10] =	vst v0  }
0x453: {  	[tilespmem:s11+$0xFFFFFF10] =	vst v1;
	v0 =	vld [tilespmem:s14+$0x20]  }
0x454: {  	v1 =	vld [tilespmem:s14+$0xFFFFFF20];
	[tilespmem:s9+$0xF0] =	vst v3  }
0x455: {  	v3 =	vld [tilespmem:s10+$0xFFFFFF60];
	[tilespmem:s9+$0x50] =	vst v2  }
0x456: {  	[tilespmem:s11+$0xA0] =	vst v4;
	v2 =	vld [tilespmem:s10+$0xFFFFFFE0]  }
0x457: {  	[tilespmem:s11+$0xFFFFFFA0] =	vst v5;
	v4 =	vld [tilespmem:s14+$0xB0]  }
0x458: {  	v5 =	vld [tilespmem:s14+$0xFFFFFFB0];
	[tilespmem:s11+$0x20] =	vst v0  }
0x459: {  	[tilespmem:s11+$0xFFFFFF20] =	vst v1;
	v0 =	vld [tilespmem:s14+$0x30]  }
0x45a: {  	v1 =	vld [tilespmem:s14+$0xFFFFFF30];
	[tilespmem:s9+$0xFFFFFF60] =	vst v3  }
0x45b: {  	[tilespmem:s9+$0xFFFFFFE0] =	vst v2;
	v3 =	vld [tilespmem:s10+$0x60]  }
0x45c: {  	[tilespmem:s11+$0xB0] =	vst v4;
	v4 =	vld [tilespmem:s10+$0xFFFFFF70]  }
0x45d: {  	[tilespmem:s11+$0xFFFFFFB0] =	vst v5;
	v5 =	vld [tilespmem:s14+$0xC0]  }
0x45e: {  	v6 =	vld [tilespmem:s14+$0xFFFFFFC0];
	[tilespmem:s11+$0x30] =	vst v0  }
0x45f: {  	[tilespmem:s11+$0xFFFFFF30] =	vst v1;
	v7 =	vld [tilespmem:s14+$0x40]  }
.Ltmp3:
0x460: {  	v2 =	vld [tilespmem:s14+$0xFFFFFF40];
	[tilespmem:s9+$0x60] =	vst v3;
	(pc) =	sbr.rel @p1 .LBB2_9-.Ltmp3, $4  }
0x461: {  	[tilespmem:s9+$0xFFFFFF70] =	vst v4;
	v0 =	vld [tilespmem:s10+$0xFFFFFFF0]  }
0x462: {  	[tilespmem:s11+$0xC0] =	vst v5;
	v1 =	vld [tilespmem:s10+$0x70];
	s10 =	smov.u32 s14  }
0x463: {  	[tilespmem:s11+$0xFFFFFFC0] =	vst v6;
	v3 =	vld [tilespmem:s14+$0xD0]  }
0x464: {  	s14 =	sadd.s32 $0x200, s14;
	v4 =	vld [tilespmem:s10+$0xFFFFFFD0];
	[tilespmem:s11+$0x40] =	vst v7  }
0x465: {  	[tilespmem:s11+$0xFFFFFF40] =	vst v2;
	v5 =	vld [tilespmem:s10+$0x50]  }
0x466: {  	v2 =	vld [tilespmem:s10+$0xFFFFFF50];
	_ =	sdelay $0x1  }
0x467: {  	[tilespmem:s11+$0xD0] =	vst v3  }
0x468: {  	v3 =	vld [tilespmem:s10+$0xE0];
	[tilespmem:s11+$0xFFFFFFD0] =	vst v4  }
0x469: {  	[tilespmem:s11+$0x50] =	vst v5;
	v4 =	vld [tilespmem:s10+$0xFFFFFFE0]  }
0x46a: {  	[tilespmem:s11+$0xFFFFFF50] =	vst v2;
	v5 =	vld [tilespmem:s10+$0x60]  }
0x46b: {  	v2 =	vld [tilespmem:s10+$0xFFFFFF60];
	_ =	sdelay $0x1  }
0x46c: {  	[tilespmem:s11+$0xE0] =	vst v3  }
0x46d: {  	v61 =	vld [tilespmem:s10+$0xF0];
	[tilespmem:s11+$0xFFFFFFE0] =	vst v4  }
0x46e: {  	[tilespmem:s11+$0x60] =	vst v5;
	v4 =	vld [tilespmem:s10+$0xFFFFFFF0]  }
0x46f: {  	[tilespmem:s11+$0xFFFFFF60] =	vst v2;
	v63 =	vld [tilespmem:s10+$0x70]  }
0x470: {  	[tilespmem:s9+$0xFFFFFFF0] =	vst v0;
	v62 =	vld [tilespmem:s10+$0xFFFFFF70]  }
0x471: {  	[tilespmem:s9+$0x70] =	vst v1  }
0x472: {  	[tilespmem:s11+$0xF0] =	vst v61  }
0x473: {  	[tilespmem:s11+$0xFFFFFFF0] =	vst v4  }
0x474: {  	[tilespmem:s11+$0x70] =	vst v63  }
0x475: {  	s13 =	simm.s32 $0x8D00;
	[tilespmem:s11+$0xFFFFFF70] =	vst v62;
	s11 =	simm.s32 $0x7D00  }
0x476: {  	[tilespmem:s13], [sflag:$0x2] =	stream.indirect.gather [hbm4b:s5+s16], $0x10, s11, s16, $0xb8;
	[tilespmem:$0x10D00] =	vst v63  }
0x477: {  	s14 =	simm.s32 $0x7D80;
	s22 =	simm.s32 $0x9500  }
0x478: {  	[tilespmem:s22], [sflag:$0x2] =	stream.indirect.gather [hbm4b:s5+s16], $0x10, s14, s16, $0xb8;
	[tilespmem:$0x10D00] =	vst v63  }
0x479: {  	s26 =	simm.s32 $0x7E00;
	s31 =	simm.s32 $0x9D00  }
0x47a: {  	[tilespmem:s31], [sflag:$0x2] =	stream.indirect.gather [hbm4b:s5+s16], $0x10, s26, s16, $0xb8;
	[tilespmem:$0x10D00] =	vst v63  }
0x47b: {  	s11 =	simm.s32 $0x7E80;
	s13 =	simm.s32 $0xA500  }
0x47c: {  	[tilespmem:s13], [sflag:$0x2] =	stream.indirect.gather [hbm4b:s5+s16], $0x10, s11, s16, $0xb8;
	[tilespmem:$0x10D00] =	vst v63  }
0x47d: {  	s14 =	simm.s32 $0x7F00;
	s22 =	simm.s32 $0xAD00  }
0x47e: {  	[tilespmem:s22], [sflag:$0x2] =	stream.indirect.gather [hbm4b:s5+s16], $0x10, s14, s16, $0xb8;
	[tilespmem:$0x10D00] =	vst v63  }
0x47f: {  	s26 =	simm.s32 $0x7F80;
	s31 =	simm.s32 $0xB500  }
0x480: {  	[tilespmem:s31], [sflag:$0x2] =	stream.indirect.gather [hbm4b:s5+s16], $0x10, s26, s16, $0xb8;
	[tilespmem:$0x10D00] =	vst v63  }
0x481: {  	s11 =	simm.s32 $0x8000;
	s13 =	simm.s32 $0xBD00  }
0x482: {  	[tilespmem:s13], [sflag:$0x2] =	stream.indirect.gather [hbm4b:s5+s16], $0x10, s11, s16, $0xb8;
	[tilespmem:$0x10D00] =	vst v63  }
0x483: {  	s14 =	simm.s32 $0x8080;
	s22 =	simm.s32 $0xC500  }
0x484: {  	[tilespmem:s22], [sflag:$0x2] =	stream.indirect.gather [hbm4b:s5+s16], $0x10, s14, s16, $0xb8;
	[tilespmem:$0x10D00] =	vst v63  }
0x485: {  	s26 =	simm.s32 $0x8100;
	s31 =	simm.s32 $0xCD00  }
0x486: {  	[tilespmem:s31], [sflag:$0x2] =	stream.indirect.gather [hbm4b:s5+s16], $0x10, s26, s16, $0xb8;
	[tilespmem:$0x10D00] =	vst v63  }
0x487: {  	s11 =	simm.s32 $0x8180;
	s13 =	simm.s32 $0xD500  }
0x488: {  	[tilespmem:s13], [sflag:$0x2] =	stream.indirect.gather [hbm4b:s5+s16], $0x10, s11, s16, $0xb8;
	[tilespmem:$0x10D00] =	vst v63  }
0x489: {  	s14 =	simm.s32 $0x8200;
	s22 =	simm.s32 $0xDD00  }
0x48a: {  	[tilespmem:s22], [sflag:$0x2] =	stream.indirect.gather [hbm4b:s5+s16], $0x10, s14, s16, $0xb8;
	[tilespmem:$0x10D00] =	vst v63  }
0x48b: {  	s26 =	simm.s32 $0x8280  }
0x48c: {  	[tilespmem:s0], [sflag:$0x2] =	stream.indirect.gather [hbm4b:s5+s16], $0x10, s26, s16, $0xb8;
	[tilespmem:$0x10D00] =	vst v63  }
0x48d: {  	_ = 	snop  }
0x48e: {  	[tilespmem:s2], [sflag:$0x2] =	stream.indirect.gather [hbm4b:s5+s16], $0x10, s1, s16, $0xb8;
	[tilespmem:$0x10D00] =	vst v63  }
0x48f: {  	_ = 	snop  }
0x490: {  	[tilespmem:s19], [sflag:$0x2] =	stream.indirect.gather [hbm4b:s5+s16], $0x10, s17, s16, $0xb8;
	[tilespmem:$0x10D00] =	vst v63  }
0x491: {  	s9 =	simm.s32 $0x0;
	s31 =	sshll.u32 s18, $0x3  }
0x492: {  	[tilespmem:s21], [sflag:$0x2] =	stream.indirect.gather [hbm4b:s5+s16], $0x10, s20, s16, $0xb8;
	[tilespmem:$0x10D00] =	vst v63  }
0x493: {  	s10 =	simm.s32 $0x9100;
	[dreg:$0x5] =	wrdreg s31;
	s11 =	simm.s32 $0x0  }
0x494: {  	[tilespmem:s28], [sflag:$0x2] =	stream.indirect.gather [hbm4b:s5+s16], $0x10, s25, s16, $0xb8;
	[tilespmem:$0x10D00] =	vst v63  }
.LBB2_11:
0x495: {  	_ =	swait.ge [sflag:s29], $0x800  }
0x496: {  	[sflag:s29] =	ssyncset.done $0x0  }
0x497: {  	[sflag:s29] =	ssyncadd.s32 $0xFFFFF800  }
0x498: {  	v0 =	vld [tilespmem:s4+$0xFFFFFFC0];
	_ =	sdelay $0x2  }
0x499: {  	s14 =	sshrl.u32 s11, $0x1;
	s13 =	rddreg [dreg:$0x5]  }
0x49a: {  	s13 =	sadd.s32 s13, s14  }
0x49b: {  	s13 =	sshll.u32 s13, $0x5;
	v1 =	vand.u32 $0xFFFFFFF8, v0  }
0x49c: {  	v0 =	vand.u32 $0x7, v0;
	v1 =	vadd.s32 s13, v1  }
0x49d: {  	v0 =	vor.u32 v0, v1;
	_ =	sdelay $0x4  }
0x49e: {  	v0 =	vld.idx.msk [tilespmem:v0+s24+$0x0], $0xffff;
	_ =	sdelay $0x4  }
0x49f: {  	(xrf0) =	vmax.scan.msk.f32 $0xffff, v0;
	_ =	sdelay $0x5  }
0x4a0: {  	v42, _, _ =	vpop (xrf0)  }
0x4a1: {  	v2 =	vld [tilespmem:s4+$0xFFFFFFD0];
	v1 =	vbroadcast v42, $0xF;
	_ =	sdelay $0x1  }
0x4a2: {  	v0 =	vsub.f32 v0, v1;
	_ =	sdelay $0x1  }
0x4a3: {  	v0 =	vmul.f32 $1.442695020e+00, v0  }
0x4a4: {  	v43 =	vand.u32 $0xFFFFFFF8, v2  }
0x4a5: {  	v44 =	vand.u32 $0x7, v2;
	v1 =	vadd.s32 s13, v43;
	(erf) = vpow2.f32 v0  }
0x4a6: {  	v0 =	vor.u32 v44, v1;
	_ =	sdelay $0x4  }
0x4a7: {  	v0 =	vld.idx.msk [tilespmem:v0+s24+$0x0], $0xffff;
	_ =	sdelay $0x2  }
0x4a8: {  	v3 =	vpop (erf)  }
0x4a9: {  	(xrf2) =	vadd.scan.msk.f32 $0xffff, v3  }
0x4aa: {  	(xrf0) =	vmax.scan.msk.f32 $0xffff, v0;
	_ =	sdelay $0x5  }
0x4ab: {  	v45, _, _ =	vpop (xrf0)  }
0x4ac: {  	v46 =	vld [tilespmem:s4+$0xFFFFFFE0];
	v1 =	vbroadcast v45, $0xF;
	_ =	sdelay $0x1  }
0x4ad: {  	v0 =	vsub.f32 v0, v1;
	v4, _, _ =	vpop (xrf2)  }
0x4ae: {  	v47 =	vbroadcast v4, $0xF  }
0x4af: {  	v0 =	vmul.f32 $1.442695020e+00, v0  }
0x4b0: {  	v48 =	vand.u32 $0xFFFFFFF8, v46;
	(erf) = vrcp.f32 v47  }
0x4b1: {  	v49 =	vand.u32 $0x7, v46;
	v1 =	vadd.s32 s13, v48;
	(erf) = vpow2.f32 v0  }
0x4b2: {  	v0 =	vor.u32 v49, v1;
	_ =	sdelay $0x4  }
0x4b3: {  	v50 =	vld.idx.msk [tilespmem:v0+s24+$0x0], $0xffff;
	_ =	sdelay $0x1  }
0x4b4: {  	v0 =	vpop (erf)  }
0x4b5: {  	v1 =	vpop (erf)  }
0x4b6: {  	(xrf2) =	vadd.scan.msk.f32 $0xffff, v1  }
0x4b7: {  	(xrf0) =	vmax.scan.msk.f32 $0xffff, v50;
	_ =	sdelay $0x5  }
0x4b8: {  	v9 =	vld [tilespmem:s4+$0xFFFFFFF0];
	v7, _, _ =	vpop (xrf0)  }
0x4b9: {  	v7 =	vbroadcast v7, $0xF  }
0x4ba: {  	v51 =	vld [tilespmem:s10+$0xFFFFFC00]  }
0x4bb: {  	v5 =	vld [tilespmem:s10+$0xFFFFFC10];
	v2 =	vsub.f32 v50, v7;
	v13, _, _ =	vpop (xrf2)  }
0x4bc: {  	v6 =	vld [tilespmem:s10+$0xFFFFFC20];
	v54 =	vbroadcast v13, $0xF  }
0x4bd: {  	v10 =	vld [tilespmem:s10+$0xFFFFFC30];
	v57 =	vand.u32 $0xFFFFFFF8, v9;
	v8 =	vbroadcast v3, $0x0;
	v2 =	vmul.f32 $1.442695020e+00, v2  }
0x4be: {  	v12 =	vld [tilespmem:s10+$0xFFFFFC40];
	v58 =	vand.u32 $0x7, v9;
	v11 =	vbroadcast v3, $0x1;
	(erf) = vrcp.f32 v54  }
0x4bf: {  	v15 =	vld [tilespmem:s10+$0xFFFFFC80];
	v59 =	vadd.s32 s13, v57;
	v52 =	vbroadcast v3, $0x2;
	(erf) = vpow2.f32 v2  }
0x4c0: {  	v60 =	vld [tilespmem:s10+$0xFFFFFC90];
	v14 =	vbroadcast v3, $0x3;
	v16 =	vbroadcast v3, $0x4;
	v2 =	vor.u32 v58, v59  }
0x4c1: {  	v61 =	vld [tilespmem:s10+$0xFFFFFCA0];
	v17 =	vbroadcast v3, $0x5;
	v62 =	vbroadcast v3, $0x6  }
0x4c2: {  	v18 =	vld [tilespmem:s10+$0xFFFFFCB0];
	v27 =	vbroadcast v3, $0x7;
	v19 =	vbroadcast v3, $0x8  }
0x4c3: {  	v63 =	vld [tilespmem:s10+$0xFFFFFCC0];
	v20 =	vbroadcast v3, $0x9;
	v29 =	vbroadcast v3, $0xA  }
0x4c4: {  	v22 =	vld [tilespmem:s10+$0xFFFFFCE0];
	v32 =	vbroadcast v3, $0xB;
	v33 =	vbroadcast v3, $0xC  }
0x4c5: {  	v23 =	vbroadcast v3, $0xD;
	v35 =	vbroadcast v3, $0xE;
	v21 =	vld.idx.msk [tilespmem:v2+s24+$0x0], $0xffff  }
0x4c6: {  	v30 =	vld [tilespmem:s10+$0xFFFFFCF0];
	v3 =	vbroadcast v3, $0xF;
	v5 =	vmul.f32 v11, v5  }
0x4c7: {  	v56 =	vld [tilespmem:s10+$0xFFFFFC70];
	v6 =	vmul.f32 v52, v6;
	v10 =	vmul.f32 v14, v10;
	v14 =	vpop (erf)  }
0x4c8: {  	v12 =	vmul.f32 v16, v12;
	v15 =	vmul.f32 v15, v19;
	v2 =	vpop (erf)  }
0x4c9: {  	v11 =	vmul.f32 v60, v20;
	v31 =	vmul.f32 v61, v29;
	(xrf2) =	vadd.scan.msk.f32 $0xffff, v2  }
0x4ca: {  	v34 =	vmul.f32 v18, v32;
	v16 =	vmul.f32 v63, v33;
	(xrf0) =	vmax.scan.msk.f32 $0xffff, v21  }
0x4cb: {  	v53 =	vld [tilespmem:s10+$0xFFFFFC50];
	v9 =	vmul.f32 v22, v35;
	v3 =	vmul.f32 v30, v3  }
0x4cc: {  	v28 =	vld [tilespmem:s10+$0xFFFFFCD0];
	v4 =	vmul.f32 v8, v51;
	v8 =	vmul.f32 v56, v27  }
0x4cd: {  	v55 =	vld [tilespmem:s10+$0xFFFFFC60];
	v11 =	vadd.f32 v11, v15;
	v40 =	vbroadcast v1, $0x0;
	v41 =	vbroadcast v1, $0x1  }
0x4ce: {  	v24 =	vld [tilespmem:s10+$0xFFFFFD00];
	v4 =	vadd.f32 v5, v4;
	v43 =	vbroadcast v1, $0x2;
	v46 =	vbroadcast v1, $0x3  }
0x4cf: {  	v36 =	vld [tilespmem:s10+$0xFFFFFD10];
	v5 =	vadd.f32 v31, v11;
	v47 =	vbroadcast v1, $0x4;
	v48 =	vbroadcast v1, $0x5  }
0x4d0: {  	v37 =	vld [tilespmem:s10+$0xFFFFFD20];
	v57 =	vbroadcast v1, $0x7;
	v7 =	vmul.f32 v17, v53;
	v49, _, _ =	vpop (xrf0)  }
0x4d1: {  	v51 =	vld [tilespmem:s4+$0x0];
	v5 =	vadd.f32 v34, v5;
	v17 =	vmul.f32 v28, v23;
	v23 =	vbroadcast v49, $0xF  }
0x4d2: {  	v38 =	vld [tilespmem:s10+$0xFFFFFD30];
	v25 =	vbroadcast v1, $0x9;
	v13 =	vmul.f32 v55, v62;
	v7 =	vadd.f32 v7, v12  }
0x4d3: {  	v39 =	vld [tilespmem:s10+$0xFFFFFD40];
	v30 =	vbroadcast v1, $0xD;
	v32 =	vbroadcast v1, $0xA;
	v55 =	vsub.f32 v21, v23;
	v54, _, _ =	vpop (xrf2)  }
0x4d4: {  	v26 =	vld [tilespmem:s10+$0xFFFFFDA0];
	v34 =	vbroadcast v1, $0xE;
	v7 =	vadd.f32 v7, v13;
	v13 =	vbroadcast v54, $0xF  }
0x4d5: {  	v42 =	vld [tilespmem:s10+$0xFFFFFD50];
	v4 =	vadd.f32 v4, v6;
	v22 =	vmul.f32 v40, v24;
	v19 =	vmul.f32 $1.442695020e+00, v55  }
0x4d6: {  	v44 =	vld [tilespmem:s10+$0xFFFFFD60];
	v61 =	vand.u32 $0xFFFFFFF8, v51;
	v18 =	vmul.f32 v41, v36;
	(erf) = vrcp.f32 v13  }
0x4d7: {  	v52 =	vld [tilespmem:s10+$0xFFFFFD70];
	v62 =	vand.u32 $0x7, v51;
	v13 =	vadd.s32 s13, v61;
	(erf) = vpow2.f32 v19  }
0x4d8: {  	v60 =	vld [tilespmem:s10+$0xFFFFFDD0];
	v45 =	vmul.f32 v43, v37;
	v16 =	vadd.f32 v17, v16;
	v13 =	vor.u32 v62, v13  }
0x4d9: {  	v56 =	vld [tilespmem:s10+$0xFFFFFD90];
	v4 =	vadd.f32 v4, v10;
	v10 =	vmul.f32 v46, v38;
	v36 =	vbroadcast v1, $0xB  }
0x4da: {  	v31 =	vld [tilespmem:s10+$0xFFFFFDF0];
	v50 =	vbroadcast v1, $0x6;
	v28 =	vbroadcast v1, $0xC;
	v9 =	vadd.f32 v9, v16  }
0x4db: {  	v53 =	vld [tilespmem:s10+$0xFFFFFD80];
	v59 =	vbroadcast v1, $0x8;
	v1 =	vbroadcast v1, $0xF  }
0x4dc: {  	v29 =	vld [tilespmem:s10+$0xFFFFFDB0];
	v15 =	vmul.f32 v48, v42;
	v7 =	vadd.f32 v7, v8;
	v9 =	vadd.f32 v3, v9  }
0x4dd: {  	v33 =	vmul.f32 v60, v30;
	v35 =	vmul.f32 v26, v32;
	v18 =	vadd.f32 v18, v22;
	v13 =	vld.idx.msk [tilespmem:v13+s24+$0x0], $0xffff  }
0x4de: {  	v37 =	vmul.f32 v52, v57;
	v58 =	vld [tilespmem:s10+$0xFFFFFDC0];
	v4 =	vadd.f32 v7, v4;
	v5 =	vadd.f32 v9, v5  }
0x4df: {  	v11 =	vadd.f32 v18, v45;
	v8 =	vmul.f32 v47, v39;
	v39 =	vmul.f32 v31, v1;
	v1 =	vpop (erf)  }
0x4e0: {  	v63 =	vld [tilespmem:s10+$0xFFFFFDE0];
	v16 =	vmul.f32 v56, v25;
	v12 =	vmul.f32 v53, v59;
	v4 =	vadd.f32 v5, v4;
	v3 =	vpop (erf)  }
0x4e1: {  	v38 =	vmul.f32 v29, v36;
	v6 =	vmul.f32 v44, v50;
	v8 =	vadd.f32 v15, v8;
	(xrf2) =	vadd.scan.msk.f32 $0xffff, v3  }
0x4e2: {  	v42 =	vld [tilespmem:s10+$0xFFFFFE00];
	v10 =	vadd.f32 v11, v10;
	v12 =	vadd.f32 v16, v12;
	v11 =	vmul.f32 v4, v0;
	(xrf0) =	vmax.scan.msk.f32 $0xffff, v13  }
0x4e3: {  	v43 =	vld [tilespmem:s10+$0xFFFFFE10];
	v6 =	vadd.f32 v8, v6;
	v45 =	vbroadcast v2, $0x0;
	v21 =	vmul.f32 v58, v28  }
0x4e4: {  	v46 =	vld [tilespmem:s10+$0xFFFFFE30];
	v12 =	vadd.f32 v35, v12;
	v50 =	vbroadcast v2, $0x2;
	v52 =	vbroadcast v2, $0x3  }
0x4e5: {  	v48 =	vld [tilespmem:s10+$0xFFFFFE50];
	v56 =	vbroadcast v2, $0x4;
	v15 =	vadd.f32 v33, v21;
	v19 =	vmul.f32 v63, v34  }
0x4e6: {  	v60 =	vld [tilespmem:s10+$0xFFFFFE90];
	v40 =	vadd.f32 v38, v12;
	v59 =	vbroadcast v2, $0x5;
	v35 =	vbroadcast v2, $0x6  }
0x4e7: {  	v32 =	vld [tilespmem:s10+$0xFFFFFEB0];
	v36 =	vbroadcast v2, $0x7;
	v38 =	vbroadcast v2, $0x8;
	v15 =	vadd.f32 v19, v15  }
0x4e8: {  	v30 =	vld [tilespmem:s10+$0xFFFFFF30];
	v6 =	vadd.f32 v6, v37;
	v27 =	vbroadcast v2, $0xD;
	v29 =	vbroadcast v2, $0xF;
	v51, _, _ =	vpop (xrf0)  }
0x4e9: {  	v53 =	vld [tilespmem:s4+$0x10];
	v7 =	vmul.f32 v45, v42;
	v41 =	vadd.f32 v39, v15;
	v15 =	vbroadcast v51, $0xF  }
0x4ea: {  	v47 =	vld [tilespmem:s10+$0xFFFFFE40];
	v6 =	vadd.f32 v6, v10;
	v10 =	vmul.f32 v59, v48;
	v42 =	vbroadcast v2, $0xA  }
0x4eb: {  	v45 =	vbroadcast v2, $0xC;
	v49 =	vbroadcast v2, $0x1;
	v54 =	vld [tilespmem:s10+$0xFFFFFE60];
	v13 =	vsub.f32 v13, v15;
	v57, _, _ =	vpop (xrf2)  }
0x4ec: {  	v48 =	vbroadcast v2, $0xE;
	v55 =	vld [tilespmem:s10+$0xFFFFFE70];
	v16 =	vbroadcast v57, $0xF  }
0x4ed: {  	v5 =	vmul.f32 v49, v43;
	v63 =	vld [tilespmem:s10+$0xFFFFFEA0];
	v62 =	vmul.f32 $1.442695020e+00, v13  }
0x4ee: {  	v31 =	vand.u32 $0xFFFFFFF8, v53;
	v43 =	vbroadcast v2, $0xB;
	v34 =	vld [tilespmem:s10+$0xFFFFFEC0];
	(erf) = vrcp.f32 v16  }
0x4ef: {  	v44 =	vld [tilespmem:s10+$0xFFFFFE20];
	v33 =	vand.u32 $0x7, v53;
	v13 =	vadd.s32 s13, v31;
	(erf) = vpow2.f32 v62  }
0x4f0: {  	v9 =	vld [tilespmem:s8+$0xFFFFFFC0];
	v61 =	vmul.f32 v56, v47;
	v8 =	vadd.f32 v41, v40;
	v0 =	vor.u32 v33, v13  }
0x4f1: {  	v37 =	vld [tilespmem:s10+$0xFFFFFED0];
	v18 =	vmul.f32 v54, v35;
	v39 =	vbroadcast v2, $0x9  }
0x4f2: {  	v59 =	vld [tilespmem:s10+$0xFFFFFFA0];
	v12 =	vmul.f32 v55, v36;
	v22 =	vmul.f32 v63, v42;
	v6 =	vadd.f32 v8, v6  }
0x4f3: {  	v17 =	vmul.f32 v34, v45;
	v40 =	vld [tilespmem:s10+$0xFFFFFEE0];
	v20 =	vmul.f32 v60, v39  }
0x4f4: {  	v41 =	vld [tilespmem:s10+$0xFFFFFEF0];
	v8 =	vmul.f32 v50, v44;
	v4 =	vmul.f32 v6, v14  }
0x4f5: {  	v14 =	vmul.f32 v52, v46;
	v52 =	vbroadcast v3, $0x2;
	v28 =	vld.idx.msk [tilespmem:v0+s24+$0x0], $0xffff  }
0x4f6: {  	v47 =	vld [tilespmem:s10+$0xFFFFFF20];
	v53 =	vbroadcast v3, $0x3;
	v55 =	vbroadcast v3, $0x4  }
0x4f7: {  	v10 =	vadd.f32 v10, v61;
	v54 =	vld [tilespmem:s10+$0xFFFFFF70];
	v56 =	vbroadcast v3, $0x5;
	v60 =	vbroadcast v3, $0x6;
	v0 =	vpop (erf)  }
0x4f8: {  	v5 =	vadd.f32 v5, v7;
	v50 =	vld [tilespmem:s10+$0xFFFFFF50];
	v61 =	vbroadcast v3, $0x7;
	v63 =	vbroadcast v3, $0x8;
	v6 =	vpop (erf)  }
0x4f9: {  	v58 =	vld [tilespmem:s10+$0xFFFFFE80];
	v10 =	vadd.f32 v10, v18;
	v39 =	vbroadcast v3, $0x9;
	v42 =	vbroadcast v3, $0xA;
	(xrf2) =	vadd.scan.msk.f32 $0xffff, v6  }
0x4fa: {  	v36 =	vld [tilespmem:s4+$0x20];
	v2 =	vadd.f32 v11, v9;
	v49 =	vmul.f32 v40, v48;
	v11 =	vmul.f32 v41, v29;
	(xrf0) =	vmax.scan.msk.f32 $0xffff, v28  }
0x4fb: {  	v10 =	vadd.f32 v10, v12;
	v24 =	vmul.f32 v52, v47;
	v26 =	vmul.f32 v53, v30;
	v51 =	vld [tilespmem:s10+$0xFFFFFF60]  }
0x4fc: {  	v5 =	vadd.f32 v5, v8;
	v8 =	vmul.f32 v54, v61;
	v12 =	vmul.f32 v59, v42;
	v31 =	vld [tilespmem:s10+$0xFFFFFF40]  }
0x4fd: {  	v25 =	vld [tilespmem:s8+$0xFFFFFFD0];
	v52 =	vbroadcast v3, $0xE;
	v19 =	vmul.f32 v56, v50  }
0x4fe: {  	v46 =	vld [tilespmem:s10+$0xFFFFFF10];
	v50 =	vbroadcast v3, $0xC;
	v15 =	vmul.f32 v58, v38  }
0x4ff: {  	v48 =	vand.u32 $0x7, v36;
	v58 =	vld [tilespmem:s10+$0xFFFFFF90];
	v13 =	vmul.f32 v37, v27;
	v33 =	vbroadcast v3, $0x1  }
0x500: {  	v44 =	vld [tilespmem:s10+$0xFFFFFF00];
	v5 =	vadd.f32 v5, v14;
	v21 =	vmul.f32 v51, v60;
	v51 =	vbroadcast v3, $0xD;
	v62, _, _ =	vpop (xrf0)  }
0x501: {  	v38 =	vld [tilespmem:s10+$0xFFFFFFC0];
	v15 =	vadd.f32 v20, v15;
	v27 =	vmul.f32 v55, v31;
	v31 =	vbroadcast v62, $0xF  }
0x502: {  	v5 =	vadd.f32 v10, v5;
	v57 =	vld [tilespmem:s10+$0xFFFFFF80];
	v16 =	vmul.f32 v32, v43;
	v32 =	vbroadcast v3, $0x0  }
0x503: {  	v35 =	vld [tilespmem:s10+$0x20];
	v15 =	vadd.f32 v22, v15;
	v23 =	vmul.f32 v33, v46;
	v28 =	vsub.f32 v28, v31;
	v40, _, _ =	vpop (xrf2)  }
0x504: {  	v41 =	vld [tilespmem:s10+$0xFFFFFFD0];
	v13 =	vadd.f32 v13, v17;
	v14 =	vmul.f32 v58, v39;
	v30 =	vbroadcast v40, $0xF  }
0x505: {  	v37 =	vld [tilespmem:s10+$0xFFFFFFB0];
	v46 =	vand.u32 $0xFFFFFFF8, v36;
	v7 =	vmul.f32 v32, v44;
	v44 =	vmul.f32 $1.442695020e+00, v28  }
0x506: {  	v43 =	vld [tilespmem:s10+$0xFFFFFFE0];
	v53 =	vmul.f32 v38, v50;
	v15 =	vadd.f32 v16, v15;
	(erf) = vrcp.f32 v30  }
0x507: {  	v45 =	vld [tilespmem:s10+$0xFFFFFFF0];
	v18 =	vmul.f32 v57, v63;
	v30 =	vadd.s32 s13, v46;
	(erf) = vpow2.f32 v44  }
0x508: {  	v34 =	vld [tilespmem:s10+$0x10];
	v9 =	vadd.f32 v49, v13;
	v49 =	vbroadcast v3, $0xB;
	v20 =	vor.u32 v48, v30  }
0x509: {  	v47 =	vld [tilespmem:s10+$0x0];
	v55 =	vmul.f32 v41, v51;
	v57 =	vbroadcast v3, $0xF;
	v3 =	vadd.f32 v4, v25  }
0x50a: {  	v54 =	vld [tilespmem:s10+$0x30];
	v7 =	vadd.f32 v23, v7;
	v9 =	vadd.f32 v11, v9;
	v11 =	vmul.f32 v37, v49  }
0x50b: {  	v58 =	vld [tilespmem:s10+$0x50];
	v13 =	vmul.f32 v43, v52;
	v19 =	vadd.f32 v19, v27;
	v14 =	vadd.f32 v14, v18  }
0x50c: {  	v63 =	vld [tilespmem:s10+$0x60];
	v10 =	vadd.f32 v55, v53;
	v59 =	vbroadcast v6, $0x0;
	v60 =	vbroadcast v6, $0x1  }
0x50d: {  	v7 =	vadd.f32 v7, v24;
	v61 =	vbroadcast v6, $0x2;
	v39 =	vbroadcast v6, $0x3;
	v20 =	vld.idx.msk [tilespmem:v20+s24+$0x0], $0xffff  }
0x50e: {  	v56 =	vld [tilespmem:s10+$0x40];
	v9 =	vadd.f32 v9, v15;
	v42 =	vbroadcast v6, $0x5;
	v43 =	vbroadcast v6, $0x6  }
0x50f: {  	v41 =	vld [tilespmem:s10+$0x90];
	v19 =	vadd.f32 v19, v21;
	v49 =	vbroadcast v6, $0x9;
	v50 =	vbroadcast v6, $0xA;
	v4 =	vpop (erf)  }
0x510: {  	v51 =	vld [tilespmem:s10+$0xD0];
	v12 =	vadd.f32 v12, v14;
	v55 =	vbroadcast v6, $0xC;
	v37 =	vmul.f32 v60, v34;
	v33 =	vpop (erf)  }
0x511: {  	v36 =	vld [tilespmem:s10+$0x70];
	v10 =	vadd.f32 v13, v10;
	v25 =	vmul.f32 v61, v35;
	v29 =	vmul.f32 v39, v54;
	(xrf2) =	vadd.scan.msk.f32 $0xffff, v33  }
0x512: {  	v52 =	vld [tilespmem:s10+$0xE0];
	v7 =	vadd.f32 v7, v26;
	v22 =	vmul.f32 v42, v58;
	v15 =	vmul.f32 v63, v43;
	(xrf0) =	vmax.scan.msk.f32 $0xffff, v20  }
0x513: {  	v38 =	vld [tilespmem:s10+$0x80];
	v5 =	vadd.f32 v9, v5;
	v62 =	vmul.f32 v45, v57;
	v57 =	vbroadcast v6, $0xD  }
0x514: {  	v11 =	vadd.f32 v11, v12;
	v24 =	vmul.f32 v41, v49;
	v54 =	vbroadcast v6, $0xB;
	v58 =	vld [tilespmem:s4+$0x30]  }
0x515: {  	v60 =	vbroadcast v6, $0xE;
	v45 =	vld [tilespmem:s10+$0xB0];
	v9 =	vadd.f32 v62, v10;
	v12 =	vmul.f32 v51, v57  }
0x516: {  	v53 =	vld [tilespmem:s10+$0xF0];
	v8 =	vadd.f32 v19, v8;
	v28 =	vmul.f32 v59, v47;
	v40 =	vbroadcast v6, $0x4  }
0x517: {  	v47 =	vbroadcast v6, $0x8;
	v9 =	vadd.f32 v9, v11;
	v11 =	vmul.f32 v52, v60;
	v44 =	vld [tilespmem:s10+$0xA0]  }
0x518: {  	v16 =	vmul.f32 v40, v56;
	v46 =	vbroadcast v6, $0x7;
	v48 =	vld [tilespmem:s10+$0xC0];
	v56, _, _ =	vpop (xrf0)  }
0x519: {  	v7 =	vadd.f32 v8, v7;
	v63 =	vld [tilespmem:s10+$0x120];
	v6 =	vbroadcast v6, $0xF;
	v32 =	vbroadcast v56, $0xF  }
0x51a: {  	v42 =	vld [tilespmem:s10+$0x140];
	v43 =	vand.u32 $0xFFFFFFF8, v58;
	v10 =	vmul.f32 v45, v54;
	v26 =	vmul.f32 v38, v47  }
0x51b: {  	v62 =	vld [tilespmem:s10+$0x110];
	v23 =	vmul.f32 v36, v46;
	v13 =	vmul.f32 v53, v6;
	v20 =	vsub.f32 v20, v32;
	v61, _, _ =	vpop (xrf2)  }
0x51c: {  	v59 =	vld [tilespmem:s10+$0x100];
	v45 =	vand.u32 $0x7, v58;
	v21 =	vmul.f32 v44, v50;
	v27 =	vbroadcast v61, $0xF  }
0x51d: {  	v52 =	vld [tilespmem:s10+$0x180];
	v49 =	vadd.f32 v37, v28;
	v18 =	vmul.f32 v48, v55;
	v41 =	vmul.f32 $1.442695020e+00, v20  }
0x51e: {  	v60 =	vld [tilespmem:s10+$0x1B0];
	v16 =	vadd.f32 v22, v16;
	v47 =	vbroadcast v33, $0x0;
	(erf) = vrcp.f32 v27  }
0x51f: {  	v40 =	vld [tilespmem:s10+$0x130];
	v48 =	vbroadcast v33, $0x1;
	v20 =	vadd.s32 s13, v43;
	(erf) = vpow2.f32 v41  }
0x520: {  	v46 =	vld [tilespmem:s10+$0x160];
	v51 =	vbroadcast v33, $0x2;
	v36 =	vbroadcast v33, $0x3;
	v17 =	vor.u32 v45, v20  }
0x521: {  	v24 =	vadd.f32 v24, v26;
	v53 =	vld [tilespmem:s10+$0x190];
	v57 =	vbroadcast v33, $0x5;
	v58 =	vbroadcast v33, $0x6  }
0x522: {  	v54 =	vadd.f32 v16, v15;
	v50 =	vld [tilespmem:s10+$0x170];
	v37 =	vbroadcast v33, $0xB;
	v19 =	vmul.f32 v47, v59  }
0x523: {  	v44 =	vld [tilespmem:s10+$0x150];
	v12 =	vadd.f32 v12, v18;
	v31 =	vmul.f32 v48, v62;
	v30 =	vmul.f32 v51, v63  }
0x524: {  	v55 =	vld [tilespmem:s10+$0x1A0];
	v21 =	vadd.f32 v21, v24;
	v14 =	vmul.f32 v36, v40;
	v59 =	vbroadcast v33, $0x7  }
0x525: {  	v11 =	vadd.f32 v11, v12;
	v63 =	vbroadcast v33, $0x8;
	v40 =	vbroadcast v33, $0x9;
	v17 =	vld.idx.msk [tilespmem:v17+s24+$0x0], $0xffff  }
0x526: {  	v10 =	vadd.f32 v10, v21;
	v62 =	vld [tilespmem:s10+$0x1D0];
	v21 =	vmul.f32 v60, v37;
	v48 =	vbroadcast v33, $0xE  }
0x527: {  	v8 =	vadd.f32 v54, v23;
	v28 =	vmul.f32 v50, v59;
	v56 =	vbroadcast v33, $0x4;
	v61 =	vld [tilespmem:s10+$0x1C0];
	v6 =	vpop (erf)  }
0x528: {  	v11 =	vadd.f32 v13, v11;
	v12 =	vmul.f32 v52, v63;
	v27 =	vmul.f32 v57, v44;
	v44 =	vld [tilespmem:s10+$0x1F0];
	v35 =	vpop (erf)  }
0x529: {  	v16 =	vmul.f32 v56, v42;
	v42 =	vbroadcast v33, $0xA;
	v20 =	vadd.f32 v49, v25;
	v41 =	vld [tilespmem:s10+$0x1E0];
	(xrf2) =	vadd.scan.msk.f32 $0xffff, v35  }
0x52a: {  	v19 =	vadd.f32 v31, v19;
	v43 =	vmul.f32 v53, v40;
	v45 =	vbroadcast v33, $0xC;
	(xrf0) =	vmax.scan.msk.f32 $0xffff, v17  }
0x52b: {  	v20 =	vadd.f32 v20, v29;
	v29 =	vmul.f32 v46, v58;
	v46 =	vbroadcast v33, $0xD  }
0x52c: {  	v19 =	vadd.f32 v19, v30;
	v15 =	vmul.f32 v55, v42;
	v33 =	vbroadcast v33, $0xF  }
0x52d: {  	v38 =	vld [tilespmem:s10+$0x270];
	v10 =	vadd.f32 v11, v10;
	v50 =	vmul.f32 v61, v45;
	v51 =	vmul.f32 v62, v46  }
0x52e: {  	v47 =	vld [tilespmem:s10+$0x200];
	v14 =	vadd.f32 v19, v14;
	v54 =	vmul.f32 v44, v33;
	v53 =	vmul.f32 v41, v48  }
0x52f: {  	v60 =	vld [tilespmem:s10+$0x240];
	v12 =	vadd.f32 v43, v12;
	v56 =	vbroadcast v35, $0x0;
	v57 =	vbroadcast v35, $0x1  }
0x530: {  	v52 =	vld [tilespmem:s10+$0x220];
	v20 =	vadd.f32 v8, v20;
	v59 =	vbroadcast v35, $0x2;
	v61 =	vbroadcast v35, $0x3;
	v58, _, _ =	vpop (xrf0)  }
0x531: {  	v49 =	vld [tilespmem:s10+$0x210];
	v8 =	vadd.f32 v9, v7;
	v39 =	vbroadcast v35, $0x4;
	v25 =	vbroadcast v58, $0xF  }
0x532: {  	v63 =	vld [tilespmem:s10+$0x250];
	v11 =	vadd.f32 v51, v50;
	v41 =	vbroadcast v35, $0x5;
	v45 =	vbroadcast v35, $0x6  }
0x533: {  	v55 =	vld [tilespmem:s10+$0x230];
	v48 =	vbroadcast v35, $0x8;
	v50 =	vbroadcast v35, $0x9;
	v17 =	vsub.f32 v17, v25;
	v62, _, _ =	vpop (xrf2)  }
0x534: {  	v40 =	vld [tilespmem:s10+$0x280];
	v9 =	vadd.f32 v53, v11;
	v53 =	vbroadcast v35, $0xA;
	v37 =	vbroadcast v62, $0xF  }
0x535: {  	v42 =	vld [tilespmem:s10+$0x290];
	v7 =	vadd.f32 v10, v20;
	v10 =	vmul.f32 v56, v47;
	v17 =	vmul.f32 $1.442695020e+00, v17  }
0x536: {  	v36 =	vld [tilespmem:s10+$0x260];
	v16 =	vadd.f32 v27, v16;
	v20 =	vmul.f32 v57, v49;
	(erf) = vrcp.f32 v37  }
0x537: {  	v43 =	vld [tilespmem:s10+$0x2A0];
	v12 =	vadd.f32 v15, v12;
	v18 =	vmul.f32 v59, v52;
	(erf) = vpow2.f32 v17  }
0x538: {  	v46 =	vld [tilespmem:s10+$0x2B0];
	v16 =	vadd.f32 v16, v29;
	v24 =	vmul.f32 v61, v55;
	v27 =	vmul.f32 v39, v60  }
0x539: {  	v12 =	vadd.f32 v21, v12;
	v51 =	vld [tilespmem:s10+$0x2D0];
	v44 =	vmul.f32 v41, v63;
	v47 =	vbroadcast v35, $0x7  }
0x53a: {  	v16 =	vadd.f32 v16, v28;
	v49 =	vld [tilespmem:s10+$0x2C0];
	v19 =	vmul.f32 v40, v48;
	v26 =	vmul.f32 v42, v50  }
0x53b: {  	v9 =	vadd.f32 v54, v9;
	v52 =	vld [tilespmem:s10+$0x2E0];
	v55 =	vbroadcast v35, $0xB;
	v56 =	vbroadcast v35, $0xC  }
0x53c: {  	v14 =	vadd.f32 v16, v14;
	v54 =	vld [tilespmem:s10+$0x2F0];
	v57 =	vmul.f32 v43, v53;
	v63 =	vbroadcast v35, $0xE  }
0x53d: {  	v9 =	vadd.f32 v9, v12;
	v59 =	vld [tilespmem:s10+$0x300];
	v29 =	vmul.f32 v38, v47;
	v60 =	vmul.f32 v46, v55  }
0x53e: {  	v40 =	vld [tilespmem:s10+$0x340];
	v58 =	vbroadcast v35, $0xD;
	v25 =	vmul.f32 v36, v45  }
0x53f: {  	v42 =	vld [tilespmem:s10+$0x350];
	v9 =	vadd.f32 v9, v14;
	v61 =	vmul.f32 v49, v56;
	v37 =	vbroadcast v35, $0xF;
	v32 =	vpop (erf)  }
0x540: {  	v10 =	vadd.f32 v20, v10;
	v38 =	vld [tilespmem:s10+$0x330];
	v11 =	vmul.f32 v51, v58;
	v17 =	vmul.f32 v52, v63;
	v20 =	vpop (erf)  }
0x541: {  	v22 =	vadd.f32 v44, v27;
	v44 =	vld [tilespmem:s10+$0x360];
	v14 =	vmul.f32 v54, v37;
	v39 =	vbroadcast v20, $0x0  }
0x542: {  	v62 =	vld [tilespmem:s10+$0x310];
	v41 =	vbroadcast v20, $0x1;
	v45 =	vbroadcast v20, $0x2  }
0x543: {  	v36 =	vld [tilespmem:s10+$0x320];
	v47 =	vbroadcast v20, $0x3;
	v48 =	vbroadcast v20, $0x4  }
0x544: {  	v46 =	vld [tilespmem:s10+$0x380];
	(xrf2) =	vadd.scan.msk.f32 $0xffff, v20;
	v50 =	vbroadcast v20, $0x5;
	v53 =	vbroadcast v20, $0x6  }
0x545: {  	v19 =	vadd.f32 v26, v19;
	v49 =	vld [tilespmem:s10+$0x390];
	v55 =	vbroadcast v20, $0x8;
	v56 =	vbroadcast v20, $0x9  }
0x546: {  	v10 =	vadd.f32 v10, v18;
	v51 =	vld [tilespmem:s10+$0x3A0];
	v58 =	vbroadcast v20, $0xA;
	v63 =	vbroadcast v20, $0xC  }
0x547: {  	v16 =	vadd.f32 v57, v19;
	v43 =	vmul.f32 v39, v59;
	v15 =	vmul.f32 v41, v62  }
0x548: {  	v10 =	vadd.f32 v10, v24;
	v52 =	vld [tilespmem:s10+$0x3C0];
	v21 =	vmul.f32 v45, v36;
	v28 =	vmul.f32 v47, v38  }
0x549: {  	v12 =	vadd.f32 v60, v16;
	v18 =	vmul.f32 v48, v40;
	v23 =	vmul.f32 v50, v42  }
0x54a: {  	v11 =	vadd.f32 v11, v61;
	v54 =	vld [tilespmem:s10+$0x3D0];
	v24 =	vmul.f32 v44, v53;
	v59 =	vmul.f32 v46, v55  }
0x54b: {  	v57 =	vld [tilespmem:s10+$0x3E0];
	v22 =	vadd.f32 v22, v25;
	v60 =	vmul.f32 v49, v56;
	v62 =	vmul.f32 v51, v58  }
0x54c: {  	v61 =	vld [tilespmem:s10+$0x370];
	v11 =	vadd.f32 v17, v11;
	v38 =	vbroadcast v20, $0xD;
	v39 =	vbroadcast v20, $0xE  }
0x54d: {  	v22 =	vadd.f32 v22, v29;
	v37 =	vld [tilespmem:s10+$0x3B0];
	v19 =	vmul.f32 v52, v63;
	v41 =	vbroadcast v20, $0x7  }
0x54e: {  	v11 =	vadd.f32 v14, v11;
	v40 =	vld [tilespmem:s10+$0x3F0];
	v42 =	vbroadcast v20, $0xB;
	v20 =	vbroadcast v20, $0xF;
	v36, _, _ =	vpop (xrf2)  }
0x54f: {  	v15 =	vadd.f32 v15, v43;
	v13 =	vmul.f32 v54, v38;
	v14 =	vbroadcast v36, $0xF  }
0x550: {  	v18 =	vadd.f32 v23, v18;
	v16 =	vmul.f32 v57, v39;
	v17 =	vadd.f32 v60, v59  }
0x551: {  	v15 =	vadd.f32 v15, v21;
	v13 =	vadd.f32 v13, v19;
	(erf) = vrcp.f32 v14  }
0x552: {  	v18 =	vadd.f32 v18, v24;
	v17 =	vadd.f32 v62, v17;
	v19 =	vmul.f32 v37, v42  }
0x553: {  	v44 =	vld [tilespmem:s8+$0xFFFFFFE0];
	v43 =	vmul.f32 v40, v20;
	v13 =	vadd.f32 v16, v13;
	v14 =	vmul.f32 v61, v41  }
0x554: {  	s26 =	sshll.u32 s11, $0x7;
	v45 =	vld [tilespmem:s8+$0xFFFFFFF0];
	v15 =	vadd.f32 v15, v28;
	v17 =	vadd.f32 v19, v17  }
0x555: {  	s31 =	sadd.s32 $0x10, s9;
	s22 =	sadd.s32 $0x20, s9;
	s13 =	sand.u32 $0x3FFFFF00, s26;
	v46 =	vld [tilespmem:s8+$0x0];
	v13 =	vadd.f32 v43, v13;
	v14 =	vadd.f32 v18, v14  }
0x556: {  	p1 =	sne.s32 s9, $0x780;
	v1 =	vmul.f32 v5, v1;
	s26 =	sand.u32 $0x80, s9;
	s13 =	sadd.s32 $0x8500, s13;
	v47 =	vadd.f32 v22, v10;
	v48 =	vadd.f32 v11, v12;
	v49 =	vld [tilespmem:s8+$0x10]  }
0x557: {  	s22 =	sand.u32 $0xA0, s22;
	s14 =	sand.u32 $0x90, s31;
	s26 =	sor.u32 s26, s13;
	v0 =	vmul.f32 v8, v0;
	v50 =	vld [tilespmem:s8+$0x20];
	v13 =	vadd.f32 v13, v17;
	v51 =	vadd.f32 v14, v15  }
0x558: {  	s31 =	sadd.s32 $0x40, s9;
	s14 =	sor.u32 s14, s13;
	[tilespmem:s26+$0x0] =	vst v2;
	s26 =	sadd.s32 $0x30, s9;
	v52 =	vmul.f32 v7, v4;
	v53 =	vadd.f32 v48, v47;
	v54 =	vld [tilespmem:s8+$0x30];
	v1 =	vadd.f32 v1, v44  }
0x559: {  	s31 =	sand.u32 $0xC0, s31;
	s22 =	sor.u32 s22, s13;
	[tilespmem:s14+$0x0] =	vst v3;
	s26 =	sand.u32 $0xB0, s26;
	v55 =	vmul.f32 v9, v6;
	v0 =	vadd.f32 v0, v45;
	v56 =	vadd.f32 v13, v51  }
0x55a: {  	s14 =	sor.u32 s26, s13;
	v58 =	vmul.f32 v53, v32;
	v57 =	vadd.f32 v52, v46;
	[tilespmem:s22+$0x0] =	vst v1;
	s22 =	sor.u32 s31, s13;
	s31 =	sadd.s32 $0x50, s9;
	v59 =	vpop (erf)  }
.Ltmp4:
0x55b: {  	s26 =	sadd.s32 $0x60, s9;
	v60 =	vadd.f32 v55, v49;
	[tilespmem:s14+$0x0] =	vst v0;
	s14 =	sand.u32 $0xD0, s31;
	v61 =	vmul.f32 v56, v59;
	(pc) =	sbr.rel @p1 .LBB2_11-.Ltmp4, $4  }
0x55c: {  	v62 =	vadd.f32 v58, v50;
	s31 =	sadd.s32 $0x70, s9;
	[tilespmem:s22+$0x0] =	vst v57;
	s22 =	sand.u32 $0xE0, s26;
	s14 =	sor.u32 s14, s13  }
0x55d: {  	s26 =	sand.u32 $0xF0, s31;
	s31 =	sor.u32 s22, s13;
	[tilespmem:s14+$0x0] =	vst v60;
	v63 =	vadd.f32 v61, v54  }
0x55e: {  	s11 =	sadd.s32 $0x1, s11;
	s4 =	sadd.s32 $0x80, s4;
	s13 =	sor.u32 s26, s13;
	[tilespmem:s31+$0x0] =	vst v62  }
0x55f: {  	s10 =	sadd.s32 $0x800, s10;
	s8 =	sadd.s32 $0x80, s8;
	s9 =	sadd.s32 $0x80, s9;
	[tilespmem:s13+$0x0] =	vst v63  }
0x560: {  	s4 =	sshll.u32 s18, $0x8;
	s18 =	sadd.s32 $0x1, s18  }
0x561: {  	p1 =	sne.s32 s18, $0x10  }
.Ltmp5:
0x562: {  	s4 =	sadd.s32 s4, s12;
	(pc) =	sbr.rel @p1 .LBB2_8-.Ltmp5, $4  }
0x563: {  	[hbm4b:s4+s3] =	stream.linear.scatter [tilespmem:s30], [sflag:$0x3], $0x800, $0x38;
	[tilespmem:$0x10D00] =	vst v63  }
0x564: {  	_ =	swait.ge [sflag:s15], $0x800  }
0x565: {  	[sflag:s15] =	ssyncset.done $0x0  }
0x566: {  	p0 =	por !p0, !p0;
	[sflag:s15] =	ssyncadd.s32 $0xFFFFF800  }
0x567: {  	s4 =	rddreg [dreg:$0xb];
	s8 =	simm.s32 $0x4500  }
0x568: {  	[hbm4b:s4+s3] =	stream.linear.scatter [tilespmem:s8], [sflag:$0x3], $0x800, $0x38;
	[tilespmem:$0x10D00] =	vst v63  }
0x569: {  	_ =	swait.ge [sflag:s15], $0x800  }
0x56a: {  	s26 =	rddreg [dreg:$0xd]  }
0x56b: {  	s31 =	rddreg [dreg:$0xc];
	s8 =	sadd.s32 $0x1, s26  }
0x56c: {  	p0 =	sne.s32 s8, s31  }
.Ltmp6:
0x56d: {  	_ = 	snop;
	(pc) =	sbr.rel @p0 .LBB2_1-.Ltmp6, $3  }
0x56e: {  	_ =	sdelay $0x1  }
0x56f: {  	[sflag:s15] =	ssyncset.done $0x0  }
0x570: {  	[sflag:s15] =	ssyncadd.s32 $0xFFFFF800  }
0x571: {  	_ =	sfence.sel $0x180000  }
0x572: {  	[bflag:$0x0] =	sbarrier.arrive $0xFFFF  }
0x573: {  	_ =	strace $0x9000004A  }
0x574: {  	s0 =	stileid.u32;
	[bflag:$0x2] =	sbarrier.arrive $0xFFFF  }
0x575: {  	p0 =	sne.s32 s0, $0x0;
	s0 =	rddreg [dreg:$0x4]  }
0x576: {  	s0 =	sadd.s32 @!p0 $0x100000, s0  }
0x577: {  	[sflag:s0] =	ssyncadd.tile.s32 @!p0 $0x1;
	_ =	shalt  }
.Lfunc_end2:
_tile_overlayer_lowered:
.L_overlay_start_2:
0x578: {  	(tag) =	ssettag $0x2  }
0x579: {  	s0 =	rddreg [dreg:$0x0];
	s2 =	stileid.u32  }
0x57a: {  	s1 =	rddreg [dreg:$0x1];
	p0 =	sne.s32 s2, $0x0  }
0x57b: {  	s3 =	rddreg [dreg:$0x2];
	[bflag:$0x3] =	sbarrier.arrive $0xFFFF;
	s2 =	simm.s32 @!p0 $0x1C03  }
0x57c: {  	[timem:s3], [sflag:s2] =	dma.local @!p0 [hbm:s0], s1  }
0x57d: {  	s0 =	simm.s32 @!p0 $0x3  }
0x57e: {  	_ =	swait.ge @!p0 [sflag:s0], s1  }
0x57f: {  	s1 =	ssub.s32 @!p0 $0x0, s1;
	[sflag:s0] =	ssyncset.done @!p0 $0x0  }
0x580: {  	[sflag:s0] =	ssyncadd.s32 @!p0 s1  }
0x581: {  	[bflag:$0x3] =	sbarrier.arrive $0xFFFF  }
0x582: {  	_ =	shalt  }

</sc_bundles>
